<compile_context>
chip_gen: v7x
topology: tpu7x:2x2x1
jax: 0.10.2.dev20260603
libtpu: 0.0.44.dev20260713+nightly
codegen_flags: <defaults>
</compile_context>

<pallas_src>
import functools
import math

import numpy as np

import jax
import jax.numpy as jnp
from jax import lax
from jax.experimental import pallas as pl
from jax.experimental.pallas import tpu as pltpu
from jax.experimental.pallas import tpu_sc as plsc

_N = 50000
_E = 800000
_D = 48
_DW = 128
_TW = 64
_D0 = 24
_D1 = 16
_NC = 2
_NS = 16
_NW = _NC * _NS
_NPAD = 50176
_RPT = _NPAD // _NS

_L = 128
_EROWS = _E // _L
_GRPT = _EROWS // _NW
_GEXTRA = _EROWS - _GRPT * _NW
_GR = 5
_GNIT = _GRPT // _GR
_SGR = 16
_SRPT = 400
_SNIT = 25
_SNIT_LAST = 15
_STAIL = 10


@functools.cache
def _make_sc_kernels():
    mesh = plsc.VectorSubcoreMesh(
        core_axis_name="c", subcore_axis_name="s",
        num_cores=_NC, num_subcores=_NS,
    )
    params = pltpu.CompilerParams(use_tc_tiling_on_sc=False)
    gather = functools.partial(
        pl.kernel,
        out_type=jax.ShapeDtypeStruct((_E, _DW), jnp.float32),
        mesh=mesh,
        compiler_params=params,
        scratch_types=[
            pltpu.VMEM((_GRPT + 1, _L), jnp.int32),
            pltpu.VMEM((_GR * _L, _TW), jnp.float32),
            pltpu.SemaphoreType.DMA,
        ],
    )(_sc_gather_body)
    scatter = functools.partial(
        pl.kernel,
        out_type=(
            jax.ShapeDtypeStruct((_NPAD, _D0), jnp.float32),
            jax.ShapeDtypeStruct((_NPAD, _D0), jnp.float32),
        ),
        mesh=mesh,
        compiler_params=params,
        scratch_types=[
            pltpu.VMEM((_SGR, _L), jnp.int32),
            pltpu.VMEM((_SGR * _L, _D0), jnp.float32),
            pltpu.VMEM_SHARED((_NPAD, _D0), jnp.float32),
            pltpu.SemaphoreType.DMA,
        ],
    )(_sc_scatter_body)
    return gather, scatter


def _sc_gather_body(tab, idx2, out, idxb, rowb, sem):
    wid = lax.axis_index("s") * _NC + lax.axis_index("c")
    base_row = wid * _GRPT
    pltpu.sync_copy(idx2.at[pl.ds(base_row, _GRPT)], idxb.at[pl.ds(0, _GRPT)])

    @pl.when(wid < _GEXTRA)
    def _():
        pltpu.sync_copy(idx2.at[pl.ds(_GRPT * _NW + wid, 1)],
                        idxb.at[pl.ds(_GRPT, 1)])

    def body(g, carry):
        row = g * _GR
        copies = [
            pltpu.async_copy(tab.at[idxb.at[row + k]],
                             rowb.at[pl.ds(k * _L, _L)], sem)
            for k in range(_GR)
        ]
        for cp in copies:
            cp.wait()
        pltpu.sync_copy(rowb.at[pl.ds(0, _GR * _L), pl.ds(0, _D)],
                        out.at[pl.ds((base_row + row) * _L, _GR * _L),
                               pl.ds(0, _D)])
        return carry

    lax.fori_loop(0, _GNIT, body, 0)

    @pl.when(wid < _GEXTRA)
    def _():
        pltpu.async_copy(tab.at[idxb.at[_GRPT]],
                         rowb.at[pl.ds(0, _L)], sem).wait()
        pltpu.sync_copy(rowb.at[pl.ds(0, _L), pl.ds(0, _D)],
                        out.at[pl.ds((_GRPT * _NW + wid) * _L, _L),
                               pl.ds(0, _D)])


def _sc_scatter_body(y, dst2, z, o0, o1, idxb, yb, acc, sem):
    c = lax.axis_index("c")
    s = lax.axis_index("s")
    r0 = s * _RPT
    base_row = s * _SRPT
    nblk = jnp.where(s == _NS - 1, _SNIT_LAST, _SNIT)

    pltpu.sync_copy(z.at[pl.ds(r0, _RPT)], acc.at[pl.ds(r0, _RPT)])
    plsc.subcore_barrier()

    def _scatter_from(cbase):
        def body(g, carry):
            row = base_row + g * _SGR
            pltpu.sync_copy(dst2.at[pl.ds(row, _SGR)], idxb)
            pltpu.sync_copy(y.at[pl.ds(row * _L, _SGR * _L), pl.ds(cbase, _D0)],
                            yb)
            copies = [
                pltpu.async_copy(yb.at[pl.ds(k * _L, _L)],
                                 acc.at[idxb.at[k]], sem, add=True)
                for k in range(_SGR)
            ]
            for cp in copies:
                cp.wait()
            return carry

        lax.fori_loop(0, nblk, body, 0)

        @pl.when(s == _NS - 1)
        def _():
            row = _EROWS - _STAIL
            pltpu.sync_copy(dst2.at[pl.ds(row, _STAIL)],
                            idxb.at[pl.ds(0, _STAIL)])
            pltpu.sync_copy(
                y.at[pl.ds(row * _L, _STAIL * _L), pl.ds(cbase, _D0)],
                yb.at[pl.ds(0, _STAIL * _L)])
            copies = [
                pltpu.async_copy(yb.at[pl.ds(k * _L, _L)],
                                 acc.at[idxb.at[k]], sem, add=True)
                for k in range(_STAIL)
            ]
            for cp in copies:
                cp.wait()

    @pl.when(c == 0)
    def _():
        _scatter_from(0)

    @pl.when(c == 1)
    def _():
        _scatter_from(_D0)

    plsc.subcore_barrier()

    @pl.when(c == 0)
    def _():
        pltpu.sync_copy(acc.at[pl.ds(r0, _RPT)], o0.at[pl.ds(r0, _RPT)])

    @pl.when(c == 1)
    def _():
        pltpu.sync_copy(acc.at[pl.ds(r0, _RPT)], o1.at[pl.ds(r0, _RPT)])


_BE = 6400
_INV_SQRT3 = 1.0 / math.sqrt(3.0)


def _bf(x):
    return x.astype(jnp.bfloat16)


def _selperm():
    cols = np.concatenate([np.arange(16), 16 + 3 * np.arange(8),
                           17 + 3 * np.arange(8), 18 + 3 * np.arange(8)])
    sel = np.zeros((40, _DW), np.float32)
    sel[np.arange(40), cols] = 1.0
    return jnp.asarray(sel)


def _tc_body(attr, cwb, srcb, i19, selp, w1t, w2t, w3t, wst, wvt, y01):
    at = lax.dot_general(_bf(i19[:]), _bf(attr[...]), (((1,), (1,)), ((), ())),
                         preferred_element_type=jnp.float32)
    cw = cwb[...].reshape(1, _BE)
    st = lax.dot_general(_bf(selp[:, 0:40]), _bf(srcb[...][:, 0:40]),
                         (((1,), (1,)), ((), ())),
                         preferred_element_type=jnp.float32)
    inv = at[0:16, :]
    h = jnp.maximum(
        jnp.dot(_bf(w1t[:]), _bf(inv), preferred_element_type=jnp.float32) * 0.25,
        0.0)
    h = jnp.maximum(
        jnp.dot(_bf(w2t[:]), _bf(h), preferred_element_type=jnp.float32) * 0.125,
        0.0)
    f = jnp.dot(_bf(w3t[:]), _bf(h), preferred_element_type=jnp.float32) * 0.125
    fs = f[0:24, :]
    fv = f[24:48, :]
    ex = at[16:17, :]
    ey = at[17:18, :]
    ez = at[18:19, :]
    s_ = st[0:16, :]
    vx = st[16:24, :]
    vy = st[24:32, :]
    vz = st[32:40, :]
    tp0 = (vx * ex + vy * ey + vz * ez) * _INV_SQRT3
    ms = jnp.concatenate([tp0, s_], axis=0) * fs * cw
    mx = jnp.concatenate([s_ * ex, vx], axis=0) * fv * cw
    my = jnp.concatenate([s_ * ey, vy], axis=0) * fv * cw
    mz = jnp.concatenate([s_ * ez, vz], axis=0) * fv * cw
    ys = jnp.dot(_bf(wst[:]), _bf(ms), preferred_element_type=jnp.float32)
    yx = jnp.dot(_bf(wvt[:]), _bf(mx), preferred_element_type=jnp.float32)
    yy = jnp.dot(_bf(wvt[:]), _bf(my), preferred_element_type=jnp.float32)
    yz = jnp.dot(_bf(wvt[:]), _bf(mz), preferred_element_type=jnp.float32)
    yt = jnp.concatenate([ys, yx, yy, yz], axis=0)
    y01[...] = lax.dot_general(yt, selp[:], (((0,), (0,)), ((), ())),
                               preferred_element_type=jnp.float32)


_tc_compute = pl.pallas_call(
    _tc_body,
    grid=(_E // _BE,),
    in_specs=[
        pl.BlockSpec((_BE, 19), lambda i: (i, 0)),
        pl.BlockSpec((1, _BE // _L, _L), lambda i: (i, 0, 0)),
        pl.BlockSpec((_BE, _DW), lambda i: (i, 0)),
        pl.BlockSpec((19, 19), lambda i: (0, 0)),
        pl.BlockSpec((40, _DW), lambda i: (0, 0)),
        pl.BlockSpec((64, 16), lambda i: (0, 0)),
        pl.BlockSpec((64, 64), lambda i: (0, 0)),
        pl.BlockSpec((48, 64), lambda i: (0, 0)),
        pl.BlockSpec((16, 24), lambda i: (0, 0)),
        pl.BlockSpec((8, 24), lambda i: (0, 0)),
    ],
    out_specs=pl.BlockSpec((_BE, 128), lambda i: (i, 0)),
    out_shape=jax.ShapeDtypeStruct((_E, 128), jnp.float32),
    compiler_params=pltpu.CompilerParams(fuse_transposed_lhs_in_matmul=True),
)


def kernel(edge_src, edge_dst, edge_weight_cutoff, edge_attr, node_feat,
           W1, W2, W3, Ws, Wv):
    node_tab = jnp.concatenate(
        [node_feat, jnp.zeros((_N, _TW - 40), jnp.float32)], axis=1)
    src_idx = edge_src.astype(jnp.int32).reshape(_EROWS, _L)
    dst_idx = edge_dst.astype(jnp.int32).reshape(_EROWS, _L)

    sc_gather, sc_scatter = _make_sc_kernels()
    src_feat = sc_gather(node_tab, src_idx)
    cw2 = edge_weight_cutoff.reshape(_E // _BE, _BE // _L, _L)
    y = _tc_compute(edge_attr, cw2, src_feat,
                    jnp.eye(19, dtype=jnp.float32), _selperm(),
                    W1.T, W2.T, W3.T, Ws.T, Wv.T)
    z = jnp.zeros((_NPAD, _D0), jnp.float32)
    o0, o1 = sc_scatter(y, dst_idx, z)

    return jnp.concatenate([o0[:_N, :], o1[:_N, :16]], axis=1)

# --- scband reference (transcript-rebuilt; emitter-appended) ---
"""Pipeline reference for scband-convolution-81578608820632 (READ-ONLY COPY).

The authoritative reference and input builder live on the scoring server;
editing this copy changes nothing except your own understanding.
"""

import jax, jax.numpy as jnp
import numpy as np
import math

N = 50000
E = 800000
N_INV = 16      # edge invariant scalars (0e)
NS = 16         # node scalar channels (16x0e)
NV = 8          # node vector channels (8x1o)
MS = NS + NV    # 24 message scalar channels after filter/regroup
MV = NS + NV    # 24 message vector channels after filter/regroup
OS = 16         # output scalar channels
OV = 8          # output vector channels
HID = 64

def setup_inputs(seed: int = 0):
    key = jax.random.key(seed)
    ks = jax.random.split(key, 12)
    edge_src = jax.random.randint(ks[0], (E,), 0, N)
    edge_dst = jax.random.randint(ks[1], (E,), 0, N)
    edge_weight_cutoff = jax.random.uniform(ks[2], (E,), dtype=jnp.float32)
    edge_attr = jax.random.normal(ks[3], (E, N_INV + 3), dtype=jnp.float32)
    node_feat = jax.random.normal(ks[4], (N, NS + 3 * NV), dtype=jnp.float32)
    # MLP params (e3nn-style normalized linear layers, init Normal(1))
    W1 = jax.random.normal(ks[5], (N_INV, HID), dtype=jnp.float32)
    W2 = jax.random.normal(ks[6], (HID, HID), dtype=jnp.float32)
    W3 = jax.random.normal(ks[7], (HID, MS + MV), dtype=jnp.float32)
    # final equivariant Linear params, std = 1/sqrt(fan_in)
    Ws = jax.random.normal(ks[8], (MS, OS), dtype=jnp.float32) / math.sqrt(MS)
    Wv = jax.random.normal(ks[9], (MV, OV), dtype=jnp.float32) / math.sqrt(MV)
    return {"edge_src": edge_src, "edge_dst": edge_dst,
            "edge_weight_cutoff": edge_weight_cutoff, "edge_attr": edge_attr,
            "node_feat": node_feat, "W1": W1, "W2": W2, "W3": W3,
            "Ws": Ws, "Wv": Wv}

def reference(edge_src, edge_dst, edge_weight_cutoff, edge_attr, node_feat,
              W1, W2, W3, Ws, Wv):
    # split edge_attr into invariant (0e) and equivariant (1o) parts
    edge_inv = edge_attr[:, :N_INV]            # [E,16]
    edge_vec = edge_attr[:, N_INV:N_INV + 3]   # [E,3]  (1x1o)
    # split node features into scalar and vector irreps
    s = node_feat[:, :NS]                      # [N,16]
    v = node_feat[:, NS:].reshape(N, NV, 3)    # [N,8,3]
    src_s = s[edge_src]                        # gather  [E,16]
    src_v = v[edge_src]                        # gather  [E,8,3]
    # tensor_product(node_feat[src], edge_equivariant) then filter keep {0e,1o}:
    #   0e x 1o -> 1o : s * vec
    tp_1o = src_s[:, :, None] * edge_vec[:, None, :]            # [E,16,3]
    #   1o x 1o -> 0e : dot / sqrt(3) (component normalization); 1e,2e dropped by filter
    tp_0e = jnp.einsum('eic,ec->ei', src_v, edge_vec) / math.sqrt(3.0)  # [E,8]
    # concatenate with node_feat[src], regroup -> 24x0e + 24x1o
    msg_s = jnp.concatenate([tp_0e, src_s], axis=1)             # [E,24]
    msg_v = jnp.concatenate([tp_1o, src_v], axis=1)             # [E,24,3]
    # MLP on edge invariants -> one factor per irrep (num_irreps = 48)
    h = jax.nn.relu(edge_inv @ W1 / math.sqrt(N_INV))
    h = jax.nn.relu(h @ W2 / math.sqrt(HID))
    factors = h @ W3 / math.sqrt(HID)                           # [E,48]
    f_s = factors[:, :MS]
    f_v = factors[:, MS:MS + MV]
    # elementwise tensor product (scale each irrep channel)
    msg_s = msg_s * f_s
    msg_v = msg_v * f_v[:, :, None]
    # cutoff weighting
    msg_s = edge_weight_cutoff[:, None] * msg_s
    msg_v = edge_weight_cutoff[:, None, None] * msg_v
    # scatter_sum into destination nodes
    out_s = jnp.zeros((N, MS), dtype=msg_s.dtype).at[edge_dst].add(msg_s)
    out_v = jnp.zeros((N, MV, 3), dtype=msg_v.dtype).at[edge_dst].add(msg_v)
    # equivariant Linear to irreps_node_output = 16x0e + 8x1o
    y_s = out_s @ Ws                                            # [N,16]
    y_v = jnp.einsum('nic,io->noc', out_v, Wv)                  # [N,8,3]
    return jnp.concatenate([y_s, y_v.reshape(N, OV * 3)], axis=1)  # [N,40]

if __name__ == "__main__":
    import jax
    _d = setup_inputs()
    print(jax.jit(kernel)(*tuple(_d.values())))

</pallas_src>

<mosaic_0001>
#map = affine_map<(d0, d1) -> (0, 0)>
module attributes {stable_mosaic.version = 14 : i64} {
  func.func @_sc_scatter_body(%arg0: i32, %arg1: i32, %arg2: memref<800000x128xf32, #tpu.memory_space<hbm>>, %arg3: memref<6250x128xi32, #tpu.memory_space<hbm>>, %arg4: memref<50176x24xf32, #tpu.memory_space<hbm>>, %arg5: memref<50176x24xf32, #tpu.memory_space<hbm>>, %arg6: memref<50176x24xf32, #tpu.memory_space<hbm>>, %arg7: memref<16x128xi32, #tpu.memory_space<vmem>>, %arg8: memref<2048x24xf32, #tpu.memory_space<vmem>>, %arg9: memref<50176x24xf32, #tpu.memory_space<vmem_shared>>, %arg10: memref<!tpu.dma_semaphore, #tpu.memory_space<semaphore_mem>>) attributes {dimension_semantics = [#tpu.dimension_semantics<core_parallel>, #tpu.dimension_semantics<subcore_parallel>], iteration_bounds = array<i64: 2, 16>, scalar_prefetch = 0 : i64, scratch_operands = 4 : i64, tpu.core_type = #tpu.core_type<sc_vector_subcore>, window_params = [{transform_indices = #map}, {transform_indices = #map}, {transform_indices = #map}, {transform_indices = #map}, {transform_indices = #map}]} {
    %mul3A = arith.constant 3136 : i32
    %mul3A_0 = arith.muli %arg1, %mul3A : i32
    %mul3A_1 = arith.constant 400 : i32
    %mul3A_2 = arith.muli %arg1, %mul3A_1 : i32
    %eq3A = arith.constant 15 : i32
    %eq3A_3 = arith.cmpi eq, %arg1, %eq3A : i32
    %jit3A = arith.constant 15 : i32
    %jit3A_4 = arith.constant 25 : i32
    %select_n3A = arith.select %eq3A_3, %jit3A, %jit3A_4 : i32
    "tpu.region"() ({
      %run_scoped3A = tpu.sem_alloc : memref<!tpu.dma_semaphore, #tpu.memory_space<semaphore_mem>>
      %dma_start3A = arith.constant 0 : i32
      %dma_start3A_24 = tpu.memref_slice %arg9[%mul3A_0, %dma_start3A] : memref<50176x24xf32, #tpu.memory_space<vmem_shared>> -> memref<3136x24xf32, #tpu.memory_space<vmem_shared>>
      %dma_start3A_25 = arith.constant 0 : i32
      %dma_start3A_26 = tpu.memref_slice %arg4[%mul3A_0, %dma_start3A_25] : memref<50176x24xf32, #tpu.memory_space<hbm>> -> memref<3136x24xf32, #tpu.memory_space<hbm>>
      tpu.enqueue_dma source(%dma_start3A_26 : memref<3136x24xf32, #tpu.memory_space<hbm>>) target(%dma_start3A_24 : memref<3136x24xf32, #tpu.memory_space<vmem_shared>>) target_semaphore(%run_scoped3A : memref<!tpu.dma_semaphore, #tpu.memory_space<semaphore_mem>>)
      %dma_wait3A = arith.constant 0 : i32
      %dma_wait3A_27 = tpu.memref_slice %arg9[%mul3A_0, %dma_wait3A] : memref<50176x24xf32, #tpu.memory_space<vmem_shared>> -> memref<3136x24xf32, #tpu.memory_space<vmem_shared>>
      %dma_wait3A_28 = arith.constant 0 : i32
      %dma_wait3A_29 = tpu.memref_slice %arg4[%mul3A_0, %dma_wait3A_28] : memref<50176x24xf32, #tpu.memory_space<hbm>> -> memref<3136x24xf32, #tpu.memory_space<hbm>>
      tpu.wait_dma2 semaphore(%run_scoped3A : memref<!tpu.dma_semaphore, #tpu.memory_space<semaphore_mem>>) src(%dma_wait3A_29 : memref<3136x24xf32, #tpu.memory_space<hbm>>) dst(%dma_wait3A_27 : memref<3136x24xf32, #tpu.memory_space<vmem_shared>>)
      tpu.yield
    }) : () -> ()
    %barrier3A = arith.constant 0 : index
    tpu.barrier barrier_id(%barrier3A)
    %eq3A_5 = arith.constant 0 : i32
    %eq3A_6 = arith.cmpi eq, %arg0, %eq3A_5 : i32
    %convert_element_type3A = arith.extui %eq3A_6 : i1 to i32
    %cond3A = arith.constant 0 : i32
    %cond3A_7 = arith.cmpi ne, %convert_element_type3A, %cond3A : i32
    scf.if %cond3A_7 {
      %while3A = arith.constant 0 : i32
      %while3A_24 = arith.constant 0 : i32
      %while3A_25 = arith.subi %select_n3A, %while3A_24 : i32
      %while3A_26 = arith.addi %while3A_24, %while3A_25 : i32
      %while3A_27 = arith.constant 1 : i32
      %while3A_28 = arith.divsi %while3A_25, %while3A_27 : i32
      %while3A_29 = arith.muli %while3A_28, %while3A_27 : i32
      %while3A_30 = arith.addi %while3A_24, %while3A_29 : i32
      %while3A_31 = arith.constant 1 : i32
      scf.for %while3A_38 = %while3A_24 to %while3A_30 step %while3A_31  : i32 {
        %mul3A_39 = arith.constant 16 : i32
        %mul3A_40 = arith.muli %while3A_38, %mul3A_39 : i32
        %add3A = arith.addi %mul3A_2, %mul3A_40 : i32
        "tpu.region"() ({
          %run_scoped3A = tpu.sem_alloc : memref<!tpu.dma_semaphore, #tpu.memory_space<semaphore_mem>>
          %dma_start3A_361 = arith.constant 0 : i32
          %dma_start3A_362 = tpu.memref_slice %arg3[%add3A, %dma_start3A_361] : memref<6250x128xi32, #tpu.memory_space<hbm>> -> memref<16x128xi32, #tpu.memory_space<hbm>>
          %dma_start3A_363 = arith.constant 0 : i32
          %dma_start3A_364 = tpu.memref_slice %arg3[%add3A, %dma_start3A_363] : memref<6250x128xi32, #tpu.memory_space<hbm>> -> memref<16x128xi32, #tpu.memory_space<hbm>>
          tpu.enqueue_dma source(%dma_start3A_364 : memref<16x128xi32, #tpu.memory_space<hbm>>) target(%arg7 : memref<16x128xi32, #tpu.memory_space<vmem>>) target_semaphore(%run_scoped3A : memref<!tpu.dma_semaphore, #tpu.memory_space<semaphore_mem>>)
          %dma_wait3A_365 = arith.constant 0 : i32
          %dma_wait3A_366 = tpu.memref_slice %arg3[%add3A, %dma_wait3A_365] : memref<6250x128xi32, #tpu.memory_space<hbm>> -> memref<16x128xi32, #tpu.memory_space<hbm>>
          %dma_wait3A_367 = arith.constant 0 : i32
          %dma_wait3A_368 = tpu.memref_slice %arg3[%add3A, %dma_wait3A_367] : memref<6250x128xi32, #tpu.memory_space<hbm>> -> memref<16x128xi32, #tpu.memory_space<hbm>>
          tpu.wait_dma2 semaphore(%run_scoped3A : memref<!tpu.dma_semaphore, #tpu.memory_space<semaphore_mem>>) src(%dma_wait3A_368 : memref<16x128xi32, #tpu.memory_space<hbm>>) dst(%arg7 : memref<16x128xi32, #tpu.memory_space<vmem>>)
          tpu.yield
        }) : () -> ()
        %mul3A_41 = arith.constant 128 : i32
        %mul3A_42 = arith.muli %add3A, %mul3A_41 : i32
        "tpu.region"() ({
          %run_scoped3A = tpu.sem_alloc : memref<!tpu.dma_semaphore, #tpu.memory_space<semaphore_mem>>
          %dma_start3A_361 = arith.constant 0 : i32
          %dma_start3A_362 = tpu.memref_slice %arg2[%mul3A_42, %dma_start3A_361] : memref<800000x128xf32, #tpu.memory_space<hbm>> -> memref<2048x24xf32, #tpu.memory_space<hbm>>
          %dma_start3A_363 = arith.constant 0 : i32
          %dma_start3A_364 = tpu.memref_slice %arg2[%mul3A_42, %dma_start3A_363] : memref<800000x128xf32, #tpu.memory_space<hbm>> -> memref<2048x24xf32, #tpu.memory_space<hbm>>
          tpu.enqueue_dma source(%dma_start3A_364 : memref<2048x24xf32, #tpu.memory_space<hbm>>) target(%arg8 : memref<2048x24xf32, #tpu.memory_space<vmem>>) target_semaphore(%run_scoped3A : memref<!tpu.dma_semaphore, #tpu.memory_space<semaphore_mem>>)
          %dma_wait3A_365 = arith.constant 0 : i32
          %dma_wait3A_366 = tpu.memref_slice %arg2[%mul3A_42, %dma_wait3A_365] : memref<800000x128xf32, #tpu.memory_space<hbm>> -> memref<2048x24xf32, #tpu.memory_space<hbm>>
          %dma_wait3A_367 = arith.constant 0 : i32
          %dma_wait3A_368 = tpu.memref_slice %arg2[%mul3A_42, %dma_wait3A_367] : memref<800000x128xf32, #tpu.memory_space<hbm>> -> memref<2048x24xf32, #tpu.memory_space<hbm>>
          tpu.wait_dma2 semaphore(%run_scoped3A : memref<!tpu.dma_semaphore, #tpu.memory_space<semaphore_mem>>) src(%dma_wait3A_368 : memref<2048x24xf32, #tpu.memory_space<hbm>>) dst(%arg8 : memref<2048x24xf32, #tpu.memory_space<vmem>>)
          tpu.yield
        }) : () -> ()
        %dma_start3A = arith.constant 0 : i32
        %dma_start3A_43 = arith.constant 0 : i32
        %dma_start3A_44 = arith.constant 0 : i32
        %dma_start3A_45 = tpu.memref_slice %arg8[%dma_start3A_43, %dma_start3A_44] : memref<2048x24xf32, #tpu.memory_space<vmem>> -> memref<128x24xf32, #tpu.memory_space<vmem>>
        %dma_start3A_46 = arith.constant 0 : i32
        %dma_start3A_47 = tpu.memref_slice %arg7[%dma_start3A, %dma_start3A_46] : memref<16x128xi32, #tpu.memory_space<vmem>> -> memref<1x128xi32, #tpu.memory_space<vmem>>
        %dma_start3A_48 = tpu.memref_squeeze %dma_start3A_47 : memref<1x128xi32, #tpu.memory_space<vmem>> -> memref<128xi32, #tpu.memory_space<vmem>>
        %dma_start3A_49 = arith.constant 0 : i32
        %dma_start3A_50 = arith.constant 0 : i32
        %dma_start3A_51 = tpu.memref_slice %arg9[%dma_start3A_49, %dma_start3A_50] : memref<50176x24xf32, #tpu.memory_space<vmem_shared>> -> memref<50176x24xf32, #tpu.memory_space<vmem_shared>>
        tpu.enqueue_indirect_dma source(%dma_start3A_45 : memref<128x24xf32, #tpu.memory_space<vmem>>) target(%dma_start3A_51 : memref<50176x24xf32, #tpu.memory_space<vmem_shared>>) offsets(%dma_start3A_48 : memref<128xi32, #tpu.memory_space<vmem>>) semaphore(%arg10 : memref<!tpu.dma_semaphore, #tpu.memory_space<semaphore_mem>>) {add = true}
        %dma_start3A_52 = arith.constant 1 : i32
        %dma_start3A_53 = arith.constant 128 : i32
        %dma_start3A_54 = arith.constant 0 : i32
        %dma_start3A_55 = tpu.memref_slice %arg8[%dma_start3A_53, %dma_start3A_54] : memref<2048x24xf32, #tpu.memory_space<vmem>> -> memref<128x24xf32, #tpu.memory_space<vmem>>
        %dma_start3A_56 = arith.constant 0 : i32
        %dma_start3A_57 = tpu.memref_slice %arg7[%dma_start3A_52, %dma_start3A_56] : memref<16x128xi32, #tpu.memory_space<vmem>> -> memref<1x128xi32, #tpu.memory_space<vmem>>
        %dma_start3A_58 = tpu.memref_squeeze %dma_start3A_57 : memref<1x128xi32, #tpu.memory_space<vmem>> -> memref<128xi32, #tpu.memory_space<vmem>>
        %dma_start3A_59 = arith.constant 0 : i32
        %dma_start3A_60 = arith.constant 0 : i32
        %dma_start3A_61 = tpu.memref_slice %arg9[%dma_start3A_59, %dma_start3A_60] : memref<50176x24xf32, #tpu.memory_space<vmem_shared>> -> memref<50176x24xf32, #tpu.memory_space<vmem_shared>>
        tpu.enqueue_indirect_dma source(%dma_start3A_55 : memref<128x24xf32, #tpu.memory_space<vmem>>) target(%dma_start3A_61 : memref<50176x24xf32, #tpu.memory_space<vmem_shared>>) offsets(%dma_start3A_58 : memref<128xi32, #tpu.memory_space<vmem>>) semaphore(%arg10 : memref<!tpu.dma_semaphore, #tpu.memory_space<semaphore_mem>>) {add = true}
        %dma_start3A_62 = arith.constant 2 : i32
        %dma_start3A_63 = arith.constant 256 : i32
        %dma_start3A_64 = arith.constant 0 : i32
        %dma_start3A_65 = tpu.memref_slice %arg8[%dma_start3A_63, %dma_start3A_64] : memref<2048x24xf32, #tpu.memory_space<vmem>> -> memref<128x24xf32, #tpu.memory_space<vmem>>
        %dma_start3A_66 = arith.constant 0 : i32
        %dma_start3A_67 = tpu.memref_slice %arg7[%dma_start3A_62, %dma_start3A_66] : memref<16x128xi32, #tpu.memory_space<vmem>> -> memref<1x128xi32, #tpu.memory_space<vmem>>
        %dma_start3A_68 = tpu.memref_squeeze %dma_start3A_67 : memref<1x128xi32, #tpu.memory_space<vmem>> -> memref<128xi32, #tpu.memory_space<vmem>>
        %dma_start3A_69 = arith.constant 0 : i32
        %dma_start3A_70 = arith.constant 0 : i32
        %dma_start3A_71 = tpu.memref_slice %arg9[%dma_start3A_69, %dma_start3A_70] : memref<50176x24xf32, #tpu.memory_space<vmem_shared>> -> memref<50176x24xf32, #tpu.memory_space<vmem_shared>>
        tpu.enqueue_indirect_dma source(%dma_start3A_65 : memref<128x24xf32, #tpu.memory_space<vmem>>) target(%dma_start3A_71 : memref<50176x24xf32, #tpu.memory_space<vmem_shared>>) offsets(%dma_start3A_68 : memref<128xi32, #tpu.memory_space<vmem>>) semaphore(%arg10 : memref<!tpu.dma_semaphore, #tpu.memory_space<semaphore_mem>>) {add = true}
        %dma_start3A_72 = arith.constant 3 : i32
        %dma_start3A_73 = arith.constant 384 : i32
        %dma_start3A_74 = arith.constant 0 : i32
        %dma_start3A_75 = tpu.memref_slice %arg8[%dma_start3A_73, %dma_start3A_74] : memref<2048x24xf32, #tpu.memory_space<vmem>> -> memref<128x24xf32, #tpu.memory_space<vmem>>
        %dma_start3A_76 = arith.constant 0 : i32
        %dma_start3A_77 = tpu.memref_slice %arg7[%dma_start3A_72, %dma_start3A_76] : memref<16x128xi32, #tpu.memory_space<vmem>> -> memref<1x128xi32, #tpu.memory_space<vmem>>
        %dma_start3A_78 = tpu.memref_squeeze %dma_start3A_77 : memref<1x128xi32, #tpu.memory_space<vmem>> -> memref<128xi32, #tpu.memory_space<vmem>>
        %dma_start3A_79 = arith.constant 0 : i32
        %dma_start3A_80 = arith.constant 0 : i32
        %dma_start3A_81 = tpu.memref_slice %arg9[%dma_start3A_79, %dma_start3A_80] : memref<50176x24xf32, #tpu.memory_space<vmem_shared>> -> memref<50176x24xf32, #tpu.memory_space<vmem_shared>>
        tpu.enqueue_indirect_dma source(%dma_start3A_75 : memref<128x24xf32, #tpu.memory_space<vmem>>) target(%dma_start3A_81 : memref<50176x24xf32, #tpu.memory_space<vmem_shared>>) offsets(%dma_start3A_78 : memref<128xi32, #tpu.memory_space<vmem>>) semaphore(%arg10 : memref<!tpu.dma_semaphore, #tpu.memory_space<semaphore_mem>>) {add = true}
        %dma_start3A_82 = arith.constant 4 : i32
        %dma_start3A_83 = arith.constant 512 : i32
        %dma_start3A_84 = arith.constant 0 : i32
        %dma_start3A_85 = tpu.memref_slice %arg8[%dma_start3A_83, %dma_start3A_84] : memref<2048x24xf32, #tpu.memory_space<vmem>> -> memref<128x24xf32, #tpu.memory_space<vmem>>
        %dma_start3A_86 = arith.constant 0 : i32
        %dma_start3A_87 = tpu.memref_slice %arg7[%dma_start3A_82, %dma_start3A_86] : memref<16x128xi32, #tpu.memory_space<vmem>> -> memref<1x128xi32, #tpu.memory_space<vmem>>
        %dma_start3A_88 = tpu.memref_squeeze %dma_start3A_87 : memref<1x128xi32, #tpu.memory_space<vmem>> -> memref<128xi32, #tpu.memory_space<vmem>>
        %dma_start3A_89 = arith.constant 0 : i32
        %dma_start3A_90 = arith.constant 0 : i32
        %dma_start3A_91 = tpu.memref_slice %arg9[%dma_start3A_89, %dma_start3A_90] : memref<50176x24xf32, #tpu.memory_space<vmem_shared>> -> memref<50176x24xf32, #tpu.memory_space<vmem_shared>>
        tpu.enqueue_indirect_dma source(%dma_start3A_85 : memref<128x24xf32, #tpu.memory_space<vmem>>) target(%dma_start3A_91 : memref<50176x24xf32, #tpu.memory_space<vmem_shared>>) offsets(%dma_start3A_88 : memref<128xi32, #tpu.memory_space<vmem>>) semaphore(%arg10 : memref<!tpu.dma_semaphore, #tpu.memory_space<semaphore_mem>>) {add = true}
        %dma_start3A_92 = arith.constant 5 : i32
        %dma_start3A_93 = arith.constant 640 : i32
        %dma_start3A_94 = arith.constant 0 : i32
        %dma_start3A_95 = tpu.memref_slice %arg8[%dma_start3A_93, %dma_start3A_94] : memref<2048x24xf32, #tpu.memory_space<vmem>> -> memref<128x24xf32, #tpu.memory_space<vmem>>
        %dma_start3A_96 = arith.constant 0 : i32
        %dma_start3A_97 = tpu.memref_slice %arg7[%dma_start3A_92, %dma_start3A_96] : memref<16x128xi32, #tpu.memory_space<vmem>> -> memref<1x128xi32, #tpu.memory_space<vmem>>
        %dma_start3A_98 = tpu.memref_squeeze %dma_start3A_97 : memref<1x128xi32, #tpu.memory_space<vmem>> -> memref<128xi32, #tpu.memory_space<vmem>>
        %dma_start3A_99 = arith.constant 0 : i32
        %dma_start3A_100 = arith.constant 0 : i32
        %dma_start3A_101 = tpu.memref_slice %arg9[%dma_start3A_99, %dma_start3A_100] : memref<50176x24xf32, #tpu.memory_space<vmem_shared>> -> memref<50176x24xf32, #tpu.memory_space<vmem_shared>>
        tpu.enqueue_indirect_dma source(%dma_start3A_95 : memref<128x24xf32, #tpu.memory_space<vmem>>) target(%dma_start3A_101 : memref<50176x24xf32, #tpu.memory_space<vmem_shared>>) offsets(%dma_start3A_98 : memref<128xi32, #tpu.memory_space<vmem>>) semaphore(%arg10 : memref<!tpu.dma_semaphore, #tpu.memory_space<semaphore_mem>>) {add = true}
        %dma_start3A_102 = arith.constant 6 : i32
        %dma_start3A_103 = arith.constant 768 : i32
        %dma_start3A_104 = arith.constant 0 : i32
        %dma_start3A_105 = tpu.memref_slice %arg8[%dma_start3A_103, %dma_start3A_104] : memref<2048x24xf32, #tpu.memory_space<vmem>> -> memref<128x24xf32, #tpu.memory_space<vmem>>
        %dma_start3A_106 = arith.constant 0 : i32
        %dma_start3A_107 = tpu.memref_slice %arg7[%dma_start3A_102, %dma_start3A_106] : memref<16x128xi32, #tpu.memory_space<vmem>> -> memref<1x128xi32, #tpu.memory_space<vmem>>
        %dma_start3A_108 = tpu.memref_squeeze %dma_start3A_107 : memref<1x128xi32, #tpu.memory_space<vmem>> -> memref<128xi32, #tpu.memory_space<vmem>>
        %dma_start3A_109 = arith.constant 0 : i32
        %dma_start3A_110 = arith.constant 0 : i32
        %dma_start3A_111 = tpu.memref_slice %arg9[%dma_start3A_109, %dma_start3A_110] : memref<50176x24xf32, #tpu.memory_space<vmem_shared>> -> memref<50176x24xf32, #tpu.memory_space<vmem_shared>>
        tpu.enqueue_indirect_dma source(%dma_start3A_105 : memref<128x24xf32, #tpu.memory_space<vmem>>) target(%dma_start3A_111 : memref<50176x24xf32, #tpu.memory_space<vmem_shared>>) offsets(%dma_start3A_108 : memref<128xi32, #tpu.memory_space<vmem>>) semaphore(%arg10 : memref<!tpu.dma_semaphore, #tpu.memory_space<semaphore_mem>>) {add = true}
        %dma_start3A_112 = arith.constant 7 : i32
        %dma_start3A_113 = arith.constant 896 : i32
        %dma_start3A_114 = arith.constant 0 : i32
        %dma_start3A_115 = tpu.memref_slice %arg8[%dma_start3A_113, %dma_start3A_114] : memref<2048x24xf32, #tpu.memory_space<vmem>> -> memref<128x24xf32, #tpu.memory_space<vmem>>
        %dma_start3A_116 = arith.constant 0 : i32
        %dma_start3A_117 = tpu.memref_slice %arg7[%dma_start3A_112, %dma_start3A_116] : memref<16x128xi32, #tpu.memory_space<vmem>> -> memref<1x128xi32, #tpu.memory_space<vmem>>
        %dma_start3A_118 = tpu.memref_squeeze %dma_start3A_117 : memref<1x128xi32, #tpu.memory_space<vmem>> -> memref<128xi32, #tpu.memory_space<vmem>>
        %dma_start3A_119 = arith.constant 0 : i32
        %dma_start3A_120 = arith.constant 0 : i32
        %dma_start3A_121 = tpu.memref_slice %arg9[%dma_start3A_119, %dma_start3A_120] : memref<50176x24xf32, #tpu.memory_space<vmem_shared>> -> memref<50176x24xf32, #tpu.memory_space<vmem_shared>>
        tpu.enqueue_indirect_dma source(%dma_start3A_115 : memref<128x24xf32, #tpu.memory_space<vmem>>) target(%dma_start3A_121 : memref<50176x24xf32, #tpu.memory_space<vmem_shared>>) offsets(%dma_start3A_118 : memref<128xi32, #tpu.memory_space<vmem>>) semaphore(%arg10 : memref<!tpu.dma_semaphore, #tpu.memory_space<semaphore_mem>>) {add = true}
        %dma_start3A_122 = arith.constant 8 : i32
        %dma_start3A_123 = arith.constant 1024 : i32
        %dma_start3A_124 = arith.constant 0 : i32
        %dma_start3A_125 = tpu.memref_slice %arg8[%dma_start3A_123, %dma_start3A_124] : memref<2048x24xf32, #tpu.memory_space<vmem>> -> memref<128x24xf32, #tpu.memory_space<vmem>>
        %dma_start3A_126 = arith.constant 0 : i32
        %dma_start3A_127 = tpu.memref_slice %arg7[%dma_start3A_122, %dma_start3A_126] : memref<16x128xi32, #tpu.memory_space<vmem>> -> memref<1x128xi32, #tpu.memory_space<vmem>>
        %dma_start3A_128 = tpu.memref_squeeze %dma_start3A_127 : memref<1x128xi32, #tpu.memory_space<vmem>> -> memref<128xi32, #tpu.memory_space<vmem>>
        %dma_start3A_129 = arith.constant 0 : i32
        %dma_start3A_130 = arith.constant 0 : i32
        %dma_start3A_131 = tpu.memref_slice %arg9[%dma_start3A_129, %dma_start3A_130] : memref<50176x24xf32, #tpu.memory_space<vmem_shared>> -> memref<50176x24xf32, #tpu.memory_space<vmem_shared>>
        tpu.enqueue_indirect_dma source(%dma_start3A_125 : memref<128x24xf32, #tpu.memory_space<vmem>>) target(%dma_start3A_131 : memref<50176x24xf32, #tpu.memory_space<vmem_shared>>) offsets(%dma_start3A_128 : memref<128xi32, #tpu.memory_space<vmem>>) semaphore(%arg10 : memref<!tpu.dma_semaphore, #tpu.memory_space<semaphore_mem>>) {add = true}
        %dma_start3A_132 = arith.constant 9 : i32
        %dma_start3A_133 = arith.constant 1152 : i32
        %dma_start3A_134 = arith.constant 0 : i32
        %dma_start3A_135 = tpu.memref_slice %arg8[%dma_start3A_133, %dma_start3A_134] : memref<2048x24xf32, #tpu.memory_space<vmem>> -> memref<128x24xf32, #tpu.memory_space<vmem>>
        %dma_start3A_136 = arith.constant 0 : i32
        %dma_start3A_137 = tpu.memref_slice %arg7[%dma_start3A_132, %dma_start3A_136] : memref<16x128xi32, #tpu.memory_space<vmem>> -> memref<1x128xi32, #tpu.memory_space<vmem>>
        %dma_start3A_138 = tpu.memref_squeeze %dma_start3A_137 : memref<1x128xi32, #tpu.memory_space<vmem>> -> memref<128xi32, #tpu.memory_space<vmem>>
        %dma_start3A_139 = arith.constant 0 : i32
        %dma_start3A_140 = arith.constant 0 : i32
        %dma_start3A_141 = tpu.memref_slice %arg9[%dma_start3A_139, %dma_start3A_140] : memref<50176x24xf32, #tpu.memory_space<vmem_shared>> -> memref<50176x24xf32, #tpu.memory_space<vmem_shared>>
        tpu.enqueue_indirect_dma source(%dma_start3A_135 : memref<128x24xf32, #tpu.memory_space<vmem>>) target(%dma_start3A_141 : memref<50176x24xf32, #tpu.memory_space<vmem_shared>>) offsets(%dma_start3A_138 : memref<128xi32, #tpu.memory_space<vmem>>) semaphore(%arg10 : memref<!tpu.dma_semaphore, #tpu.memory_space<semaphore_mem>>) {add = true}
        %dma_start3A_142 = arith.constant 10 : i32
        %dma_start3A_143 = arith.constant 1280 : i32
        %dma_start3A_144 = arith.constant 0 : i32
        %dma_start3A_145 = tpu.memref_slice %arg8[%dma_start3A_143, %dma_start3A_144] : memref<2048x24xf32, #tpu.memory_space<vmem>> -> memref<128x24xf32, #tpu.memory_space<vmem>>
        %dma_start3A_146 = arith.constant 0 : i32
        %dma_start3A_147 = tpu.memref_slice %arg7[%dma_start3A_142, %dma_start3A_146] : memref<16x128xi32, #tpu.memory_space<vmem>> -> memref<1x128xi32, #tpu.memory_space<vmem>>
        %dma_start3A_148 = tpu.memref_squeeze %dma_start3A_147 : memref<1x128xi32, #tpu.memory_space<vmem>> -> memref<128xi32, #tpu.memory_space<vmem>>
        %dma_start3A_149 = arith.constant 0 : i32
        %dma_start3A_150 = arith.constant 0 : i32
        %dma_start3A_151 = tpu.memref_slice %arg9[%dma_start3A_149, %dma_start3A_150] : memref<50176x24xf32, #tpu.memory_space<vmem_shared>> -> memref<50176x24xf32, #tpu.memory_space<vmem_shared>>
        tpu.enqueue_indirect_dma source(%dma_start3A_145 : memref<128x24xf32, #tpu.memory_space<vmem>>) target(%dma_start3A_151 : memref<50176x24xf32, #tpu.memory_space<vmem_shared>>) offsets(%dma_start3A_148 : memref<128xi32, #tpu.memory_space<vmem>>) semaphore(%arg10 : memref<!tpu.dma_semaphore, #tpu.memory_space<semaphore_mem>>) {add = true}
        %dma_start3A_152 = arith.constant 11 : i32
        %dma_start3A_153 = arith.constant 1408 : i32
        %dma_start3A_154 = arith.constant 0 : i32
        %dma_start3A_155 = tpu.memref_slice %arg8[%dma_start3A_153, %dma_start3A_154] : memref<2048x24xf32, #tpu.memory_space<vmem>> -> memref<128x24xf32, #tpu.memory_space<vmem>>
        %dma_start3A_156 = arith.constant 0 : i32
        %dma_start3A_157 = tpu.memref_slice %arg7[%dma_start3A_152, %dma_start3A_156] : memref<16x128xi32, #tpu.memory_space<vmem>> -> memref<1x128xi32, #tpu.memory_space<vmem>>
        %dma_start3A_158 = tpu.memref_squeeze %dma_start3A_157 : memref<1x128xi32, #tpu.memory_space<vmem>> -> memref<128xi32, #tpu.memory_space<vmem>>
        %dma_start3A_159 = arith.constant 0 : i32
        %dma_start3A_160 = arith.constant 0 : i32
        %dma_start3A_161 = tpu.memref_slice %arg9[%dma_start3A_159, %dma_start3A_160] : memref<50176x24xf32, #tpu.memory_space<vmem_shared>> -> memref<50176x24xf32, #tpu.memory_space<vmem_shared>>
        tpu.enqueue_indirect_dma source(%dma_start3A_155 : memref<128x24xf32, #tpu.memory_space<vmem>>) target(%dma_start3A_161 : memref<50176x24xf32, #tpu.memory_space<vmem_shared>>) offsets(%dma_start3A_158 : memref<128xi32, #tpu.memory_space<vmem>>) semaphore(%arg10 : memref<!tpu.dma_semaphore, #tpu.memory_space<semaphore_mem>>) {add = true}
        %dma_start3A_162 = arith.constant 12 : i32
        %dma_start3A_163 = arith.constant 1536 : i32
        %dma_start3A_164 = arith.constant 0 : i32
        %dma_start3A_165 = tpu.memref_slice %arg8[%dma_start3A_163, %dma_start3A_164] : memref<2048x24xf32, #tpu.memory_space<vmem>> -> memref<128x24xf32, #tpu.memory_space<vmem>>
        %dma_start3A_166 = arith.constant 0 : i32
        %dma_start3A_167 = tpu.memref_slice %arg7[%dma_start3A_162, %dma_start3A_166] : memref<16x128xi32, #tpu.memory_space<vmem>> -> memref<1x128xi32, #tpu.memory_space<vmem>>
        %dma_start3A_168 = tpu.memref_squeeze %dma_start3A_167 : memref<1x128xi32, #tpu.memory_space<vmem>> -> memref<128xi32, #tpu.memory_space<vmem>>
        %dma_start3A_169 = arith.constant 0 : i32
        %dma_start3A_170 = arith.constant 0 : i32
        %dma_start3A_171 = tpu.memref_slice %arg9[%dma_start3A_169, %dma_start3A_170] : memref<50176x24xf32, #tpu.memory_space<vmem_shared>> -> memref<50176x24xf32, #tpu.memory_space<vmem_shared>>
        tpu.enqueue_indirect_dma source(%dma_start3A_165 : memref<128x24xf32, #tpu.memory_space<vmem>>) target(%dma_start3A_171 : memref<50176x24xf32, #tpu.memory_space<vmem_shared>>) offsets(%dma_start3A_168 : memref<128xi32, #tpu.memory_space<vmem>>) semaphore(%arg10 : memref<!tpu.dma_semaphore, #tpu.memory_space<semaphore_mem>>) {add = true}
        %dma_start3A_172 = arith.constant 13 : i32
        %dma_start3A_173 = arith.constant 1664 : i32
        %dma_start3A_174 = arith.constant 0 : i32
        %dma_start3A_175 = tpu.memref_slice %arg8[%dma_start3A_173, %dma_start3A_174] : memref<2048x24xf32, #tpu.memory_space<vmem>> -> memref<128x24xf32, #tpu.memory_space<vmem>>
        %dma_start3A_176 = arith.constant 0 : i32
        %dma_start3A_177 = tpu.memref_slice %arg7[%dma_start3A_172, %dma_start3A_176] : memref<16x128xi32, #tpu.memory_space<vmem>> -> memref<1x128xi32, #tpu.memory_space<vmem>>
        %dma_start3A_178 = tpu.memref_squeeze %dma_start3A_177 : memref<1x128xi32, #tpu.memory_space<vmem>> -> memref<128xi32, #tpu.memory_space<vmem>>
        %dma_start3A_179 = arith.constant 0 : i32
        %dma_start3A_180 = arith.constant 0 : i32
        %dma_start3A_181 = tpu.memref_slice %arg9[%dma_start3A_179, %dma_start3A_180] : memref<50176x24xf32, #tpu.memory_space<vmem_shared>> -> memref<50176x24xf32, #tpu.memory_space<vmem_shared>>
        tpu.enqueue_indirect_dma source(%dma_start3A_175 : memref<128x24xf32, #tpu.memory_space<vmem>>) target(%dma_start3A_181 : memref<50176x24xf32, #tpu.memory_space<vmem_shared>>) offsets(%dma_start3A_178 : memref<128xi32, #tpu.memory_space<vmem>>) semaphore(%arg10 : memref<!tpu.dma_semaphore, #tpu.memory_space<semaphore_mem>>) {add = true}
        %dma_start3A_182 = arith.constant 14 : i32
        %dma_start3A_183 = arith.constant 1792 : i32
        %dma_start3A_184 = arith.constant 0 : i32
        %dma_start3A_185 = tpu.memref_slice %arg8[%dma_start3A_183, %dma_start3A_184] : memref<2048x24xf32, #tpu.memory_space<vmem>> -> memref<128x24xf32, #tpu.memory_space<vmem>>
        %dma_start3A_186 = arith.constant 0 : i32
        %dma_start3A_187 = tpu.memref_slice %arg7[%dma_start3A_182, %dma_start3A_186] : memref<16x128xi32, #tpu.memory_space<vmem>> -> memref<1x128xi32, #tpu.memory_space<vmem>>
        %dma_start3A_188 = tpu.memref_squeeze %dma_start3A_187 : memref<1x128xi32, #tpu.memory_space<vmem>> -> memref<128xi32, #tpu.memory_space<vmem>>
        %dma_start3A_189 = arith.constant 0 : i32
        %dma_start3A_190 = arith.constant 0 : i32
        %dma_start3A_191 = tpu.memref_slice %arg9[%dma_start3A_189, %dma_start3A_190] : memref<50176x24xf32, #tpu.memory_space<vmem_shared>> -> memref<50176x24xf32, #tpu.memory_space<vmem_shared>>
        tpu.enqueue_indirect_dma source(%dma_start3A_185 : memref<128x24xf32, #tpu.memory_space<vmem>>) target(%dma_start3A_191 : memref<50176x24xf32, #tpu.memory_space<vmem_shared>>) offsets(%dma_start3A_188 : memref<128xi32, #tpu.memory_space<vmem>>) semaphore(%arg10 : memref<!tpu.dma_semaphore, #tpu.memory_space<semaphore_mem>>) {add = true}
        %dma_start3A_192 = arith.constant 15 : i32
        %dma_start3A_193 = arith.constant 1920 : i32
        %dma_start3A_194 = arith.constant 0 : i32
        %dma_start3A_195 = tpu.memref_slice %arg8[%dma_start3A_193, %dma_start3A_194] : memref<2048x24xf32, #tpu.memory_space<vmem>> -> memref<128x24xf32, #tpu.memory_space<vmem>>
        %dma_start3A_196 = arith.constant 0 : i32
        %dma_start3A_197 = tpu.memref_slice %arg7[%dma_start3A_192, %dma_start3A_196] : memref<16x128xi32, #tpu.memory_space<vmem>> -> memref<1x128xi32, #tpu.memory_space<vmem>>
        %dma_start3A_198 = tpu.memref_squeeze %dma_start3A_197 : memref<1x128xi32, #tpu.memory_space<vmem>> -> memref<128xi32, #tpu.memory_space<vmem>>
        %dma_start3A_199 = arith.constant 0 : i32
        %dma_start3A_200 = arith.constant 0 : i32
        %dma_start3A_201 = tpu.memref_slice %arg9[%dma_start3A_199, %dma_start3A_200] : memref<50176x24xf32, #tpu.memory_space<vmem_shared>> -> memref<50176x24xf32, #tpu.memory_space<vmem_shared>>
        tpu.enqueue_indirect_dma source(%dma_start3A_195 : memref<128x24xf32, #tpu.memory_space<vmem>>) target(%dma_start3A_201 : memref<50176x24xf32, #tpu.memory_space<vmem_shared>>) offsets(%dma_start3A_198 : memref<128xi32, #tpu.memory_space<vmem>>) semaphore(%arg10 : memref<!tpu.dma_semaphore, #tpu.memory_space<semaphore_mem>>) {add = true}
        %dma_wait3A = arith.constant 0 : i32
        %dma_wait3A_202 = arith.constant 0 : i32
        %dma_wait3A_203 = arith.constant 0 : i32
        %dma_wait3A_204 = tpu.memref_slice %arg8[%dma_wait3A_202, %dma_wait3A_203] : memref<2048x24xf32, #tpu.memory_space<vmem>> -> memref<128x24xf32, #tpu.memory_space<vmem>>
        %dma_wait3A_205 = arith.constant 0 : i32
        %dma_wait3A_206 = tpu.memref_slice %arg7[%dma_wait3A, %dma_wait3A_205] : memref<16x128xi32, #tpu.memory_space<vmem>> -> memref<1x128xi32, #tpu.memory_space<vmem>>
        %dma_wait3A_207 = tpu.memref_squeeze %dma_wait3A_206 : memref<1x128xi32, #tpu.memory_space<vmem>> -> memref<128xi32, #tpu.memory_space<vmem>>
        %dma_wait3A_208 = arith.constant 0 : i32
        %dma_wait3A_209 = arith.constant 0 : i32
        %dma_wait3A_210 = tpu.memref_slice %arg9[%dma_wait3A_208, %dma_wait3A_209] : memref<50176x24xf32, #tpu.memory_space<vmem_shared>> -> memref<50176x24xf32, #tpu.memory_space<vmem_shared>>
        tpu.wait_indirect_dma semaphore(%arg10 : memref<!tpu.dma_semaphore, #tpu.memory_space<semaphore_mem>>) src(%dma_wait3A_204 : memref<128x24xf32, #tpu.memory_space<vmem>>) dst(%dma_wait3A_210 : memref<50176x24xf32, #tpu.memory_space<vmem_shared>>)
        %dma_wait3A_211 = arith.constant 1 : i32
        %dma_wait3A_212 = arith.constant 128 : i32
        %dma_wait3A_213 = arith.constant 0 : i32
        %dma_wait3A_214 = tpu.memref_slice %arg8[%dma_wait3A_212, %dma_wait3A_213] : memref<2048x24xf32, #tpu.memory_space<vmem>> -> memref<128x24xf32, #tpu.memory_space<vmem>>
        %dma_wait3A_215 = arith.constant 0 : i32
        %dma_wait3A_216 = tpu.memref_slice %arg7[%dma_wait3A_211, %dma_wait3A_215] : memref<16x128xi32, #tpu.memory_space<vmem>> -> memref<1x128xi32, #tpu.memory_space<vmem>>
        %dma_wait3A_217 = tpu.memref_squeeze %dma_wait3A_216 : memref<1x128xi32, #tpu.memory_space<vmem>> -> memref<128xi32, #tpu.memory_space<vmem>>
        %dma_wait3A_218 = arith.constant 0 : i32
        %dma_wait3A_219 = arith.constant 0 : i32
        %dma_wait3A_220 = tpu.memref_slice %arg9[%dma_wait3A_218, %dma_wait3A_219] : memref<50176x24xf32, #tpu.memory_space<vmem_shared>> -> memref<50176x24xf32, #tpu.memory_space<vmem_shared>>
        tpu.wait_indirect_dma semaphore(%arg10 : memref<!tpu.dma_semaphore, #tpu.memory_space<semaphore_mem>>) src(%dma_wait3A_214 : memref<128x24xf32, #tpu.memory_space<vmem>>) dst(%dma_wait3A_220 : memref<50176x24xf32, #tpu.memory_space<vmem_shared>>)
        %dma_wait3A_221 = arith.constant 2 : i32
        %dma_wait3A_222 = arith.constant 256 : i32
        %dma_wait3A_223 = arith.constant 0 : i32
        %dma_wait3A_224 = tpu.memref_slice %arg8[%dma_wait3A_222, %dma_wait3A_223] : memref<2048x24xf32, #tpu.memory_space<vmem>> -> memref<128x24xf32, #tpu.memory_space<vmem>>
        %dma_wait3A_225 = arith.constant 0 : i32
        %dma_wait3A_226 = tpu.memref_slice %arg7[%dma_wait3A_221, %dma_wait3A_225] : memref<16x128xi32, #tpu.memory_space<vmem>> -> memref<1x128xi32, #tpu.memory_space<vmem>>
        %dma_wait3A_227 = tpu.memref_squeeze %dma_wait3A_226 : memref<1x128xi32, #tpu.memory_space<vmem>> -> memref<128xi32, #tpu.memory_space<vmem>>
        %dma_wait3A_228 = arith.constant 0 : i32
        %dma_wait3A_229 = arith.constant 0 : i32
        %dma_wait3A_230 = tpu.memref_slice %arg9[%dma_wait3A_228, %dma_wait3A_229] : memref<50176x24xf32, #tpu.memory_space<vmem_shared>> -> memref<50176x24xf32, #tpu.memory_space<vmem_shared>>
        tpu.wait_indirect_dma semaphore(%arg10 : memref<!tpu.dma_semaphore, #tpu.memory_space<semaphore_mem>>) src(%dma_wait3A_224 : memref<128x24xf32, #tpu.memory_space<vmem>>) dst(%dma_wait3A_230 : memref<50176x24xf32, #tpu.memory_space<vmem_shared>>)
        %dma_wait3A_231 = arith.constant 3 : i32
        %dma_wait3A_232 = arith.constant 384 : i32
        %dma_wait3A_233 = arith.constant 0 : i32
        %dma_wait3A_234 = tpu.memref_slice %arg8[%dma_wait3A_232, %dma_wait3A_233] : memref<2048x24xf32, #tpu.memory_space<vmem>> -> memref<128x24xf32, #tpu.memory_space<vmem>>
        %dma_wait3A_235 = arith.constant 0 : i32
        %dma_wait3A_236 = tpu.memref_slice %arg7[%dma_wait3A_231, %dma_wait3A_235] : memref<16x128xi32, #tpu.memory_space<vmem>> -> memref<1x128xi32, #tpu.memory_space<vmem>>
        %dma_wait3A_237 = tpu.memref_squeeze %dma_wait3A_236 : memref<1x128xi32, #tpu.memory_space<vmem>> -> memref<128xi32, #tpu.memory_space<vmem>>
        %dma_wait3A_238 = arith.constant 0 : i32
        %dma_wait3A_239 = arith.constant 0 : i32
        %dma_wait3A_240 = tpu.memref_slice %arg9[%dma_wait3A_238, %dma_wait3A_239] : memref<50176x24xf32, #tpu.memory_space<vmem_shared>> -> memref<50176x24xf32, #tpu.memory_space<vmem_shared>>
        tpu.wait_indirect_dma semaphore(%arg10 : memref<!tpu.dma_semaphore, #tpu.memory_space<semaphore_mem>>) src(%dma_wait3A_234 : memref<128x24xf32, #tpu.memory_space<vmem>>) dst(%dma_wait3A_240 : memref<50176x24xf32, #tpu.memory_space<vmem_shared>>)
        %dma_wait3A_241 = arith.constant 4 : i32
        %dma_wait3A_242 = arith.constant 512 : i32
        %dma_wait3A_243 = arith.constant 0 : i32
        %dma_wait3A_244 = tpu.memref_slice %arg8[%dma_wait3A_242, %dma_wait3A_243] : memref<2048x24xf32, #tpu.memory_space<vmem>> -> memref<128x24xf32, #tpu.memory_space<vmem>>
        %dma_wait3A_245 = arith.constant 0 : i32
        %dma_wait3A_246 = tpu.memref_slice %arg7[%dma_wait3A_241, %dma_wait3A_245] : memref<16x128xi32, #tpu.memory_space<vmem>> -> memref<1x128xi32, #tpu.memory_space<vmem>>
        %dma_wait3A_247 = tpu.memref_squeeze %dma_wait3A_246 : memref<1x128xi32, #tpu.memory_space<vmem>> -> memref<128xi32, #tpu.memory_space<vmem>>
        %dma_wait3A_248 = arith.constant 0 : i32
        %dma_wait3A_249 = arith.constant 0 : i32
        %dma_wait3A_250 = tpu.memref_slice %arg9[%dma_wait3A_248, %dma_wait3A_249] : memref<50176x24xf32, #tpu.memory_space<vmem_shared>> -> memref<50176x24xf32, #tpu.memory_space<vmem_shared>>
        tpu.wait_indirect_dma semaphore(%arg10 : memref<!tpu.dma_semaphore, #tpu.memory_space<semaphore_mem>>) src(%dma_wait3A_244 : memref<128x24xf32, #tpu.memory_space<vmem>>) dst(%dma_wait3A_250 : memref<50176x24xf32, #tpu.memory_space<vmem_shared>>)
        %dma_wait3A_251 = arith.constant 5 : i32
        %dma_wait3A_252 = arith.constant 640 : i32
        %dma_wait3A_253 = arith.constant 0 : i32
        %dma_wait3A_254 = tpu.memref_slice %arg8[%dma_wait3A_252, %dma_wait3A_253] : memref<2048x24xf32, #tpu.memory_space<vmem>> -> memref<128x24xf32, #tpu.memory_space<vmem>>
        %dma_wait3A_255 = arith.constant 0 : i32
        %dma_wait3A_256 = tpu.memref_slice %arg7[%dma_wait3A_251, %dma_wait3A_255] : memref<16x128xi32, #tpu.memory_space<vmem>> -> memref<1x128xi32, #tpu.memory_space<vmem>>
        %dma_wait3A_257 = tpu.memref_squeeze %dma_wait3A_256 : memref<1x128xi32, #tpu.memory_space<vmem>> -> memref<128xi32, #tpu.memory_space<vmem>>
        %dma_wait3A_258 = arith.constant 0 : i32
        %dma_wait3A_259 = arith.constant 0 : i32
        %dma_wait3A_260 = tpu.memref_slice %arg9[%dma_wait3A_258, %dma_wait3A_259] : memref<50176x24xf32, #tpu.memory_space<vmem_shared>> -> memref<50176x24xf32, #tpu.memory_space<vmem_shared>>
        tpu.wait_indirect_dma semaphore(%arg10 : memref<!tpu.dma_semaphore, #tpu.memory_space<semaphore_mem>>) src(%dma_wait3A_254 : memref<128x24xf32, #tpu.memory_space<vmem>>) dst(%dma_wait3A_260 : memref<50176x24xf32, #tpu.memory_space<vmem_shared>>)
        %dma_wait3A_261 = arith.constant 6 : i32
        %dma_wait3A_262 = arith.constant 768 : i32
        %dma_wait3A_263 = arith.constant 0 : i32
        %dma_wait3A_264 = tpu.memref_slice %arg8[%dma_wait3A_262, %dma_wait3A_263] : memref<2048x24xf32, #tpu.memory_space<vmem>> -> memref<128x24xf32, #tpu.memory_space<vmem>>
        %dma_wait3A_265 = arith.constant 0 : i32
        %dma_wait3A_266 = tpu.memref_slice %arg7[%dma_wait3A_261, %dma_wait3A_265] : memref<16x128xi32, #tpu.memory_space<vmem>> -> memref<1x128xi32, #tpu.memory_space<vmem>>
        %dma_wait3A_267 = tpu.memref_squeeze %dma_wait3A_266 : memref<1x128xi32, #tpu.memory_space<vmem>> -> memref<128xi32, #tpu.memory_space<vmem>>
        %dma_wait3A_268 = arith.constant 0 : i32
        %dma_wait3A_269 = arith.constant 0 : i32
        %dma_wait3A_270 = tpu.memref_slice %arg9[%dma_wait3A_268, %dma_wait3A_269] : memref<50176x24xf32, #tpu.memory_space<vmem_shared>> -> memref<50176x24xf32, #tpu.memory_space<vmem_shared>>
        tpu.wait_indirect_dma semaphore(%arg10 : memref<!tpu.dma_semaphore, #tpu.memory_space<semaphore_mem>>) src(%dma_wait3A_264 : memref<128x24xf32, #tpu.memory_space<vmem>>) dst(%dma_wait3A_270 : memref<50176x24xf32, #tpu.memory_space<vmem_shared>>)
        %dma_wait3A_271 = arith.constant 7 : i32
        %dma_wait3A_272 = arith.constant 896 : i32
        %dma_wait3A_273 = arith.constant 0 : i32
        %dma_wait3A_274 = tpu.memref_slice %arg8[%dma_wait3A_272, %dma_wait3A_273] : memref<2048x24xf32, #tpu.memory_space<vmem>> -> memref<128x24xf32, #tpu.memory_space<vmem>>
        %dma_wait3A_275 = arith.constant 0 : i32
        %dma_wait3A_276 = tpu.memref_slice %arg7[%dma_wait3A_271, %dma_wait3A_275] : memref<16x128xi32, #tpu.memory_space<vmem>> -> memref<1x128xi32, #tpu.memory_space<vmem>>
        %dma_wait3A_277 = tpu.memref_squeeze %dma_wait3A_276 : memref<1x128xi32, #tpu.memory_space<vmem>> -> memref<128xi32, #tpu.memory_space<vmem>>
        %dma_wait3A_278 = arith.constant 0 : i32
        %dma_wait3A_279 = arith.constant 0 : i32
        %dma_wait3A_280 = tpu.memref_slice %arg9[%dma_wait3A_278, %dma_wait3A_279] : memref<50176x24xf32, #tpu.memory_space<vmem_shared>> -> memref<50176x24xf32, #tpu.memory_space<vmem_shared>>
        tpu.wait_indirect_dma semaphore(%arg10 : memref<!tpu.dma_semaphore, #tpu.memory_space<semaphore_mem>>) src(%dma_wait3A_274 : memref<128x24xf32, #tpu.memory_space<vmem>>) dst(%dma_wait3A_280 : memref<50176x24xf32, #tpu.memory_space<vmem_shared>>)
        %dma_wait3A_281 = arith.constant 8 : i32
        %dma_wait3A_282 = arith.constant 1024 : i32
        %dma_wait3A_283 = arith.constant 0 : i32
        %dma_wait3A_284 = tpu.memref_slice %arg8[%dma_wait3A_282, %dma_wait3A_283] : memref<2048x24xf32, #tpu.memory_space<vmem>> -> memref<128x24xf32, #tpu.memory_space<vmem>>
        %dma_wait3A_285 = arith.constant 0 : i32
        %dma_wait3A_286 = tpu.memref_slice %arg7[%dma_wait3A_281, %dma_wait3A_285] : memref<16x128xi32, #tpu.memory_space<vmem>> -> memref<1x128xi32, #tpu.memory_space<vmem>>
        %dma_wait3A_287 = tpu.memref_squeeze %dma_wait3A_286 : memref<1x128xi32, #tpu.memory_space<vmem>> -> memref<128xi32, #tpu.memory_space<vmem>>
        %dma_wait3A_288 = arith.constant 0 : i32
        %dma_wait3A_289 = arith.constant 0 : i32
        %dma_wait3A_290 = tpu.memref_slice %arg9[%dma_wait3A_288, %dma_wait3A_289] : memref<50176x24xf32, #tpu.memory_space<vmem_shared>> -> memref<50176x24xf32, #tpu.memory_space<vmem_shared>>
        tpu.wait_indirect_dma semaphore(%arg10 : memref<!tpu.dma_semaphore, #tpu.memory_space<semaphore_mem>>) src(%dma_wait3A_284 : memref<128x24xf32, #tpu.memory_space<vmem>>) dst(%dma_wait3A_290 : memref<50176x24xf32, #tpu.memory_space<vmem_shared>>)
        %dma_wait3A_291 = arith.constant 9 : i32
        %dma_wait3A_292 = arith.constant 1152 : i32
        %dma_wait3A_293 = arith.constant 0 : i32
        %dma_wait3A_294 = tpu.memref_slice %arg8[%dma_wait3A_292, %dma_wait3A_293] : memref<2048x24xf32, #tpu.memory_space<vmem>> -> memref<128x24xf32, #tpu.memory_space<vmem>>
        %dma_wait3A_295 = arith.constant 0 : i32
        %dma_wait3A_296 = tpu.memref_slice %arg7[%dma_wait3A_291, %dma_wait3A_295] : memref<16x128xi32, #tpu.memory_space<vmem>> -> memref<1x128xi32, #tpu.memory_space<vmem>>
        %dma_wait3A_297 = tpu.memref_squeeze %dma_wait3A_296 : memref<1x128xi32, #tpu.memory_space<vmem>> -> memref<128xi32, #tpu.memory_space<vmem>>
        %dma_wait3A_298 = arith.constant 0 : i32
        %dma_wait3A_299 = arith.constant 0 : i32
        %dma_wait3A_300 = tpu.memref_slice %arg9[%dma_wait3A_298, %dma_wait3A_299] : memref<50176x24xf32, #tpu.memory_space<vmem_shared>> -> memref<50176x24xf32, #tpu.memory_space<vmem_shared>>
        tpu.wait_indirect_dma semaphore(%arg10 : memref<!tpu.dma_semaphore, #tpu.memory_space<semaphore_mem>>) src(%dma_wait3A_294 : memref<128x24xf32, #tpu.memory_space<vmem>>) dst(%dma_wait3A_300 : memref<50176x24xf32, #tpu.memory_space<vmem_shared>>)
        %dma_wait3A_301 = arith.constant 10 : i32
        %dma_wait3A_302 = arith.constant 1280 : i32
        %dma_wait3A_303 = arith.constant 0 : i32
        %dma_wait3A_304 = tpu.memref_slice %arg8[%dma_wait3A_302, %dma_wait3A_303] : memref<2048x24xf32, #tpu.memory_space<vmem>> -> memref<128x24xf32, #tpu.memory_space<vmem>>
        %dma_wait3A_305 = arith.constant 0 : i32
        %dma_wait3A_306 = tpu.memref_slice %arg7[%dma_wait3A_301, %dma_wait3A_305] : memref<16x128xi32, #tpu.memory_space<vmem>> -> memref<1x128xi32, #tpu.memory_space<vmem>>
        %dma_wait3A_307 = tpu.memref_squeeze %dma_wait3A_306 : memref<1x128xi32, #tpu.memory_space<vmem>> -> memref<128xi32, #tpu.memory_space<vmem>>
        %dma_wait3A_308 = arith.constant 0 : i32
        %dma_wait3A_309 = arith.constant 0 : i32
        %dma_wait3A_310 = tpu.memref_slice %arg9[%dma_wait3A_308, %dma_wait3A_309] : memref<50176x24xf32, #tpu.memory_space<vmem_shared>> -> memref<50176x24xf32, #tpu.memory_space<vmem_shared>>
        tpu.wait_indirect_dma semaphore(%arg10 : memref<!tpu.dma_semaphore, #tpu.memory_space<semaphore_mem>>) src(%dma_wait3A_304 : memref<128x24xf32, #tpu.memory_space<vmem>>) dst(%dma_wait3A_310 : memref<50176x24xf32, #tpu.memory_space<vmem_shared>>)
        %dma_wait3A_311 = arith.constant 11 : i32
        %dma_wait3A_312 = arith.constant 1408 : i32
        %dma_wait3A_313 = arith.constant 0 : i32
        %dma_wait3A_314 = tpu.memref_slice %arg8[%dma_wait3A_312, %dma_wait3A_313] : memref<2048x24xf32, #tpu.memory_space<vmem>> -> memref<128x24xf32, #tpu.memory_space<vmem>>
        %dma_wait3A_315 = arith.constant 0 : i32
        %dma_wait3A_316 = tpu.memref_slice %arg7[%dma_wait3A_311, %dma_wait3A_315] : memref<16x128xi32, #tpu.memory_space<vmem>> -> memref<1x128xi32, #tpu.memory_space<vmem>>
        %dma_wait3A_317 = tpu.memref_squeeze %dma_wait3A_316 : memref<1x128xi32, #tpu.memory_space<vmem>> -> memref<128xi32, #tpu.memory_space<vmem>>
        %dma_wait3A_318 = arith.constant 0 : i32
        %dma_wait3A_319 = arith.constant 0 : i32
        %dma_wait3A_320 = tpu.memref_slice %arg9[%dma_wait3A_318, %dma_wait3A_319] : memref<50176x24xf32, #tpu.memory_space<vmem_shared>> -> memref<50176x24xf32, #tpu.memory_space<vmem_shared>>
        tpu.wait_indirect_dma semaphore(%arg10 : memref<!tpu.dma_semaphore, #tpu.memory_space<semaphore_mem>>) src(%dma_wait3A_314 : memref<128x24xf32, #tpu.memory_space<vmem>>) dst(%dma_wait3A_320 : memref<50176x24xf32, #tpu.memory_space<vmem_shared>>)
        %dma_wait3A_321 = arith.constant 12 : i32
        %dma_wait3A_322 = arith.constant 1536 : i32
        %dma_wait3A_323 = arith.constant 0 : i32
        %dma_wait3A_324 = tpu.memref_slice %arg8[%dma_wait3A_322, %dma_wait3A_323] : memref<2048x24xf32, #tpu.memory_space<vmem>> -> memref<128x24xf32, #tpu.memory_space<vmem>>
        %dma_wait3A_325 = arith.constant 0 : i32
        %dma_wait3A_326 = tpu.memref_slice %arg7[%dma_wait3A_321, %dma_wait3A_325] : memref<16x128xi32, #tpu.memory_space<vmem>> -> memref<1x128xi32, #tpu.memory_space<vmem>>
        %dma_wait3A_327 = tpu.memref_squeeze %dma_wait3A_326 : memref<1x128xi32, #tpu.memory_space<vmem>> -> memref<128xi32, #tpu.memory_space<vmem>>
        %dma_wait3A_328 = arith.constant 0 : i32
        %dma_wait3A_329 = arith.constant 0 : i32
        %dma_wait3A_330 = tpu.memref_slice %arg9[%dma_wait3A_328, %dma_wait3A_329] : memref<50176x24xf32, #tpu.memory_space<vmem_shared>> -> memref<50176x24xf32, #tpu.memory_space<vmem_shared>>
        tpu.wait_indirect_dma semaphore(%arg10 : memref<!tpu.dma_semaphore, #tpu.memory_space<semaphore_mem>>) src(%dma_wait3A_324 : memref<128x24xf32, #tpu.memory_space<vmem>>) dst(%dma_wait3A_330 : memref<50176x24xf32, #tpu.memory_space<vmem_shared>>)
        %dma_wait3A_331 = arith.constant 13 : i32
        %dma_wait3A_332 = arith.constant 1664 : i32
        %dma_wait3A_333 = arith.constant 0 : i32
        %dma_wait3A_334 = tpu.memref_slice %arg8[%dma_wait3A_332, %dma_wait3A_333] : memref<2048x24xf32, #tpu.memory_space<vmem>> -> memref<128x24xf32, #tpu.memory_space<vmem>>
        %dma_wait3A_335 = arith.constant 0 : i32
        %dma_wait3A_336 = tpu.memref_slice %arg7[%dma_wait3A_331, %dma_wait3A_335] : memref<16x128xi32, #tpu.memory_space<vmem>> -> memref<1x128xi32, #tpu.memory_space<vmem>>
        %dma_wait3A_337 = tpu.memref_squeeze %dma_wait3A_336 : memref<1x128xi32, #tpu.memory_space<vmem>> -> memref<128xi32, #tpu.memory_space<vmem>>
        %dma_wait3A_338 = arith.constant 0 : i32
        %dma_wait3A_339 = arith.constant 0 : i32
        %dma_wait3A_340 = tpu.memref_slice %arg9[%dma_wait3A_338, %dma_wait3A_339] : memref<50176x24xf32, #tpu.memory_space<vmem_shared>> -> memref<50176x24xf32, #tpu.memory_space<vmem_shared>>
        tpu.wait_indirect_dma semaphore(%arg10 : memref<!tpu.dma_semaphore, #tpu.memory_space<semaphore_mem>>) src(%dma_wait3A_334 : memref<128x24xf32, #tpu.memory_space<vmem>>) dst(%dma_wait3A_340 : memref<50176x24xf32, #tpu.memory_space<vmem_shared>>)
        %dma_wait3A_341 = arith.constant 14 : i32
        %dma_wait3A_342 = arith.constant 1792 : i32
        %dma_wait3A_343 = arith.constant 0 : i32
        %dma_wait3A_344 = tpu.memref_slice %arg8[%dma_wait3A_342, %dma_wait3A_343] : memref<2048x24xf32, #tpu.memory_space<vmem>> -> memref<128x24xf32, #tpu.memory_space<vmem>>
        %dma_wait3A_345 = arith.constant 0 : i32
        %dma_wait3A_346 = tpu.memref_slice %arg7[%dma_wait3A_341, %dma_wait3A_345] : memref<16x128xi32, #tpu.memory_space<vmem>> -> memref<1x128xi32, #tpu.memory_space<vmem>>
        %dma_wait3A_347 = tpu.memref_squeeze %dma_wait3A_346 : memref<1x128xi32, #tpu.memory_space<vmem>> -> memref<128xi32, #tpu.memory_space<vmem>>
        %dma_wait3A_348 = arith.constant 0 : i32
        %dma_wait3A_349 = arith.constant 0 : i32
        %dma_wait3A_350 = tpu.memref_slice %arg9[%dma_wait3A_348, %dma_wait3A_349] : memref<50176x24xf32, #tpu.memory_space<vmem_shared>> -> memref<50176x24xf32, #tpu.memory_space<vmem_shared>>
        tpu.wait_indirect_dma semaphore(%arg10 : memref<!tpu.dma_semaphore, #tpu.memory_space<semaphore_mem>>) src(%dma_wait3A_344 : memref<128x24xf32, #tpu.memory_space<vmem>>) dst(%dma_wait3A_350 : memref<50176x24xf32, #tpu.memory_space<vmem_shared>>)
        %dma_wait3A_351 = arith.constant 15 : i32
        %dma_wait3A_352 = arith.constant 1920 : i32
        %dma_wait3A_353 = arith.constant 0 : i32
        %dma_wait3A_354 = tpu.memref_slice %arg8[%dma_wait3A_352, %dma_wait3A_353] : memref<2048x24xf32, #tpu.memory_space<vmem>> -> memref<128x24xf32, #tpu.memory_space<vmem>>
        %dma_wait3A_355 = arith.constant 0 : i32
        %dma_wait3A_356 = tpu.memref_slice %arg7[%dma_wait3A_351, %dma_wait3A_355] : memref<16x128xi32, #tpu.memory_space<vmem>> -> memref<1x128xi32, #tpu.memory_space<vmem>>
        %dma_wait3A_357 = tpu.memref_squeeze %dma_wait3A_356 : memref<1x128xi32, #tpu.memory_space<vmem>> -> memref<128xi32, #tpu.memory_space<vmem>>
        %dma_wait3A_358 = arith.constant 0 : i32
        %dma_wait3A_359 = arith.constant 0 : i32
        %dma_wait3A_360 = tpu.memref_slice %arg9[%dma_wait3A_358, %dma_wait3A_359] : memref<50176x24xf32, #tpu.memory_space<vmem_shared>> -> memref<50176x24xf32, #tpu.memory_space<vmem_shared>>
        tpu.wait_indirect_dma semaphore(%arg10 : memref<!tpu.dma_semaphore, #tpu.memory_space<semaphore_mem>>) src(%dma_wait3A_354 : memref<128x24xf32, #tpu.memory_space<vmem>>) dst(%dma_wait3A_360 : memref<50176x24xf32, #tpu.memory_space<vmem_shared>>)
      }
      %while3A_32 = arith.constant 1 : i32
      scf.for %while3A_38 = %while3A_30 to %while3A_26 step %while3A_32  : i32 {
        %mul3A_39 = arith.constant 16 : i32
        %mul3A_40 = arith.muli %while3A_38, %mul3A_39 : i32
        %add3A = arith.addi %mul3A_2, %mul3A_40 : i32
        "tpu.region"() ({
          %run_scoped3A = tpu.sem_alloc : memref<!tpu.dma_semaphore, #tpu.memory_space<semaphore_mem>>
          %dma_start3A_361 = arith.constant 0 : i32
          %dma_start3A_362 = tpu.memref_slice %arg3[%add3A, %dma_start3A_361] : memref<6250x128xi32, #tpu.memory_space<hbm>> -> memref<16x128xi32, #tpu.memory_space<hbm>>
          %dma_start3A_363 = arith.constant 0 : i32
          %dma_start3A_364 = tpu.memref_slice %arg3[%add3A, %dma_start3A_363] : memref<6250x128xi32, #tpu.memory_space<hbm>> -> memref<16x128xi32, #tpu.memory_space<hbm>>
          tpu.enqueue_dma source(%dma_start3A_364 : memref<16x128xi32, #tpu.memory_space<hbm>>) target(%arg7 : memref<16x128xi32, #tpu.memory_space<vmem>>) target_semaphore(%run_scoped3A : memref<!tpu.dma_semaphore, #tpu.memory_space<semaphore_mem>>)
          %dma_wait3A_365 = arith.constant 0 : i32
          %dma_wait3A_366 = tpu.memref_slice %arg3[%add3A, %dma_wait3A_365] : memref<6250x128xi32, #tpu.memory_space<hbm>> -> memref<16x128xi32, #tpu.memory_space<hbm>>
          %dma_wait3A_367 = arith.constant 0 : i32
          %dma_wait3A_368 = tpu.memref_slice %arg3[%add3A, %dma_wait3A_367] : memref<6250x128xi32, #tpu.memory_space<hbm>> -> memref<16x128xi32, #tpu.memory_space<hbm>>
          tpu.wait_dma2 semaphore(%run_scoped3A : memref<!tpu.dma_semaphore, #tpu.memory_space<semaphore_mem>>) src(%dma_wait3A_368 : memref<16x128xi32, #tpu.memory_space<hbm>>) dst(%arg7 : memref<16x128xi32, #tpu.memory_space<vmem>>)
          tpu.yield
        }) : () -> ()
        %mul3A_41 = arith.constant 128 : i32
        %mul3A_42 = arith.muli %add3A, %mul3A_41 : i32
        "tpu.region"() ({
          %run_scoped3A = tpu.sem_alloc : memref<!tpu.dma_semaphore, #tpu.memory_space<semaphore_mem>>
          %dma_start3A_361 = arith.constant 0 : i32
          %dma_start3A_362 = tpu.memref_slice %arg2[%mul3A_42, %dma_start3A_361] : memref<800000x128xf32, #tpu.memory_space<hbm>> -> memref<2048x24xf32, #tpu.memory_space<hbm>>
          %dma_start3A_363 = arith.constant 0 : i32
          %dma_start3A_364 = tpu.memref_slice %arg2[%mul3A_42, %dma_start3A_363] : memref<800000x128xf32, #tpu.memory_space<hbm>> -> memref<2048x24xf32, #tpu.memory_space<hbm>>
          tpu.enqueue_dma source(%dma_start3A_364 : memref<2048x24xf32, #tpu.memory_space<hbm>>) target(%arg8 : memref<2048x24xf32, #tpu.memory_space<vmem>>) target_semaphore(%run_scoped3A : memref<!tpu.dma_semaphore, #tpu.memory_space<semaphore_mem>>)
          %dma_wait3A_365 = arith.constant 0 : i32
          %dma_wait3A_366 = tpu.memref_slice %arg2[%mul3A_42, %dma_wait3A_365] : memref<800000x128xf32, #tpu.memory_space<hbm>> -> memref<2048x24xf32, #tpu.memory_space<hbm>>
          %dma_wait3A_367 = arith.constant 0 : i32
          %dma_wait3A_368 = tpu.memref_slice %arg2[%mul3A_42, %dma_wait3A_367] : memref<800000x128xf32, #tpu.memory_space<hbm>> -> memref<2048x24xf32, #tpu.memory_space<hbm>>
          tpu.wait_dma2 semaphore(%run_scoped3A : memref<!tpu.dma_semaphore, #tpu.memory_space<semaphore_mem>>) src(%dma_wait3A_368 : memref<2048x24xf32, #tpu.memory_space<hbm>>) dst(%arg8 : memref<2048x24xf32, #tpu.memory_space<vmem>>)
          tpu.yield
        }) : () -> ()
        %dma_start3A = arith.constant 0 : i32
        %dma_start3A_43 = arith.constant 0 : i32
        %dma_start3A_44 = arith.constant 0 : i32
        %dma_start3A_45 = tpu.memref_slice %arg8[%dma_start3A_43, %dma_start3A_44] : memref<2048x24xf32, #tpu.memory_space<vmem>> -> memref<128x24xf32, #tpu.memory_space<vmem>>
        %dma_start3A_46 = arith.constant 0 : i32
        %dma_start3A_47 = tpu.memref_slice %arg7[%dma_start3A, %dma_start3A_46] : memref<16x128xi32, #tpu.memory_space<vmem>> -> memref<1x128xi32, #tpu.memory_space<vmem>>
        %dma_start3A_48 = tpu.memref_squeeze %dma_start3A_47 : memref<1x128xi32, #tpu.memory_space<vmem>> -> memref<128xi32, #tpu.memory_space<vmem>>
        %dma_start3A_49 = arith.constant 0 : i32
        %dma_start3A_50 = arith.constant 0 : i32
        %dma_start3A_51 = tpu.memref_slice %arg9[%dma_start3A_49, %dma_start3A_50] : memref<50176x24xf32, #tpu.memory_space<vmem_shared>> -> memref<50176x24xf32, #tpu.memory_space<vmem_shared>>
        tpu.enqueue_indirect_dma source(%dma_start3A_45 : memref<128x24xf32, #tpu.memory_space<vmem>>) target(%dma_start3A_51 : memref<50176x24xf32, #tpu.memory_space<vmem_shared>>) offsets(%dma_start3A_48 : memref<128xi32, #tpu.memory_space<vmem>>) semaphore(%arg10 : memref<!tpu.dma_semaphore, #tpu.memory_space<semaphore_mem>>) {add = true}
        %dma_start3A_52 = arith.constant 1 : i32
        %dma_start3A_53 = arith.constant 128 : i32
        %dma_start3A_54 = arith.constant 0 : i32
        %dma_start3A_55 = tpu.memref_slice %arg8[%dma_start3A_53, %dma_start3A_54] : memref<2048x24xf32, #tpu.memory_space<vmem>> -> memref<128x24xf32, #tpu.memory_space<vmem>>
        %dma_start3A_56 = arith.constant 0 : i32
        %dma_start3A_57 = tpu.memref_slice %arg7[%dma_start3A_52, %dma_start3A_56] : memref<16x128xi32, #tpu.memory_space<vmem>> -> memref<1x128xi32, #tpu.memory_space<vmem>>
        %dma_start3A_58 = tpu.memref_squeeze %dma_start3A_57 : memref<1x128xi32, #tpu.memory_space<vmem>> -> memref<128xi32, #tpu.memory_space<vmem>>
        %dma_start3A_59 = arith.constant 0 : i32
        %dma_start3A_60 = arith.constant 0 : i32
        %dma_start3A_61 = tpu.memref_slice %arg9[%dma_start3A_59, %dma_start3A_60] : memref<50176x24xf32, #tpu.memory_space<vmem_shared>> -> memref<50176x24xf32, #tpu.memory_space<vmem_shared>>
        tpu.enqueue_indirect_dma source(%dma_start3A_55 : memref<128x24xf32, #tpu.memory_space<vmem>>) target(%dma_start3A_61 : memref<50176x24xf32, #tpu.memory_space<vmem_shared>>) offsets(%dma_start3A_58 : memref<128xi32, #tpu.memory_space<vmem>>) semaphore(%arg10 : memref<!tpu.dma_semaphore, #tpu.memory_space<semaphore_mem>>) {add = true}
        %dma_start3A_62 = arith.constant 2 : i32
        %dma_start3A_63 = arith.constant 256 : i32
        %dma_start3A_64 = arith.constant 0 : i32
        %dma_start3A_65 = tpu.memref_slice %arg8[%dma_start3A_63, %dma_start3A_64] : memref<2048x24xf32, #tpu.memory_space<vmem>> -> memref<128x24xf32, #tpu.memory_space<vmem>>
        %dma_start3A_66 = arith.constant 0 : i32
        %dma_start3A_67 = tpu.memref_slice %arg7[%dma_start3A_62, %dma_start3A_66] : memref<16x128xi32, #tpu.memory_space<vmem>> -> memref<1x128xi32, #tpu.memory_space<vmem>>
        %dma_start3A_68 = tpu.memref_squeeze %dma_start3A_67 : memref<1x128xi32, #tpu.memory_space<vmem>> -> memref<128xi32, #tpu.memory_space<vmem>>
        %dma_start3A_69 = arith.constant 0 : i32
        %dma_start3A_70 = arith.constant 0 : i32
        %dma_start3A_71 = tpu.memref_slice %arg9[%dma_start3A_69, %dma_start3A_70] : memref<50176x24xf32, #tpu.memory_space<vmem_shared>> -> memref<50176x24xf32, #tpu.memory_space<vmem_shared>>
        tpu.enqueue_indirect_dma source(%dma_start3A_65 : memref<128x24xf32, #tpu.memory_space<vmem>>) target(%dma_start3A_71 : memref<50176x24xf32, #tpu.memory_space<vmem_shared>>) offsets(%dma_start3A_68 : memref<128xi32, #tpu.memory_space<vmem>>) semaphore(%arg10 : memref<!tpu.dma_semaphore, #tpu.memory_space<semaphore_mem>>) {add = true}
        %dma_start3A_72 = arith.constant 3 : i32
        %dma_start3A_73 = arith.constant 384 : i32
        %dma_start3A_74 = arith.constant 0 : i32
        %dma_start3A_75 = tpu.memref_slice %arg8[%dma_start3A_73, %dma_start3A_74] : memref<2048x24xf32, #tpu.memory_space<vmem>> -> memref<128x24xf32, #tpu.memory_space<vmem>>
        %dma_start3A_76 = arith.constant 0 : i32
        %dma_start3A_77 = tpu.memref_slice %arg7[%dma_start3A_72, %dma_start3A_76] : memref<16x128xi32, #tpu.memory_space<vmem>> -> memref<1x128xi32, #tpu.memory_space<vmem>>
        %dma_start3A_78 = tpu.memref_squeeze %dma_start3A_77 : memref<1x128xi32, #tpu.memory_space<vmem>> -> memref<128xi32, #tpu.memory_space<vmem>>
        %dma_start3A_79 = arith.constant 0 : i32
        %dma_start3A_80 = arith.constant 0 : i32
        %dma_start3A_81 = tpu.memref_slice %arg9[%dma_start3A_79, %dma_start3A_80] : memref<50176x24xf32, #tpu.memory_space<vmem_shared>> -> memref<50176x24xf32, #tpu.memory_space<vmem_shared>>
        tpu.enqueue_indirect_dma source(%dma_start3A_75 : memref<128x24xf32, #tpu.memory_space<vmem>>) target(%dma_start3A_81 : memref<50176x24xf32, #tpu.memory_space<vmem_shared>>) offsets(%dma_start3A_78 : memref<128xi32, #tpu.memory_space<vmem>>) semaphore(%arg10 : memref<!tpu.dma_semaphore, #tpu.memory_space<semaphore_mem>>) {add = true}
        %dma_start3A_82 = arith.constant 4 : i32
        %dma_start3A_83 = arith.constant 512 : i32
        %dma_start3A_84 = arith.constant 0 : i32
        %dma_start3A_85 = tpu.memref_slice %arg8[%dma_start3A_83, %dma_start3A_84] : memref<2048x24xf32, #tpu.memory_space<vmem>> -> memref<128x24xf32, #tpu.memory_space<vmem>>
        %dma_start3A_86 = arith.constant 0 : i32
        %dma_start3A_87 = tpu.memref_slice %arg7[%dma_start3A_82, %dma_start3A_86] : memref<16x128xi32, #tpu.memory_space<vmem>> -> memref<1x128xi32, #tpu.memory_space<vmem>>
        %dma_start3A_88 = tpu.memref_squeeze %dma_start3A_87 : memref<1x128xi32, #tpu.memory_space<vmem>> -> memref<128xi32, #tpu.memory_space<vmem>>
        %dma_start3A_89 = arith.constant 0 : i32
        %dma_start3A_90 = arith.constant 0 : i32
        %dma_start3A_91 = tpu.memref_slice %arg9[%dma_start3A_89, %dma_start3A_90] : memref<50176x24xf32, #tpu.memory_space<vmem_shared>> -> memref<50176x24xf32, #tpu.memory_space<vmem_shared>>
        tpu.enqueue_indirect_dma source(%dma_start3A_85 : memref<128x24xf32, #tpu.memory_space<vmem>>) target(%dma_start3A_91 : memref<50176x24xf32, #tpu.memory_space<vmem_shared>>) offsets(%dma_start3A_88 : memref<128xi32, #tpu.memory_space<vmem>>) semaphore(%arg10 : memref<!tpu.dma_semaphore, #tpu.memory_space<semaphore_mem>>) {add = true}
        %dma_start3A_92 = arith.constant 5 : i32
        %dma_start3A_93 = arith.constant 640 : i32
        %dma_start3A_94 = arith.constant 0 : i32
        %dma_start3A_95 = tpu.memref_slice %arg8[%dma_start3A_93, %dma_start3A_94] : memref<2048x24xf32, #tpu.memory_space<vmem>> -> memref<128x24xf32, #tpu.memory_space<vmem>>
        %dma_start3A_96 = arith.constant 0 : i32
        %dma_start3A_97 = tpu.memref_slice %arg7[%dma_start3A_92, %dma_start3A_96] : memref<16x128xi32, #tpu.memory_space<vmem>> -> memref<1x128xi32, #tpu.memory_space<vmem>>
        %dma_start3A_98 = tpu.memref_squeeze %dma_start3A_97 : memref<1x128xi32, #tpu.memory_space<vmem>> -> memref<128xi32, #tpu.memory_space<vmem>>
        %dma_start3A_99 = arith.constant 0 : i32
        %dma_start3A_100 = arith.constant 0 : i32
        %dma_start3A_101 = tpu.memref_slice %arg9[%dma_start3A_99, %dma_start3A_100] : memref<50176x24xf32, #tpu.memory_space<vmem_shared>> -> memref<50176x24xf32, #tpu.memory_space<vmem_shared>>
        tpu.enqueue_indirect_dma source(%dma_start3A_95 : memref<128x24xf32, #tpu.memory_space<vmem>>) target(%dma_start3A_101 : memref<50176x24xf32, #tpu.memory_space<vmem_shared>>) offsets(%dma_start3A_98 : memref<128xi32, #tpu.memory_space<vmem>>) semaphore(%arg10 : memref<!tpu.dma_semaphore, #tpu.memory_space<semaphore_mem>>) {add = true}
        %dma_start3A_102 = arith.constant 6 : i32
        %dma_start3A_103 = arith.constant 768 : i32
        %dma_start3A_104 = arith.constant 0 : i32
        %dma_start3A_105 = tpu.memref_slice %arg8[%dma_start3A_103, %dma_start3A_104] : memref<2048x24xf32, #tpu.memory_space<vmem>> -> memref<128x24xf32, #tpu.memory_space<vmem>>
        %dma_start3A_106 = arith.constant 0 : i32
        %dma_start3A_107 = tpu.memref_slice %arg7[%dma_start3A_102, %dma_start3A_106] : memref<16x128xi32, #tpu.memory_space<vmem>> -> memref<1x128xi32, #tpu.memory_space<vmem>>
        %dma_start3A_108 = tpu.memref_squeeze %dma_start3A_107 : memref<1x128xi32, #tpu.memory_space<vmem>> -> memref<128xi32, #tpu.memory_space<vmem>>
        %dma_start3A_109 = arith.constant 0 : i32
        %dma_start3A_110 = arith.constant 0 : i32
        %dma_start3A_111 = tpu.memref_slice %arg9[%dma_start3A_109, %dma_start3A_110] : memref<50176x24xf32, #tpu.memory_space<vmem_shared>> -> memref<50176x24xf32, #tpu.memory_space<vmem_shared>>
        tpu.enqueue_indirect_dma source(%dma_start3A_105 : memref<128x24xf32, #tpu.memory_space<vmem>>) target(%dma_start3A_111 : memref<50176x24xf32, #tpu.memory_space<vmem_shared>>) offsets(%dma_start3A_108 : memref<128xi32, #tpu.memory_space<vmem>>) semaphore(%arg10 : memref<!tpu.dma_semaphore, #tpu.memory_space<semaphore_mem>>) {add = true}
        %dma_start3A_112 = arith.constant 7 : i32
        %dma_start3A_113 = arith.constant 896 : i32
        %dma_start3A_114 = arith.constant 0 : i32
        %dma_start3A_115 = tpu.memref_slice %arg8[%dma_start3A_113, %dma_start3A_114] : memref<2048x24xf32, #tpu.memory_space<vmem>> -> memref<128x24xf32, #tpu.memory_space<vmem>>
        %dma_start3A_116 = arith.constant 0 : i32
        %dma_start3A_117 = tpu.memref_slice %arg7[%dma_start3A_112, %dma_start3A_116] : memref<16x128xi32, #tpu.memory_space<vmem>> -> memref<1x128xi32, #tpu.memory_space<vmem>>
        %dma_start3A_118 = tpu.memref_squeeze %dma_start3A_117 : memref<1x128xi32, #tpu.memory_space<vmem>> -> memref<128xi32, #tpu.memory_space<vmem>>
        %dma_start3A_119 = arith.constant 0 : i32
        %dma_start3A_120 = arith.constant 0 : i32
        %dma_start3A_121 = tpu.memref_slice %arg9[%dma_start3A_119, %dma_start3A_120] : memref<50176x24xf32, #tpu.memory_space<vmem_shared>> -> memref<50176x24xf32, #tpu.memory_space<vmem_shared>>
        tpu.enqueue_indirect_dma source(%dma_start3A_115 : memref<128x24xf32, #tpu.memory_space<vmem>>) target(%dma_start3A_121 : memref<50176x24xf32, #tpu.memory_space<vmem_shared>>) offsets(%dma_start3A_118 : memref<128xi32, #tpu.memory_space<vmem>>) semaphore(%arg10 : memref<!tpu.dma_semaphore, #tpu.memory_space<semaphore_mem>>) {add = true}
        %dma_start3A_122 = arith.constant 8 : i32
        %dma_start3A_123 = arith.constant 1024 : i32
        %dma_start3A_124 = arith.constant 0 : i32
        %dma_start3A_125 = tpu.memref_slice %arg8[%dma_start3A_123, %dma_start3A_124] : memref<2048x24xf32, #tpu.memory_space<vmem>> -> memref<128x24xf32, #tpu.memory_space<vmem>>
        %dma_start3A_126 = arith.constant 0 : i32
        %dma_start3A_127 = tpu.memref_slice %arg7[%dma_start3A_122, %dma_start3A_126] : memref<16x128xi32, #tpu.memory_space<vmem>> -> memref<1x128xi32, #tpu.memory_space<vmem>>
        %dma_start3A_128 = tpu.memref_squeeze %dma_start3A_127 : memref<1x128xi32, #tpu.memory_space<vmem>> -> memref<128xi32, #tpu.memory_space<vmem>>
        %dma_start3A_129 = arith.constant 0 : i32
        %dma_start3A_130 = arith.constant 0 : i32
        %dma_start3A_131 = tpu.memref_slice %arg9[%dma_start3A_129, %dma_start3A_130] : memref<50176x24xf32, #tpu.memory_space<vmem_shared>> -> memref<50176x24xf32, #tpu.memory_space<vmem_shared>>
        tpu.enqueue_indirect_dma source(%dma_start3A_125 : memref<128x24xf32, #tpu.memory_space<vmem>>) target(%dma_start3A_131 : memref<50176x24xf32, #tpu.memory_space<vmem_shared>>) offsets(%dma_start3A_128 : memref<128xi32, #tpu.memory_space<vmem>>) semaphore(%arg10 : memref<!tpu.dma_semaphore, #tpu.memory_space<semaphore_mem>>) {add = true}
        %dma_start3A_132 = arith.constant 9 : i32
        %dma_start3A_133 = arith.constant 1152 : i32
        %dma_start3A_134 = arith.constant 0 : i32
        %dma_start3A_135 = tpu.memref_slice %arg8[%dma_start3A_133, %dma_start3A_134] : memref<2048x24xf32, #tpu.memory_space<vmem>> -> memref<128x24xf32, #tpu.memory_space<vmem>>
        %dma_start3A_136 = arith.constant 0 : i32
        %dma_start3A_137 = tpu.memref_slice %arg7[%dma_start3A_132, %dma_start3A_136] : memref<16x128xi32, #tpu.memory_space<vmem>> -> memref<1x128xi32, #tpu.memory_space<vmem>>
        %dma_start3A_138 = tpu.memref_squeeze %dma_start3A_137 : memref<1x128xi32, #tpu.memory_space<vmem>> -> memref<128xi32, #tpu.memory_space<vmem>>
        %dma_start3A_139 = arith.constant 0 : i32
        %dma_start3A_140 = arith.constant 0 : i32
        %dma_start3A_141 = tpu.memref_slice %arg9[%dma_start3A_139, %dma_start3A_140] : memref<50176x24xf32, #tpu.memory_space<vmem_shared>> -> memref<50176x24xf32, #tpu.memory_space<vmem_shared>>
        tpu.enqueue_indirect_dma source(%dma_start3A_135 : memref<128x24xf32, #tpu.memory_space<vmem>>) target(%dma_start3A_141 : memref<50176x24xf32, #tpu.memory_space<vmem_shared>>) offsets(%dma_start3A_138 : memref<128xi32, #tpu.memory_space<vmem>>) semaphore(%arg10 : memref<!tpu.dma_semaphore, #tpu.memory_space<semaphore_mem>>) {add = true}
        %dma_start3A_142 = arith.constant 10 : i32
        %dma_start3A_143 = arith.constant 1280 : i32
        %dma_start3A_144 = arith.constant 0 : i32
        %dma_start3A_145 = tpu.memref_slice %arg8[%dma_start3A_143, %dma_start3A_144] : memref<2048x24xf32, #tpu.memory_space<vmem>> -> memref<128x24xf32, #tpu.memory_space<vmem>>
        %dma_start3A_146 = arith.constant 0 : i32
        %dma_start3A_147 = tpu.memref_slice %arg7[%dma_start3A_142, %dma_start3A_146] : memref<16x128xi32, #tpu.memory_space<vmem>> -> memref<1x128xi32, #tpu.memory_space<vmem>>
        %dma_start3A_148 = tpu.memref_squeeze %dma_start3A_147 : memref<1x128xi32, #tpu.memory_space<vmem>> -> memref<128xi32, #tpu.memory_space<vmem>>
        %dma_start3A_149 = arith.constant 0 : i32
        %dma_start3A_150 = arith.constant 0 : i32
        %dma_start3A_151 = tpu.memref_slice %arg9[%dma_start3A_149, %dma_start3A_150] : memref<50176x24xf32, #tpu.memory_space<vmem_shared>> -> memref<50176x24xf32, #tpu.memory_space<vmem_shared>>
        tpu.enqueue_indirect_dma source(%dma_start3A_145 : memref<128x24xf32, #tpu.memory_space<vmem>>) target(%dma_start3A_151 : memref<50176x24xf32, #tpu.memory_space<vmem_shared>>) offsets(%dma_start3A_148 : memref<128xi32, #tpu.memory_space<vmem>>) semaphore(%arg10 : memref<!tpu.dma_semaphore, #tpu.memory_space<semaphore_mem>>) {add = true}
        %dma_start3A_152 = arith.constant 11 : i32
        %dma_start3A_153 = arith.constant 1408 : i32
        %dma_start3A_154 = arith.constant 0 : i32
        %dma_start3A_155 = tpu.memref_slice %arg8[%dma_start3A_153, %dma_start3A_154] : memref<2048x24xf32, #tpu.memory_space<vmem>> -> memref<128x24xf32, #tpu.memory_space<vmem>>
        %dma_start3A_156 = arith.constant 0 : i32
        %dma_start3A_157 = tpu.memref_slice %arg7[%dma_start3A_152, %dma_start3A_156] : memref<16x128xi32, #tpu.memory_space<vmem>> -> memref<1x128xi32, #tpu.memory_space<vmem>>
        %dma_start3A_158 = tpu.memref_squeeze %dma_start3A_157 : memref<1x128xi32, #tpu.memory_space<vmem>> -> memref<128xi32, #tpu.memory_space<vmem>>
        %dma_start3A_159 = arith.constant 0 : i32
        %dma_start3A_160 = arith.constant 0 : i32
        %dma_start3A_161 = tpu.memref_slice %arg9[%dma_start3A_159, %dma_start3A_160] : memref<50176x24xf32, #tpu.memory_space<vmem_shared>> -> memref<50176x24xf32, #tpu.memory_space<vmem_shared>>
        tpu.enqueue_indirect_dma source(%dma_start3A_155 : memref<128x24xf32, #tpu.memory_space<vmem>>) target(%dma_start3A_161 : memref<50176x24xf32, #tpu.memory_space<vmem_shared>>) offsets(%dma_start3A_158 : memref<128xi32, #tpu.memory_space<vmem>>) semaphore(%arg10 : memref<!tpu.dma_semaphore, #tpu.memory_space<semaphore_mem>>) {add = true}
        %dma_start3A_162 = arith.constant 12 : i32
        %dma_start3A_163 = arith.constant 1536 : i32
        %dma_start3A_164 = arith.constant 0 : i32
        %dma_start3A_165 = tpu.memref_slice %arg8[%dma_start3A_163, %dma_start3A_164] : memref<2048x24xf32, #tpu.memory_space<vmem>> -> memref<128x24xf32, #tpu.memory_space<vmem>>
        %dma_start3A_166 = arith.constant 0 : i32
        %dma_start3A_167 = tpu.memref_slice %arg7[%dma_start3A_162, %dma_start3A_166] : memref<16x128xi32, #tpu.memory_space<vmem>> -> memref<1x128xi32, #tpu.memory_space<vmem>>
        %dma_start3A_168 = tpu.memref_squeeze %dma_start3A_167 : memref<1x128xi32, #tpu.memory_space<vmem>> -> memref<128xi32, #tpu.memory_space<vmem>>
        %dma_start3A_169 = arith.constant 0 : i32
        %dma_start3A_170 = arith.constant 0 : i32
        %dma_start3A_171 = tpu.memref_slice %arg9[%dma_start3A_169, %dma_start3A_170] : memref<50176x24xf32, #tpu.memory_space<vmem_shared>> -> memref<50176x24xf32, #tpu.memory_space<vmem_shared>>
        tpu.enqueue_indirect_dma source(%dma_start3A_165 : memref<128x24xf32, #tpu.memory_space<vmem>>) target(%dma_start3A_171 : memref<50176x24xf32, #tpu.memory_space<vmem_shared>>) offsets(%dma_start3A_168 : memref<128xi32, #tpu.memory_space<vmem>>) semaphore(%arg10 : memref<!tpu.dma_semaphore, #tpu.memory_space<semaphore_mem>>) {add = true}
        %dma_start3A_172 = arith.constant 13 : i32
        %dma_start3A_173 = arith.constant 1664 : i32
        %dma_start3A_174 = arith.constant 0 : i32
        %dma_start3A_175 = tpu.memref_slice %arg8[%dma_start3A_173, %dma_start3A_174] : memref<2048x24xf32, #tpu.memory_space<vmem>> -> memref<128x24xf32, #tpu.memory_space<vmem>>
        %dma_start3A_176 = arith.constant 0 : i32
        %dma_start3A_177 = tpu.memref_slice %arg7[%dma_start3A_172, %dma_start3A_176] : memref<16x128xi32, #tpu.memory_space<vmem>> -> memref<1x128xi32, #tpu.memory_space<vmem>>
        %dma_start3A_178 = tpu.memref_squeeze %dma_start3A_177 : memref<1x128xi32, #tpu.memory_space<vmem>> -> memref<128xi32, #tpu.memory_space<vmem>>
        %dma_start3A_179 = arith.constant 0 : i32
        %dma_start3A_180 = arith.constant 0 : i32
        %dma_start3A_181 = tpu.memref_slice %arg9[%dma_start3A_179, %dma_start3A_180] : memref<50176x24xf32, #tpu.memory_space<vmem_shared>> -> memref<50176x24xf32, #tpu.memory_space<vmem_shared>>
        tpu.enqueue_indirect_dma source(%dma_start3A_175 : memref<128x24xf32, #tpu.memory_space<vmem>>) target(%dma_start3A_181 : memref<50176x24xf32, #tpu.memory_space<vmem_shared>>) offsets(%dma_start3A_178 : memref<128xi32, #tpu.memory_space<vmem>>) semaphore(%arg10 : memref<!tpu.dma_semaphore, #tpu.memory_space<semaphore_mem>>) {add = true}
        %dma_start3A_182 = arith.constant 14 : i32
        %dma_start3A_183 = arith.constant 1792 : i32
        %dma_start3A_184 = arith.constant 0 : i32
        %dma_start3A_185 = tpu.memref_slice %arg8[%dma_start3A_183, %dma_start3A_184] : memref<2048x24xf32, #tpu.memory_space<vmem>> -> memref<128x24xf32, #tpu.memory_space<vmem>>
        %dma_start3A_186 = arith.constant 0 : i32
        %dma_start3A_187 = tpu.memref_slice %arg7[%dma_start3A_182, %dma_start3A_186] : memref<16x128xi32, #tpu.memory_space<vmem>> -> memref<1x128xi32, #tpu.memory_space<vmem>>
        %dma_start3A_188 = tpu.memref_squeeze %dma_start3A_187 : memref<1x128xi32, #tpu.memory_space<vmem>> -> memref<128xi32, #tpu.memory_space<vmem>>
        %dma_start3A_189 = arith.constant 0 : i32
        %dma_start3A_190 = arith.constant 0 : i32
        %dma_start3A_191 = tpu.memref_slice %arg9[%dma_start3A_189, %dma_start3A_190] : memref<50176x24xf32, #tpu.memory_space<vmem_shared>> -> memref<50176x24xf32, #tpu.memory_space<vmem_shared>>
        tpu.enqueue_indirect_dma source(%dma_start3A_185 : memref<128x24xf32, #tpu.memory_space<vmem>>) target(%dma_start3A_191 : memref<50176x24xf32, #tpu.memory_space<vmem_shared>>) offsets(%dma_start3A_188 : memref<128xi32, #tpu.memory_space<vmem>>) semaphore(%arg10 : memref<!tpu.dma_semaphore, #tpu.memory_space<semaphore_mem>>) {add = true}
        %dma_start3A_192 = arith.constant 15 : i32
        %dma_start3A_193 = arith.constant 1920 : i32
        %dma_start3A_194 = arith.constant 0 : i32
        %dma_start3A_195 = tpu.memref_slice %arg8[%dma_start3A_193, %dma_start3A_194] : memref<2048x24xf32, #tpu.memory_space<vmem>> -> memref<128x24xf32, #tpu.memory_space<vmem>>
        %dma_start3A_196 = arith.constant 0 : i32
        %dma_start3A_197 = tpu.memref_slice %arg7[%dma_start3A_192, %dma_start3A_196] : memref<16x128xi32, #tpu.memory_space<vmem>> -> memref<1x128xi32, #tpu.memory_space<vmem>>
        %dma_start3A_198 = tpu.memref_squeeze %dma_start3A_197 : memref<1x128xi32, #tpu.memory_space<vmem>> -> memref<128xi32, #tpu.memory_space<vmem>>
        %dma_start3A_199 = arith.constant 0 : i32
        %dma_start3A_200 = arith.constant 0 : i32
        %dma_start3A_201 = tpu.memref_slice %arg9[%dma_start3A_199, %dma_start3A_200] : memref<50176x24xf32, #tpu.memory_space<vmem_shared>> -> memref<50176x24xf32, #tpu.memory_space<vmem_shared>>
        tpu.enqueue_indirect_dma source(%dma_start3A_195 : memref<128x24xf32, #tpu.memory_space<vmem>>) target(%dma_start3A_201 : memref<50176x24xf32, #tpu.memory_space<vmem_shared>>) offsets(%dma_start3A_198 : memref<128xi32, #tpu.memory_space<vmem>>) semaphore(%arg10 : memref<!tpu.dma_semaphore, #tpu.memory_space<semaphore_mem>>) {add = true}
        %dma_wait3A = arith.constant 0 : i32
        %dma_wait3A_202 = arith.constant 0 : i32
        %dma_wait3A_203 = arith.constant 0 : i32
        %dma_wait3A_204 = tpu.memref_slice %arg8[%dma_wait3A_202, %dma_wait3A_203] : memref<2048x24xf32, #tpu.memory_space<vmem>> -> memref<128x24xf32, #tpu.memory_space<vmem>>
        %dma_wait3A_205 = arith.constant 0 : i32
        %dma_wait3A_206 = tpu.memref_slice %arg7[%dma_wait3A, %dma_wait3A_205] : memref<16x128xi32, #tpu.memory_space<vmem>> -> memref<1x128xi32, #tpu.memory_space<vmem>>
        %dma_wait3A_207 = tpu.memref_squeeze %dma_wait3A_206 : memref<1x128xi32, #tpu.memory_space<vmem>> -> memref<128xi32, #tpu.memory_space<vmem>>
        %dma_wait3A_208 = arith.constant 0 : i32
        %dma_wait3A_209 = arith.constant 0 : i32
        %dma_wait3A_210 = tpu.memref_slice %arg9[%dma_wait3A_208, %dma_wait3A_209] : memref<50176x24xf32, #tpu.memory_space<vmem_shared>> -> memref<50176x24xf32, #tpu.memory_space<vmem_shared>>
        tpu.wait_indirect_dma semaphore(%arg10 : memref<!tpu.dma_semaphore, #tpu.memory_space<semaphore_mem>>) src(%dma_wait3A_204 : memref<128x24xf32, #tpu.memory_space<vmem>>) dst(%dma_wait3A_210 : memref<50176x24xf32, #tpu.memory_space<vmem_shared>>)
        %dma_wait3A_211 = arith.constant 1 : i32
        %dma_wait3A_212 = arith.constant 128 : i32
        %dma_wait3A_213 = arith.constant 0 : i32
        %dma_wait3A_214 = tpu.memref_slice %arg8[%dma_wait3A_212, %dma_wait3A_213] : memref<2048x24xf32, #tpu.memory_space<vmem>> -> memref<128x24xf32, #tpu.memory_space<vmem>>
        %dma_wait3A_215 = arith.constant 0 : i32
        %dma_wait3A_216 = tpu.memref_slice %arg7[%dma_wait3A_211, %dma_wait3A_215] : memref<16x128xi32, #tpu.memory_space<vmem>> -> memref<1x128xi32, #tpu.memory_space<vmem>>
        %dma_wait3A_217 = tpu.memref_squeeze %dma_wait3A_216 : memref<1x128xi32, #tpu.memory_space<vmem>> -> memref<128xi32, #tpu.memory_space<vmem>>
        %dma_wait3A_218 = arith.constant 0 : i32
        %dma_wait3A_219 = arith.constant 0 : i32
        %dma_wait3A_220 = tpu.memref_slice %arg9[%dma_wait3A_218, %dma_wait3A_219] : memref<50176x24xf32, #tpu.memory_space<vmem_shared>> -> memref<50176x24xf32, #tpu.memory_space<vmem_shared>>
        tpu.wait_indirect_dma semaphore(%arg10 : memref<!tpu.dma_semaphore, #tpu.memory_space<semaphore_mem>>) src(%dma_wait3A_214 : memref<128x24xf32, #tpu.memory_space<vmem>>) dst(%dma_wait3A_220 : memref<50176x24xf32, #tpu.memory_space<vmem_shared>>)
        %dma_wait3A_221 = arith.constant 2 : i32
        %dma_wait3A_222 = arith.constant 256 : i32
        %dma_wait3A_223 = arith.constant 0 : i32
        %dma_wait3A_224 = tpu.memref_slice %arg8[%dma_wait3A_222, %dma_wait3A_223] : memref<2048x24xf32, #tpu.memory_space<vmem>> -> memref<128x24xf32, #tpu.memory_space<vmem>>
        %dma_wait3A_225 = arith.constant 0 : i32
        %dma_wait3A_226 = tpu.memref_slice %arg7[%dma_wait3A_221, %dma_wait3A_225] : memref<16x128xi32, #tpu.memory_space<vmem>> -> memref<1x128xi32, #tpu.memory_space<vmem>>
        %dma_wait3A_227 = tpu.memref_squeeze %dma_wait3A_226 : memref<1x128xi32, #tpu.memory_space<vmem>> -> memref<128xi32, #tpu.memory_space<vmem>>
        %dma_wait3A_228 = arith.constant 0 : i32
        %dma_wait3A_229 = arith.constant 0 : i32
        %dma_wait3A_230 = tpu.memref_slice %arg9[%dma_wait3A_228, %dma_wait3A_229] : memref<50176x24xf32, #tpu.memory_space<vmem_shared>> -> memref<50176x24xf32, #tpu.memory_space<vmem_shared>>
        tpu.wait_indirect_dma semaphore(%arg10 : memref<!tpu.dma_semaphore, #tpu.memory_space<semaphore_mem>>) src(%dma_wait3A_224 : memref<128x24xf32, #tpu.memory_space<vmem>>) dst(%dma_wait3A_230 : memref<50176x24xf32, #tpu.memory_space<vmem_shared>>)
        %dma_wait3A_231 = arith.constant 3 : i32
        %dma_wait3A_232 = arith.constant 384 : i32
        %dma_wait3A_233 = arith.constant 0 : i32
        %dma_wait3A_234 = tpu.memref_slice %arg8[%dma_wait3A_232, %dma_wait3A_233] : memref<2048x24xf32, #tpu.memory_space<vmem>> -> memref<128x24xf32, #tpu.memory_space<vmem>>
        %dma_wait3A_235 = arith.constant 0 : i32
        %dma_wait3A_236 = tpu.memref_slice %arg7[%dma_wait3A_231, %dma_wait3A_235] : memref<16x128xi32, #tpu.memory_space<vmem>> -> memref<1x128xi32, #tpu.memory_space<vmem>>
        %dma_wait3A_237 = tpu.memref_squeeze %dma_wait3A_236 : memref<1x128xi32, #tpu.memory_space<vmem>> -> memref<128xi32, #tpu.memory_space<vmem>>
        %dma_wait3A_238 = arith.constant 0 : i32
        %dma_wait3A_239 = arith.constant 0 : i32
        %dma_wait3A_240 = tpu.memref_slice %arg9[%dma_wait3A_238, %dma_wait3A_239] : memref<50176x24xf32, #tpu.memory_space<vmem_shared>> -> memref<50176x24xf32, #tpu.memory_space<vmem_shared>>
        tpu.wait_indirect_dma semaphore(%arg10 : memref<!tpu.dma_semaphore, #tpu.memory_space<semaphore_mem>>) src(%dma_wait3A_234 : memref<128x24xf32, #tpu.memory_space<vmem>>) dst(%dma_wait3A_240 : memref<50176x24xf32, #tpu.memory_space<vmem_shared>>)
        %dma_wait3A_241 = arith.constant 4 : i32
        %dma_wait3A_242 = arith.constant 512 : i32
        %dma_wait3A_243 = arith.constant 0 : i32
        %dma_wait3A_244 = tpu.memref_slice %arg8[%dma_wait3A_242, %dma_wait3A_243] : memref<2048x24xf32, #tpu.memory_space<vmem>> -> memref<128x24xf32, #tpu.memory_space<vmem>>
        %dma_wait3A_245 = arith.constant 0 : i32
        %dma_wait3A_246 = tpu.memref_slice %arg7[%dma_wait3A_241, %dma_wait3A_245] : memref<16x128xi32, #tpu.memory_space<vmem>> -> memref<1x128xi32, #tpu.memory_space<vmem>>
        %dma_wait3A_247 = tpu.memref_squeeze %dma_wait3A_246 : memref<1x128xi32, #tpu.memory_space<vmem>> -> memref<128xi32, #tpu.memory_space<vmem>>
        %dma_wait3A_248 = arith.constant 0 : i32
        %dma_wait3A_249 = arith.constant 0 : i32
        %dma_wait3A_250 = tpu.memref_slice %arg9[%dma_wait3A_248, %dma_wait3A_249] : memref<50176x24xf32, #tpu.memory_space<vmem_shared>> -> memref<50176x24xf32, #tpu.memory_space<vmem_shared>>
        tpu.wait_indirect_dma semaphore(%arg10 : memref<!tpu.dma_semaphore, #tpu.memory_space<semaphore_mem>>) src(%dma_wait3A_244 : memref<128x24xf32, #tpu.memory_space<vmem>>) dst(%dma_wait3A_250 : memref<50176x24xf32, #tpu.memory_space<vmem_shared>>)
        %dma_wait3A_251 = arith.constant 5 : i32
        %dma_wait3A_252 = arith.constant 640 : i32
        %dma_wait3A_253 = arith.constant 0 : i32
        %dma_wait3A_254 = tpu.memref_slice %arg8[%dma_wait3A_252, %dma_wait3A_253] : memref<2048x24xf32, #tpu.memory_space<vmem>> -> memref<128x24xf32, #tpu.memory_space<vmem>>
        %dma_wait3A_255 = arith.constant 0 : i32
        %dma_wait3A_256 = tpu.memref_slice %arg7[%dma_wait3A_251, %dma_wait3A_255] : memref<16x128xi32, #tpu.memory_space<vmem>> -> memref<1x128xi32, #tpu.memory_space<vmem>>
        %dma_wait3A_257 = tpu.memref_squeeze %dma_wait3A_256 : memref<1x128xi32, #tpu.memory_space<vmem>> -> memref<128xi32, #tpu.memory_space<vmem>>
        %dma_wait3A_258 = arith.constant 0 : i32
        %dma_wait3A_259 = arith.constant 0 : i32
        %dma_wait3A_260 = tpu.memref_slice %arg9[%dma_wait3A_258, %dma_wait3A_259] : memref<50176x24xf32, #tpu.memory_space<vmem_shared>> -> memref<50176x24xf32, #tpu.memory_space<vmem_shared>>
        tpu.wait_indirect_dma semaphore(%arg10 : memref<!tpu.dma_semaphore, #tpu.memory_space<semaphore_mem>>) src(%dma_wait3A_254 : memref<128x24xf32, #tpu.memory_space<vmem>>) dst(%dma_wait3A_260 : memref<50176x24xf32, #tpu.memory_space<vmem_shared>>)
        %dma_wait3A_261 = arith.constant 6 : i32
        %dma_wait3A_262 = arith.constant 768 : i32
        %dma_wait3A_263 = arith.constant 0 : i32
        %dma_wait3A_264 = tpu.memref_slice %arg8[%dma_wait3A_262, %dma_wait3A_263] : memref<2048x24xf32, #tpu.memory_space<vmem>> -> memref<128x24xf32, #tpu.memory_space<vmem>>
        %dma_wait3A_265 = arith.constant 0 : i32
        %dma_wait3A_266 = tpu.memref_slice %arg7[%dma_wait3A_261, %dma_wait3A_265] : memref<16x128xi32, #tpu.memory_space<vmem>> -> memref<1x128xi32, #tpu.memory_space<vmem>>
        %dma_wait3A_267 = tpu.memref_squeeze %dma_wait3A_266 : memref<1x128xi32, #tpu.memory_space<vmem>> -> memref<128xi32, #tpu.memory_space<vmem>>
        %dma_wait3A_268 = arith.constant 0 : i32
        %dma_wait3A_269 = arith.constant 0 : i32
        %dma_wait3A_270 = tpu.memref_slice %arg9[%dma_wait3A_268, %dma_wait3A_269] : memref<50176x24xf32, #tpu.memory_space<vmem_shared>> -> memref<50176x24xf32, #tpu.memory_space<vmem_shared>>
        tpu.wait_indirect_dma semaphore(%arg10 : memref<!tpu.dma_semaphore, #tpu.memory_space<semaphore_mem>>) src(%dma_wait3A_264 : memref<128x24xf32, #tpu.memory_space<vmem>>) dst(%dma_wait3A_270 : memref<50176x24xf32, #tpu.memory_space<vmem_shared>>)
        %dma_wait3A_271 = arith.constant 7 : i32
        %dma_wait3A_272 = arith.constant 896 : i32
        %dma_wait3A_273 = arith.constant 0 : i32
        %dma_wait3A_274 = tpu.memref_slice %arg8[%dma_wait3A_272, %dma_wait3A_273] : memref<2048x24xf32, #tpu.memory_space<vmem>> -> memref<128x24xf32, #tpu.memory_space<vmem>>
        %dma_wait3A_275 = arith.constant 0 : i32
        %dma_wait3A_276 = tpu.memref_slice %arg7[%dma_wait3A_271, %dma_wait3A_275] : memref<16x128xi32, #tpu.memory_space<vmem>> -> memref<1x128xi32, #tpu.memory_space<vmem>>
        %dma_wait3A_277 = tpu.memref_squeeze %dma_wait3A_276 : memref<1x128xi32, #tpu.memory_space<vmem>> -> memref<128xi32, #tpu.memory_space<vmem>>
        %dma_wait3A_278 = arith.constant 0 : i32
        %dma_wait3A_279 = arith.constant 0 : i32
        %dma_wait3A_280 = tpu.memref_slice %arg9[%dma_wait3A_278, %dma_wait3A_279] : memref<50176x24xf32, #tpu.memory_space<vmem_shared>> -> memref<50176x24xf32, #tpu.memory_space<vmem_shared>>
        tpu.wait_indirect_dma semaphore(%arg10 : memref<!tpu.dma_semaphore, #tpu.memory_space<semaphore_mem>>) src(%dma_wait3A_274 : memref<128x24xf32, #tpu.memory_space<vmem>>) dst(%dma_wait3A_280 : memref<50176x24xf32, #tpu.memory_space<vmem_shared>>)
        %dma_wait3A_281 = arith.constant 8 : i32
        %dma_wait3A_282 = arith.constant 1024 : i32
        %dma_wait3A_283 = arith.constant 0 : i32
        %dma_wait3A_284 = tpu.memref_slice %arg8[%dma_wait3A_282, %dma_wait3A_283] : memref<2048x24xf32, #tpu.memory_space<vmem>> -> memref<128x24xf32, #tpu.memory_space<vmem>>
        %dma_wait3A_285 = arith.constant 0 : i32
        %dma_wait3A_286 = tpu.memref_slice %arg7[%dma_wait3A_281, %dma_wait3A_285] : memref<16x128xi32, #tpu.memory_space<vmem>> -> memref<1x128xi32, #tpu.memory_space<vmem>>
        %dma_wait3A_287 = tpu.memref_squeeze %dma_wait3A_286 : memref<1x128xi32, #tpu.memory_space<vmem>> -> memref<128xi32, #tpu.memory_space<vmem>>
        %dma_wait3A_288 = arith.constant 0 : i32
        %dma_wait3A_289 = arith.constant 0 : i32
        %dma_wait3A_290 = tpu.memref_slice %arg9[%dma_wait3A_288, %dma_wait3A_289] : memref<50176x24xf32, #tpu.memory_space<vmem_shared>> -> memref<50176x24xf32, #tpu.memory_space<vmem_shared>>
        tpu.wait_indirect_dma semaphore(%arg10 : memref<!tpu.dma_semaphore, #tpu.memory_space<semaphore_mem>>) src(%dma_wait3A_284 : memref<128x24xf32, #tpu.memory_space<vmem>>) dst(%dma_wait3A_290 : memref<50176x24xf32, #tpu.memory_space<vmem_shared>>)
        %dma_wait3A_291 = arith.constant 9 : i32
        %dma_wait3A_292 = arith.constant 1152 : i32
        %dma_wait3A_293 = arith.constant 0 : i32
        %dma_wait3A_294 = tpu.memref_slice %arg8[%dma_wait3A_292, %dma_wait3A_293] : memref<2048x24xf32, #tpu.memory_space<vmem>> -> memref<128x24xf32, #tpu.memory_space<vmem>>
        %dma_wait3A_295 = arith.constant 0 : i32
        %dma_wait3A_296 = tpu.memref_slice %arg7[%dma_wait3A_291, %dma_wait3A_295] : memref<16x128xi32, #tpu.memory_space<vmem>> -> memref<1x128xi32, #tpu.memory_space<vmem>>
        %dma_wait3A_297 = tpu.memref_squeeze %dma_wait3A_296 : memref<1x128xi32, #tpu.memory_space<vmem>> -> memref<128xi32, #tpu.memory_space<vmem>>
        %dma_wait3A_298 = arith.constant 0 : i32
        %dma_wait3A_299 = arith.constant 0 : i32
        %dma_wait3A_300 = tpu.memref_slice %arg9[%dma_wait3A_298, %dma_wait3A_299] : memref<50176x24xf32, #tpu.memory_space<vmem_shared>> -> memref<50176x24xf32, #tpu.memory_space<vmem_shared>>
        tpu.wait_indirect_dma semaphore(%arg10 : memref<!tpu.dma_semaphore, #tpu.memory_space<semaphore_mem>>) src(%dma_wait3A_294 : memref<128x24xf32, #tpu.memory_space<vmem>>) dst(%dma_wait3A_300 : memref<50176x24xf32, #tpu.memory_space<vmem_shared>>)
        %dma_wait3A_301 = arith.constant 10 : i32
        %dma_wait3A_302 = arith.constant 1280 : i32
        %dma_wait3A_303 = arith.constant 0 : i32
        %dma_wait3A_304 = tpu.memref_slice %arg8[%dma_wait3A_302, %dma_wait3A_303] : memref<2048x24xf32, #tpu.memory_space<vmem>> -> memref<128x24xf32, #tpu.memory_space<vmem>>
        %dma_wait3A_305 = arith.constant 0 : i32
        %dma_wait3A_306 = tpu.memref_slice %arg7[%dma_wait3A_301, %dma_wait3A_305] : memref<16x128xi32, #tpu.memory_space<vmem>> -> memref<1x128xi32, #tpu.memory_space<vmem>>
        %dma_wait3A_307 = tpu.memref_squeeze %dma_wait3A_306 : memref<1x128xi32, #tpu.memory_space<vmem>> -> memref<128xi32, #tpu.memory_space<vmem>>
        %dma_wait3A_308 = arith.constant 0 : i32
        %dma_wait3A_309 = arith.constant 0 : i32
        %dma_wait3A_310 = tpu.memref_slice %arg9[%dma_wait3A_308, %dma_wait3A_309] : memref<50176x24xf32, #tpu.memory_space<vmem_shared>> -> memref<50176x24xf32, #tpu.memory_space<vmem_shared>>
        tpu.wait_indirect_dma semaphore(%arg10 : memref<!tpu.dma_semaphore, #tpu.memory_space<semaphore_mem>>) src(%dma_wait3A_304 : memref<128x24xf32, #tpu.memory_space<vmem>>) dst(%dma_wait3A_310 : memref<50176x24xf32, #tpu.memory_space<vmem_shared>>)
        %dma_wait3A_311 = arith.constant 11 : i32
        %dma_wait3A_312 = arith.constant 1408 : i32
        %dma_wait3A_313 = arith.constant 0 : i32
        %dma_wait3A_314 = tpu.memref_slice %arg8[%dma_wait3A_312, %dma_wait3A_313] : memref<2048x24xf32, #tpu.memory_space<vmem>> -> memref<128x24xf32, #tpu.memory_space<vmem>>
        %dma_wait3A_315 = arith.constant 0 : i32
        %dma_wait3A_316 = tpu.memref_slice %arg7[%dma_wait3A_311, %dma_wait3A_315] : memref<16x128xi32, #tpu.memory_space<vmem>> -> memref<1x128xi32, #tpu.memory_space<vmem>>
        %dma_wait3A_317 = tpu.memref_squeeze %dma_wait3A_316 : memref<1x128xi32, #tpu.memory_space<vmem>> -> memref<128xi32, #tpu.memory_space<vmem>>
        %dma_wait3A_318 = arith.constant 0 : i32
        %dma_wait3A_319 = arith.constant 0 : i32
        %dma_wait3A_320 = tpu.memref_slice %arg9[%dma_wait3A_318, %dma_wait3A_319] : memref<50176x24xf32, #tpu.memory_space<vmem_shared>> -> memref<50176x24xf32, #tpu.memory_space<vmem_shared>>
        tpu.wait_indirect_dma semaphore(%arg10 : memref<!tpu.dma_semaphore, #tpu.memory_space<semaphore_mem>>) src(%dma_wait3A_314 : memref<128x24xf32, #tpu.memory_space<vmem>>) dst(%dma_wait3A_320 : memref<50176x24xf32, #tpu.memory_space<vmem_shared>>)
        %dma_wait3A_321 = arith.constant 12 : i32
        %dma_wait3A_322 = arith.constant 1536 : i32
        %dma_wait3A_323 = arith.constant 0 : i32
        %dma_wait3A_324 = tpu.memref_slice %arg8[%dma_wait3A_322, %dma_wait3A_323] : memref<2048x24xf32, #tpu.memory_space<vmem>> -> memref<128x24xf32, #tpu.memory_space<vmem>>
        %dma_wait3A_325 = arith.constant 0 : i32
        %dma_wait3A_326 = tpu.memref_slice %arg7[%dma_wait3A_321, %dma_wait3A_325] : memref<16x128xi32, #tpu.memory_space<vmem>> -> memref<1x128xi32, #tpu.memory_space<vmem>>
        %dma_wait3A_327 = tpu.memref_squeeze %dma_wait3A_326 : memref<1x128xi32, #tpu.memory_space<vmem>> -> memref<128xi32, #tpu.memory_space<vmem>>
        %dma_wait3A_328 = arith.constant 0 : i32
        %dma_wait3A_329 = arith.constant 0 : i32
        %dma_wait3A_330 = tpu.memref_slice %arg9[%dma_wait3A_328, %dma_wait3A_329] : memref<50176x24xf32, #tpu.memory_space<vmem_shared>> -> memref<50176x24xf32, #tpu.memory_space<vmem_shared>>
        tpu.wait_indirect_dma semaphore(%arg10 : memref<!tpu.dma_semaphore, #tpu.memory_space<semaphore_mem>>) src(%dma_wait3A_324 : memref<128x24xf32, #tpu.memory_space<vmem>>) dst(%dma_wait3A_330 : memref<50176x24xf32, #tpu.memory_space<vmem_shared>>)
        %dma_wait3A_331 = arith.constant 13 : i32
        %dma_wait3A_332 = arith.constant 1664 : i32
        %dma_wait3A_333 = arith.constant 0 : i32
        %dma_wait3A_334 = tpu.memref_slice %arg8[%dma_wait3A_332, %dma_wait3A_333] : memref<2048x24xf32, #tpu.memory_space<vmem>> -> memref<128x24xf32, #tpu.memory_space<vmem>>
        %dma_wait3A_335 = arith.constant 0 : i32
        %dma_wait3A_336 = tpu.memref_slice %arg7[%dma_wait3A_331, %dma_wait3A_335] : memref<16x128xi32, #tpu.memory_space<vmem>> -> memref<1x128xi32, #tpu.memory_space<vmem>>
        %dma_wait3A_337 = tpu.memref_squeeze %dma_wait3A_336 : memref<1x128xi32, #tpu.memory_space<vmem>> -> memref<128xi32, #tpu.memory_space<vmem>>
        %dma_wait3A_338 = arith.constant 0 : i32
        %dma_wait3A_339 = arith.constant 0 : i32
        %dma_wait3A_340 = tpu.memref_slice %arg9[%dma_wait3A_338, %dma_wait3A_339] : memref<50176x24xf32, #tpu.memory_space<vmem_shared>> -> memref<50176x24xf32, #tpu.memory_space<vmem_shared>>
        tpu.wait_indirect_dma semaphore(%arg10 : memref<!tpu.dma_semaphore, #tpu.memory_space<semaphore_mem>>) src(%dma_wait3A_334 : memref<128x24xf32, #tpu.memory_space<vmem>>) dst(%dma_wait3A_340 : memref<50176x24xf32, #tpu.memory_space<vmem_shared>>)
        %dma_wait3A_341 = arith.constant 14 : i32
        %dma_wait3A_342 = arith.constant 1792 : i32
        %dma_wait3A_343 = arith.constant 0 : i32
        %dma_wait3A_344 = tpu.memref_slice %arg8[%dma_wait3A_342, %dma_wait3A_343] : memref<2048x24xf32, #tpu.memory_space<vmem>> -> memref<128x24xf32, #tpu.memory_space<vmem>>
        %dma_wait3A_345 = arith.constant 0 : i32
        %dma_wait3A_346 = tpu.memref_slice %arg7[%dma_wait3A_341, %dma_wait3A_345] : memref<16x128xi32, #tpu.memory_space<vmem>> -> memref<1x128xi32, #tpu.memory_space<vmem>>
        %dma_wait3A_347 = tpu.memref_squeeze %dma_wait3A_346 : memref<1x128xi32, #tpu.memory_space<vmem>> -> memref<128xi32, #tpu.memory_space<vmem>>
        %dma_wait3A_348 = arith.constant 0 : i32
        %dma_wait3A_349 = arith.constant 0 : i32
        %dma_wait3A_350 = tpu.memref_slice %arg9[%dma_wait3A_348, %dma_wait3A_349] : memref<50176x24xf32, #tpu.memory_space<vmem_shared>> -> memref<50176x24xf32, #tpu.memory_space<vmem_shared>>
        tpu.wait_indirect_dma semaphore(%arg10 : memref<!tpu.dma_semaphore, #tpu.memory_space<semaphore_mem>>) src(%dma_wait3A_344 : memref<128x24xf32, #tpu.memory_space<vmem>>) dst(%dma_wait3A_350 : memref<50176x24xf32, #tpu.memory_space<vmem_shared>>)
        %dma_wait3A_351 = arith.constant 15 : i32
        %dma_wait3A_352 = arith.constant 1920 : i32
        %dma_wait3A_353 = arith.constant 0 : i32
        %dma_wait3A_354 = tpu.memref_slice %arg8[%dma_wait3A_352, %dma_wait3A_353] : memref<2048x24xf32, #tpu.memory_space<vmem>> -> memref<128x24xf32, #tpu.memory_space<vmem>>
        %dma_wait3A_355 = arith.constant 0 : i32
        %dma_wait3A_356 = tpu.memref_slice %arg7[%dma_wait3A_351, %dma_wait3A_355] : memref<16x128xi32, #tpu.memory_space<vmem>> -> memref<1x128xi32, #tpu.memory_space<vmem>>
        %dma_wait3A_357 = tpu.memref_squeeze %dma_wait3A_356 : memref<1x128xi32, #tpu.memory_space<vmem>> -> memref<128xi32, #tpu.memory_space<vmem>>
        %dma_wait3A_358 = arith.constant 0 : i32
        %dma_wait3A_359 = arith.constant 0 : i32
        %dma_wait3A_360 = tpu.memref_slice %arg9[%dma_wait3A_358, %dma_wait3A_359] : memref<50176x24xf32, #tpu.memory_space<vmem_shared>> -> memref<50176x24xf32, #tpu.memory_space<vmem_shared>>
        tpu.wait_indirect_dma semaphore(%arg10 : memref<!tpu.dma_semaphore, #tpu.memory_space<semaphore_mem>>) src(%dma_wait3A_354 : memref<128x24xf32, #tpu.memory_space<vmem>>) dst(%dma_wait3A_360 : memref<50176x24xf32, #tpu.memory_space<vmem_shared>>)
      }
      %eq3A_33 = arith.constant 15 : i32
      %eq3A_34 = arith.cmpi eq, %arg1, %eq3A_33 : i32
      %convert_element_type3A_35 = arith.extui %eq3A_34 : i1 to i32
      %cond3A_36 = arith.constant 0 : i32
      %cond3A_37 = arith.cmpi ne, %convert_element_type3A_35, %cond3A_36 : i32
      scf.if %cond3A_37 {
        "tpu.region"() ({
          %run_scoped3A = tpu.sem_alloc : memref<!tpu.dma_semaphore, #tpu.memory_space<semaphore_mem>>
          %dma_start3A_236 = arith.constant 0 : i32
          %dma_start3A_237 = arith.constant 0 : i32
          %dma_start3A_238 = tpu.memref_slice %arg7[%dma_start3A_236, %dma_start3A_237] : memref<16x128xi32, #tpu.memory_space<vmem>> -> memref<10x128xi32, #tpu.memory_space<vmem>>
          %dma_start3A_239 = arith.constant 6240 : i32
          %dma_start3A_240 = arith.constant 0 : i32
          %dma_start3A_241 = tpu.memref_slice %arg3[%dma_start3A_239, %dma_start3A_240] : memref<6250x128xi32, #tpu.memory_space<hbm>> -> memref<10x128xi32, #tpu.memory_space<hbm>>
          %dma_start3A_242 = arith.constant 0 : i32
          %dma_start3A_243 = arith.constant 0 : i32
          %dma_start3A_244 = tpu.memref_slice %arg7[%dma_start3A_242, %dma_start3A_243] : memref<16x128xi32, #tpu.memory_space<vmem>> -> memref<10x128xi32, #tpu.memory_space<vmem>>
          %dma_start3A_245 = arith.constant 6240 : i32
          %dma_start3A_246 = arith.constant 0 : i32
          %dma_start3A_247 = tpu.memref_slice %arg3[%dma_start3A_245, %dma_start3A_246] : memref<6250x128xi32, #tpu.memory_space<hbm>> -> memref<10x128xi32, #tpu.memory_space<hbm>>
          tpu.enqueue_dma source(%dma_start3A_247 : memref<10x128xi32, #tpu.memory_space<hbm>>) target(%dma_start3A_244 : memref<10x128xi32, #tpu.memory_space<vmem>>) target_semaphore(%run_scoped3A : memref<!tpu.dma_semaphore, #tpu.memory_space<semaphore_mem>>)
          %dma_wait3A_248 = arith.constant 0 : i32
          %dma_wait3A_249 = arith.constant 0 : i32
          %dma_wait3A_250 = tpu.memref_slice %arg7[%dma_wait3A_248, %dma_wait3A_249] : memref<16x128xi32, #tpu.memory_space<vmem>> -> memref<10x128xi32, #tpu.memory_space<vmem>>
          %dma_wait3A_251 = arith.constant 6240 : i32
          %dma_wait3A_252 = arith.constant 0 : i32
          %dma_wait3A_253 = tpu.memref_slice %arg3[%dma_wait3A_251, %dma_wait3A_252] : memref<6250x128xi32, #tpu.memory_space<hbm>> -> memref<10x128xi32, #tpu.memory_space<hbm>>
          %dma_wait3A_254 = arith.constant 0 : i32
          %dma_wait3A_255 = arith.constant 0 : i32
          %dma_wait3A_256 = tpu.memref_slice %arg7[%dma_wait3A_254, %dma_wait3A_255] : memref<16x128xi32, #tpu.memory_space<vmem>> -> memref<10x128xi32, #tpu.memory_space<vmem>>
          %dma_wait3A_257 = arith.constant 6240 : i32
          %dma_wait3A_258 = arith.constant 0 : i32
          %dma_wait3A_259 = tpu.memref_slice %arg3[%dma_wait3A_257, %dma_wait3A_258] : memref<6250x128xi32, #tpu.memory_space<hbm>> -> memref<10x128xi32, #tpu.memory_space<hbm>>
          tpu.wait_dma2 semaphore(%run_scoped3A : memref<!tpu.dma_semaphore, #tpu.memory_space<semaphore_mem>>) src(%dma_wait3A_259 : memref<10x128xi32, #tpu.memory_space<hbm>>) dst(%dma_wait3A_256 : memref<10x128xi32, #tpu.memory_space<vmem>>)
          tpu.yield
        }) : () -> ()
        "tpu.region"() ({
          %run_scoped3A = tpu.sem_alloc : memref<!tpu.dma_semaphore, #tpu.memory_space<semaphore_mem>>
          %dma_start3A_236 = arith.constant 0 : i32
          %dma_start3A_237 = arith.constant 0 : i32
          %dma_start3A_238 = tpu.memref_slice %arg8[%dma_start3A_236, %dma_start3A_237] : memref<2048x24xf32, #tpu.memory_space<vmem>> -> memref<1280x24xf32, #tpu.memory_space<vmem>>
          %dma_start3A_239 = arith.constant 798720 : i32
          %dma_start3A_240 = arith.constant 0 : i32
          %dma_start3A_241 = tpu.memref_slice %arg2[%dma_start3A_239, %dma_start3A_240] : memref<800000x128xf32, #tpu.memory_space<hbm>> -> memref<1280x24xf32, #tpu.memory_space<hbm>>
          %dma_start3A_242 = arith.constant 0 : i32
          %dma_start3A_243 = arith.constant 0 : i32
          %dma_start3A_244 = tpu.memref_slice %arg8[%dma_start3A_242, %dma_start3A_243] : memref<2048x24xf32, #tpu.memory_space<vmem>> -> memref<1280x24xf32, #tpu.memory_space<vmem>>
          %dma_start3A_245 = arith.constant 798720 : i32
          %dma_start3A_246 = arith.constant 0 : i32
          %dma_start3A_247 = tpu.memref_slice %arg2[%dma_start3A_245, %dma_start3A_246] : memref<800000x128xf32, #tpu.memory_space<hbm>> -> memref<1280x24xf32, #tpu.memory_space<hbm>>
          tpu.enqueue_dma source(%dma_start3A_247 : memref<1280x24xf32, #tpu.memory_space<hbm>>) target(%dma_start3A_244 : memref<1280x24xf32, #tpu.memory_space<vmem>>) target_semaphore(%run_scoped3A : memref<!tpu.dma_semaphore, #tpu.memory_space<semaphore_mem>>)
          %dma_wait3A_248 = arith.constant 0 : i32
          %dma_wait3A_249 = arith.constant 0 : i32
          %dma_wait3A_250 = tpu.memref_slice %arg8[%dma_wait3A_248, %dma_wait3A_249] : memref<2048x24xf32, #tpu.memory_space<vmem>> -> memref<1280x24xf32, #tpu.memory_space<vmem>>
          %dma_wait3A_251 = arith.constant 798720 : i32
          %dma_wait3A_252 = arith.constant 0 : i32
          %dma_wait3A_253 = tpu.memref_slice %arg2[%dma_wait3A_251, %dma_wait3A_252] : memref<800000x128xf32, #tpu.memory_space<hbm>> -> memref<1280x24xf32, #tpu.memory_space<hbm>>
          %dma_wait3A_254 = arith.constant 0 : i32
          %dma_wait3A_255 = arith.constant 0 : i32
          %dma_wait3A_256 = tpu.memref_slice %arg8[%dma_wait3A_254, %dma_wait3A_255] : memref<2048x24xf32, #tpu.memory_space<vmem>> -> memref<1280x24xf32, #tpu.memory_space<vmem>>
          %dma_wait3A_257 = arith.constant 798720 : i32
          %dma_wait3A_258 = arith.constant 0 : i32
          %dma_wait3A_259 = tpu.memref_slice %arg2[%dma_wait3A_257, %dma_wait3A_258] : memref<800000x128xf32, #tpu.memory_space<hbm>> -> memref<1280x24xf32, #tpu.memory_space<hbm>>
          tpu.wait_dma2 semaphore(%run_scoped3A : memref<!tpu.dma_semaphore, #tpu.memory_space<semaphore_mem>>) src(%dma_wait3A_259 : memref<1280x24xf32, #tpu.memory_space<hbm>>) dst(%dma_wait3A_256 : memref<1280x24xf32, #tpu.memory_space<vmem>>)
          tpu.yield
        }) : () -> ()
        %dma_start3A = arith.constant 0 : i32
        %dma_start3A_38 = arith.constant 0 : i32
        %dma_start3A_39 = arith.constant 0 : i32
        %dma_start3A_40 = tpu.memref_slice %arg8[%dma_start3A_38, %dma_start3A_39] : memref<2048x24xf32, #tpu.memory_space<vmem>> -> memref<128x24xf32, #tpu.memory_space<vmem>>
        %dma_start3A_41 = arith.constant 0 : i32
        %dma_start3A_42 = tpu.memref_slice %arg7[%dma_start3A, %dma_start3A_41] : memref<16x128xi32, #tpu.memory_space<vmem>> -> memref<1x128xi32, #tpu.memory_space<vmem>>
        %dma_start3A_43 = tpu.memref_squeeze %dma_start3A_42 : memref<1x128xi32, #tpu.memory_space<vmem>> -> memref<128xi32, #tpu.memory_space<vmem>>
        %dma_start3A_44 = arith.constant 0 : i32
        %dma_start3A_45 = arith.constant 0 : i32
        %dma_start3A_46 = tpu.memref_slice %arg9[%dma_start3A_44, %dma_start3A_45] : memref<50176x24xf32, #tpu.memory_space<vmem_shared>> -> memref<50176x24xf32, #tpu.memory_space<vmem_shared>>
        tpu.enqueue_indirect_dma source(%dma_start3A_40 : memref<128x24xf32, #tpu.memory_space<vmem>>) target(%dma_start3A_46 : memref<50176x24xf32, #tpu.memory_space<vmem_shared>>) offsets(%dma_start3A_43 : memref<128xi32, #tpu.memory_space<vmem>>) semaphore(%arg10 : memref<!tpu.dma_semaphore, #tpu.memory_space<semaphore_mem>>) {add = true}
        %dma_start3A_47 = arith.constant 1 : i32
        %dma_start3A_48 = arith.constant 128 : i32
        %dma_start3A_49 = arith.constant 0 : i32
        %dma_start3A_50 = tpu.memref_slice %arg8[%dma_start3A_48, %dma_start3A_49] : memref<2048x24xf32, #tpu.memory_space<vmem>> -> memref<128x24xf32, #tpu.memory_space<vmem>>
        %dma_start3A_51 = arith.constant 0 : i32
        %dma_start3A_52 = tpu.memref_slice %arg7[%dma_start3A_47, %dma_start3A_51] : memref<16x128xi32, #tpu.memory_space<vmem>> -> memref<1x128xi32, #tpu.memory_space<vmem>>
        %dma_start3A_53 = tpu.memref_squeeze %dma_start3A_52 : memref<1x128xi32, #tpu.memory_space<vmem>> -> memref<128xi32, #tpu.memory_space<vmem>>
        %dma_start3A_54 = arith.constant 0 : i32
        %dma_start3A_55 = arith.constant 0 : i32
        %dma_start3A_56 = tpu.memref_slice %arg9[%dma_start3A_54, %dma_start3A_55] : memref<50176x24xf32, #tpu.memory_space<vmem_shared>> -> memref<50176x24xf32, #tpu.memory_space<vmem_shared>>
        tpu.enqueue_indirect_dma source(%dma_start3A_50 : memref<128x24xf32, #tpu.memory_space<vmem>>) target(%dma_start3A_56 : memref<50176x24xf32, #tpu.memory_space<vmem_shared>>) offsets(%dma_start3A_53 : memref<128xi32, #tpu.memory_space<vmem>>) semaphore(%arg10 : memref<!tpu.dma_semaphore, #tpu.memory_space<semaphore_mem>>) {add = true}
        %dma_start3A_57 = arith.constant 2 : i32
        %dma_start3A_58 = arith.constant 256 : i32
        %dma_start3A_59 = arith.constant 0 : i32
        %dma_start3A_60 = tpu.memref_slice %arg8[%dma_start3A_58, %dma_start3A_59] : memref<2048x24xf32, #tpu.memory_space<vmem>> -> memref<128x24xf32, #tpu.memory_space<vmem>>
        %dma_start3A_61 = arith.constant 0 : i32
        %dma_start3A_62 = tpu.memref_slice %arg7[%dma_start3A_57, %dma_start3A_61] : memref<16x128xi32, #tpu.memory_space<vmem>> -> memref<1x128xi32, #tpu.memory_space<vmem>>
        %dma_start3A_63 = tpu.memref_squeeze %dma_start3A_62 : memref<1x128xi32, #tpu.memory_space<vmem>> -> memref<128xi32, #tpu.memory_space<vmem>>
        %dma_start3A_64 = arith.constant 0 : i32
        %dma_start3A_65 = arith.constant 0 : i32
        %dma_start3A_66 = tpu.memref_slice %arg9[%dma_start3A_64, %dma_start3A_65] : memref<50176x24xf32, #tpu.memory_space<vmem_shared>> -> memref<50176x24xf32, #tpu.memory_space<vmem_shared>>
        tpu.enqueue_indirect_dma source(%dma_start3A_60 : memref<128x24xf32, #tpu.memory_space<vmem>>) target(%dma_start3A_66 : memref<50176x24xf32, #tpu.memory_space<vmem_shared>>) offsets(%dma_start3A_63 : memref<128xi32, #tpu.memory_space<vmem>>) semaphore(%arg10 : memref<!tpu.dma_semaphore, #tpu.memory_space<semaphore_mem>>) {add = true}
        %dma_start3A_67 = arith.constant 3 : i32
        %dma_start3A_68 = arith.constant 384 : i32
        %dma_start3A_69 = arith.constant 0 : i32
        %dma_start3A_70 = tpu.memref_slice %arg8[%dma_start3A_68, %dma_start3A_69] : memref<2048x24xf32, #tpu.memory_space<vmem>> -> memref<128x24xf32, #tpu.memory_space<vmem>>
        %dma_start3A_71 = arith.constant 0 : i32
        %dma_start3A_72 = tpu.memref_slice %arg7[%dma_start3A_67, %dma_start3A_71] : memref<16x128xi32, #tpu.memory_space<vmem>> -> memref<1x128xi32, #tpu.memory_space<vmem>>
        %dma_start3A_73 = tpu.memref_squeeze %dma_start3A_72 : memref<1x128xi32, #tpu.memory_space<vmem>> -> memref<128xi32, #tpu.memory_space<vmem>>
        %dma_start3A_74 = arith.constant 0 : i32
        %dma_start3A_75 = arith.constant 0 : i32
        %dma_start3A_76 = tpu.memref_slice %arg9[%dma_start3A_74, %dma_start3A_75] : memref<50176x24xf32, #tpu.memory_space<vmem_shared>> -> memref<50176x24xf32, #tpu.memory_space<vmem_shared>>
        tpu.enqueue_indirect_dma source(%dma_start3A_70 : memref<128x24xf32, #tpu.memory_space<vmem>>) target(%dma_start3A_76 : memref<50176x24xf32, #tpu.memory_space<vmem_shared>>) offsets(%dma_start3A_73 : memref<128xi32, #tpu.memory_space<vmem>>) semaphore(%arg10 : memref<!tpu.dma_semaphore, #tpu.memory_space<semaphore_mem>>) {add = true}
        %dma_start3A_77 = arith.constant 4 : i32
        %dma_start3A_78 = arith.constant 512 : i32
        %dma_start3A_79 = arith.constant 0 : i32
        %dma_start3A_80 = tpu.memref_slice %arg8[%dma_start3A_78, %dma_start3A_79] : memref<2048x24xf32, #tpu.memory_space<vmem>> -> memref<128x24xf32, #tpu.memory_space<vmem>>
        %dma_start3A_81 = arith.constant 0 : i32
        %dma_start3A_82 = tpu.memref_slice %arg7[%dma_start3A_77, %dma_start3A_81] : memref<16x128xi32, #tpu.memory_space<vmem>> -> memref<1x128xi32, #tpu.memory_space<vmem>>
        %dma_start3A_83 = tpu.memref_squeeze %dma_start3A_82 : memref<1x128xi32, #tpu.memory_space<vmem>> -> memref<128xi32, #tpu.memory_space<vmem>>
        %dma_start3A_84 = arith.constant 0 : i32
        %dma_start3A_85 = arith.constant 0 : i32
        %dma_start3A_86 = tpu.memref_slice %arg9[%dma_start3A_84, %dma_start3A_85] : memref<50176x24xf32, #tpu.memory_space<vmem_shared>> -> memref<50176x24xf32, #tpu.memory_space<vmem_shared>>
        tpu.enqueue_indirect_dma source(%dma_start3A_80 : memref<128x24xf32, #tpu.memory_space<vmem>>) target(%dma_start3A_86 : memref<50176x24xf32, #tpu.memory_space<vmem_shared>>) offsets(%dma_start3A_83 : memref<128xi32, #tpu.memory_space<vmem>>) semaphore(%arg10 : memref<!tpu.dma_semaphore, #tpu.memory_space<semaphore_mem>>) {add = true}
        %dma_start3A_87 = arith.constant 5 : i32
        %dma_start3A_88 = arith.constant 640 : i32
        %dma_start3A_89 = arith.constant 0 : i32
        %dma_start3A_90 = tpu.memref_slice %arg8[%dma_start3A_88, %dma_start3A_89] : memref<2048x24xf32, #tpu.memory_space<vmem>> -> memref<128x24xf32, #tpu.memory_space<vmem>>
        %dma_start3A_91 = arith.constant 0 : i32
        %dma_start3A_92 = tpu.memref_slice %arg7[%dma_start3A_87, %dma_start3A_91] : memref<16x128xi32, #tpu.memory_space<vmem>> -> memref<1x128xi32, #tpu.memory_space<vmem>>
        %dma_start3A_93 = tpu.memref_squeeze %dma_start3A_92 : memref<1x128xi32, #tpu.memory_space<vmem>> -> memref<128xi32, #tpu.memory_space<vmem>>
        %dma_start3A_94 = arith.constant 0 : i32
        %dma_start3A_95 = arith.constant 0 : i32
        %dma_start3A_96 = tpu.memref_slice %arg9[%dma_start3A_94, %dma_start3A_95] : memref<50176x24xf32, #tpu.memory_space<vmem_shared>> -> memref<50176x24xf32, #tpu.memory_space<vmem_shared>>
        tpu.enqueue_indirect_dma source(%dma_start3A_90 : memref<128x24xf32, #tpu.memory_space<vmem>>) target(%dma_start3A_96 : memref<50176x24xf32, #tpu.memory_space<vmem_shared>>) offsets(%dma_start3A_93 : memref<128xi32, #tpu.memory_space<vmem>>) semaphore(%arg10 : memref<!tpu.dma_semaphore, #tpu.memory_space<semaphore_mem>>) {add = true}
        %dma_start3A_97 = arith.constant 6 : i32
        %dma_start3A_98 = arith.constant 768 : i32
        %dma_start3A_99 = arith.constant 0 : i32
        %dma_start3A_100 = tpu.memref_slice %arg8[%dma_start3A_98, %dma_start3A_99] : memref<2048x24xf32, #tpu.memory_space<vmem>> -> memref<128x24xf32, #tpu.memory_space<vmem>>
        %dma_start3A_101 = arith.constant 0 : i32
        %dma_start3A_102 = tpu.memref_slice %arg7[%dma_start3A_97, %dma_start3A_101] : memref<16x128xi32, #tpu.memory_space<vmem>> -> memref<1x128xi32, #tpu.memory_space<vmem>>
        %dma_start3A_103 = tpu.memref_squeeze %dma_start3A_102 : memref<1x128xi32, #tpu.memory_space<vmem>> -> memref<128xi32, #tpu.memory_space<vmem>>
        %dma_start3A_104 = arith.constant 0 : i32
        %dma_start3A_105 = arith.constant 0 : i32
        %dma_start3A_106 = tpu.memref_slice %arg9[%dma_start3A_104, %dma_start3A_105] : memref<50176x24xf32, #tpu.memory_space<vmem_shared>> -> memref<50176x24xf32, #tpu.memory_space<vmem_shared>>
        tpu.enqueue_indirect_dma source(%dma_start3A_100 : memref<128x24xf32, #tpu.memory_space<vmem>>) target(%dma_start3A_106 : memref<50176x24xf32, #tpu.memory_space<vmem_shared>>) offsets(%dma_start3A_103 : memref<128xi32, #tpu.memory_space<vmem>>) semaphore(%arg10 : memref<!tpu.dma_semaphore, #tpu.memory_space<semaphore_mem>>) {add = true}
        %dma_start3A_107 = arith.constant 7 : i32
        %dma_start3A_108 = arith.constant 896 : i32
        %dma_start3A_109 = arith.constant 0 : i32
        %dma_start3A_110 = tpu.memref_slice %arg8[%dma_start3A_108, %dma_start3A_109] : memref<2048x24xf32, #tpu.memory_space<vmem>> -> memref<128x24xf32, #tpu.memory_space<vmem>>
        %dma_start3A_111 = arith.constant 0 : i32
        %dma_start3A_112 = tpu.memref_slice %arg7[%dma_start3A_107, %dma_start3A_111] : memref<16x128xi32, #tpu.memory_space<vmem>> -> memref<1x128xi32, #tpu.memory_space<vmem>>
        %dma_start3A_113 = tpu.memref_squeeze %dma_start3A_112 : memref<1x128xi32, #tpu.memory_space<vmem>> -> memref<128xi32, #tpu.memory_space<vmem>>
        %dma_start3A_114 = arith.constant 0 : i32
        %dma_start3A_115 = arith.constant 0 : i32
        %dma_start3A_116 = tpu.memref_slice %arg9[%dma_start3A_114, %dma_start3A_115] : memref<50176x24xf32, #tpu.memory_space<vmem_shared>> -> memref<50176x24xf32, #tpu.memory_space<vmem_shared>>
        tpu.enqueue_indirect_dma source(%dma_start3A_110 : memref<128x24xf32, #tpu.memory_space<vmem>>) target(%dma_start3A_116 : memref<50176x24xf32, #tpu.memory_space<vmem_shared>>) offsets(%dma_start3A_113 : memref<128xi32, #tpu.memory_space<vmem>>) semaphore(%arg10 : memref<!tpu.dma_semaphore, #tpu.memory_space<semaphore_mem>>) {add = true}
        %dma_start3A_117 = arith.constant 8 : i32
        %dma_start3A_118 = arith.constant 1024 : i32
        %dma_start3A_119 = arith.constant 0 : i32
        %dma_start3A_120 = tpu.memref_slice %arg8[%dma_start3A_118, %dma_start3A_119] : memref<2048x24xf32, #tpu.memory_space<vmem>> -> memref<128x24xf32, #tpu.memory_space<vmem>>
        %dma_start3A_121 = arith.constant 0 : i32
        %dma_start3A_122 = tpu.memref_slice %arg7[%dma_start3A_117, %dma_start3A_121] : memref<16x128xi32, #tpu.memory_space<vmem>> -> memref<1x128xi32, #tpu.memory_space<vmem>>
        %dma_start3A_123 = tpu.memref_squeeze %dma_start3A_122 : memref<1x128xi32, #tpu.memory_space<vmem>> -> memref<128xi32, #tpu.memory_space<vmem>>
        %dma_start3A_124 = arith.constant 0 : i32
        %dma_start3A_125 = arith.constant 0 : i32
        %dma_start3A_126 = tpu.memref_slice %arg9[%dma_start3A_124, %dma_start3A_125] : memref<50176x24xf32, #tpu.memory_space<vmem_shared>> -> memref<50176x24xf32, #tpu.memory_space<vmem_shared>>
        tpu.enqueue_indirect_dma source(%dma_start3A_120 : memref<128x24xf32, #tpu.memory_space<vmem>>) target(%dma_start3A_126 : memref<50176x24xf32, #tpu.memory_space<vmem_shared>>) offsets(%dma_start3A_123 : memref<128xi32, #tpu.memory_space<vmem>>) semaphore(%arg10 : memref<!tpu.dma_semaphore, #tpu.memory_space<semaphore_mem>>) {add = true}
        %dma_start3A_127 = arith.constant 9 : i32
        %dma_start3A_128 = arith.constant 1152 : i32
        %dma_start3A_129 = arith.constant 0 : i32
        %dma_start3A_130 = tpu.memref_slice %arg8[%dma_start3A_128, %dma_start3A_129] : memref<2048x24xf32, #tpu.memory_space<vmem>> -> memref<128x24xf32, #tpu.memory_space<vmem>>
        %dma_start3A_131 = arith.constant 0 : i32
        %dma_start3A_132 = tpu.memref_slice %arg7[%dma_start3A_127, %dma_start3A_131] : memref<16x128xi32, #tpu.memory_space<vmem>> -> memref<1x128xi32, #tpu.memory_space<vmem>>
        %dma_start3A_133 = tpu.memref_squeeze %dma_start3A_132 : memref<1x128xi32, #tpu.memory_space<vmem>> -> memref<128xi32, #tpu.memory_space<vmem>>
        %dma_start3A_134 = arith.constant 0 : i32
        %dma_start3A_135 = arith.constant 0 : i32
        %dma_start3A_136 = tpu.memref_slice %arg9[%dma_start3A_134, %dma_start3A_135] : memref<50176x24xf32, #tpu.memory_space<vmem_shared>> -> memref<50176x24xf32, #tpu.memory_space<vmem_shared>>
        tpu.enqueue_indirect_dma source(%dma_start3A_130 : memref<128x24xf32, #tpu.memory_space<vmem>>) target(%dma_start3A_136 : memref<50176x24xf32, #tpu.memory_space<vmem_shared>>) offsets(%dma_start3A_133 : memref<128xi32, #tpu.memory_space<vmem>>) semaphore(%arg10 : memref<!tpu.dma_semaphore, #tpu.memory_space<semaphore_mem>>) {add = true}
        %dma_wait3A = arith.constant 0 : i32
        %dma_wait3A_137 = arith.constant 0 : i32
        %dma_wait3A_138 = arith.constant 0 : i32
        %dma_wait3A_139 = tpu.memref_slice %arg8[%dma_wait3A_137, %dma_wait3A_138] : memref<2048x24xf32, #tpu.memory_space<vmem>> -> memref<128x24xf32, #tpu.memory_space<vmem>>
        %dma_wait3A_140 = arith.constant 0 : i32
        %dma_wait3A_141 = tpu.memref_slice %arg7[%dma_wait3A, %dma_wait3A_140] : memref<16x128xi32, #tpu.memory_space<vmem>> -> memref<1x128xi32, #tpu.memory_space<vmem>>
        %dma_wait3A_142 = tpu.memref_squeeze %dma_wait3A_141 : memref<1x128xi32, #tpu.memory_space<vmem>> -> memref<128xi32, #tpu.memory_space<vmem>>
        %dma_wait3A_143 = arith.constant 0 : i32
        %dma_wait3A_144 = arith.constant 0 : i32
        %dma_wait3A_145 = tpu.memref_slice %arg9[%dma_wait3A_143, %dma_wait3A_144] : memref<50176x24xf32, #tpu.memory_space<vmem_shared>> -> memref<50176x24xf32, #tpu.memory_space<vmem_shared>>
        tpu.wait_indirect_dma semaphore(%arg10 : memref<!tpu.dma_semaphore, #tpu.memory_space<semaphore_mem>>) src(%dma_wait3A_139 : memref<128x24xf32, #tpu.memory_space<vmem>>) dst(%dma_wait3A_145 : memref<50176x24xf32, #tpu.memory_space<vmem_shared>>)
        %dma_wait3A_146 = arith.constant 1 : i32
        %dma_wait3A_147 = arith.constant 128 : i32
        %dma_wait3A_148 = arith.constant 0 : i32
        %dma_wait3A_149 = tpu.memref_slice %arg8[%dma_wait3A_147, %dma_wait3A_148] : memref<2048x24xf32, #tpu.memory_space<vmem>> -> memref<128x24xf32, #tpu.memory_space<vmem>>
        %dma_wait3A_150 = arith.constant 0 : i32
        %dma_wait3A_151 = tpu.memref_slice %arg7[%dma_wait3A_146, %dma_wait3A_150] : memref<16x128xi32, #tpu.memory_space<vmem>> -> memref<1x128xi32, #tpu.memory_space<vmem>>
        %dma_wait3A_152 = tpu.memref_squeeze %dma_wait3A_151 : memref<1x128xi32, #tpu.memory_space<vmem>> -> memref<128xi32, #tpu.memory_space<vmem>>
        %dma_wait3A_153 = arith.constant 0 : i32
        %dma_wait3A_154 = arith.constant 0 : i32
        %dma_wait3A_155 = tpu.memref_slice %arg9[%dma_wait3A_153, %dma_wait3A_154] : memref<50176x24xf32, #tpu.memory_space<vmem_shared>> -> memref<50176x24xf32, #tpu.memory_space<vmem_shared>>
        tpu.wait_indirect_dma semaphore(%arg10 : memref<!tpu.dma_semaphore, #tpu.memory_space<semaphore_mem>>) src(%dma_wait3A_149 : memref<128x24xf32, #tpu.memory_space<vmem>>) dst(%dma_wait3A_155 : memref<50176x24xf32, #tpu.memory_space<vmem_shared>>)
        %dma_wait3A_156 = arith.constant 2 : i32
        %dma_wait3A_157 = arith.constant 256 : i32
        %dma_wait3A_158 = arith.constant 0 : i32
        %dma_wait3A_159 = tpu.memref_slice %arg8[%dma_wait3A_157, %dma_wait3A_158] : memref<2048x24xf32, #tpu.memory_space<vmem>> -> memref<128x24xf32, #tpu.memory_space<vmem>>
        %dma_wait3A_160 = arith.constant 0 : i32
        %dma_wait3A_161 = tpu.memref_slice %arg7[%dma_wait3A_156, %dma_wait3A_160] : memref<16x128xi32, #tpu.memory_space<vmem>> -> memref<1x128xi32, #tpu.memory_space<vmem>>
        %dma_wait3A_162 = tpu.memref_squeeze %dma_wait3A_161 : memref<1x128xi32, #tpu.memory_space<vmem>> -> memref<128xi32, #tpu.memory_space<vmem>>
        %dma_wait3A_163 = arith.constant 0 : i32
        %dma_wait3A_164 = arith.constant 0 : i32
        %dma_wait3A_165 = tpu.memref_slice %arg9[%dma_wait3A_163, %dma_wait3A_164] : memref<50176x24xf32, #tpu.memory_space<vmem_shared>> -> memref<50176x24xf32, #tpu.memory_space<vmem_shared>>
        tpu.wait_indirect_dma semaphore(%arg10 : memref<!tpu.dma_semaphore, #tpu.memory_space<semaphore_mem>>) src(%dma_wait3A_159 : memref<128x24xf32, #tpu.memory_space<vmem>>) dst(%dma_wait3A_165 : memref<50176x24xf32, #tpu.memory_space<vmem_shared>>)
        %dma_wait3A_166 = arith.constant 3 : i32
        %dma_wait3A_167 = arith.constant 384 : i32
        %dma_wait3A_168 = arith.constant 0 : i32
        %dma_wait3A_169 = tpu.memref_slice %arg8[%dma_wait3A_167, %dma_wait3A_168] : memref<2048x24xf32, #tpu.memory_space<vmem>> -> memref<128x24xf32, #tpu.memory_space<vmem>>
        %dma_wait3A_170 = arith.constant 0 : i32
        %dma_wait3A_171 = tpu.memref_slice %arg7[%dma_wait3A_166, %dma_wait3A_170] : memref<16x128xi32, #tpu.memory_space<vmem>> -> memref<1x128xi32, #tpu.memory_space<vmem>>
        %dma_wait3A_172 = tpu.memref_squeeze %dma_wait3A_171 : memref<1x128xi32, #tpu.memory_space<vmem>> -> memref<128xi32, #tpu.memory_space<vmem>>
        %dma_wait3A_173 = arith.constant 0 : i32
        %dma_wait3A_174 = arith.constant 0 : i32
        %dma_wait3A_175 = tpu.memref_slice %arg9[%dma_wait3A_173, %dma_wait3A_174] : memref<50176x24xf32, #tpu.memory_space<vmem_shared>> -> memref<50176x24xf32, #tpu.memory_space<vmem_shared>>
        tpu.wait_indirect_dma semaphore(%arg10 : memref<!tpu.dma_semaphore, #tpu.memory_space<semaphore_mem>>) src(%dma_wait3A_169 : memref<128x24xf32, #tpu.memory_space<vmem>>) dst(%dma_wait3A_175 : memref<50176x24xf32, #tpu.memory_space<vmem_shared>>)
        %dma_wait3A_176 = arith.constant 4 : i32
        %dma_wait3A_177 = arith.constant 512 : i32
        %dma_wait3A_178 = arith.constant 0 : i32
        %dma_wait3A_179 = tpu.memref_slice %arg8[%dma_wait3A_177, %dma_wait3A_178] : memref<2048x24xf32, #tpu.memory_space<vmem>> -> memref<128x24xf32, #tpu.memory_space<vmem>>
        %dma_wait3A_180 = arith.constant 0 : i32
        %dma_wait3A_181 = tpu.memref_slice %arg7[%dma_wait3A_176, %dma_wait3A_180] : memref<16x128xi32, #tpu.memory_space<vmem>> -> memref<1x128xi32, #tpu.memory_space<vmem>>
        %dma_wait3A_182 = tpu.memref_squeeze %dma_wait3A_181 : memref<1x128xi32, #tpu.memory_space<vmem>> -> memref<128xi32, #tpu.memory_space<vmem>>
        %dma_wait3A_183 = arith.constant 0 : i32
        %dma_wait3A_184 = arith.constant 0 : i32
        %dma_wait3A_185 = tpu.memref_slice %arg9[%dma_wait3A_183, %dma_wait3A_184] : memref<50176x24xf32, #tpu.memory_space<vmem_shared>> -> memref<50176x24xf32, #tpu.memory_space<vmem_shared>>
        tpu.wait_indirect_dma semaphore(%arg10 : memref<!tpu.dma_semaphore, #tpu.memory_space<semaphore_mem>>) src(%dma_wait3A_179 : memref<128x24xf32, #tpu.memory_space<vmem>>) dst(%dma_wait3A_185 : memref<50176x24xf32, #tpu.memory_space<vmem_shared>>)
        %dma_wait3A_186 = arith.constant 5 : i32
        %dma_wait3A_187 = arith.constant 640 : i32
        %dma_wait3A_188 = arith.constant 0 : i32
        %dma_wait3A_189 = tpu.memref_slice %arg8[%dma_wait3A_187, %dma_wait3A_188] : memref<2048x24xf32, #tpu.memory_space<vmem>> -> memref<128x24xf32, #tpu.memory_space<vmem>>
        %dma_wait3A_190 = arith.constant 0 : i32
        %dma_wait3A_191 = tpu.memref_slice %arg7[%dma_wait3A_186, %dma_wait3A_190] : memref<16x128xi32, #tpu.memory_space<vmem>> -> memref<1x128xi32, #tpu.memory_space<vmem>>
        %dma_wait3A_192 = tpu.memref_squeeze %dma_wait3A_191 : memref<1x128xi32, #tpu.memory_space<vmem>> -> memref<128xi32, #tpu.memory_space<vmem>>
        %dma_wait3A_193 = arith.constant 0 : i32
        %dma_wait3A_194 = arith.constant 0 : i32
        %dma_wait3A_195 = tpu.memref_slice %arg9[%dma_wait3A_193, %dma_wait3A_194] : memref<50176x24xf32, #tpu.memory_space<vmem_shared>> -> memref<50176x24xf32, #tpu.memory_space<vmem_shared>>
        tpu.wait_indirect_dma semaphore(%arg10 : memref<!tpu.dma_semaphore, #tpu.memory_space<semaphore_mem>>) src(%dma_wait3A_189 : memref<128x24xf32, #tpu.memory_space<vmem>>) dst(%dma_wait3A_195 : memref<50176x24xf32, #tpu.memory_space<vmem_shared>>)
        %dma_wait3A_196 = arith.constant 6 : i32
        %dma_wait3A_197 = arith.constant 768 : i32
        %dma_wait3A_198 = arith.constant 0 : i32
        %dma_wait3A_199 = tpu.memref_slice %arg8[%dma_wait3A_197, %dma_wait3A_198] : memref<2048x24xf32, #tpu.memory_space<vmem>> -> memref<128x24xf32, #tpu.memory_space<vmem>>
        %dma_wait3A_200 = arith.constant 0 : i32
        %dma_wait3A_201 = tpu.memref_slice %arg7[%dma_wait3A_196, %dma_wait3A_200] : memref<16x128xi32, #tpu.memory_space<vmem>> -> memref<1x128xi32, #tpu.memory_space<vmem>>
        %dma_wait3A_202 = tpu.memref_squeeze %dma_wait3A_201 : memref<1x128xi32, #tpu.memory_space<vmem>> -> memref<128xi32, #tpu.memory_space<vmem>>
        %dma_wait3A_203 = arith.constant 0 : i32
        %dma_wait3A_204 = arith.constant 0 : i32
        %dma_wait3A_205 = tpu.memref_slice %arg9[%dma_wait3A_203, %dma_wait3A_204] : memref<50176x24xf32, #tpu.memory_space<vmem_shared>> -> memref<50176x24xf32, #tpu.memory_space<vmem_shared>>
        tpu.wait_indirect_dma semaphore(%arg10 : memref<!tpu.dma_semaphore, #tpu.memory_space<semaphore_mem>>) src(%dma_wait3A_199 : memref<128x24xf32, #tpu.memory_space<vmem>>) dst(%dma_wait3A_205 : memref<50176x24xf32, #tpu.memory_space<vmem_shared>>)
        %dma_wait3A_206 = arith.constant 7 : i32
        %dma_wait3A_207 = arith.constant 896 : i32
        %dma_wait3A_208 = arith.constant 0 : i32
        %dma_wait3A_209 = tpu.memref_slice %arg8[%dma_wait3A_207, %dma_wait3A_208] : memref<2048x24xf32, #tpu.memory_space<vmem>> -> memref<128x24xf32, #tpu.memory_space<vmem>>
        %dma_wait3A_210 = arith.constant 0 : i32
        %dma_wait3A_211 = tpu.memref_slice %arg7[%dma_wait3A_206, %dma_wait3A_210] : memref<16x128xi32, #tpu.memory_space<vmem>> -> memref<1x128xi32, #tpu.memory_space<vmem>>
        %dma_wait3A_212 = tpu.memref_squeeze %dma_wait3A_211 : memref<1x128xi32, #tpu.memory_space<vmem>> -> memref<128xi32, #tpu.memory_space<vmem>>
        %dma_wait3A_213 = arith.constant 0 : i32
        %dma_wait3A_214 = arith.constant 0 : i32
        %dma_wait3A_215 = tpu.memref_slice %arg9[%dma_wait3A_213, %dma_wait3A_214] : memref<50176x24xf32, #tpu.memory_space<vmem_shared>> -> memref<50176x24xf32, #tpu.memory_space<vmem_shared>>
        tpu.wait_indirect_dma semaphore(%arg10 : memref<!tpu.dma_semaphore, #tpu.memory_space<semaphore_mem>>) src(%dma_wait3A_209 : memref<128x24xf32, #tpu.memory_space<vmem>>) dst(%dma_wait3A_215 : memref<50176x24xf32, #tpu.memory_space<vmem_shared>>)
        %dma_wait3A_216 = arith.constant 8 : i32
        %dma_wait3A_217 = arith.constant 1024 : i32
        %dma_wait3A_218 = arith.constant 0 : i32
        %dma_wait3A_219 = tpu.memref_slice %arg8[%dma_wait3A_217, %dma_wait3A_218] : memref<2048x24xf32, #tpu.memory_space<vmem>> -> memref<128x24xf32, #tpu.memory_space<vmem>>
        %dma_wait3A_220 = arith.constant 0 : i32
        %dma_wait3A_221 = tpu.memref_slice %arg7[%dma_wait3A_216, %dma_wait3A_220] : memref<16x128xi32, #tpu.memory_space<vmem>> -> memref<1x128xi32, #tpu.memory_space<vmem>>
        %dma_wait3A_222 = tpu.memref_squeeze %dma_wait3A_221 : memref<1x128xi32, #tpu.memory_space<vmem>> -> memref<128xi32, #tpu.memory_space<vmem>>
        %dma_wait3A_223 = arith.constant 0 : i32
        %dma_wait3A_224 = arith.constant 0 : i32
        %dma_wait3A_225 = tpu.memref_slice %arg9[%dma_wait3A_223, %dma_wait3A_224] : memref<50176x24xf32, #tpu.memory_space<vmem_shared>> -> memref<50176x24xf32, #tpu.memory_space<vmem_shared>>
        tpu.wait_indirect_dma semaphore(%arg10 : memref<!tpu.dma_semaphore, #tpu.memory_space<semaphore_mem>>) src(%dma_wait3A_219 : memref<128x24xf32, #tpu.memory_space<vmem>>) dst(%dma_wait3A_225 : memref<50176x24xf32, #tpu.memory_space<vmem_shared>>)
        %dma_wait3A_226 = arith.constant 9 : i32
        %dma_wait3A_227 = arith.constant 1152 : i32
        %dma_wait3A_228 = arith.constant 0 : i32
        %dma_wait3A_229 = tpu.memref_slice %arg8[%dma_wait3A_227, %dma_wait3A_228] : memref<2048x24xf32, #tpu.memory_space<vmem>> -> memref<128x24xf32, #tpu.memory_space<vmem>>
        %dma_wait3A_230 = arith.constant 0 : i32
        %dma_wait3A_231 = tpu.memref_slice %arg7[%dma_wait3A_226, %dma_wait3A_230] : memref<16x128xi32, #tpu.memory_space<vmem>> -> memref<1x128xi32, #tpu.memory_space<vmem>>
        %dma_wait3A_232 = tpu.memref_squeeze %dma_wait3A_231 : memref<1x128xi32, #tpu.memory_space<vmem>> -> memref<128xi32, #tpu.memory_space<vmem>>
        %dma_wait3A_233 = arith.constant 0 : i32
        %dma_wait3A_234 = arith.constant 0 : i32
        %dma_wait3A_235 = tpu.memref_slice %arg9[%dma_wait3A_233, %dma_wait3A_234] : memref<50176x24xf32, #tpu.memory_space<vmem_shared>> -> memref<50176x24xf32, #tpu.memory_space<vmem_shared>>
        tpu.wait_indirect_dma semaphore(%arg10 : memref<!tpu.dma_semaphore, #tpu.memory_space<semaphore_mem>>) src(%dma_wait3A_229 : memref<128x24xf32, #tpu.memory_space<vmem>>) dst(%dma_wait3A_235 : memref<50176x24xf32, #tpu.memory_space<vmem_shared>>)
      } else {
      }
    } else {
    }
    %eq3A_8 = arith.constant 1 : i32
    %eq3A_9 = arith.cmpi eq, %arg0, %eq3A_8 : i32
    %convert_element_type3A_10 = arith.extui %eq3A_9 : i1 to i32
    %cond3A_11 = arith.constant 0 : i32
    %cond3A_12 = arith.cmpi ne, %convert_element_type3A_10, %cond3A_11 : i32
    scf.if %cond3A_12 {
      %while3A = arith.constant 0 : i32
      %while3A_24 = arith.constant 0 : i32
      %while3A_25 = arith.subi %select_n3A, %while3A_24 : i32
      %while3A_26 = arith.addi %while3A_24, %while3A_25 : i32
      %while3A_27 = arith.constant 1 : i32
      %while3A_28 = arith.divsi %while3A_25, %while3A_27 : i32
      %while3A_29 = arith.muli %while3A_28, %while3A_27 : i32
      %while3A_30 = arith.addi %while3A_24, %while3A_29 : i32
      %while3A_31 = arith.constant 1 : i32
      scf.for %while3A_38 = %while3A_24 to %while3A_30 step %while3A_31  : i32 {
        %mul3A_39 = arith.constant 16 : i32
        %mul3A_40 = arith.muli %while3A_38, %mul3A_39 : i32
        %add3A = arith.addi %mul3A_2, %mul3A_40 : i32
        "tpu.region"() ({
          %run_scoped3A = tpu.sem_alloc : memref<!tpu.dma_semaphore, #tpu.memory_space<semaphore_mem>>
          %dma_start3A_361 = arith.constant 0 : i32
          %dma_start3A_362 = tpu.memref_slice %arg3[%add3A, %dma_start3A_361] : memref<6250x128xi32, #tpu.memory_space<hbm>> -> memref<16x128xi32, #tpu.memory_space<hbm>>
          %dma_start3A_363 = arith.constant 0 : i32
          %dma_start3A_364 = tpu.memref_slice %arg3[%add3A, %dma_start3A_363] : memref<6250x128xi32, #tpu.memory_space<hbm>> -> memref<16x128xi32, #tpu.memory_space<hbm>>
          tpu.enqueue_dma source(%dma_start3A_364 : memref<16x128xi32, #tpu.memory_space<hbm>>) target(%arg7 : memref<16x128xi32, #tpu.memory_space<vmem>>) target_semaphore(%run_scoped3A : memref<!tpu.dma_semaphore, #tpu.memory_space<semaphore_mem>>)
          %dma_wait3A_365 = arith.constant 0 : i32
          %dma_wait3A_366 = tpu.memref_slice %arg3[%add3A, %dma_wait3A_365] : memref<6250x128xi32, #tpu.memory_space<hbm>> -> memref<16x128xi32, #tpu.memory_space<hbm>>
          %dma_wait3A_367 = arith.constant 0 : i32
          %dma_wait3A_368 = tpu.memref_slice %arg3[%add3A, %dma_wait3A_367] : memref<6250x128xi32, #tpu.memory_space<hbm>> -> memref<16x128xi32, #tpu.memory_space<hbm>>
          tpu.wait_dma2 semaphore(%run_scoped3A : memref<!tpu.dma_semaphore, #tpu.memory_space<semaphore_mem>>) src(%dma_wait3A_368 : memref<16x128xi32, #tpu.memory_space<hbm>>) dst(%arg7 : memref<16x128xi32, #tpu.memory_space<vmem>>)
          tpu.yield
        }) : () -> ()
        %mul3A_41 = arith.constant 128 : i32
        %mul3A_42 = arith.muli %add3A, %mul3A_41 : i32
        "tpu.region"() ({
          %run_scoped3A = tpu.sem_alloc : memref<!tpu.dma_semaphore, #tpu.memory_space<semaphore_mem>>
          %dma_start3A_361 = arith.constant 24 : i32
          %dma_start3A_362 = tpu.memref_slice %arg2[%mul3A_42, %dma_start3A_361] : memref<800000x128xf32, #tpu.memory_space<hbm>> -> memref<2048x24xf32, #tpu.memory_space<hbm>>
          %dma_start3A_363 = arith.constant 24 : i32
          %dma_start3A_364 = tpu.memref_slice %arg2[%mul3A_42, %dma_start3A_363] : memref<800000x128xf32, #tpu.memory_space<hbm>> -> memref<2048x24xf32, #tpu.memory_space<hbm>>
          tpu.enqueue_dma source(%dma_start3A_364 : memref<2048x24xf32, #tpu.memory_space<hbm>>) target(%arg8 : memref<2048x24xf32, #tpu.memory_space<vmem>>) target_semaphore(%run_scoped3A : memref<!tpu.dma_semaphore, #tpu.memory_space<semaphore_mem>>)
          %dma_wait3A_365 = arith.constant 24 : i32
          %dma_wait3A_366 = tpu.memref_slice %arg2[%mul3A_42, %dma_wait3A_365] : memref<800000x128xf32, #tpu.memory_space<hbm>> -> memref<2048x24xf32, #tpu.memory_space<hbm>>
          %dma_wait3A_367 = arith.constant 24 : i32
          %dma_wait3A_368 = tpu.memref_slice %arg2[%mul3A_42, %dma_wait3A_367] : memref<800000x128xf32, #tpu.memory_space<hbm>> -> memref<2048x24xf32, #tpu.memory_space<hbm>>
          tpu.wait_dma2 semaphore(%run_scoped3A : memref<!tpu.dma_semaphore, #tpu.memory_space<semaphore_mem>>) src(%dma_wait3A_368 : memref<2048x24xf32, #tpu.memory_space<hbm>>) dst(%arg8 : memref<2048x24xf32, #tpu.memory_space<vmem>>)
          tpu.yield
        }) : () -> ()
        %dma_start3A = arith.constant 0 : i32
        %dma_start3A_43 = arith.constant 0 : i32
        %dma_start3A_44 = arith.constant 0 : i32
        %dma_start3A_45 = tpu.memref_slice %arg8[%dma_start3A_43, %dma_start3A_44] : memref<2048x24xf32, #tpu.memory_space<vmem>> -> memref<128x24xf32, #tpu.memory_space<vmem>>
        %dma_start3A_46 = arith.constant 0 : i32
        %dma_start3A_47 = tpu.memref_slice %arg7[%dma_start3A, %dma_start3A_46] : memref<16x128xi32, #tpu.memory_space<vmem>> -> memref<1x128xi32, #tpu.memory_space<vmem>>
        %dma_start3A_48 = tpu.memref_squeeze %dma_start3A_47 : memref<1x128xi32, #tpu.memory_space<vmem>> -> memref<128xi32, #tpu.memory_space<vmem>>
        %dma_start3A_49 = arith.constant 0 : i32
        %dma_start3A_50 = arith.constant 0 : i32
        %dma_start3A_51 = tpu.memref_slice %arg9[%dma_start3A_49, %dma_start3A_50] : memref<50176x24xf32, #tpu.memory_space<vmem_shared>> -> memref<50176x24xf32, #tpu.memory_space<vmem_shared>>
        tpu.enqueue_indirect_dma source(%dma_start3A_45 : memref<128x24xf32, #tpu.memory_space<vmem>>) target(%dma_start3A_51 : memref<50176x24xf32, #tpu.memory_space<vmem_shared>>) offsets(%dma_start3A_48 : memref<128xi32, #tpu.memory_space<vmem>>) semaphore(%arg10 : memref<!tpu.dma_semaphore, #tpu.memory_space<semaphore_mem>>) {add = true}
        %dma_start3A_52 = arith.constant 1 : i32
        %dma_start3A_53 = arith.constant 128 : i32
        %dma_start3A_54 = arith.constant 0 : i32
        %dma_start3A_55 = tpu.memref_slice %arg8[%dma_start3A_53, %dma_start3A_54] : memref<2048x24xf32, #tpu.memory_space<vmem>> -> memref<128x24xf32, #tpu.memory_space<vmem>>
        %dma_start3A_56 = arith.constant 0 : i32
        %dma_start3A_57 = tpu.memref_slice %arg7[%dma_start3A_52, %dma_start3A_56] : memref<16x128xi32, #tpu.memory_space<vmem>> -> memref<1x128xi32, #tpu.memory_space<vmem>>
        %dma_start3A_58 = tpu.memref_squeeze %dma_start3A_57 : memref<1x128xi32, #tpu.memory_space<vmem>> -> memref<128xi32, #tpu.memory_space<vmem>>
        %dma_start3A_59 = arith.constant 0 : i32
        %dma_start3A_60 = arith.constant 0 : i32
        %dma_start3A_61 = tpu.memref_slice %arg9[%dma_start3A_59, %dma_start3A_60] : memref<50176x24xf32, #tpu.memory_space<vmem_shared>> -> memref<50176x24xf32, #tpu.memory_space<vmem_shared>>
        tpu.enqueue_indirect_dma source(%dma_start3A_55 : memref<128x24xf32, #tpu.memory_space<vmem>>) target(%dma_start3A_61 : memref<50176x24xf32, #tpu.memory_space<vmem_shared>>) offsets(%dma_start3A_58 : memref<128xi32, #tpu.memory_space<vmem>>) semaphore(%arg10 : memref<!tpu.dma_semaphore, #tpu.memory_space<semaphore_mem>>) {add = true}
        %dma_start3A_62 = arith.constant 2 : i32
        %dma_start3A_63 = arith.constant 256 : i32
        %dma_start3A_64 = arith.constant 0 : i32
        %dma_start3A_65 = tpu.memref_slice %arg8[%dma_start3A_63, %dma_start3A_64] : memref<2048x24xf32, #tpu.memory_space<vmem>> -> memref<128x24xf32, #tpu.memory_space<vmem>>
        %dma_start3A_66 = arith.constant 0 : i32
        %dma_start3A_67 = tpu.memref_slice %arg7[%dma_start3A_62, %dma_start3A_66] : memref<16x128xi32, #tpu.memory_space<vmem>> -> memref<1x128xi32, #tpu.memory_space<vmem>>
        %dma_start3A_68 = tpu.memref_squeeze %dma_start3A_67 : memref<1x128xi32, #tpu.memory_space<vmem>> -> memref<128xi32, #tpu.memory_space<vmem>>
        %dma_start3A_69 = arith.constant 0 : i32
        %dma_start3A_70 = arith.constant 0 : i32
        %dma_start3A_71 = tpu.memref_slice %arg9[%dma_start3A_69, %dma_start3A_70] : memref<50176x24xf32, #tpu.memory_space<vmem_shared>> -> memref<50176x24xf32, #tpu.memory_space<vmem_shared>>
        tpu.enqueue_indirect_dma source(%dma_start3A_65 : memref<128x24xf32, #tpu.memory_space<vmem>>) target(%dma_start3A_71 : memref<50176x24xf32, #tpu.memory_space<vmem_shared>>) offsets(%dma_start3A_68 : memref<128xi32, #tpu.memory_space<vmem>>) semaphore(%arg10 : memref<!tpu.dma_semaphore, #tpu.memory_space<semaphore_mem>>) {add = true}
        %dma_start3A_72 = arith.constant 3 : i32
        %dma_start3A_73 = arith.constant 384 : i32
        %dma_start3A_74 = arith.constant 0 : i32
        %dma_start3A_75 = tpu.memref_slice %arg8[%dma_start3A_73, %dma_start3A_74] : memref<2048x24xf32, #tpu.memory_space<vmem>> -> memref<128x24xf32, #tpu.memory_space<vmem>>
        %dma_start3A_76 = arith.constant 0 : i32
        %dma_start3A_77 = tpu.memref_slice %arg7[%dma_start3A_72, %dma_start3A_76] : memref<16x128xi32, #tpu.memory_space<vmem>> -> memref<1x128xi32, #tpu.memory_space<vmem>>
        %dma_start3A_78 = tpu.memref_squeeze %dma_start3A_77 : memref<1x128xi32, #tpu.memory_space<vmem>> -> memref<128xi32, #tpu.memory_space<vmem>>
        %dma_start3A_79 = arith.constant 0 : i32
        %dma_start3A_80 = arith.constant 0 : i32
        %dma_start3A_81 = tpu.memref_slice %arg9[%dma_start3A_79, %dma_start3A_80] : memref<50176x24xf32, #tpu.memory_space<vmem_shared>> -> memref<50176x24xf32, #tpu.memory_space<vmem_shared>>
        tpu.enqueue_indirect_dma source(%dma_start3A_75 : memref<128x24xf32, #tpu.memory_space<vmem>>) target(%dma_start3A_81 : memref<50176x24xf32, #tpu.memory_space<vmem_shared>>) offsets(%dma_start3A_78 : memref<128xi32, #tpu.memory_space<vmem>>) semaphore(%arg10 : memref<!tpu.dma_semaphore, #tpu.memory_space<semaphore_mem>>) {add = true}
        %dma_start3A_82 = arith.constant 4 : i32
        %dma_start3A_83 = arith.constant 512 : i32
        %dma_start3A_84 = arith.constant 0 : i32
        %dma_start3A_85 = tpu.memref_slice %arg8[%dma_start3A_83, %dma_start3A_84] : memref<2048x24xf32, #tpu.memory_space<vmem>> -> memref<128x24xf32, #tpu.memory_space<vmem>>
        %dma_start3A_86 = arith.constant 0 : i32
        %dma_start3A_87 = tpu.memref_slice %arg7[%dma_start3A_82, %dma_start3A_86] : memref<16x128xi32, #tpu.memory_space<vmem>> -> memref<1x128xi32, #tpu.memory_space<vmem>>
        %dma_start3A_88 = tpu.memref_squeeze %dma_start3A_87 : memref<1x128xi32, #tpu.memory_space<vmem>> -> memref<128xi32, #tpu.memory_space<vmem>>
        %dma_start3A_89 = arith.constant 0 : i32
        %dma_start3A_90 = arith.constant 0 : i32
        %dma_start3A_91 = tpu.memref_slice %arg9[%dma_start3A_89, %dma_start3A_90] : memref<50176x24xf32, #tpu.memory_space<vmem_shared>> -> memref<50176x24xf32, #tpu.memory_space<vmem_shared>>
        tpu.enqueue_indirect_dma source(%dma_start3A_85 : memref<128x24xf32, #tpu.memory_space<vmem>>) target(%dma_start3A_91 : memref<50176x24xf32, #tpu.memory_space<vmem_shared>>) offsets(%dma_start3A_88 : memref<128xi32, #tpu.memory_space<vmem>>) semaphore(%arg10 : memref<!tpu.dma_semaphore, #tpu.memory_space<semaphore_mem>>) {add = true}
        %dma_start3A_92 = arith.constant 5 : i32
        %dma_start3A_93 = arith.constant 640 : i32
        %dma_start3A_94 = arith.constant 0 : i32
        %dma_start3A_95 = tpu.memref_slice %arg8[%dma_start3A_93, %dma_start3A_94] : memref<2048x24xf32, #tpu.memory_space<vmem>> -> memref<128x24xf32, #tpu.memory_space<vmem>>
        %dma_start3A_96 = arith.constant 0 : i32
        %dma_start3A_97 = tpu.memref_slice %arg7[%dma_start3A_92, %dma_start3A_96] : memref<16x128xi32, #tpu.memory_space<vmem>> -> memref<1x128xi32, #tpu.memory_space<vmem>>
        %dma_start3A_98 = tpu.memref_squeeze %dma_start3A_97 : memref<1x128xi32, #tpu.memory_space<vmem>> -> memref<128xi32, #tpu.memory_space<vmem>>
        %dma_start3A_99 = arith.constant 0 : i32
        %dma_start3A_100 = arith.constant 0 : i32
        %dma_start3A_101 = tpu.memref_slice %arg9[%dma_start3A_99, %dma_start3A_100] : memref<50176x24xf32, #tpu.memory_space<vmem_shared>> -> memref<50176x24xf32, #tpu.memory_space<vmem_shared>>
        tpu.enqueue_indirect_dma source(%dma_start3A_95 : memref<128x24xf32, #tpu.memory_space<vmem>>) target(%dma_start3A_101 : memref<50176x24xf32, #tpu.memory_space<vmem_shared>>) offsets(%dma_start3A_98 : memref<128xi32, #tpu.memory_space<vmem>>) semaphore(%arg10 : memref<!tpu.dma_semaphore, #tpu.memory_space<semaphore_mem>>) {add = true}
        %dma_start3A_102 = arith.constant 6 : i32
        %dma_start3A_103 = arith.constant 768 : i32
        %dma_start3A_104 = arith.constant 0 : i32
        %dma_start3A_105 = tpu.memref_slice %arg8[%dma_start3A_103, %dma_start3A_104] : memref<2048x24xf32, #tpu.memory_space<vmem>> -> memref<128x24xf32, #tpu.memory_space<vmem>>
        %dma_start3A_106 = arith.constant 0 : i32
        %dma_start3A_107 = tpu.memref_slice %arg7[%dma_start3A_102, %dma_start3A_106] : memref<16x128xi32, #tpu.memory_space<vmem>> -> memref<1x128xi32, #tpu.memory_space<vmem>>
        %dma_start3A_108 = tpu.memref_squeeze %dma_start3A_107 : memref<1x128xi32, #tpu.memory_space<vmem>> -> memref<128xi32, #tpu.memory_space<vmem>>
        %dma_start3A_109 = arith.constant 0 : i32
        %dma_start3A_110 = arith.constant 0 : i32
        %dma_start3A_111 = tpu.memref_slice %arg9[%dma_start3A_109, %dma_start3A_110] : memref<50176x24xf32, #tpu.memory_space<vmem_shared>> -> memref<50176x24xf32, #tpu.memory_space<vmem_shared>>
        tpu.enqueue_indirect_dma source(%dma_start3A_105 : memref<128x24xf32, #tpu.memory_space<vmem>>) target(%dma_start3A_111 : memref<50176x24xf32, #tpu.memory_space<vmem_shared>>) offsets(%dma_start3A_108 : memref<128xi32, #tpu.memory_space<vmem>>) semaphore(%arg10 : memref<!tpu.dma_semaphore, #tpu.memory_space<semaphore_mem>>) {add = true}
        %dma_start3A_112 = arith.constant 7 : i32
        %dma_start3A_113 = arith.constant 896 : i32
        %dma_start3A_114 = arith.constant 0 : i32
        %dma_start3A_115 = tpu.memref_slice %arg8[%dma_start3A_113, %dma_start3A_114] : memref<2048x24xf32, #tpu.memory_space<vmem>> -> memref<128x24xf32, #tpu.memory_space<vmem>>
        %dma_start3A_116 = arith.constant 0 : i32
        %dma_start3A_117 = tpu.memref_slice %arg7[%dma_start3A_112, %dma_start3A_116] : memref<16x128xi32, #tpu.memory_space<vmem>> -> memref<1x128xi32, #tpu.memory_space<vmem>>
        %dma_start3A_118 = tpu.memref_squeeze %dma_start3A_117 : memref<1x128xi32, #tpu.memory_space<vmem>> -> memref<128xi32, #tpu.memory_space<vmem>>
        %dma_start3A_119 = arith.constant 0 : i32
        %dma_start3A_120 = arith.constant 0 : i32
        %dma_start3A_121 = tpu.memref_slice %arg9[%dma_start3A_119, %dma_start3A_120] : memref<50176x24xf32, #tpu.memory_space<vmem_shared>> -> memref<50176x24xf32, #tpu.memory_space<vmem_shared>>
        tpu.enqueue_indirect_dma source(%dma_start3A_115 : memref<128x24xf32, #tpu.memory_space<vmem>>) target(%dma_start3A_121 : memref<50176x24xf32, #tpu.memory_space<vmem_shared>>) offsets(%dma_start3A_118 : memref<128xi32, #tpu.memory_space<vmem>>) semaphore(%arg10 : memref<!tpu.dma_semaphore, #tpu.memory_space<semaphore_mem>>) {add = true}
        %dma_start3A_122 = arith.constant 8 : i32
        %dma_start3A_123 = arith.constant 1024 : i32
        %dma_start3A_124 = arith.constant 0 : i32
        %dma_start3A_125 = tpu.memref_slice %arg8[%dma_start3A_123, %dma_start3A_124] : memref<2048x24xf32, #tpu.memory_space<vmem>> -> memref<128x24xf32, #tpu.memory_space<vmem>>
        %dma_start3A_126 = arith.constant 0 : i32
        %dma_start3A_127 = tpu.memref_slice %arg7[%dma_start3A_122, %dma_start3A_126] : memref<16x128xi32, #tpu.memory_space<vmem>> -> memref<1x128xi32, #tpu.memory_space<vmem>>
        %dma_start3A_128 = tpu.memref_squeeze %dma_start3A_127 : memref<1x128xi32, #tpu.memory_space<vmem>> -> memref<128xi32, #tpu.memory_space<vmem>>
        %dma_start3A_129 = arith.constant 0 : i32
        %dma_start3A_130 = arith.constant 0 : i32
        %dma_start3A_131 = tpu.memref_slice %arg9[%dma_start3A_129, %dma_start3A_130] : memref<50176x24xf32, #tpu.memory_space<vmem_shared>> -> memref<50176x24xf32, #tpu.memory_space<vmem_shared>>
        tpu.enqueue_indirect_dma source(%dma_start3A_125 : memref<128x24xf32, #tpu.memory_space<vmem>>) target(%dma_start3A_131 : memref<50176x24xf32, #tpu.memory_space<vmem_shared>>) offsets(%dma_start3A_128 : memref<128xi32, #tpu.memory_space<vmem>>) semaphore(%arg10 : memref<!tpu.dma_semaphore, #tpu.memory_space<semaphore_mem>>) {add = true}
        %dma_start3A_132 = arith.constant 9 : i32
        %dma_start3A_133 = arith.constant 1152 : i32
        %dma_start3A_134 = arith.constant 0 : i32
        %dma_start3A_135 = tpu.memref_slice %arg8[%dma_start3A_133, %dma_start3A_134] : memref<2048x24xf32, #tpu.memory_space<vmem>> -> memref<128x24xf32, #tpu.memory_space<vmem>>
        %dma_start3A_136 = arith.constant 0 : i32
        %dma_start3A_137 = tpu.memref_slice %arg7[%dma_start3A_132, %dma_start3A_136] : memref<16x128xi32, #tpu.memory_space<vmem>> -> memref<1x128xi32, #tpu.memory_space<vmem>>
        %dma_start3A_138 = tpu.memref_squeeze %dma_start3A_137 : memref<1x128xi32, #tpu.memory_space<vmem>> -> memref<128xi32, #tpu.memory_space<vmem>>
        %dma_start3A_139 = arith.constant 0 : i32
        %dma_start3A_140 = arith.constant 0 : i32
        %dma_start3A_141 = tpu.memref_slice %arg9[%dma_start3A_139, %dma_start3A_140] : memref<50176x24xf32, #tpu.memory_space<vmem_shared>> -> memref<50176x24xf32, #tpu.memory_space<vmem_shared>>
        tpu.enqueue_indirect_dma source(%dma_start3A_135 : memref<128x24xf32, #tpu.memory_space<vmem>>) target(%dma_start3A_141 : memref<50176x24xf32, #tpu.memory_space<vmem_shared>>) offsets(%dma_start3A_138 : memref<128xi32, #tpu.memory_space<vmem>>) semaphore(%arg10 : memref<!tpu.dma_semaphore, #tpu.memory_space<semaphore_mem>>) {add = true}
        %dma_start3A_142 = arith.constant 10 : i32
        %dma_start3A_143 = arith.constant 1280 : i32
        %dma_start3A_144 = arith.constant 0 : i32
        %dma_start3A_145 = tpu.memref_slice %arg8[%dma_start3A_143, %dma_start3A_144] : memref<2048x24xf32, #tpu.memory_space<vmem>> -> memref<128x24xf32, #tpu.memory_space<vmem>>
        %dma_start3A_146 = arith.constant 0 : i32
        %dma_start3A_147 = tpu.memref_slice %arg7[%dma_start3A_142, %dma_start3A_146] : memref<16x128xi32, #tpu.memory_space<vmem>> -> memref<1x128xi32, #tpu.memory_space<vmem>>
        %dma_start3A_148 = tpu.memref_squeeze %dma_start3A_147 : memref<1x128xi32, #tpu.memory_space<vmem>> -> memref<128xi32, #tpu.memory_space<vmem>>
        %dma_start3A_149 = arith.constant 0 : i32
        %dma_start3A_150 = arith.constant 0 : i32
        %dma_start3A_151 = tpu.memref_slice %arg9[%dma_start3A_149, %dma_start3A_150] : memref<50176x24xf32, #tpu.memory_space<vmem_shared>> -> memref<50176x24xf32, #tpu.memory_space<vmem_shared>>
        tpu.enqueue_indirect_dma source(%dma_start3A_145 : memref<128x24xf32, #tpu.memory_space<vmem>>) target(%dma_start3A_151 : memref<50176x24xf32, #tpu.memory_space<vmem_shared>>) offsets(%dma_start3A_148 : memref<128xi32, #tpu.memory_space<vmem>>) semaphore(%arg10 : memref<!tpu.dma_semaphore, #tpu.memory_space<semaphore_mem>>) {add = true}
        %dma_start3A_152 = arith.constant 11 : i32
        %dma_start3A_153 = arith.constant 1408 : i32
        %dma_start3A_154 = arith.constant 0 : i32
        %dma_start3A_155 = tpu.memref_slice %arg8[%dma_start3A_153, %dma_start3A_154] : memref<2048x24xf32, #tpu.memory_space<vmem>> -> memref<128x24xf32, #tpu.memory_space<vmem>>
        %dma_start3A_156 = arith.constant 0 : i32
        %dma_start3A_157 = tpu.memref_slice %arg7[%dma_start3A_152, %dma_start3A_156] : memref<16x128xi32, #tpu.memory_space<vmem>> -> memref<1x128xi32, #tpu.memory_space<vmem>>
        %dma_start3A_158 = tpu.memref_squeeze %dma_start3A_157 : memref<1x128xi32, #tpu.memory_space<vmem>> -> memref<128xi32, #tpu.memory_space<vmem>>
        %dma_start3A_159 = arith.constant 0 : i32
        %dma_start3A_160 = arith.constant 0 : i32
        %dma_start3A_161 = tpu.memref_slice %arg9[%dma_start3A_159, %dma_start3A_160] : memref<50176x24xf32, #tpu.memory_space<vmem_shared>> -> memref<50176x24xf32, #tpu.memory_space<vmem_shared>>
        tpu.enqueue_indirect_dma source(%dma_start3A_155 : memref<128x24xf32, #tpu.memory_space<vmem>>) target(%dma_start3A_161 : memref<50176x24xf32, #tpu.memory_space<vmem_shared>>) offsets(%dma_start3A_158 : memref<128xi32, #tpu.memory_space<vmem>>) semaphore(%arg10 : memref<!tpu.dma_semaphore, #tpu.memory_space<semaphore_mem>>) {add = true}
        %dma_start3A_162 = arith.constant 12 : i32
        %dma_start3A_163 = arith.constant 1536 : i32
        %dma_start3A_164 = arith.constant 0 : i32
        %dma_start3A_165 = tpu.memref_slice %arg8[%dma_start3A_163, %dma_start3A_164] : memref<2048x24xf32, #tpu.memory_space<vmem>> -> memref<128x24xf32, #tpu.memory_space<vmem>>
        %dma_start3A_166 = arith.constant 0 : i32
        %dma_start3A_167 = tpu.memref_slice %arg7[%dma_start3A_162, %dma_start3A_166] : memref<16x128xi32, #tpu.memory_space<vmem>> -> memref<1x128xi32, #tpu.memory_space<vmem>>
        %dma_start3A_168 = tpu.memref_squeeze %dma_start3A_167 : memref<1x128xi32, #tpu.memory_space<vmem>> -> memref<128xi32, #tpu.memory_space<vmem>>
        %dma_start3A_169 = arith.constant 0 : i32
        %dma_start3A_170 = arith.constant 0 : i32
        %dma_start3A_171 = tpu.memref_slice %arg9[%dma_start3A_169, %dma_start3A_170] : memref<50176x24xf32, #tpu.memory_space<vmem_shared>> -> memref<50176x24xf32, #tpu.memory_space<vmem_shared>>
        tpu.enqueue_indirect_dma source(%dma_start3A_165 : memref<128x24xf32, #tpu.memory_space<vmem>>) target(%dma_start3A_171 : memref<50176x24xf32, #tpu.memory_space<vmem_shared>>) offsets(%dma_start3A_168 : memref<128xi32, #tpu.memory_space<vmem>>) semaphore(%arg10 : memref<!tpu.dma_semaphore, #tpu.memory_space<semaphore_mem>>) {add = true}
        %dma_start3A_172 = arith.constant 13 : i32
        %dma_start3A_173 = arith.constant 1664 : i32
        %dma_start3A_174 = arith.constant 0 : i32
        %dma_start3A_175 = tpu.memref_slice %arg8[%dma_start3A_173, %dma_start3A_174] : memref<2048x24xf32, #tpu.memory_space<vmem>> -> memref<128x24xf32, #tpu.memory_space<vmem>>
        %dma_start3A_176 = arith.constant 0 : i32
        %dma_start3A_177 = tpu.memref_slice %arg7[%dma_start3A_172, %dma_start3A_176] : memref<16x128xi32, #tpu.memory_space<vmem>> -> memref<1x128xi32, #tpu.memory_space<vmem>>
        %dma_start3A_178 = tpu.memref_squeeze %dma_start3A_177 : memref<1x128xi32, #tpu.memory_space<vmem>> -> memref<128xi32, #tpu.memory_space<vmem>>
        %dma_start3A_179 = arith.constant 0 : i32
        %dma_start3A_180 = arith.constant 0 : i32
        %dma_start3A_181 = tpu.memref_slice %arg9[%dma_start3A_179, %dma_start3A_180] : memref<50176x24xf32, #tpu.memory_space<vmem_shared>> -> memref<50176x24xf32, #tpu.memory_space<vmem_shared>>
        tpu.enqueue_indirect_dma source(%dma_start3A_175 : memref<128x24xf32, #tpu.memory_space<vmem>>) target(%dma_start3A_181 : memref<50176x24xf32, #tpu.memory_space<vmem_shared>>) offsets(%dma_start3A_178 : memref<128xi32, #tpu.memory_space<vmem>>) semaphore(%arg10 : memref<!tpu.dma_semaphore, #tpu.memory_space<semaphore_mem>>) {add = true}
        %dma_start3A_182 = arith.constant 14 : i32
        %dma_start3A_183 = arith.constant 1792 : i32
        %dma_start3A_184 = arith.constant 0 : i32
        %dma_start3A_185 = tpu.memref_slice %arg8[%dma_start3A_183, %dma_start3A_184] : memref<2048x24xf32, #tpu.memory_space<vmem>> -> memref<128x24xf32, #tpu.memory_space<vmem>>
        %dma_start3A_186 = arith.constant 0 : i32
        %dma_start3A_187 = tpu.memref_slice %arg7[%dma_start3A_182, %dma_start3A_186] : memref<16x128xi32, #tpu.memory_space<vmem>> -> memref<1x128xi32, #tpu.memory_space<vmem>>
        %dma_start3A_188 = tpu.memref_squeeze %dma_start3A_187 : memref<1x128xi32, #tpu.memory_space<vmem>> -> memref<128xi32, #tpu.memory_space<vmem>>
        %dma_start3A_189 = arith.constant 0 : i32
        %dma_start3A_190 = arith.constant 0 : i32
        %dma_start3A_191 = tpu.memref_slice %arg9[%dma_start3A_189, %dma_start3A_190] : memref<50176x24xf32, #tpu.memory_space<vmem_shared>> -> memref<50176x24xf32, #tpu.memory_space<vmem_shared>>
        tpu.enqueue_indirect_dma source(%dma_start3A_185 : memref<128x24xf32, #tpu.memory_space<vmem>>) target(%dma_start3A_191 : memref<50176x24xf32, #tpu.memory_space<vmem_shared>>) offsets(%dma_start3A_188 : memref<128xi32, #tpu.memory_space<vmem>>) semaphore(%arg10 : memref<!tpu.dma_semaphore, #tpu.memory_space<semaphore_mem>>) {add = true}
        %dma_start3A_192 = arith.constant 15 : i32
        %dma_start3A_193 = arith.constant 1920 : i32
        %dma_start3A_194 = arith.constant 0 : i32
        %dma_start3A_195 = tpu.memref_slice %arg8[%dma_start3A_193, %dma_start3A_194] : memref<2048x24xf32, #tpu.memory_space<vmem>> -> memref<128x24xf32, #tpu.memory_space<vmem>>
        %dma_start3A_196 = arith.constant 0 : i32
        %dma_start3A_197 = tpu.memref_slice %arg7[%dma_start3A_192, %dma_start3A_196] : memref<16x128xi32, #tpu.memory_space<vmem>> -> memref<1x128xi32, #tpu.memory_space<vmem>>
        %dma_start3A_198 = tpu.memref_squeeze %dma_start3A_197 : memref<1x128xi32, #tpu.memory_space<vmem>> -> memref<128xi32, #tpu.memory_space<vmem>>
        %dma_start3A_199 = arith.constant 0 : i32
        %dma_start3A_200 = arith.constant 0 : i32
        %dma_start3A_201 = tpu.memref_slice %arg9[%dma_start3A_199, %dma_start3A_200] : memref<50176x24xf32, #tpu.memory_space<vmem_shared>> -> memref<50176x24xf32, #tpu.memory_space<vmem_shared>>
        tpu.enqueue_indirect_dma source(%dma_start3A_195 : memref<128x24xf32, #tpu.memory_space<vmem>>) target(%dma_start3A_201 : memref<50176x24xf32, #tpu.memory_space<vmem_shared>>) offsets(%dma_start3A_198 : memref<128xi32, #tpu.memory_space<vmem>>) semaphore(%arg10 : memref<!tpu.dma_semaphore, #tpu.memory_space<semaphore_mem>>) {add = true}
        %dma_wait3A = arith.constant 0 : i32
        %dma_wait3A_202 = arith.constant 0 : i32
        %dma_wait3A_203 = arith.constant 0 : i32
        %dma_wait3A_204 = tpu.memref_slice %arg8[%dma_wait3A_202, %dma_wait3A_203] : memref<2048x24xf32, #tpu.memory_space<vmem>> -> memref<128x24xf32, #tpu.memory_space<vmem>>
        %dma_wait3A_205 = arith.constant 0 : i32
        %dma_wait3A_206 = tpu.memref_slice %arg7[%dma_wait3A, %dma_wait3A_205] : memref<16x128xi32, #tpu.memory_space<vmem>> -> memref<1x128xi32, #tpu.memory_space<vmem>>
        %dma_wait3A_207 = tpu.memref_squeeze %dma_wait3A_206 : memref<1x128xi32, #tpu.memory_space<vmem>> -> memref<128xi32, #tpu.memory_space<vmem>>
        %dma_wait3A_208 = arith.constant 0 : i32
        %dma_wait3A_209 = arith.constant 0 : i32
        %dma_wait3A_210 = tpu.memref_slice %arg9[%dma_wait3A_208, %dma_wait3A_209] : memref<50176x24xf32, #tpu.memory_space<vmem_shared>> -> memref<50176x24xf32, #tpu.memory_space<vmem_shared>>
        tpu.wait_indirect_dma semaphore(%arg10 : memref<!tpu.dma_semaphore, #tpu.memory_space<semaphore_mem>>) src(%dma_wait3A_204 : memref<128x24xf32, #tpu.memory_space<vmem>>) dst(%dma_wait3A_210 : memref<50176x24xf32, #tpu.memory_space<vmem_shared>>)
        %dma_wait3A_211 = arith.constant 1 : i32
        %dma_wait3A_212 = arith.constant 128 : i32
        %dma_wait3A_213 = arith.constant 0 : i32
        %dma_wait3A_214 = tpu.memref_slice %arg8[%dma_wait3A_212, %dma_wait3A_213] : memref<2048x24xf32, #tpu.memory_space<vmem>> -> memref<128x24xf32, #tpu.memory_space<vmem>>
        %dma_wait3A_215 = arith.constant 0 : i32
        %dma_wait3A_216 = tpu.memref_slice %arg7[%dma_wait3A_211, %dma_wait3A_215] : memref<16x128xi32, #tpu.memory_space<vmem>> -> memref<1x128xi32, #tpu.memory_space<vmem>>
        %dma_wait3A_217 = tpu.memref_squeeze %dma_wait3A_216 : memref<1x128xi32, #tpu.memory_space<vmem>> -> memref<128xi32, #tpu.memory_space<vmem>>
        %dma_wait3A_218 = arith.constant 0 : i32
        %dma_wait3A_219 = arith.constant 0 : i32
        %dma_wait3A_220 = tpu.memref_slice %arg9[%dma_wait3A_218, %dma_wait3A_219] : memref<50176x24xf32, #tpu.memory_space<vmem_shared>> -> memref<50176x24xf32, #tpu.memory_space<vmem_shared>>
        tpu.wait_indirect_dma semaphore(%arg10 : memref<!tpu.dma_semaphore, #tpu.memory_space<semaphore_mem>>) src(%dma_wait3A_214 : memref<128x24xf32, #tpu.memory_space<vmem>>) dst(%dma_wait3A_220 : memref<50176x24xf32, #tpu.memory_space<vmem_shared>>)
        %dma_wait3A_221 = arith.constant 2 : i32
        %dma_wait3A_222 = arith.constant 256 : i32
        %dma_wait3A_223 = arith.constant 0 : i32
        %dma_wait3A_224 = tpu.memref_slice %arg8[%dma_wait3A_222, %dma_wait3A_223] : memref<2048x24xf32, #tpu.memory_space<vmem>> -> memref<128x24xf32, #tpu.memory_space<vmem>>
        %dma_wait3A_225 = arith.constant 0 : i32
        %dma_wait3A_226 = tpu.memref_slice %arg7[%dma_wait3A_221, %dma_wait3A_225] : memref<16x128xi32, #tpu.memory_space<vmem>> -> memref<1x128xi32, #tpu.memory_space<vmem>>
        %dma_wait3A_227 = tpu.memref_squeeze %dma_wait3A_226 : memref<1x128xi32, #tpu.memory_space<vmem>> -> memref<128xi32, #tpu.memory_space<vmem>>
        %dma_wait3A_228 = arith.constant 0 : i32
        %dma_wait3A_229 = arith.constant 0 : i32
        %dma_wait3A_230 = tpu.memref_slice %arg9[%dma_wait3A_228, %dma_wait3A_229] : memref<50176x24xf32, #tpu.memory_space<vmem_shared>> -> memref<50176x24xf32, #tpu.memory_space<vmem_shared>>
        tpu.wait_indirect_dma semaphore(%arg10 : memref<!tpu.dma_semaphore, #tpu.memory_space<semaphore_mem>>) src(%dma_wait3A_224 : memref<128x24xf32, #tpu.memory_space<vmem>>) dst(%dma_wait3A_230 : memref<50176x24xf32, #tpu.memory_space<vmem_shared>>)
        %dma_wait3A_231 = arith.constant 3 : i32
        %dma_wait3A_232 = arith.constant 384 : i32
        %dma_wait3A_233 = arith.constant 0 : i32
        %dma_wait3A_234 = tpu.memref_slice %arg8[%dma_wait3A_232, %dma_wait3A_233] : memref<2048x24xf32, #tpu.memory_space<vmem>> -> memref<128x24xf32, #tpu.memory_space<vmem>>
        %dma_wait3A_235 = arith.constant 0 : i32
        %dma_wait3A_236 = tpu.memref_slice %arg7[%dma_wait3A_231, %dma_wait3A_235] : memref<16x128xi32, #tpu.memory_space<vmem>> -> memref<1x128xi32, #tpu.memory_space<vmem>>
        %dma_wait3A_237 = tpu.memref_squeeze %dma_wait3A_236 : memref<1x128xi32, #tpu.memory_space<vmem>> -> memref<128xi32, #tpu.memory_space<vmem>>
        %dma_wait3A_238 = arith.constant 0 : i32
        %dma_wait3A_239 = arith.constant 0 : i32
        %dma_wait3A_240 = tpu.memref_slice %arg9[%dma_wait3A_238, %dma_wait3A_239] : memref<50176x24xf32, #tpu.memory_space<vmem_shared>> -> memref<50176x24xf32, #tpu.memory_space<vmem_shared>>
        tpu.wait_indirect_dma semaphore(%arg10 : memref<!tpu.dma_semaphore, #tpu.memory_space<semaphore_mem>>) src(%dma_wait3A_234 : memref<128x24xf32, #tpu.memory_space<vmem>>) dst(%dma_wait3A_240 : memref<50176x24xf32, #tpu.memory_space<vmem_shared>>)
        %dma_wait3A_241 = arith.constant 4 : i32
        %dma_wait3A_242 = arith.constant 512 : i32
        %dma_wait3A_243 = arith.constant 0 : i32
        %dma_wait3A_244 = tpu.memref_slice %arg8[%dma_wait3A_242, %dma_wait3A_243] : memref<2048x24xf32, #tpu.memory_space<vmem>> -> memref<128x24xf32, #tpu.memory_space<vmem>>
        %dma_wait3A_245 = arith.constant 0 : i32
        %dma_wait3A_246 = tpu.memref_slice %arg7[%dma_wait3A_241, %dma_wait3A_245] : memref<16x128xi32, #tpu.memory_space<vmem>> -> memref<1x128xi32, #tpu.memory_space<vmem>>
        %dma_wait3A_247 = tpu.memref_squeeze %dma_wait3A_246 : memref<1x128xi32, #tpu.memory_space<vmem>> -> memref<128xi32, #tpu.memory_space<vmem>>
        %dma_wait3A_248 = arith.constant 0 : i32
        %dma_wait3A_249 = arith.constant 0 : i32
        %dma_wait3A_250 = tpu.memref_slice %arg9[%dma_wait3A_248, %dma_wait3A_249] : memref<50176x24xf32, #tpu.memory_space<vmem_shared>> -> memref<50176x24xf32, #tpu.memory_space<vmem_shared>>
        tpu.wait_indirect_dma semaphore(%arg10 : memref<!tpu.dma_semaphore, #tpu.memory_space<semaphore_mem>>) src(%dma_wait3A_244 : memref<128x24xf32, #tpu.memory_space<vmem>>) dst(%dma_wait3A_250 : memref<50176x24xf32, #tpu.memory_space<vmem_shared>>)
        %dma_wait3A_251 = arith.constant 5 : i32
        %dma_wait3A_252 = arith.constant 640 : i32
        %dma_wait3A_253 = arith.constant 0 : i32
        %dma_wait3A_254 = tpu.memref_slice %arg8[%dma_wait3A_252, %dma_wait3A_253] : memref<2048x24xf32, #tpu.memory_space<vmem>> -> memref<128x24xf32, #tpu.memory_space<vmem>>
        %dma_wait3A_255 = arith.constant 0 : i32
        %dma_wait3A_256 = tpu.memref_slice %arg7[%dma_wait3A_251, %dma_wait3A_255] : memref<16x128xi32, #tpu.memory_space<vmem>> -> memref<1x128xi32, #tpu.memory_space<vmem>>
        %dma_wait3A_257 = tpu.memref_squeeze %dma_wait3A_256 : memref<1x128xi32, #tpu.memory_space<vmem>> -> memref<128xi32, #tpu.memory_space<vmem>>
        %dma_wait3A_258 = arith.constant 0 : i32
        %dma_wait3A_259 = arith.constant 0 : i32
        %dma_wait3A_260 = tpu.memref_slice %arg9[%dma_wait3A_258, %dma_wait3A_259] : memref<50176x24xf32, #tpu.memory_space<vmem_shared>> -> memref<50176x24xf32, #tpu.memory_space<vmem_shared>>
        tpu.wait_indirect_dma semaphore(%arg10 : memref<!tpu.dma_semaphore, #tpu.memory_space<semaphore_mem>>) src(%dma_wait3A_254 : memref<128x24xf32, #tpu.memory_space<vmem>>) dst(%dma_wait3A_260 : memref<50176x24xf32, #tpu.memory_space<vmem_shared>>)
        %dma_wait3A_261 = arith.constant 6 : i32
        %dma_wait3A_262 = arith.constant 768 : i32
        %dma_wait3A_263 = arith.constant 0 : i32
        %dma_wait3A_264 = tpu.memref_slice %arg8[%dma_wait3A_262, %dma_wait3A_263] : memref<2048x24xf32, #tpu.memory_space<vmem>> -> memref<128x24xf32, #tpu.memory_space<vmem>>
        %dma_wait3A_265 = arith.constant 0 : i32
        %dma_wait3A_266 = tpu.memref_slice %arg7[%dma_wait3A_261, %dma_wait3A_265] : memref<16x128xi32, #tpu.memory_space<vmem>> -> memref<1x128xi32, #tpu.memory_space<vmem>>
        %dma_wait3A_267 = tpu.memref_squeeze %dma_wait3A_266 : memref<1x128xi32, #tpu.memory_space<vmem>> -> memref<128xi32, #tpu.memory_space<vmem>>
        %dma_wait3A_268 = arith.constant 0 : i32
        %dma_wait3A_269 = arith.constant 0 : i32
        %dma_wait3A_270 = tpu.memref_slice %arg9[%dma_wait3A_268, %dma_wait3A_269] : memref<50176x24xf32, #tpu.memory_space<vmem_shared>> -> memref<50176x24xf32, #tpu.memory_space<vmem_shared>>
        tpu.wait_indirect_dma semaphore(%arg10 : memref<!tpu.dma_semaphore, #tpu.memory_space<semaphore_mem>>) src(%dma_wait3A_264 : memref<128x24xf32, #tpu.memory_space<vmem>>) dst(%dma_wait3A_270 : memref<50176x24xf32, #tpu.memory_space<vmem_shared>>)
        %dma_wait3A_271 = arith.constant 7 : i32
        %dma_wait3A_272 = arith.constant 896 : i32
        %dma_wait3A_273 = arith.constant 0 : i32
        %dma_wait3A_274 = tpu.memref_slice %arg8[%dma_wait3A_272, %dma_wait3A_273] : memref<2048x24xf32, #tpu.memory_space<vmem>> -> memref<128x24xf32, #tpu.memory_space<vmem>>
        %dma_wait3A_275 = arith.constant 0 : i32
        %dma_wait3A_276 = tpu.memref_slice %arg7[%dma_wait3A_271, %dma_wait3A_275] : memref<16x128xi32, #tpu.memory_space<vmem>> -> memref<1x128xi32, #tpu.memory_space<vmem>>
        %dma_wait3A_277 = tpu.memref_squeeze %dma_wait3A_276 : memref<1x128xi32, #tpu.memory_space<vmem>> -> memref<128xi32, #tpu.memory_space<vmem>>
        %dma_wait3A_278 = arith.constant 0 : i32
        %dma_wait3A_279 = arith.constant 0 : i32
        %dma_wait3A_280 = tpu.memref_slice %arg9[%dma_wait3A_278, %dma_wait3A_279] : memref<50176x24xf32, #tpu.memory_space<vmem_shared>> -> memref<50176x24xf32, #tpu.memory_space<vmem_shared>>
        tpu.wait_indirect_dma semaphore(%arg10 : memref<!tpu.dma_semaphore, #tpu.memory_space<semaphore_mem>>) src(%dma_wait3A_274 : memref<128x24xf32, #tpu.memory_space<vmem>>) dst(%dma_wait3A_280 : memref<50176x24xf32, #tpu.memory_space<vmem_shared>>)
        %dma_wait3A_281 = arith.constant 8 : i32
        %dma_wait3A_282 = arith.constant 1024 : i32
        %dma_wait3A_283 = arith.constant 0 : i32
        %dma_wait3A_284 = tpu.memref_slice %arg8[%dma_wait3A_282, %dma_wait3A_283] : memref<2048x24xf32, #tpu.memory_space<vmem>> -> memref<128x24xf32, #tpu.memory_space<vmem>>
        %dma_wait3A_285 = arith.constant 0 : i32
        %dma_wait3A_286 = tpu.memref_slice %arg7[%dma_wait3A_281, %dma_wait3A_285] : memref<16x128xi32, #tpu.memory_space<vmem>> -> memref<1x128xi32, #tpu.memory_space<vmem>>
        %dma_wait3A_287 = tpu.memref_squeeze %dma_wait3A_286 : memref<1x128xi32, #tpu.memory_space<vmem>> -> memref<128xi32, #tpu.memory_space<vmem>>
        %dma_wait3A_288 = arith.constant 0 : i32
        %dma_wait3A_289 = arith.constant 0 : i32
        %dma_wait3A_290 = tpu.memref_slice %arg9[%dma_wait3A_288, %dma_wait3A_289] : memref<50176x24xf32, #tpu.memory_space<vmem_shared>> -> memref<50176x24xf32, #tpu.memory_space<vmem_shared>>
        tpu.wait_indirect_dma semaphore(%arg10 : memref<!tpu.dma_semaphore, #tpu.memory_space<semaphore_mem>>) src(%dma_wait3A_284 : memref<128x24xf32, #tpu.memory_space<vmem>>) dst(%dma_wait3A_290 : memref<50176x24xf32, #tpu.memory_space<vmem_shared>>)
        %dma_wait3A_291 = arith.constant 9 : i32
        %dma_wait3A_292 = arith.constant 1152 : i32
        %dma_wait3A_293 = arith.constant 0 : i32
        %dma_wait3A_294 = tpu.memref_slice %arg8[%dma_wait3A_292, %dma_wait3A_293] : memref<2048x24xf32, #tpu.memory_space<vmem>> -> memref<128x24xf32, #tpu.memory_space<vmem>>
        %dma_wait3A_295 = arith.constant 0 : i32
        %dma_wait3A_296 = tpu.memref_slice %arg7[%dma_wait3A_291, %dma_wait3A_295] : memref<16x128xi32, #tpu.memory_space<vmem>> -> memref<1x128xi32, #tpu.memory_space<vmem>>
        %dma_wait3A_297 = tpu.memref_squeeze %dma_wait3A_296 : memref<1x128xi32, #tpu.memory_space<vmem>> -> memref<128xi32, #tpu.memory_space<vmem>>
        %dma_wait3A_298 = arith.constant 0 : i32
        %dma_wait3A_299 = arith.constant 0 : i32
        %dma_wait3A_300 = tpu.memref_slice %arg9[%dma_wait3A_298, %dma_wait3A_299] : memref<50176x24xf32, #tpu.memory_space<vmem_shared>> -> memref<50176x24xf32, #tpu.memory_space<vmem_shared>>
        tpu.wait_indirect_dma semaphore(%arg10 : memref<!tpu.dma_semaphore, #tpu.memory_space<semaphore_mem>>) src(%dma_wait3A_294 : memref<128x24xf32, #tpu.memory_space<vmem>>) dst(%dma_wait3A_300 : memref<50176x24xf32, #tpu.memory_space<vmem_shared>>)
        %dma_wait3A_301 = arith.constant 10 : i32
        %dma_wait3A_302 = arith.constant 1280 : i32
        %dma_wait3A_303 = arith.constant 0 : i32
        %dma_wait3A_304 = tpu.memref_slice %arg8[%dma_wait3A_302, %dma_wait3A_303] : memref<2048x24xf32, #tpu.memory_space<vmem>> -> memref<128x24xf32, #tpu.memory_space<vmem>>
        %dma_wait3A_305 = arith.constant 0 : i32
        %dma_wait3A_306 = tpu.memref_slice %arg7[%dma_wait3A_301, %dma_wait3A_305] : memref<16x128xi32, #tpu.memory_space<vmem>> -> memref<1x128xi32, #tpu.memory_space<vmem>>
        %dma_wait3A_307 = tpu.memref_squeeze %dma_wait3A_306 : memref<1x128xi32, #tpu.memory_space<vmem>> -> memref<128xi32, #tpu.memory_space<vmem>>
        %dma_wait3A_308 = arith.constant 0 : i32
        %dma_wait3A_309 = arith.constant 0 : i32
        %dma_wait3A_310 = tpu.memref_slice %arg9[%dma_wait3A_308, %dma_wait3A_309] : memref<50176x24xf32, #tpu.memory_space<vmem_shared>> -> memref<50176x24xf32, #tpu.memory_space<vmem_shared>>
        tpu.wait_indirect_dma semaphore(%arg10 : memref<!tpu.dma_semaphore, #tpu.memory_space<semaphore_mem>>) src(%dma_wait3A_304 : memref<128x24xf32, #tpu.memory_space<vmem>>) dst(%dma_wait3A_310 : memref<50176x24xf32, #tpu.memory_space<vmem_shared>>)
        %dma_wait3A_311 = arith.constant 11 : i32
        %dma_wait3A_312 = arith.constant 1408 : i32
        %dma_wait3A_313 = arith.constant 0 : i32
        %dma_wait3A_314 = tpu.memref_slice %arg8[%dma_wait3A_312, %dma_wait3A_313] : memref<2048x24xf32, #tpu.memory_space<vmem>> -> memref<128x24xf32, #tpu.memory_space<vmem>>
        %dma_wait3A_315 = arith.constant 0 : i32
        %dma_wait3A_316 = tpu.memref_slice %arg7[%dma_wait3A_311, %dma_wait3A_315] : memref<16x128xi32, #tpu.memory_space<vmem>> -> memref<1x128xi32, #tpu.memory_space<vmem>>
        %dma_wait3A_317 = tpu.memref_squeeze %dma_wait3A_316 : memref<1x128xi32, #tpu.memory_space<vmem>> -> memref<128xi32, #tpu.memory_space<vmem>>
        %dma_wait3A_318 = arith.constant 0 : i32
        %dma_wait3A_319 = arith.constant 0 : i32
        %dma_wait3A_320 = tpu.memref_slice %arg9[%dma_wait3A_318, %dma_wait3A_319] : memref<50176x24xf32, #tpu.memory_space<vmem_shared>> -> memref<50176x24xf32, #tpu.memory_space<vmem_shared>>
        tpu.wait_indirect_dma semaphore(%arg10 : memref<!tpu.dma_semaphore, #tpu.memory_space<semaphore_mem>>) src(%dma_wait3A_314 : memref<128x24xf32, #tpu.memory_space<vmem>>) dst(%dma_wait3A_320 : memref<50176x24xf32, #tpu.memory_space<vmem_shared>>)
        %dma_wait3A_321 = arith.constant 12 : i32
        %dma_wait3A_322 = arith.constant 1536 : i32
        %dma_wait3A_323 = arith.constant 0 : i32
        %dma_wait3A_324 = tpu.memref_slice %arg8[%dma_wait3A_322, %dma_wait3A_323] : memref<2048x24xf32, #tpu.memory_space<vmem>> -> memref<128x24xf32, #tpu.memory_space<vmem>>
        %dma_wait3A_325 = arith.constant 0 : i32
        %dma_wait3A_326 = tpu.memref_slice %arg7[%dma_wait3A_321, %dma_wait3A_325] : memref<16x128xi32, #tpu.memory_space<vmem>> -> memref<1x128xi32, #tpu.memory_space<vmem>>
        %dma_wait3A_327 = tpu.memref_squeeze %dma_wait3A_326 : memref<1x128xi32, #tpu.memory_space<vmem>> -> memref<128xi32, #tpu.memory_space<vmem>>
        %dma_wait3A_328 = arith.constant 0 : i32
        %dma_wait3A_329 = arith.constant 0 : i32
        %dma_wait3A_330 = tpu.memref_slice %arg9[%dma_wait3A_328, %dma_wait3A_329] : memref<50176x24xf32, #tpu.memory_space<vmem_shared>> -> memref<50176x24xf32, #tpu.memory_space<vmem_shared>>
        tpu.wait_indirect_dma semaphore(%arg10 : memref<!tpu.dma_semaphore, #tpu.memory_space<semaphore_mem>>) src(%dma_wait3A_324 : memref<128x24xf32, #tpu.memory_space<vmem>>) dst(%dma_wait3A_330 : memref<50176x24xf32, #tpu.memory_space<vmem_shared>>)
        %dma_wait3A_331 = arith.constant 13 : i32
        %dma_wait3A_332 = arith.constant 1664 : i32
        %dma_wait3A_333 = arith.constant 0 : i32
        %dma_wait3A_334 = tpu.memref_slice %arg8[%dma_wait3A_332, %dma_wait3A_333] : memref<2048x24xf32, #tpu.memory_space<vmem>> -> memref<128x24xf32, #tpu.memory_space<vmem>>
        %dma_wait3A_335 = arith.constant 0 : i32
        %dma_wait3A_336 = tpu.memref_slice %arg7[%dma_wait3A_331, %dma_wait3A_335] : memref<16x128xi32, #tpu.memory_space<vmem>> -> memref<1x128xi32, #tpu.memory_space<vmem>>
        %dma_wait3A_337 = tpu.memref_squeeze %dma_wait3A_336 : memref<1x128xi32, #tpu.memory_space<vmem>> -> memref<128xi32, #tpu.memory_space<vmem>>
        %dma_wait3A_338 = arith.constant 0 : i32
        %dma_wait3A_339 = arith.constant 0 : i32
        %dma_wait3A_340 = tpu.memref_slice %arg9[%dma_wait3A_338, %dma_wait3A_339] : memref<50176x24xf32, #tpu.memory_space<vmem_shared>> -> memref<50176x24xf32, #tpu.memory_space<vmem_shared>>
        tpu.wait_indirect_dma semaphore(%arg10 : memref<!tpu.dma_semaphore, #tpu.memory_space<semaphore_mem>>) src(%dma_wait3A_334 : memref<128x24xf32, #tpu.memory_space<vmem>>) dst(%dma_wait3A_340 : memref<50176x24xf32, #tpu.memory_space<vmem_shared>>)
        %dma_wait3A_341 = arith.constant 14 : i32
        %dma_wait3A_342 = arith.constant 1792 : i32
        %dma_wait3A_343 = arith.constant 0 : i32
        %dma_wait3A_344 = tpu.memref_slice %arg8[%dma_wait3A_342, %dma_wait3A_343] : memref<2048x24xf32, #tpu.memory_space<vmem>> -> memref<128x24xf32, #tpu.memory_space<vmem>>
        %dma_wait3A_345 = arith.constant 0 : i32
        %dma_wait3A_346 = tpu.memref_slice %arg7[%dma_wait3A_341, %dma_wait3A_345] : memref<16x128xi32, #tpu.memory_space<vmem>> -> memref<1x128xi32, #tpu.memory_space<vmem>>
        %dma_wait3A_347 = tpu.memref_squeeze %dma_wait3A_346 : memref<1x128xi32, #tpu.memory_space<vmem>> -> memref<128xi32, #tpu.memory_space<vmem>>
        %dma_wait3A_348 = arith.constant 0 : i32
        %dma_wait3A_349 = arith.constant 0 : i32
        %dma_wait3A_350 = tpu.memref_slice %arg9[%dma_wait3A_348, %dma_wait3A_349] : memref<50176x24xf32, #tpu.memory_space<vmem_shared>> -> memref<50176x24xf32, #tpu.memory_space<vmem_shared>>
        tpu.wait_indirect_dma semaphore(%arg10 : memref<!tpu.dma_semaphore, #tpu.memory_space<semaphore_mem>>) src(%dma_wait3A_344 : memref<128x24xf32, #tpu.memory_space<vmem>>) dst(%dma_wait3A_350 : memref<50176x24xf32, #tpu.memory_space<vmem_shared>>)
        %dma_wait3A_351 = arith.constant 15 : i32
        %dma_wait3A_352 = arith.constant 1920 : i32
        %dma_wait3A_353 = arith.constant 0 : i32
        %dma_wait3A_354 = tpu.memref_slice %arg8[%dma_wait3A_352, %dma_wait3A_353] : memref<2048x24xf32, #tpu.memory_space<vmem>> -> memref<128x24xf32, #tpu.memory_space<vmem>>
        %dma_wait3A_355 = arith.constant 0 : i32
        %dma_wait3A_356 = tpu.memref_slice %arg7[%dma_wait3A_351, %dma_wait3A_355] : memref<16x128xi32, #tpu.memory_space<vmem>> -> memref<1x128xi32, #tpu.memory_space<vmem>>
        %dma_wait3A_357 = tpu.memref_squeeze %dma_wait3A_356 : memref<1x128xi32, #tpu.memory_space<vmem>> -> memref<128xi32, #tpu.memory_space<vmem>>
        %dma_wait3A_358 = arith.constant 0 : i32
        %dma_wait3A_359 = arith.constant 0 : i32
        %dma_wait3A_360 = tpu.memref_slice %arg9[%dma_wait3A_358, %dma_wait3A_359] : memref<50176x24xf32, #tpu.memory_space<vmem_shared>> -> memref<50176x24xf32, #tpu.memory_space<vmem_shared>>
        tpu.wait_indirect_dma semaphore(%arg10 : memref<!tpu.dma_semaphore, #tpu.memory_space<semaphore_mem>>) src(%dma_wait3A_354 : memref<128x24xf32, #tpu.memory_space<vmem>>) dst(%dma_wait3A_360 : memref<50176x24xf32, #tpu.memory_space<vmem_shared>>)
      }
      %while3A_32 = arith.constant 1 : i32
      scf.for %while3A_38 = %while3A_30 to %while3A_26 step %while3A_32  : i32 {
        %mul3A_39 = arith.constant 16 : i32
        %mul3A_40 = arith.muli %while3A_38, %mul3A_39 : i32
        %add3A = arith.addi %mul3A_2, %mul3A_40 : i32
        "tpu.region"() ({
          %run_scoped3A = tpu.sem_alloc : memref<!tpu.dma_semaphore, #tpu.memory_space<semaphore_mem>>
          %dma_start3A_361 = arith.constant 0 : i32
          %dma_start3A_362 = tpu.memref_slice %arg3[%add3A, %dma_start3A_361] : memref<6250x128xi32, #tpu.memory_space<hbm>> -> memref<16x128xi32, #tpu.memory_space<hbm>>
          %dma_start3A_363 = arith.constant 0 : i32
          %dma_start3A_364 = tpu.memref_slice %arg3[%add3A, %dma_start3A_363] : memref<6250x128xi32, #tpu.memory_space<hbm>> -> memref<16x128xi32, #tpu.memory_space<hbm>>
          tpu.enqueue_dma source(%dma_start3A_364 : memref<16x128xi32, #tpu.memory_space<hbm>>) target(%arg7 : memref<16x128xi32, #tpu.memory_space<vmem>>) target_semaphore(%run_scoped3A : memref<!tpu.dma_semaphore, #tpu.memory_space<semaphore_mem>>)
          %dma_wait3A_365 = arith.constant 0 : i32
          %dma_wait3A_366 = tpu.memref_slice %arg3[%add3A, %dma_wait3A_365] : memref<6250x128xi32, #tpu.memory_space<hbm>> -> memref<16x128xi32, #tpu.memory_space<hbm>>
          %dma_wait3A_367 = arith.constant 0 : i32
          %dma_wait3A_368 = tpu.memref_slice %arg3[%add3A, %dma_wait3A_367] : memref<6250x128xi32, #tpu.memory_space<hbm>> -> memref<16x128xi32, #tpu.memory_space<hbm>>
          tpu.wait_dma2 semaphore(%run_scoped3A : memref<!tpu.dma_semaphore, #tpu.memory_space<semaphore_mem>>) src(%dma_wait3A_368 : memref<16x128xi32, #tpu.memory_space<hbm>>) dst(%arg7 : memref<16x128xi32, #tpu.memory_space<vmem>>)
          tpu.yield
        }) : () -> ()
        %mul3A_41 = arith.constant 128 : i32
        %mul3A_42 = arith.muli %add3A, %mul3A_41 : i32
        "tpu.region"() ({
          %run_scoped3A = tpu.sem_alloc : memref<!tpu.dma_semaphore, #tpu.memory_space<semaphore_mem>>
          %dma_start3A_361 = arith.constant 24 : i32
          %dma_start3A_362 = tpu.memref_slice %arg2[%mul3A_42, %dma_start3A_361] : memref<800000x128xf32, #tpu.memory_space<hbm>> -> memref<2048x24xf32, #tpu.memory_space<hbm>>
          %dma_start3A_363 = arith.constant 24 : i32
          %dma_start3A_364 = tpu.memref_slice %arg2[%mul3A_42, %dma_start3A_363] : memref<800000x128xf32, #tpu.memory_space<hbm>> -> memref<2048x24xf32, #tpu.memory_space<hbm>>
          tpu.enqueue_dma source(%dma_start3A_364 : memref<2048x24xf32, #tpu.memory_space<hbm>>) target(%arg8 : memref<2048x24xf32, #tpu.memory_space<vmem>>) target_semaphore(%run_scoped3A : memref<!tpu.dma_semaphore, #tpu.memory_space<semaphore_mem>>)
          %dma_wait3A_365 = arith.constant 24 : i32
          %dma_wait3A_366 = tpu.memref_slice %arg2[%mul3A_42, %dma_wait3A_365] : memref<800000x128xf32, #tpu.memory_space<hbm>> -> memref<2048x24xf32, #tpu.memory_space<hbm>>
          %dma_wait3A_367 = arith.constant 24 : i32
          %dma_wait3A_368 = tpu.memref_slice %arg2[%mul3A_42, %dma_wait3A_367] : memref<800000x128xf32, #tpu.memory_space<hbm>> -> memref<2048x24xf32, #tpu.memory_space<hbm>>
          tpu.wait_dma2 semaphore(%run_scoped3A : memref<!tpu.dma_semaphore, #tpu.memory_space<semaphore_mem>>) src(%dma_wait3A_368 : memref<2048x24xf32, #tpu.memory_space<hbm>>) dst(%arg8 : memref<2048x24xf32, #tpu.memory_space<vmem>>)
          tpu.yield
        }) : () -> ()
        %dma_start3A = arith.constant 0 : i32
        %dma_start3A_43 = arith.constant 0 : i32
        %dma_start3A_44 = arith.constant 0 : i32
        %dma_start3A_45 = tpu.memref_slice %arg8[%dma_start3A_43, %dma_start3A_44] : memref<2048x24xf32, #tpu.memory_space<vmem>> -> memref<128x24xf32, #tpu.memory_space<vmem>>
        %dma_start3A_46 = arith.constant 0 : i32
        %dma_start3A_47 = tpu.memref_slice %arg7[%dma_start3A, %dma_start3A_46] : memref<16x128xi32, #tpu.memory_space<vmem>> -> memref<1x128xi32, #tpu.memory_space<vmem>>
        %dma_start3A_48 = tpu.memref_squeeze %dma_start3A_47 : memref<1x128xi32, #tpu.memory_space<vmem>> -> memref<128xi32, #tpu.memory_space<vmem>>
        %dma_start3A_49 = arith.constant 0 : i32
        %dma_start3A_50 = arith.constant 0 : i32
        %dma_start3A_51 = tpu.memref_slice %arg9[%dma_start3A_49, %dma_start3A_50] : memref<50176x24xf32, #tpu.memory_space<vmem_shared>> -> memref<50176x24xf32, #tpu.memory_space<vmem_shared>>
        tpu.enqueue_indirect_dma source(%dma_start3A_45 : memref<128x24xf32, #tpu.memory_space<vmem>>) target(%dma_start3A_51 : memref<50176x24xf32, #tpu.memory_space<vmem_shared>>) offsets(%dma_start3A_48 : memref<128xi32, #tpu.memory_space<vmem>>) semaphore(%arg10 : memref<!tpu.dma_semaphore, #tpu.memory_space<semaphore_mem>>) {add = true}
        %dma_start3A_52 = arith.constant 1 : i32
        %dma_start3A_53 = arith.constant 128 : i32
        %dma_start3A_54 = arith.constant 0 : i32
        %dma_start3A_55 = tpu.memref_slice %arg8[%dma_start3A_53, %dma_start3A_54] : memref<2048x24xf32, #tpu.memory_space<vmem>> -> memref<128x24xf32, #tpu.memory_space<vmem>>
        %dma_start3A_56 = arith.constant 0 : i32
        %dma_start3A_57 = tpu.memref_slice %arg7[%dma_start3A_52, %dma_start3A_56] : memref<16x128xi32, #tpu.memory_space<vmem>> -> memref<1x128xi32, #tpu.memory_space<vmem>>
        %dma_start3A_58 = tpu.memref_squeeze %dma_start3A_57 : memref<1x128xi32, #tpu.memory_space<vmem>> -> memref<128xi32, #tpu.memory_space<vmem>>
        %dma_start3A_59 = arith.constant 0 : i32
        %dma_start3A_60 = arith.constant 0 : i32
        %dma_start3A_61 = tpu.memref_slice %arg9[%dma_start3A_59, %dma_start3A_60] : memref<50176x24xf32, #tpu.memory_space<vmem_shared>> -> memref<50176x24xf32, #tpu.memory_space<vmem_shared>>
        tpu.enqueue_indirect_dma source(%dma_start3A_55 : memref<128x24xf32, #tpu.memory_space<vmem>>) target(%dma_start3A_61 : memref<50176x24xf32, #tpu.memory_space<vmem_shared>>) offsets(%dma_start3A_58 : memref<128xi32, #tpu.memory_space<vmem>>) semaphore(%arg10 : memref<!tpu.dma_semaphore, #tpu.memory_space<semaphore_mem>>) {add = true}
        %dma_start3A_62 = arith.constant 2 : i32
        %dma_start3A_63 = arith.constant 256 : i32
        %dma_start3A_64 = arith.constant 0 : i32
        %dma_start3A_65 = tpu.memref_slice %arg8[%dma_start3A_63, %dma_start3A_64] : memref<2048x24xf32, #tpu.memory_space<vmem>> -> memref<128x24xf32, #tpu.memory_space<vmem>>
        %dma_start3A_66 = arith.constant 0 : i32
        %dma_start3A_67 = tpu.memref_slice %arg7[%dma_start3A_62, %dma_start3A_66] : memref<16x128xi32, #tpu.memory_space<vmem>> -> memref<1x128xi32, #tpu.memory_space<vmem>>
        %dma_start3A_68 = tpu.memref_squeeze %dma_start3A_67 : memref<1x128xi32, #tpu.memory_space<vmem>> -> memref<128xi32, #tpu.memory_space<vmem>>
        %dma_start3A_69 = arith.constant 0 : i32
        %dma_start3A_70 = arith.constant 0 : i32
        %dma_start3A_71 = tpu.memref_slice %arg9[%dma_start3A_69, %dma_start3A_70] : memref<50176x24xf32, #tpu.memory_space<vmem_shared>> -> memref<50176x24xf32, #tpu.memory_space<vmem_shared>>
        tpu.enqueue_indirect_dma source(%dma_start3A_65 : memref<128x24xf32, #tpu.memory_space<vmem>>) target(%dma_start3A_71 : memref<50176x24xf32, #tpu.memory_space<vmem_shared>>) offsets(%dma_start3A_68 : memref<128xi32, #tpu.memory_space<vmem>>) semaphore(%arg10 : memref<!tpu.dma_semaphore, #tpu.memory_space<semaphore_mem>>) {add = true}
        %dma_start3A_72 = arith.constant 3 : i32
        %dma_start3A_73 = arith.constant 384 : i32
        %dma_start3A_74 = arith.constant 0 : i32
        %dma_start3A_75 = tpu.memref_slice %arg8[%dma_start3A_73, %dma_start3A_74] : memref<2048x24xf32, #tpu.memory_space<vmem>> -> memref<128x24xf32, #tpu.memory_space<vmem>>
        %dma_start3A_76 = arith.constant 0 : i32
        %dma_start3A_77 = tpu.memref_slice %arg7[%dma_start3A_72, %dma_start3A_76] : memref<16x128xi32, #tpu.memory_space<vmem>> -> memref<1x128xi32, #tpu.memory_space<vmem>>
        %dma_start3A_78 = tpu.memref_squeeze %dma_start3A_77 : memref<1x128xi32, #tpu.memory_space<vmem>> -> memref<128xi32, #tpu.memory_space<vmem>>
        %dma_start3A_79 = arith.constant 0 : i32
        %dma_start3A_80 = arith.constant 0 : i32
        %dma_start3A_81 = tpu.memref_slice %arg9[%dma_start3A_79, %dma_start3A_80] : memref<50176x24xf32, #tpu.memory_space<vmem_shared>> -> memref<50176x24xf32, #tpu.memory_space<vmem_shared>>
        tpu.enqueue_indirect_dma source(%dma_start3A_75 : memref<128x24xf32, #tpu.memory_space<vmem>>) target(%dma_start3A_81 : memref<50176x24xf32, #tpu.memory_space<vmem_shared>>) offsets(%dma_start3A_78 : memref<128xi32, #tpu.memory_space<vmem>>) semaphore(%arg10 : memref<!tpu.dma_semaphore, #tpu.memory_space<semaphore_mem>>) {add = true}
        %dma_start3A_82 = arith.constant 4 : i32
        %dma_start3A_83 = arith.constant 512 : i32
        %dma_start3A_84 = arith.constant 0 : i32
        %dma_start3A_85 = tpu.memref_slice %arg8[%dma_start3A_83, %dma_start3A_84] : memref<2048x24xf32, #tpu.memory_space<vmem>> -> memref<128x24xf32, #tpu.memory_space<vmem>>
        %dma_start3A_86 = arith.constant 0 : i32
        %dma_start3A_87 = tpu.memref_slice %arg7[%dma_start3A_82, %dma_start3A_86] : memref<16x128xi32, #tpu.memory_space<vmem>> -> memref<1x128xi32, #tpu.memory_space<vmem>>
        %dma_start3A_88 = tpu.memref_squeeze %dma_start3A_87 : memref<1x128xi32, #tpu.memory_space<vmem>> -> memref<128xi32, #tpu.memory_space<vmem>>
        %dma_start3A_89 = arith.constant 0 : i32
        %dma_start3A_90 = arith.constant 0 : i32
        %dma_start3A_91 = tpu.memref_slice %arg9[%dma_start3A_89, %dma_start3A_90] : memref<50176x24xf32, #tpu.memory_space<vmem_shared>> -> memref<50176x24xf32, #tpu.memory_space<vmem_shared>>
        tpu.enqueue_indirect_dma source(%dma_start3A_85 : memref<128x24xf32, #tpu.memory_space<vmem>>) target(%dma_start3A_91 : memref<50176x24xf32, #tpu.memory_space<vmem_shared>>) offsets(%dma_start3A_88 : memref<128xi32, #tpu.memory_space<vmem>>) semaphore(%arg10 : memref<!tpu.dma_semaphore, #tpu.memory_space<semaphore_mem>>) {add = true}
        %dma_start3A_92 = arith.constant 5 : i32
        %dma_start3A_93 = arith.constant 640 : i32
        %dma_start3A_94 = arith.constant 0 : i32
        %dma_start3A_95 = tpu.memref_slice %arg8[%dma_start3A_93, %dma_start3A_94] : memref<2048x24xf32, #tpu.memory_space<vmem>> -> memref<128x24xf32, #tpu.memory_space<vmem>>
        %dma_start3A_96 = arith.constant 0 : i32
        %dma_start3A_97 = tpu.memref_slice %arg7[%dma_start3A_92, %dma_start3A_96] : memref<16x128xi32, #tpu.memory_space<vmem>> -> memref<1x128xi32, #tpu.memory_space<vmem>>
        %dma_start3A_98 = tpu.memref_squeeze %dma_start3A_97 : memref<1x128xi32, #tpu.memory_space<vmem>> -> memref<128xi32, #tpu.memory_space<vmem>>
        %dma_start3A_99 = arith.constant 0 : i32
        %dma_start3A_100 = arith.constant 0 : i32
        %dma_start3A_101 = tpu.memref_slice %arg9[%dma_start3A_99, %dma_start3A_100] : memref<50176x24xf32, #tpu.memory_space<vmem_shared>> -> memref<50176x24xf32, #tpu.memory_space<vmem_shared>>
        tpu.enqueue_indirect_dma source(%dma_start3A_95 : memref<128x24xf32, #tpu.memory_space<vmem>>) target(%dma_start3A_101 : memref<50176x24xf32, #tpu.memory_space<vmem_shared>>) offsets(%dma_start3A_98 : memref<128xi32, #tpu.memory_space<vmem>>) semaphore(%arg10 : memref<!tpu.dma_semaphore, #tpu.memory_space<semaphore_mem>>) {add = true}
        %dma_start3A_102 = arith.constant 6 : i32
        %dma_start3A_103 = arith.constant 768 : i32
        %dma_start3A_104 = arith.constant 0 : i32
        %dma_start3A_105 = tpu.memref_slice %arg8[%dma_start3A_103, %dma_start3A_104] : memref<2048x24xf32, #tpu.memory_space<vmem>> -> memref<128x24xf32, #tpu.memory_space<vmem>>
        %dma_start3A_106 = arith.constant 0 : i32
        %dma_start3A_107 = tpu.memref_slice %arg7[%dma_start3A_102, %dma_start3A_106] : memref<16x128xi32, #tpu.memory_space<vmem>> -> memref<1x128xi32, #tpu.memory_space<vmem>>
        %dma_start3A_108 = tpu.memref_squeeze %dma_start3A_107 : memref<1x128xi32, #tpu.memory_space<vmem>> -> memref<128xi32, #tpu.memory_space<vmem>>
        %dma_start3A_109 = arith.constant 0 : i32
        %dma_start3A_110 = arith.constant 0 : i32
        %dma_start3A_111 = tpu.memref_slice %arg9[%dma_start3A_109, %dma_start3A_110] : memref<50176x24xf32, #tpu.memory_space<vmem_shared>> -> memref<50176x24xf32, #tpu.memory_space<vmem_shared>>
        tpu.enqueue_indirect_dma source(%dma_start3A_105 : memref<128x24xf32, #tpu.memory_space<vmem>>) target(%dma_start3A_111 : memref<50176x24xf32, #tpu.memory_space<vmem_shared>>) offsets(%dma_start3A_108 : memref<128xi32, #tpu.memory_space<vmem>>) semaphore(%arg10 : memref<!tpu.dma_semaphore, #tpu.memory_space<semaphore_mem>>) {add = true}
        %dma_start3A_112 = arith.constant 7 : i32
        %dma_start3A_113 = arith.constant 896 : i32
        %dma_start3A_114 = arith.constant 0 : i32
        %dma_start3A_115 = tpu.memref_slice %arg8[%dma_start3A_113, %dma_start3A_114] : memref<2048x24xf32, #tpu.memory_space<vmem>> -> memref<128x24xf32, #tpu.memory_space<vmem>>
        %dma_start3A_116 = arith.constant 0 : i32
        %dma_start3A_117 = tpu.memref_slice %arg7[%dma_start3A_112, %dma_start3A_116] : memref<16x128xi32, #tpu.memory_space<vmem>> -> memref<1x128xi32, #tpu.memory_space<vmem>>
        %dma_start3A_118 = tpu.memref_squeeze %dma_start3A_117 : memref<1x128xi32, #tpu.memory_space<vmem>> -> memref<128xi32, #tpu.memory_space<vmem>>
        %dma_start3A_119 = arith.constant 0 : i32
        %dma_start3A_120 = arith.constant 0 : i32
        %dma_start3A_121 = tpu.memref_slice %arg9[%dma_start3A_119, %dma_start3A_120] : memref<50176x24xf32, #tpu.memory_space<vmem_shared>> -> memref<50176x24xf32, #tpu.memory_space<vmem_shared>>
        tpu.enqueue_indirect_dma source(%dma_start3A_115 : memref<128x24xf32, #tpu.memory_space<vmem>>) target(%dma_start3A_121 : memref<50176x24xf32, #tpu.memory_space<vmem_shared>>) offsets(%dma_start3A_118 : memref<128xi32, #tpu.memory_space<vmem>>) semaphore(%arg10 : memref<!tpu.dma_semaphore, #tpu.memory_space<semaphore_mem>>) {add = true}
        %dma_start3A_122 = arith.constant 8 : i32
        %dma_start3A_123 = arith.constant 1024 : i32
        %dma_start3A_124 = arith.constant 0 : i32
        %dma_start3A_125 = tpu.memref_slice %arg8[%dma_start3A_123, %dma_start3A_124] : memref<2048x24xf32, #tpu.memory_space<vmem>> -> memref<128x24xf32, #tpu.memory_space<vmem>>
        %dma_start3A_126 = arith.constant 0 : i32
        %dma_start3A_127 = tpu.memref_slice %arg7[%dma_start3A_122, %dma_start3A_126] : memref<16x128xi32, #tpu.memory_space<vmem>> -> memref<1x128xi32, #tpu.memory_space<vmem>>
        %dma_start3A_128 = tpu.memref_squeeze %dma_start3A_127 : memref<1x128xi32, #tpu.memory_space<vmem>> -> memref<128xi32, #tpu.memory_space<vmem>>
        %dma_start3A_129 = arith.constant 0 : i32
        %dma_start3A_130 = arith.constant 0 : i32
        %dma_start3A_131 = tpu.memref_slice %arg9[%dma_start3A_129, %dma_start3A_130] : memref<50176x24xf32, #tpu.memory_space<vmem_shared>> -> memref<50176x24xf32, #tpu.memory_space<vmem_shared>>
        tpu.enqueue_indirect_dma source(%dma_start3A_125 : memref<128x24xf32, #tpu.memory_space<vmem>>) target(%dma_start3A_131 : memref<50176x24xf32, #tpu.memory_space<vmem_shared>>) offsets(%dma_start3A_128 : memref<128xi32, #tpu.memory_space<vmem>>) semaphore(%arg10 : memref<!tpu.dma_semaphore, #tpu.memory_space<semaphore_mem>>) {add = true}
        %dma_start3A_132 = arith.constant 9 : i32
        %dma_start3A_133 = arith.constant 1152 : i32
        %dma_start3A_134 = arith.constant 0 : i32
        %dma_start3A_135 = tpu.memref_slice %arg8[%dma_start3A_133, %dma_start3A_134] : memref<2048x24xf32, #tpu.memory_space<vmem>> -> memref<128x24xf32, #tpu.memory_space<vmem>>
        %dma_start3A_136 = arith.constant 0 : i32
        %dma_start3A_137 = tpu.memref_slice %arg7[%dma_start3A_132, %dma_start3A_136] : memref<16x128xi32, #tpu.memory_space<vmem>> -> memref<1x128xi32, #tpu.memory_space<vmem>>
        %dma_start3A_138 = tpu.memref_squeeze %dma_start3A_137 : memref<1x128xi32, #tpu.memory_space<vmem>> -> memref<128xi32, #tpu.memory_space<vmem>>
        %dma_start3A_139 = arith.constant 0 : i32
        %dma_start3A_140 = arith.constant 0 : i32
        %dma_start3A_141 = tpu.memref_slice %arg9[%dma_start3A_139, %dma_start3A_140] : memref<50176x24xf32, #tpu.memory_space<vmem_shared>> -> memref<50176x24xf32, #tpu.memory_space<vmem_shared>>
        tpu.enqueue_indirect_dma source(%dma_start3A_135 : memref<128x24xf32, #tpu.memory_space<vmem>>) target(%dma_start3A_141 : memref<50176x24xf32, #tpu.memory_space<vmem_shared>>) offsets(%dma_start3A_138 : memref<128xi32, #tpu.memory_space<vmem>>) semaphore(%arg10 : memref<!tpu.dma_semaphore, #tpu.memory_space<semaphore_mem>>) {add = true}
        %dma_start3A_142 = arith.constant 10 : i32
        %dma_start3A_143 = arith.constant 1280 : i32
        %dma_start3A_144 = arith.constant 0 : i32
        %dma_start3A_145 = tpu.memref_slice %arg8[%dma_start3A_143, %dma_start3A_144] : memref<2048x24xf32, #tpu.memory_space<vmem>> -> memref<128x24xf32, #tpu.memory_space<vmem>>
        %dma_start3A_146 = arith.constant 0 : i32
        %dma_start3A_147 = tpu.memref_slice %arg7[%dma_start3A_142, %dma_start3A_146] : memref<16x128xi32, #tpu.memory_space<vmem>> -> memref<1x128xi32, #tpu.memory_space<vmem>>
        %dma_start3A_148 = tpu.memref_squeeze %dma_start3A_147 : memref<1x128xi32, #tpu.memory_space<vmem>> -> memref<128xi32, #tpu.memory_space<vmem>>
        %dma_start3A_149 = arith.constant 0 : i32
        %dma_start3A_150 = arith.constant 0 : i32
        %dma_start3A_151 = tpu.memref_slice %arg9[%dma_start3A_149, %dma_start3A_150] : memref<50176x24xf32, #tpu.memory_space<vmem_shared>> -> memref<50176x24xf32, #tpu.memory_space<vmem_shared>>
        tpu.enqueue_indirect_dma source(%dma_start3A_145 : memref<128x24xf32, #tpu.memory_space<vmem>>) target(%dma_start3A_151 : memref<50176x24xf32, #tpu.memory_space<vmem_shared>>) offsets(%dma_start3A_148 : memref<128xi32, #tpu.memory_space<vmem>>) semaphore(%arg10 : memref<!tpu.dma_semaphore, #tpu.memory_space<semaphore_mem>>) {add = true}
        %dma_start3A_152 = arith.constant 11 : i32
        %dma_start3A_153 = arith.constant 1408 : i32
        %dma_start3A_154 = arith.constant 0 : i32
        %dma_start3A_155 = tpu.memref_slice %arg8[%dma_start3A_153, %dma_start3A_154] : memref<2048x24xf32, #tpu.memory_space<vmem>> -> memref<128x24xf32, #tpu.memory_space<vmem>>
        %dma_start3A_156 = arith.constant 0 : i32
        %dma_start3A_157 = tpu.memref_slice %arg7[%dma_start3A_152, %dma_start3A_156] : memref<16x128xi32, #tpu.memory_space<vmem>> -> memref<1x128xi32, #tpu.memory_space<vmem>>
        %dma_start3A_158 = tpu.memref_squeeze %dma_start3A_157 : memref<1x128xi32, #tpu.memory_space<vmem>> -> memref<128xi32, #tpu.memory_space<vmem>>
        %dma_start3A_159 = arith.constant 0 : i32
        %dma_start3A_160 = arith.constant 0 : i32
        %dma_start3A_161 = tpu.memref_slice %arg9[%dma_start3A_159, %dma_start3A_160] : memref<50176x24xf32, #tpu.memory_space<vmem_shared>> -> memref<50176x24xf32, #tpu.memory_space<vmem_shared>>
        tpu.enqueue_indirect_dma source(%dma_start3A_155 : memref<128x24xf32, #tpu.memory_space<vmem>>) target(%dma_start3A_161 : memref<50176x24xf32, #tpu.memory_space<vmem_shared>>) offsets(%dma_start3A_158 : memref<128xi32, #tpu.memory_space<vmem>>) semaphore(%arg10 : memref<!tpu.dma_semaphore, #tpu.memory_space<semaphore_mem>>) {add = true}
        %dma_start3A_162 = arith.constant 12 : i32
        %dma_start3A_163 = arith.constant 1536 : i32
        %dma_start3A_164 = arith.constant 0 : i32
        %dma_start3A_165 = tpu.memref_slice %arg8[%dma_start3A_163, %dma_start3A_164] : memref<2048x24xf32, #tpu.memory_space<vmem>> -> memref<128x24xf32, #tpu.memory_space<vmem>>
        %dma_start3A_166 = arith.constant 0 : i32
        %dma_start3A_167 = tpu.memref_slice %arg7[%dma_start3A_162, %dma_start3A_166] : memref<16x128xi32, #tpu.memory_space<vmem>> -> memref<1x128xi32, #tpu.memory_space<vmem>>
        %dma_start3A_168 = tpu.memref_squeeze %dma_start3A_167 : memref<1x128xi32, #tpu.memory_space<vmem>> -> memref<128xi32, #tpu.memory_space<vmem>>
        %dma_start3A_169 = arith.constant 0 : i32
        %dma_start3A_170 = arith.constant 0 : i32
        %dma_start3A_171 = tpu.memref_slice %arg9[%dma_start3A_169, %dma_start3A_170] : memref<50176x24xf32, #tpu.memory_space<vmem_shared>> -> memref<50176x24xf32, #tpu.memory_space<vmem_shared>>
        tpu.enqueue_indirect_dma source(%dma_start3A_165 : memref<128x24xf32, #tpu.memory_space<vmem>>) target(%dma_start3A_171 : memref<50176x24xf32, #tpu.memory_space<vmem_shared>>) offsets(%dma_start3A_168 : memref<128xi32, #tpu.memory_space<vmem>>) semaphore(%arg10 : memref<!tpu.dma_semaphore, #tpu.memory_space<semaphore_mem>>) {add = true}
        %dma_start3A_172 = arith.constant 13 : i32
        %dma_start3A_173 = arith.constant 1664 : i32
        %dma_start3A_174 = arith.constant 0 : i32
        %dma_start3A_175 = tpu.memref_slice %arg8[%dma_start3A_173, %dma_start3A_174] : memref<2048x24xf32, #tpu.memory_space<vmem>> -> memref<128x24xf32, #tpu.memory_space<vmem>>
        %dma_start3A_176 = arith.constant 0 : i32
        %dma_start3A_177 = tpu.memref_slice %arg7[%dma_start3A_172, %dma_start3A_176] : memref<16x128xi32, #tpu.memory_space<vmem>> -> memref<1x128xi32, #tpu.memory_space<vmem>>
        %dma_start3A_178 = tpu.memref_squeeze %dma_start3A_177 : memref<1x128xi32, #tpu.memory_space<vmem>> -> memref<128xi32, #tpu.memory_space<vmem>>
        %dma_start3A_179 = arith.constant 0 : i32
        %dma_start3A_180 = arith.constant 0 : i32
        %dma_start3A_181 = tpu.memref_slice %arg9[%dma_start3A_179, %dma_start3A_180] : memref<50176x24xf32, #tpu.memory_space<vmem_shared>> -> memref<50176x24xf32, #tpu.memory_space<vmem_shared>>
        tpu.enqueue_indirect_dma source(%dma_start3A_175 : memref<128x24xf32, #tpu.memory_space<vmem>>) target(%dma_start3A_181 : memref<50176x24xf32, #tpu.memory_space<vmem_shared>>) offsets(%dma_start3A_178 : memref<128xi32, #tpu.memory_space<vmem>>) semaphore(%arg10 : memref<!tpu.dma_semaphore, #tpu.memory_space<semaphore_mem>>) {add = true}
        %dma_start3A_182 = arith.constant 14 : i32
        %dma_start3A_183 = arith.constant 1792 : i32
        %dma_start3A_184 = arith.constant 0 : i32
        %dma_start3A_185 = tpu.memref_slice %arg8[%dma_start3A_183, %dma_start3A_184] : memref<2048x24xf32, #tpu.memory_space<vmem>> -> memref<128x24xf32, #tpu.memory_space<vmem>>
        %dma_start3A_186 = arith.constant 0 : i32
        %dma_start3A_187 = tpu.memref_slice %arg7[%dma_start3A_182, %dma_start3A_186] : memref<16x128xi32, #tpu.memory_space<vmem>> -> memref<1x128xi32, #tpu.memory_space<vmem>>
        %dma_start3A_188 = tpu.memref_squeeze %dma_start3A_187 : memref<1x128xi32, #tpu.memory_space<vmem>> -> memref<128xi32, #tpu.memory_space<vmem>>
        %dma_start3A_189 = arith.constant 0 : i32
        %dma_start3A_190 = arith.constant 0 : i32
        %dma_start3A_191 = tpu.memref_slice %arg9[%dma_start3A_189, %dma_start3A_190] : memref<50176x24xf32, #tpu.memory_space<vmem_shared>> -> memref<50176x24xf32, #tpu.memory_space<vmem_shared>>
        tpu.enqueue_indirect_dma source(%dma_start3A_185 : memref<128x24xf32, #tpu.memory_space<vmem>>) target(%dma_start3A_191 : memref<50176x24xf32, #tpu.memory_space<vmem_shared>>) offsets(%dma_start3A_188 : memref<128xi32, #tpu.memory_space<vmem>>) semaphore(%arg10 : memref<!tpu.dma_semaphore, #tpu.memory_space<semaphore_mem>>) {add = true}
        %dma_start3A_192 = arith.constant 15 : i32
        %dma_start3A_193 = arith.constant 1920 : i32
        %dma_start3A_194 = arith.constant 0 : i32
        %dma_start3A_195 = tpu.memref_slice %arg8[%dma_start3A_193, %dma_start3A_194] : memref<2048x24xf32, #tpu.memory_space<vmem>> -> memref<128x24xf32, #tpu.memory_space<vmem>>
        %dma_start3A_196 = arith.constant 0 : i32
        %dma_start3A_197 = tpu.memref_slice %arg7[%dma_start3A_192, %dma_start3A_196] : memref<16x128xi32, #tpu.memory_space<vmem>> -> memref<1x128xi32, #tpu.memory_space<vmem>>
        %dma_start3A_198 = tpu.memref_squeeze %dma_start3A_197 : memref<1x128xi32, #tpu.memory_space<vmem>> -> memref<128xi32, #tpu.memory_space<vmem>>
        %dma_start3A_199 = arith.constant 0 : i32
        %dma_start3A_200 = arith.constant 0 : i32
        %dma_start3A_201 = tpu.memref_slice %arg9[%dma_start3A_199, %dma_start3A_200] : memref<50176x24xf32, #tpu.memory_space<vmem_shared>> -> memref<50176x24xf32, #tpu.memory_space<vmem_shared>>
        tpu.enqueue_indirect_dma source(%dma_start3A_195 : memref<128x24xf32, #tpu.memory_space<vmem>>) target(%dma_start3A_201 : memref<50176x24xf32, #tpu.memory_space<vmem_shared>>) offsets(%dma_start3A_198 : memref<128xi32, #tpu.memory_space<vmem>>) semaphore(%arg10 : memref<!tpu.dma_semaphore, #tpu.memory_space<semaphore_mem>>) {add = true}
        %dma_wait3A = arith.constant 0 : i32
        %dma_wait3A_202 = arith.constant 0 : i32
        %dma_wait3A_203 = arith.constant 0 : i32
        %dma_wait3A_204 = tpu.memref_slice %arg8[%dma_wait3A_202, %dma_wait3A_203] : memref<2048x24xf32, #tpu.memory_space<vmem>> -> memref<128x24xf32, #tpu.memory_space<vmem>>
        %dma_wait3A_205 = arith.constant 0 : i32
        %dma_wait3A_206 = tpu.memref_slice %arg7[%dma_wait3A, %dma_wait3A_205] : memref<16x128xi32, #tpu.memory_space<vmem>> -> memref<1x128xi32, #tpu.memory_space<vmem>>
        %dma_wait3A_207 = tpu.memref_squeeze %dma_wait3A_206 : memref<1x128xi32, #tpu.memory_space<vmem>> -> memref<128xi32, #tpu.memory_space<vmem>>
        %dma_wait3A_208 = arith.constant 0 : i32
        %dma_wait3A_209 = arith.constant 0 : i32
        %dma_wait3A_210 = tpu.memref_slice %arg9[%dma_wait3A_208, %dma_wait3A_209] : memref<50176x24xf32, #tpu.memory_space<vmem_shared>> -> memref<50176x24xf32, #tpu.memory_space<vmem_shared>>
        tpu.wait_indirect_dma semaphore(%arg10 : memref<!tpu.dma_semaphore, #tpu.memory_space<semaphore_mem>>) src(%dma_wait3A_204 : memref<128x24xf32, #tpu.memory_space<vmem>>) dst(%dma_wait3A_210 : memref<50176x24xf32, #tpu.memory_space<vmem_shared>>)
        %dma_wait3A_211 = arith.constant 1 : i32
        %dma_wait3A_212 = arith.constant 128 : i32
        %dma_wait3A_213 = arith.constant 0 : i32
        %dma_wait3A_214 = tpu.memref_slice %arg8[%dma_wait3A_212, %dma_wait3A_213] : memref<2048x24xf32, #tpu.memory_space<vmem>> -> memref<128x24xf32, #tpu.memory_space<vmem>>
        %dma_wait3A_215 = arith.constant 0 : i32
        %dma_wait3A_216 = tpu.memref_slice %arg7[%dma_wait3A_211, %dma_wait3A_215] : memref<16x128xi32, #tpu.memory_space<vmem>> -> memref<1x128xi32, #tpu.memory_space<vmem>>
        %dma_wait3A_217 = tpu.memref_squeeze %dma_wait3A_216 : memref<1x128xi32, #tpu.memory_space<vmem>> -> memref<128xi32, #tpu.memory_space<vmem>>
        %dma_wait3A_218 = arith.constant 0 : i32
        %dma_wait3A_219 = arith.constant 0 : i32
        %dma_wait3A_220 = tpu.memref_slice %arg9[%dma_wait3A_218, %dma_wait3A_219] : memref<50176x24xf32, #tpu.memory_space<vmem_shared>> -> memref<50176x24xf32, #tpu.memory_space<vmem_shared>>
        tpu.wait_indirect_dma semaphore(%arg10 : memref<!tpu.dma_semaphore, #tpu.memory_space<semaphore_mem>>) src(%dma_wait3A_214 : memref<128x24xf32, #tpu.memory_space<vmem>>) dst(%dma_wait3A_220 : memref<50176x24xf32, #tpu.memory_space<vmem_shared>>)
        %dma_wait3A_221 = arith.constant 2 : i32
        %dma_wait3A_222 = arith.constant 256 : i32
        %dma_wait3A_223 = arith.constant 0 : i32
        %dma_wait3A_224 = tpu.memref_slice %arg8[%dma_wait3A_222, %dma_wait3A_223] : memref<2048x24xf32, #tpu.memory_space<vmem>> -> memref<128x24xf32, #tpu.memory_space<vmem>>
        %dma_wait3A_225 = arith.constant 0 : i32
        %dma_wait3A_226 = tpu.memref_slice %arg7[%dma_wait3A_221, %dma_wait3A_225] : memref<16x128xi32, #tpu.memory_space<vmem>> -> memref<1x128xi32, #tpu.memory_space<vmem>>
        %dma_wait3A_227 = tpu.memref_squeeze %dma_wait3A_226 : memref<1x128xi32, #tpu.memory_space<vmem>> -> memref<128xi32, #tpu.memory_space<vmem>>
        %dma_wait3A_228 = arith.constant 0 : i32
        %dma_wait3A_229 = arith.constant 0 : i32
        %dma_wait3A_230 = tpu.memref_slice %arg9[%dma_wait3A_228, %dma_wait3A_229] : memref<50176x24xf32, #tpu.memory_space<vmem_shared>> -> memref<50176x24xf32, #tpu.memory_space<vmem_shared>>
        tpu.wait_indirect_dma semaphore(%arg10 : memref<!tpu.dma_semaphore, #tpu.memory_space<semaphore_mem>>) src(%dma_wait3A_224 : memref<128x24xf32, #tpu.memory_space<vmem>>) dst(%dma_wait3A_230 : memref<50176x24xf32, #tpu.memory_space<vmem_shared>>)
        %dma_wait3A_231 = arith.constant 3 : i32
        %dma_wait3A_232 = arith.constant 384 : i32
        %dma_wait3A_233 = arith.constant 0 : i32
        %dma_wait3A_234 = tpu.memref_slice %arg8[%dma_wait3A_232, %dma_wait3A_233] : memref<2048x24xf32, #tpu.memory_space<vmem>> -> memref<128x24xf32, #tpu.memory_space<vmem>>
        %dma_wait3A_235 = arith.constant 0 : i32
        %dma_wait3A_236 = tpu.memref_slice %arg7[%dma_wait3A_231, %dma_wait3A_235] : memref<16x128xi32, #tpu.memory_space<vmem>> -> memref<1x128xi32, #tpu.memory_space<vmem>>
        %dma_wait3A_237 = tpu.memref_squeeze %dma_wait3A_236 : memref<1x128xi32, #tpu.memory_space<vmem>> -> memref<128xi32, #tpu.memory_space<vmem>>
        %dma_wait3A_238 = arith.constant 0 : i32
        %dma_wait3A_239 = arith.constant 0 : i32
        %dma_wait3A_240 = tpu.memref_slice %arg9[%dma_wait3A_238, %dma_wait3A_239] : memref<50176x24xf32, #tpu.memory_space<vmem_shared>> -> memref<50176x24xf32, #tpu.memory_space<vmem_shared>>
        tpu.wait_indirect_dma semaphore(%arg10 : memref<!tpu.dma_semaphore, #tpu.memory_space<semaphore_mem>>) src(%dma_wait3A_234 : memref<128x24xf32, #tpu.memory_space<vmem>>) dst(%dma_wait3A_240 : memref<50176x24xf32, #tpu.memory_space<vmem_shared>>)
        %dma_wait3A_241 = arith.constant 4 : i32
        %dma_wait3A_242 = arith.constant 512 : i32
        %dma_wait3A_243 = arith.constant 0 : i32
        %dma_wait3A_244 = tpu.memref_slice %arg8[%dma_wait3A_242, %dma_wait3A_243] : memref<2048x24xf32, #tpu.memory_space<vmem>> -> memref<128x24xf32, #tpu.memory_space<vmem>>
        %dma_wait3A_245 = arith.constant 0 : i32
        %dma_wait3A_246 = tpu.memref_slice %arg7[%dma_wait3A_241, %dma_wait3A_245] : memref<16x128xi32, #tpu.memory_space<vmem>> -> memref<1x128xi32, #tpu.memory_space<vmem>>
        %dma_wait3A_247 = tpu.memref_squeeze %dma_wait3A_246 : memref<1x128xi32, #tpu.memory_space<vmem>> -> memref<128xi32, #tpu.memory_space<vmem>>
        %dma_wait3A_248 = arith.constant 0 : i32
        %dma_wait3A_249 = arith.constant 0 : i32
        %dma_wait3A_250 = tpu.memref_slice %arg9[%dma_wait3A_248, %dma_wait3A_249] : memref<50176x24xf32, #tpu.memory_space<vmem_shared>> -> memref<50176x24xf32, #tpu.memory_space<vmem_shared>>
        tpu.wait_indirect_dma semaphore(%arg10 : memref<!tpu.dma_semaphore, #tpu.memory_space<semaphore_mem>>) src(%dma_wait3A_244 : memref<128x24xf32, #tpu.memory_space<vmem>>) dst(%dma_wait3A_250 : memref<50176x24xf32, #tpu.memory_space<vmem_shared>>)
        %dma_wait3A_251 = arith.constant 5 : i32
        %dma_wait3A_252 = arith.constant 640 : i32
        %dma_wait3A_253 = arith.constant 0 : i32
        %dma_wait3A_254 = tpu.memref_slice %arg8[%dma_wait3A_252, %dma_wait3A_253] : memref<2048x24xf32, #tpu.memory_space<vmem>> -> memref<128x24xf32, #tpu.memory_space<vmem>>
        %dma_wait3A_255 = arith.constant 0 : i32
        %dma_wait3A_256 = tpu.memref_slice %arg7[%dma_wait3A_251, %dma_wait3A_255] : memref<16x128xi32, #tpu.memory_space<vmem>> -> memref<1x128xi32, #tpu.memory_space<vmem>>
        %dma_wait3A_257 = tpu.memref_squeeze %dma_wait3A_256 : memref<1x128xi32, #tpu.memory_space<vmem>> -> memref<128xi32, #tpu.memory_space<vmem>>
        %dma_wait3A_258 = arith.constant 0 : i32
        %dma_wait3A_259 = arith.constant 0 : i32
        %dma_wait3A_260 = tpu.memref_slice %arg9[%dma_wait3A_258, %dma_wait3A_259] : memref<50176x24xf32, #tpu.memory_space<vmem_shared>> -> memref<50176x24xf32, #tpu.memory_space<vmem_shared>>
        tpu.wait_indirect_dma semaphore(%arg10 : memref<!tpu.dma_semaphore, #tpu.memory_space<semaphore_mem>>) src(%dma_wait3A_254 : memref<128x24xf32, #tpu.memory_space<vmem>>) dst(%dma_wait3A_260 : memref<50176x24xf32, #tpu.memory_space<vmem_shared>>)
        %dma_wait3A_261 = arith.constant 6 : i32
        %dma_wait3A_262 = arith.constant 768 : i32
        %dma_wait3A_263 = arith.constant 0 : i32
        %dma_wait3A_264 = tpu.memref_slice %arg8[%dma_wait3A_262, %dma_wait3A_263] : memref<2048x24xf32, #tpu.memory_space<vmem>> -> memref<128x24xf32, #tpu.memory_space<vmem>>
        %dma_wait3A_265 = arith.constant 0 : i32
        %dma_wait3A_266 = tpu.memref_slice %arg7[%dma_wait3A_261, %dma_wait3A_265] : memref<16x128xi32, #tpu.memory_space<vmem>> -> memref<1x128xi32, #tpu.memory_space<vmem>>
        %dma_wait3A_267 = tpu.memref_squeeze %dma_wait3A_266 : memref<1x128xi32, #tpu.memory_space<vmem>> -> memref<128xi32, #tpu.memory_space<vmem>>
        %dma_wait3A_268 = arith.constant 0 : i32
        %dma_wait3A_269 = arith.constant 0 : i32
        %dma_wait3A_270 = tpu.memref_slice %arg9[%dma_wait3A_268, %dma_wait3A_269] : memref<50176x24xf32, #tpu.memory_space<vmem_shared>> -> memref<50176x24xf32, #tpu.memory_space<vmem_shared>>
        tpu.wait_indirect_dma semaphore(%arg10 : memref<!tpu.dma_semaphore, #tpu.memory_space<semaphore_mem>>) src(%dma_wait3A_264 : memref<128x24xf32, #tpu.memory_space<vmem>>) dst(%dma_wait3A_270 : memref<50176x24xf32, #tpu.memory_space<vmem_shared>>)
        %dma_wait3A_271 = arith.constant 7 : i32
        %dma_wait3A_272 = arith.constant 896 : i32
        %dma_wait3A_273 = arith.constant 0 : i32
        %dma_wait3A_274 = tpu.memref_slice %arg8[%dma_wait3A_272, %dma_wait3A_273] : memref<2048x24xf32, #tpu.memory_space<vmem>> -> memref<128x24xf32, #tpu.memory_space<vmem>>
        %dma_wait3A_275 = arith.constant 0 : i32
        %dma_wait3A_276 = tpu.memref_slice %arg7[%dma_wait3A_271, %dma_wait3A_275] : memref<16x128xi32, #tpu.memory_space<vmem>> -> memref<1x128xi32, #tpu.memory_space<vmem>>
        %dma_wait3A_277 = tpu.memref_squeeze %dma_wait3A_276 : memref<1x128xi32, #tpu.memory_space<vmem>> -> memref<128xi32, #tpu.memory_space<vmem>>
        %dma_wait3A_278 = arith.constant 0 : i32
        %dma_wait3A_279 = arith.constant 0 : i32
        %dma_wait3A_280 = tpu.memref_slice %arg9[%dma_wait3A_278, %dma_wait3A_279] : memref<50176x24xf32, #tpu.memory_space<vmem_shared>> -> memref<50176x24xf32, #tpu.memory_space<vmem_shared>>
        tpu.wait_indirect_dma semaphore(%arg10 : memref<!tpu.dma_semaphore, #tpu.memory_space<semaphore_mem>>) src(%dma_wait3A_274 : memref<128x24xf32, #tpu.memory_space<vmem>>) dst(%dma_wait3A_280 : memref<50176x24xf32, #tpu.memory_space<vmem_shared>>)
        %dma_wait3A_281 = arith.constant 8 : i32
        %dma_wait3A_282 = arith.constant 1024 : i32
        %dma_wait3A_283 = arith.constant 0 : i32
        %dma_wait3A_284 = tpu.memref_slice %arg8[%dma_wait3A_282, %dma_wait3A_283] : memref<2048x24xf32, #tpu.memory_space<vmem>> -> memref<128x24xf32, #tpu.memory_space<vmem>>
        %dma_wait3A_285 = arith.constant 0 : i32
        %dma_wait3A_286 = tpu.memref_slice %arg7[%dma_wait3A_281, %dma_wait3A_285] : memref<16x128xi32, #tpu.memory_space<vmem>> -> memref<1x128xi32, #tpu.memory_space<vmem>>
        %dma_wait3A_287 = tpu.memref_squeeze %dma_wait3A_286 : memref<1x128xi32, #tpu.memory_space<vmem>> -> memref<128xi32, #tpu.memory_space<vmem>>
        %dma_wait3A_288 = arith.constant 0 : i32
        %dma_wait3A_289 = arith.constant 0 : i32
        %dma_wait3A_290 = tpu.memref_slice %arg9[%dma_wait3A_288, %dma_wait3A_289] : memref<50176x24xf32, #tpu.memory_space<vmem_shared>> -> memref<50176x24xf32, #tpu.memory_space<vmem_shared>>
        tpu.wait_indirect_dma semaphore(%arg10 : memref<!tpu.dma_semaphore, #tpu.memory_space<semaphore_mem>>) src(%dma_wait3A_284 : memref<128x24xf32, #tpu.memory_space<vmem>>) dst(%dma_wait3A_290 : memref<50176x24xf32, #tpu.memory_space<vmem_shared>>)
        %dma_wait3A_291 = arith.constant 9 : i32
        %dma_wait3A_292 = arith.constant 1152 : i32
        %dma_wait3A_293 = arith.constant 0 : i32
        %dma_wait3A_294 = tpu.memref_slice %arg8[%dma_wait3A_292, %dma_wait3A_293] : memref<2048x24xf32, #tpu.memory_space<vmem>> -> memref<128x24xf32, #tpu.memory_space<vmem>>
        %dma_wait3A_295 = arith.constant 0 : i32
        %dma_wait3A_296 = tpu.memref_slice %arg7[%dma_wait3A_291, %dma_wait3A_295] : memref<16x128xi32, #tpu.memory_space<vmem>> -> memref<1x128xi32, #tpu.memory_space<vmem>>
        %dma_wait3A_297 = tpu.memref_squeeze %dma_wait3A_296 : memref<1x128xi32, #tpu.memory_space<vmem>> -> memref<128xi32, #tpu.memory_space<vmem>>
        %dma_wait3A_298 = arith.constant 0 : i32
        %dma_wait3A_299 = arith.constant 0 : i32
        %dma_wait3A_300 = tpu.memref_slice %arg9[%dma_wait3A_298, %dma_wait3A_299] : memref<50176x24xf32, #tpu.memory_space<vmem_shared>> -> memref<50176x24xf32, #tpu.memory_space<vmem_shared>>
        tpu.wait_indirect_dma semaphore(%arg10 : memref<!tpu.dma_semaphore, #tpu.memory_space<semaphore_mem>>) src(%dma_wait3A_294 : memref<128x24xf32, #tpu.memory_space<vmem>>) dst(%dma_wait3A_300 : memref<50176x24xf32, #tpu.memory_space<vmem_shared>>)
        %dma_wait3A_301 = arith.constant 10 : i32
        %dma_wait3A_302 = arith.constant 1280 : i32
        %dma_wait3A_303 = arith.constant 0 : i32
        %dma_wait3A_304 = tpu.memref_slice %arg8[%dma_wait3A_302, %dma_wait3A_303] : memref<2048x24xf32, #tpu.memory_space<vmem>> -> memref<128x24xf32, #tpu.memory_space<vmem>>
        %dma_wait3A_305 = arith.constant 0 : i32
        %dma_wait3A_306 = tpu.memref_slice %arg7[%dma_wait3A_301, %dma_wait3A_305] : memref<16x128xi32, #tpu.memory_space<vmem>> -> memref<1x128xi32, #tpu.memory_space<vmem>>
        %dma_wait3A_307 = tpu.memref_squeeze %dma_wait3A_306 : memref<1x128xi32, #tpu.memory_space<vmem>> -> memref<128xi32, #tpu.memory_space<vmem>>
        %dma_wait3A_308 = arith.constant 0 : i32
        %dma_wait3A_309 = arith.constant 0 : i32
        %dma_wait3A_310 = tpu.memref_slice %arg9[%dma_wait3A_308, %dma_wait3A_309] : memref<50176x24xf32, #tpu.memory_space<vmem_shared>> -> memref<50176x24xf32, #tpu.memory_space<vmem_shared>>
        tpu.wait_indirect_dma semaphore(%arg10 : memref<!tpu.dma_semaphore, #tpu.memory_space<semaphore_mem>>) src(%dma_wait3A_304 : memref<128x24xf32, #tpu.memory_space<vmem>>) dst(%dma_wait3A_310 : memref<50176x24xf32, #tpu.memory_space<vmem_shared>>)
        %dma_wait3A_311 = arith.constant 11 : i32
        %dma_wait3A_312 = arith.constant 1408 : i32
        %dma_wait3A_313 = arith.constant 0 : i32
        %dma_wait3A_314 = tpu.memref_slice %arg8[%dma_wait3A_312, %dma_wait3A_313] : memref<2048x24xf32, #tpu.memory_space<vmem>> -> memref<128x24xf32, #tpu.memory_space<vmem>>
        %dma_wait3A_315 = arith.constant 0 : i32
        %dma_wait3A_316 = tpu.memref_slice %arg7[%dma_wait3A_311, %dma_wait3A_315] : memref<16x128xi32, #tpu.memory_space<vmem>> -> memref<1x128xi32, #tpu.memory_space<vmem>>
        %dma_wait3A_317 = tpu.memref_squeeze %dma_wait3A_316 : memref<1x128xi32, #tpu.memory_space<vmem>> -> memref<128xi32, #tpu.memory_space<vmem>>
        %dma_wait3A_318 = arith.constant 0 : i32
        %dma_wait3A_319 = arith.constant 0 : i32
        %dma_wait3A_320 = tpu.memref_slice %arg9[%dma_wait3A_318, %dma_wait3A_319] : memref<50176x24xf32, #tpu.memory_space<vmem_shared>> -> memref<50176x24xf32, #tpu.memory_space<vmem_shared>>
        tpu.wait_indirect_dma semaphore(%arg10 : memref<!tpu.dma_semaphore, #tpu.memory_space<semaphore_mem>>) src(%dma_wait3A_314 : memref<128x24xf32, #tpu.memory_space<vmem>>) dst(%dma_wait3A_320 : memref<50176x24xf32, #tpu.memory_space<vmem_shared>>)
        %dma_wait3A_321 = arith.constant 12 : i32
        %dma_wait3A_322 = arith.constant 1536 : i32
        %dma_wait3A_323 = arith.constant 0 : i32
        %dma_wait3A_324 = tpu.memref_slice %arg8[%dma_wait3A_322, %dma_wait3A_323] : memref<2048x24xf32, #tpu.memory_space<vmem>> -> memref<128x24xf32, #tpu.memory_space<vmem>>
        %dma_wait3A_325 = arith.constant 0 : i32
        %dma_wait3A_326 = tpu.memref_slice %arg7[%dma_wait3A_321, %dma_wait3A_325] : memref<16x128xi32, #tpu.memory_space<vmem>> -> memref<1x128xi32, #tpu.memory_space<vmem>>
        %dma_wait3A_327 = tpu.memref_squeeze %dma_wait3A_326 : memref<1x128xi32, #tpu.memory_space<vmem>> -> memref<128xi32, #tpu.memory_space<vmem>>
        %dma_wait3A_328 = arith.constant 0 : i32
        %dma_wait3A_329 = arith.constant 0 : i32
        %dma_wait3A_330 = tpu.memref_slice %arg9[%dma_wait3A_328, %dma_wait3A_329] : memref<50176x24xf32, #tpu.memory_space<vmem_shared>> -> memref<50176x24xf32, #tpu.memory_space<vmem_shared>>
        tpu.wait_indirect_dma semaphore(%arg10 : memref<!tpu.dma_semaphore, #tpu.memory_space<semaphore_mem>>) src(%dma_wait3A_324 : memref<128x24xf32, #tpu.memory_space<vmem>>) dst(%dma_wait3A_330 : memref<50176x24xf32, #tpu.memory_space<vmem_shared>>)
        %dma_wait3A_331 = arith.constant 13 : i32
        %dma_wait3A_332 = arith.constant 1664 : i32
        %dma_wait3A_333 = arith.constant 0 : i32
        %dma_wait3A_334 = tpu.memref_slice %arg8[%dma_wait3A_332, %dma_wait3A_333] : memref<2048x24xf32, #tpu.memory_space<vmem>> -> memref<128x24xf32, #tpu.memory_space<vmem>>
        %dma_wait3A_335 = arith.constant 0 : i32
        %dma_wait3A_336 = tpu.memref_slice %arg7[%dma_wait3A_331, %dma_wait3A_335] : memref<16x128xi32, #tpu.memory_space<vmem>> -> memref<1x128xi32, #tpu.memory_space<vmem>>
        %dma_wait3A_337 = tpu.memref_squeeze %dma_wait3A_336 : memref<1x128xi32, #tpu.memory_space<vmem>> -> memref<128xi32, #tpu.memory_space<vmem>>
        %dma_wait3A_338 = arith.constant 0 : i32
        %dma_wait3A_339 = arith.constant 0 : i32
        %dma_wait3A_340 = tpu.memref_slice %arg9[%dma_wait3A_338, %dma_wait3A_339] : memref<50176x24xf32, #tpu.memory_space<vmem_shared>> -> memref<50176x24xf32, #tpu.memory_space<vmem_shared>>
        tpu.wait_indirect_dma semaphore(%arg10 : memref<!tpu.dma_semaphore, #tpu.memory_space<semaphore_mem>>) src(%dma_wait3A_334 : memref<128x24xf32, #tpu.memory_space<vmem>>) dst(%dma_wait3A_340 : memref<50176x24xf32, #tpu.memory_space<vmem_shared>>)
        %dma_wait3A_341 = arith.constant 14 : i32
        %dma_wait3A_342 = arith.constant 1792 : i32
        %dma_wait3A_343 = arith.constant 0 : i32
        %dma_wait3A_344 = tpu.memref_slice %arg8[%dma_wait3A_342, %dma_wait3A_343] : memref<2048x24xf32, #tpu.memory_space<vmem>> -> memref<128x24xf32, #tpu.memory_space<vmem>>
        %dma_wait3A_345 = arith.constant 0 : i32
        %dma_wait3A_346 = tpu.memref_slice %arg7[%dma_wait3A_341, %dma_wait3A_345] : memref<16x128xi32, #tpu.memory_space<vmem>> -> memref<1x128xi32, #tpu.memory_space<vmem>>
        %dma_wait3A_347 = tpu.memref_squeeze %dma_wait3A_346 : memref<1x128xi32, #tpu.memory_space<vmem>> -> memref<128xi32, #tpu.memory_space<vmem>>
        %dma_wait3A_348 = arith.constant 0 : i32
        %dma_wait3A_349 = arith.constant 0 : i32
        %dma_wait3A_350 = tpu.memref_slice %arg9[%dma_wait3A_348, %dma_wait3A_349] : memref<50176x24xf32, #tpu.memory_space<vmem_shared>> -> memref<50176x24xf32, #tpu.memory_space<vmem_shared>>
        tpu.wait_indirect_dma semaphore(%arg10 : memref<!tpu.dma_semaphore, #tpu.memory_space<semaphore_mem>>) src(%dma_wait3A_344 : memref<128x24xf32, #tpu.memory_space<vmem>>) dst(%dma_wait3A_350 : memref<50176x24xf32, #tpu.memory_space<vmem_shared>>)
        %dma_wait3A_351 = arith.constant 15 : i32
        %dma_wait3A_352 = arith.constant 1920 : i32
        %dma_wait3A_353 = arith.constant 0 : i32
        %dma_wait3A_354 = tpu.memref_slice %arg8[%dma_wait3A_352, %dma_wait3A_353] : memref<2048x24xf32, #tpu.memory_space<vmem>> -> memref<128x24xf32, #tpu.memory_space<vmem>>
        %dma_wait3A_355 = arith.constant 0 : i32
        %dma_wait3A_356 = tpu.memref_slice %arg7[%dma_wait3A_351, %dma_wait3A_355] : memref<16x128xi32, #tpu.memory_space<vmem>> -> memref<1x128xi32, #tpu.memory_space<vmem>>
        %dma_wait3A_357 = tpu.memref_squeeze %dma_wait3A_356 : memref<1x128xi32, #tpu.memory_space<vmem>> -> memref<128xi32, #tpu.memory_space<vmem>>
        %dma_wait3A_358 = arith.constant 0 : i32
        %dma_wait3A_359 = arith.constant 0 : i32
        %dma_wait3A_360 = tpu.memref_slice %arg9[%dma_wait3A_358, %dma_wait3A_359] : memref<50176x24xf32, #tpu.memory_space<vmem_shared>> -> memref<50176x24xf32, #tpu.memory_space<vmem_shared>>
        tpu.wait_indirect_dma semaphore(%arg10 : memref<!tpu.dma_semaphore, #tpu.memory_space<semaphore_mem>>) src(%dma_wait3A_354 : memref<128x24xf32, #tpu.memory_space<vmem>>) dst(%dma_wait3A_360 : memref<50176x24xf32, #tpu.memory_space<vmem_shared>>)
      }
      %eq3A_33 = arith.constant 15 : i32
      %eq3A_34 = arith.cmpi eq, %arg1, %eq3A_33 : i32
      %convert_element_type3A_35 = arith.extui %eq3A_34 : i1 to i32
      %cond3A_36 = arith.constant 0 : i32
      %cond3A_37 = arith.cmpi ne, %convert_element_type3A_35, %cond3A_36 : i32
      scf.if %cond3A_37 {
        "tpu.region"() ({
          %run_scoped3A = tpu.sem_alloc : memref<!tpu.dma_semaphore, #tpu.memory_space<semaphore_mem>>
          %dma_start3A_236 = arith.constant 0 : i32
          %dma_start3A_237 = arith.constant 0 : i32
          %dma_start3A_238 = tpu.memref_slice %arg7[%dma_start3A_236, %dma_start3A_237] : memref<16x128xi32, #tpu.memory_space<vmem>> -> memref<10x128xi32, #tpu.memory_space<vmem>>
          %dma_start3A_239 = arith.constant 6240 : i32
          %dma_start3A_240 = arith.constant 0 : i32
          %dma_start3A_241 = tpu.memref_slice %arg3[%dma_start3A_239, %dma_start3A_240] : memref<6250x128xi32, #tpu.memory_space<hbm>> -> memref<10x128xi32, #tpu.memory_space<hbm>>
          %dma_start3A_242 = arith.constant 0 : i32
          %dma_start3A_243 = arith.constant 0 : i32
          %dma_start3A_244 = tpu.memref_slice %arg7[%dma_start3A_242, %dma_start3A_243] : memref<16x128xi32, #tpu.memory_space<vmem>> -> memref<10x128xi32, #tpu.memory_space<vmem>>
          %dma_start3A_245 = arith.constant 6240 : i32
          %dma_start3A_246 = arith.constant 0 : i32
          %dma_start3A_247 = tpu.memref_slice %arg3[%dma_start3A_245, %dma_start3A_246] : memref<6250x128xi32, #tpu.memory_space<hbm>> -> memref<10x128xi32, #tpu.memory_space<hbm>>
          tpu.enqueue_dma source(%dma_start3A_247 : memref<10x128xi32, #tpu.memory_space<hbm>>) target(%dma_start3A_244 : memref<10x128xi32, #tpu.memory_space<vmem>>) target_semaphore(%run_scoped3A : memref<!tpu.dma_semaphore, #tpu.memory_space<semaphore_mem>>)
          %dma_wait3A_248 = arith.constant 0 : i32
          %dma_wait3A_249 = arith.constant 0 : i32
          %dma_wait3A_250 = tpu.memref_slice %arg7[%dma_wait3A_248, %dma_wait3A_249] : memref<16x128xi32, #tpu.memory_space<vmem>> -> memref<10x128xi32, #tpu.memory_space<vmem>>
          %dma_wait3A_251 = arith.constant 6240 : i32
          %dma_wait3A_252 = arith.constant 0 : i32
          %dma_wait3A_253 = tpu.memref_slice %arg3[%dma_wait3A_251, %dma_wait3A_252] : memref<6250x128xi32, #tpu.memory_space<hbm>> -> memref<10x128xi32, #tpu.memory_space<hbm>>
          %dma_wait3A_254 = arith.constant 0 : i32
          %dma_wait3A_255 = arith.constant 0 : i32
          %dma_wait3A_256 = tpu.memref_slice %arg7[%dma_wait3A_254, %dma_wait3A_255] : memref<16x128xi32, #tpu.memory_space<vmem>> -> memref<10x128xi32, #tpu.memory_space<vmem>>
          %dma_wait3A_257 = arith.constant 6240 : i32
          %dma_wait3A_258 = arith.constant 0 : i32
          %dma_wait3A_259 = tpu.memref_slice %arg3[%dma_wait3A_257, %dma_wait3A_258] : memref<6250x128xi32, #tpu.memory_space<hbm>> -> memref<10x128xi32, #tpu.memory_space<hbm>>
          tpu.wait_dma2 semaphore(%run_scoped3A : memref<!tpu.dma_semaphore, #tpu.memory_space<semaphore_mem>>) src(%dma_wait3A_259 : memref<10x128xi32, #tpu.memory_space<hbm>>) dst(%dma_wait3A_256 : memref<10x128xi32, #tpu.memory_space<vmem>>)
          tpu.yield
        }) : () -> ()
        "tpu.region"() ({
          %run_scoped3A = tpu.sem_alloc : memref<!tpu.dma_semaphore, #tpu.memory_space<semaphore_mem>>
          %dma_start3A_236 = arith.constant 0 : i32
          %dma_start3A_237 = arith.constant 0 : i32
          %dma_start3A_238 = tpu.memref_slice %arg8[%dma_start3A_236, %dma_start3A_237] : memref<2048x24xf32, #tpu.memory_space<vmem>> -> memref<1280x24xf32, #tpu.memory_space<vmem>>
          %dma_start3A_239 = arith.constant 798720 : i32
          %dma_start3A_240 = arith.constant 24 : i32
          %dma_start3A_241 = tpu.memref_slice %arg2[%dma_start3A_239, %dma_start3A_240] : memref<800000x128xf32, #tpu.memory_space<hbm>> -> memref<1280x24xf32, #tpu.memory_space<hbm>>
          %dma_start3A_242 = arith.constant 0 : i32
          %dma_start3A_243 = arith.constant 0 : i32
          %dma_start3A_244 = tpu.memref_slice %arg8[%dma_start3A_242, %dma_start3A_243] : memref<2048x24xf32, #tpu.memory_space<vmem>> -> memref<1280x24xf32, #tpu.memory_space<vmem>>
          %dma_start3A_245 = arith.constant 798720 : i32
          %dma_start3A_246 = arith.constant 24 : i32
          %dma_start3A_247 = tpu.memref_slice %arg2[%dma_start3A_245, %dma_start3A_246] : memref<800000x128xf32, #tpu.memory_space<hbm>> -> memref<1280x24xf32, #tpu.memory_space<hbm>>
          tpu.enqueue_dma source(%dma_start3A_247 : memref<1280x24xf32, #tpu.memory_space<hbm>>) target(%dma_start3A_244 : memref<1280x24xf32, #tpu.memory_space<vmem>>) target_semaphore(%run_scoped3A : memref<!tpu.dma_semaphore, #tpu.memory_space<semaphore_mem>>)
          %dma_wait3A_248 = arith.constant 0 : i32
          %dma_wait3A_249 = arith.constant 0 : i32
          %dma_wait3A_250 = tpu.memref_slice %arg8[%dma_wait3A_248, %dma_wait3A_249] : memref<2048x24xf32, #tpu.memory_space<vmem>> -> memref<1280x24xf32, #tpu.memory_space<vmem>>
          %dma_wait3A_251 = arith.constant 798720 : i32
          %dma_wait3A_252 = arith.constant 24 : i32
          %dma_wait3A_253 = tpu.memref_slice %arg2[%dma_wait3A_251, %dma_wait3A_252] : memref<800000x128xf32, #tpu.memory_space<hbm>> -> memref<1280x24xf32, #tpu.memory_space<hbm>>
          %dma_wait3A_254 = arith.constant 0 : i32
          %dma_wait3A_255 = arith.constant 0 : i32
          %dma_wait3A_256 = tpu.memref_slice %arg8[%dma_wait3A_254, %dma_wait3A_255] : memref<2048x24xf32, #tpu.memory_space<vmem>> -> memref<1280x24xf32, #tpu.memory_space<vmem>>
          %dma_wait3A_257 = arith.constant 798720 : i32
          %dma_wait3A_258 = arith.constant 24 : i32
          %dma_wait3A_259 = tpu.memref_slice %arg2[%dma_wait3A_257, %dma_wait3A_258] : memref<800000x128xf32, #tpu.memory_space<hbm>> -> memref<1280x24xf32, #tpu.memory_space<hbm>>
          tpu.wait_dma2 semaphore(%run_scoped3A : memref<!tpu.dma_semaphore, #tpu.memory_space<semaphore_mem>>) src(%dma_wait3A_259 : memref<1280x24xf32, #tpu.memory_space<hbm>>) dst(%dma_wait3A_256 : memref<1280x24xf32, #tpu.memory_space<vmem>>)
          tpu.yield
        }) : () -> ()
        %dma_start3A = arith.constant 0 : i32
        %dma_start3A_38 = arith.constant 0 : i32
        %dma_start3A_39 = arith.constant 0 : i32
        %dma_start3A_40 = tpu.memref_slice %arg8[%dma_start3A_38, %dma_start3A_39] : memref<2048x24xf32, #tpu.memory_space<vmem>> -> memref<128x24xf32, #tpu.memory_space<vmem>>
        %dma_start3A_41 = arith.constant 0 : i32
        %dma_start3A_42 = tpu.memref_slice %arg7[%dma_start3A, %dma_start3A_41] : memref<16x128xi32, #tpu.memory_space<vmem>> -> memref<1x128xi32, #tpu.memory_space<vmem>>
        %dma_start3A_43 = tpu.memref_squeeze %dma_start3A_42 : memref<1x128xi32, #tpu.memory_space<vmem>> -> memref<128xi32, #tpu.memory_space<vmem>>
        %dma_start3A_44 = arith.constant 0 : i32
        %dma_start3A_45 = arith.constant 0 : i32
        %dma_start3A_46 = tpu.memref_slice %arg9[%dma_start3A_44, %dma_start3A_45] : memref<50176x24xf32, #tpu.memory_space<vmem_shared>> -> memref<50176x24xf32, #tpu.memory_space<vmem_shared>>
        tpu.enqueue_indirect_dma source(%dma_start3A_40 : memref<128x24xf32, #tpu.memory_space<vmem>>) target(%dma_start3A_46 : memref<50176x24xf32, #tpu.memory_space<vmem_shared>>) offsets(%dma_start3A_43 : memref<128xi32, #tpu.memory_space<vmem>>) semaphore(%arg10 : memref<!tpu.dma_semaphore, #tpu.memory_space<semaphore_mem>>) {add = true}
        %dma_start3A_47 = arith.constant 1 : i32
        %dma_start3A_48 = arith.constant 128 : i32
        %dma_start3A_49 = arith.constant 0 : i32
        %dma_start3A_50 = tpu.memref_slice %arg8[%dma_start3A_48, %dma_start3A_49] : memref<2048x24xf32, #tpu.memory_space<vmem>> -> memref<128x24xf32, #tpu.memory_space<vmem>>
        %dma_start3A_51 = arith.constant 0 : i32
        %dma_start3A_52 = tpu.memref_slice %arg7[%dma_start3A_47, %dma_start3A_51] : memref<16x128xi32, #tpu.memory_space<vmem>> -> memref<1x128xi32, #tpu.memory_space<vmem>>
        %dma_start3A_53 = tpu.memref_squeeze %dma_start3A_52 : memref<1x128xi32, #tpu.memory_space<vmem>> -> memref<128xi32, #tpu.memory_space<vmem>>
        %dma_start3A_54 = arith.constant 0 : i32
        %dma_start3A_55 = arith.constant 0 : i32
        %dma_start3A_56 = tpu.memref_slice %arg9[%dma_start3A_54, %dma_start3A_55] : memref<50176x24xf32, #tpu.memory_space<vmem_shared>> -> memref<50176x24xf32, #tpu.memory_space<vmem_shared>>
        tpu.enqueue_indirect_dma source(%dma_start3A_50 : memref<128x24xf32, #tpu.memory_space<vmem>>) target(%dma_start3A_56 : memref<50176x24xf32, #tpu.memory_space<vmem_shared>>) offsets(%dma_start3A_53 : memref<128xi32, #tpu.memory_space<vmem>>) semaphore(%arg10 : memref<!tpu.dma_semaphore, #tpu.memory_space<semaphore_mem>>) {add = true}
        %dma_start3A_57 = arith.constant 2 : i32
        %dma_start3A_58 = arith.constant 256 : i32
        %dma_start3A_59 = arith.constant 0 : i32
        %dma_start3A_60 = tpu.memref_slice %arg8[%dma_start3A_58, %dma_start3A_59] : memref<2048x24xf32, #tpu.memory_space<vmem>> -> memref<128x24xf32, #tpu.memory_space<vmem>>
        %dma_start3A_61 = arith.constant 0 : i32
        %dma_start3A_62 = tpu.memref_slice %arg7[%dma_start3A_57, %dma_start3A_61] : memref<16x128xi32, #tpu.memory_space<vmem>> -> memref<1x128xi32, #tpu.memory_space<vmem>>
        %dma_start3A_63 = tpu.memref_squeeze %dma_start3A_62 : memref<1x128xi32, #tpu.memory_space<vmem>> -> memref<128xi32, #tpu.memory_space<vmem>>
        %dma_start3A_64 = arith.constant 0 : i32
        %dma_start3A_65 = arith.constant 0 : i32
        %dma_start3A_66 = tpu.memref_slice %arg9[%dma_start3A_64, %dma_start3A_65] : memref<50176x24xf32, #tpu.memory_space<vmem_shared>> -> memref<50176x24xf32, #tpu.memory_space<vmem_shared>>
        tpu.enqueue_indirect_dma source(%dma_start3A_60 : memref<128x24xf32, #tpu.memory_space<vmem>>) target(%dma_start3A_66 : memref<50176x24xf32, #tpu.memory_space<vmem_shared>>) offsets(%dma_start3A_63 : memref<128xi32, #tpu.memory_space<vmem>>) semaphore(%arg10 : memref<!tpu.dma_semaphore, #tpu.memory_space<semaphore_mem>>) {add = true}
        %dma_start3A_67 = arith.constant 3 : i32
        %dma_start3A_68 = arith.constant 384 : i32
        %dma_start3A_69 = arith.constant 0 : i32
        %dma_start3A_70 = tpu.memref_slice %arg8[%dma_start3A_68, %dma_start3A_69] : memref<2048x24xf32, #tpu.memory_space<vmem>> -> memref<128x24xf32, #tpu.memory_space<vmem>>
        %dma_start3A_71 = arith.constant 0 : i32
        %dma_start3A_72 = tpu.memref_slice %arg7[%dma_start3A_67, %dma_start3A_71] : memref<16x128xi32, #tpu.memory_space<vmem>> -> memref<1x128xi32, #tpu.memory_space<vmem>>
        %dma_start3A_73 = tpu.memref_squeeze %dma_start3A_72 : memref<1x128xi32, #tpu.memory_space<vmem>> -> memref<128xi32, #tpu.memory_space<vmem>>
        %dma_start3A_74 = arith.constant 0 : i32
        %dma_start3A_75 = arith.constant 0 : i32
        %dma_start3A_76 = tpu.memref_slice %arg9[%dma_start3A_74, %dma_start3A_75] : memref<50176x24xf32, #tpu.memory_space<vmem_shared>> -> memref<50176x24xf32, #tpu.memory_space<vmem_shared>>
        tpu.enqueue_indirect_dma source(%dma_start3A_70 : memref<128x24xf32, #tpu.memory_space<vmem>>) target(%dma_start3A_76 : memref<50176x24xf32, #tpu.memory_space<vmem_shared>>) offsets(%dma_start3A_73 : memref<128xi32, #tpu.memory_space<vmem>>) semaphore(%arg10 : memref<!tpu.dma_semaphore, #tpu.memory_space<semaphore_mem>>) {add = true}
        %dma_start3A_77 = arith.constant 4 : i32
        %dma_start3A_78 = arith.constant 512 : i32
        %dma_start3A_79 = arith.constant 0 : i32
        %dma_start3A_80 = tpu.memref_slice %arg8[%dma_start3A_78, %dma_start3A_79] : memref<2048x24xf32, #tpu.memory_space<vmem>> -> memref<128x24xf32, #tpu.memory_space<vmem>>
        %dma_start3A_81 = arith.constant 0 : i32
        %dma_start3A_82 = tpu.memref_slice %arg7[%dma_start3A_77, %dma_start3A_81] : memref<16x128xi32, #tpu.memory_space<vmem>> -> memref<1x128xi32, #tpu.memory_space<vmem>>
        %dma_start3A_83 = tpu.memref_squeeze %dma_start3A_82 : memref<1x128xi32, #tpu.memory_space<vmem>> -> memref<128xi32, #tpu.memory_space<vmem>>
        %dma_start3A_84 = arith.constant 0 : i32
        %dma_start3A_85 = arith.constant 0 : i32
        %dma_start3A_86 = tpu.memref_slice %arg9[%dma_start3A_84, %dma_start3A_85] : memref<50176x24xf32, #tpu.memory_space<vmem_shared>> -> memref<50176x24xf32, #tpu.memory_space<vmem_shared>>
        tpu.enqueue_indirect_dma source(%dma_start3A_80 : memref<128x24xf32, #tpu.memory_space<vmem>>) target(%dma_start3A_86 : memref<50176x24xf32, #tpu.memory_space<vmem_shared>>) offsets(%dma_start3A_83 : memref<128xi32, #tpu.memory_space<vmem>>) semaphore(%arg10 : memref<!tpu.dma_semaphore, #tpu.memory_space<semaphore_mem>>) {add = true}
        %dma_start3A_87 = arith.constant 5 : i32
        %dma_start3A_88 = arith.constant 640 : i32
        %dma_start3A_89 = arith.constant 0 : i32
        %dma_start3A_90 = tpu.memref_slice %arg8[%dma_start3A_88, %dma_start3A_89] : memref<2048x24xf32, #tpu.memory_space<vmem>> -> memref<128x24xf32, #tpu.memory_space<vmem>>
        %dma_start3A_91 = arith.constant 0 : i32
        %dma_start3A_92 = tpu.memref_slice %arg7[%dma_start3A_87, %dma_start3A_91] : memref<16x128xi32, #tpu.memory_space<vmem>> -> memref<1x128xi32, #tpu.memory_space<vmem>>
        %dma_start3A_93 = tpu.memref_squeeze %dma_start3A_92 : memref<1x128xi32, #tpu.memory_space<vmem>> -> memref<128xi32, #tpu.memory_space<vmem>>
        %dma_start3A_94 = arith.constant 0 : i32
        %dma_start3A_95 = arith.constant 0 : i32
        %dma_start3A_96 = tpu.memref_slice %arg9[%dma_start3A_94, %dma_start3A_95] : memref<50176x24xf32, #tpu.memory_space<vmem_shared>> -> memref<50176x24xf32, #tpu.memory_space<vmem_shared>>
        tpu.enqueue_indirect_dma source(%dma_start3A_90 : memref<128x24xf32, #tpu.memory_space<vmem>>) target(%dma_start3A_96 : memref<50176x24xf32, #tpu.memory_space<vmem_shared>>) offsets(%dma_start3A_93 : memref<128xi32, #tpu.memory_space<vmem>>) semaphore(%arg10 : memref<!tpu.dma_semaphore, #tpu.memory_space<semaphore_mem>>) {add = true}
        %dma_start3A_97 = arith.constant 6 : i32
        %dma_start3A_98 = arith.constant 768 : i32
        %dma_start3A_99 = arith.constant 0 : i32
        %dma_start3A_100 = tpu.memref_slice %arg8[%dma_start3A_98, %dma_start3A_99] : memref<2048x24xf32, #tpu.memory_space<vmem>> -> memref<128x24xf32, #tpu.memory_space<vmem>>
        %dma_start3A_101 = arith.constant 0 : i32
        %dma_start3A_102 = tpu.memref_slice %arg7[%dma_start3A_97, %dma_start3A_101] : memref<16x128xi32, #tpu.memory_space<vmem>> -> memref<1x128xi32, #tpu.memory_space<vmem>>
        %dma_start3A_103 = tpu.memref_squeeze %dma_start3A_102 : memref<1x128xi32, #tpu.memory_space<vmem>> -> memref<128xi32, #tpu.memory_space<vmem>>
        %dma_start3A_104 = arith.constant 0 : i32
        %dma_start3A_105 = arith.constant 0 : i32
        %dma_start3A_106 = tpu.memref_slice %arg9[%dma_start3A_104, %dma_start3A_105] : memref<50176x24xf32, #tpu.memory_space<vmem_shared>> -> memref<50176x24xf32, #tpu.memory_space<vmem_shared>>
        tpu.enqueue_indirect_dma source(%dma_start3A_100 : memref<128x24xf32, #tpu.memory_space<vmem>>) target(%dma_start3A_106 : memref<50176x24xf32, #tpu.memory_space<vmem_shared>>) offsets(%dma_start3A_103 : memref<128xi32, #tpu.memory_space<vmem>>) semaphore(%arg10 : memref<!tpu.dma_semaphore, #tpu.memory_space<semaphore_mem>>) {add = true}
        %dma_start3A_107 = arith.constant 7 : i32
        %dma_start3A_108 = arith.constant 896 : i32
        %dma_start3A_109 = arith.constant 0 : i32
        %dma_start3A_110 = tpu.memref_slice %arg8[%dma_start3A_108, %dma_start3A_109] : memref<2048x24xf32, #tpu.memory_space<vmem>> -> memref<128x24xf32, #tpu.memory_space<vmem>>
        %dma_start3A_111 = arith.constant 0 : i32
        %dma_start3A_112 = tpu.memref_slice %arg7[%dma_start3A_107, %dma_start3A_111] : memref<16x128xi32, #tpu.memory_space<vmem>> -> memref<1x128xi32, #tpu.memory_space<vmem>>
        %dma_start3A_113 = tpu.memref_squeeze %dma_start3A_112 : memref<1x128xi32, #tpu.memory_space<vmem>> -> memref<128xi32, #tpu.memory_space<vmem>>
        %dma_start3A_114 = arith.constant 0 : i32
        %dma_start3A_115 = arith.constant 0 : i32
        %dma_start3A_116 = tpu.memref_slice %arg9[%dma_start3A_114, %dma_start3A_115] : memref<50176x24xf32, #tpu.memory_space<vmem_shared>> -> memref<50176x24xf32, #tpu.memory_space<vmem_shared>>
        tpu.enqueue_indirect_dma source(%dma_start3A_110 : memref<128x24xf32, #tpu.memory_space<vmem>>) target(%dma_start3A_116 : memref<50176x24xf32, #tpu.memory_space<vmem_shared>>) offsets(%dma_start3A_113 : memref<128xi32, #tpu.memory_space<vmem>>) semaphore(%arg10 : memref<!tpu.dma_semaphore, #tpu.memory_space<semaphore_mem>>) {add = true}
        %dma_start3A_117 = arith.constant 8 : i32
        %dma_start3A_118 = arith.constant 1024 : i32
        %dma_start3A_119 = arith.constant 0 : i32
        %dma_start3A_120 = tpu.memref_slice %arg8[%dma_start3A_118, %dma_start3A_119] : memref<2048x24xf32, #tpu.memory_space<vmem>> -> memref<128x24xf32, #tpu.memory_space<vmem>>
        %dma_start3A_121 = arith.constant 0 : i32
        %dma_start3A_122 = tpu.memref_slice %arg7[%dma_start3A_117, %dma_start3A_121] : memref<16x128xi32, #tpu.memory_space<vmem>> -> memref<1x128xi32, #tpu.memory_space<vmem>>
        %dma_start3A_123 = tpu.memref_squeeze %dma_start3A_122 : memref<1x128xi32, #tpu.memory_space<vmem>> -> memref<128xi32, #tpu.memory_space<vmem>>
        %dma_start3A_124 = arith.constant 0 : i32
        %dma_start3A_125 = arith.constant 0 : i32
        %dma_start3A_126 = tpu.memref_slice %arg9[%dma_start3A_124, %dma_start3A_125] : memref<50176x24xf32, #tpu.memory_space<vmem_shared>> -> memref<50176x24xf32, #tpu.memory_space<vmem_shared>>
        tpu.enqueue_indirect_dma source(%dma_start3A_120 : memref<128x24xf32, #tpu.memory_space<vmem>>) target(%dma_start3A_126 : memref<50176x24xf32, #tpu.memory_space<vmem_shared>>) offsets(%dma_start3A_123 : memref<128xi32, #tpu.memory_space<vmem>>) semaphore(%arg10 : memref<!tpu.dma_semaphore, #tpu.memory_space<semaphore_mem>>) {add = true}
        %dma_start3A_127 = arith.constant 9 : i32
        %dma_start3A_128 = arith.constant 1152 : i32
        %dma_start3A_129 = arith.constant 0 : i32
        %dma_start3A_130 = tpu.memref_slice %arg8[%dma_start3A_128, %dma_start3A_129] : memref<2048x24xf32, #tpu.memory_space<vmem>> -> memref<128x24xf32, #tpu.memory_space<vmem>>
        %dma_start3A_131 = arith.constant 0 : i32
        %dma_start3A_132 = tpu.memref_slice %arg7[%dma_start3A_127, %dma_start3A_131] : memref<16x128xi32, #tpu.memory_space<vmem>> -> memref<1x128xi32, #tpu.memory_space<vmem>>
        %dma_start3A_133 = tpu.memref_squeeze %dma_start3A_132 : memref<1x128xi32, #tpu.memory_space<vmem>> -> memref<128xi32, #tpu.memory_space<vmem>>
        %dma_start3A_134 = arith.constant 0 : i32
        %dma_start3A_135 = arith.constant 0 : i32
        %dma_start3A_136 = tpu.memref_slice %arg9[%dma_start3A_134, %dma_start3A_135] : memref<50176x24xf32, #tpu.memory_space<vmem_shared>> -> memref<50176x24xf32, #tpu.memory_space<vmem_shared>>
        tpu.enqueue_indirect_dma source(%dma_start3A_130 : memref<128x24xf32, #tpu.memory_space<vmem>>) target(%dma_start3A_136 : memref<50176x24xf32, #tpu.memory_space<vmem_shared>>) offsets(%dma_start3A_133 : memref<128xi32, #tpu.memory_space<vmem>>) semaphore(%arg10 : memref<!tpu.dma_semaphore, #tpu.memory_space<semaphore_mem>>) {add = true}
        %dma_wait3A = arith.constant 0 : i32
        %dma_wait3A_137 = arith.constant 0 : i32
        %dma_wait3A_138 = arith.constant 0 : i32
        %dma_wait3A_139 = tpu.memref_slice %arg8[%dma_wait3A_137, %dma_wait3A_138] : memref<2048x24xf32, #tpu.memory_space<vmem>> -> memref<128x24xf32, #tpu.memory_space<vmem>>
        %dma_wait3A_140 = arith.constant 0 : i32
        %dma_wait3A_141 = tpu.memref_slice %arg7[%dma_wait3A, %dma_wait3A_140] : memref<16x128xi32, #tpu.memory_space<vmem>> -> memref<1x128xi32, #tpu.memory_space<vmem>>
        %dma_wait3A_142 = tpu.memref_squeeze %dma_wait3A_141 : memref<1x128xi32, #tpu.memory_space<vmem>> -> memref<128xi32, #tpu.memory_space<vmem>>
        %dma_wait3A_143 = arith.constant 0 : i32
        %dma_wait3A_144 = arith.constant 0 : i32
        %dma_wait3A_145 = tpu.memref_slice %arg9[%dma_wait3A_143, %dma_wait3A_144] : memref<50176x24xf32, #tpu.memory_space<vmem_shared>> -> memref<50176x24xf32, #tpu.memory_space<vmem_shared>>
        tpu.wait_indirect_dma semaphore(%arg10 : memref<!tpu.dma_semaphore, #tpu.memory_space<semaphore_mem>>) src(%dma_wait3A_139 : memref<128x24xf32, #tpu.memory_space<vmem>>) dst(%dma_wait3A_145 : memref<50176x24xf32, #tpu.memory_space<vmem_shared>>)
        %dma_wait3A_146 = arith.constant 1 : i32
        %dma_wait3A_147 = arith.constant 128 : i32
        %dma_wait3A_148 = arith.constant 0 : i32
        %dma_wait3A_149 = tpu.memref_slice %arg8[%dma_wait3A_147, %dma_wait3A_148] : memref<2048x24xf32, #tpu.memory_space<vmem>> -> memref<128x24xf32, #tpu.memory_space<vmem>>
        %dma_wait3A_150 = arith.constant 0 : i32
        %dma_wait3A_151 = tpu.memref_slice %arg7[%dma_wait3A_146, %dma_wait3A_150] : memref<16x128xi32, #tpu.memory_space<vmem>> -> memref<1x128xi32, #tpu.memory_space<vmem>>
        %dma_wait3A_152 = tpu.memref_squeeze %dma_wait3A_151 : memref<1x128xi32, #tpu.memory_space<vmem>> -> memref<128xi32, #tpu.memory_space<vmem>>
        %dma_wait3A_153 = arith.constant 0 : i32
        %dma_wait3A_154 = arith.constant 0 : i32
        %dma_wait3A_155 = tpu.memref_slice %arg9[%dma_wait3A_153, %dma_wait3A_154] : memref<50176x24xf32, #tpu.memory_space<vmem_shared>> -> memref<50176x24xf32, #tpu.memory_space<vmem_shared>>
        tpu.wait_indirect_dma semaphore(%arg10 : memref<!tpu.dma_semaphore, #tpu.memory_space<semaphore_mem>>) src(%dma_wait3A_149 : memref<128x24xf32, #tpu.memory_space<vmem>>) dst(%dma_wait3A_155 : memref<50176x24xf32, #tpu.memory_space<vmem_shared>>)
        %dma_wait3A_156 = arith.constant 2 : i32
        %dma_wait3A_157 = arith.constant 256 : i32
        %dma_wait3A_158 = arith.constant 0 : i32
        %dma_wait3A_159 = tpu.memref_slice %arg8[%dma_wait3A_157, %dma_wait3A_158] : memref<2048x24xf32, #tpu.memory_space<vmem>> -> memref<128x24xf32, #tpu.memory_space<vmem>>
        %dma_wait3A_160 = arith.constant 0 : i32
        %dma_wait3A_161 = tpu.memref_slice %arg7[%dma_wait3A_156, %dma_wait3A_160] : memref<16x128xi32, #tpu.memory_space<vmem>> -> memref<1x128xi32, #tpu.memory_space<vmem>>
        %dma_wait3A_162 = tpu.memref_squeeze %dma_wait3A_161 : memref<1x128xi32, #tpu.memory_space<vmem>> -> memref<128xi32, #tpu.memory_space<vmem>>
        %dma_wait3A_163 = arith.constant 0 : i32
        %dma_wait3A_164 = arith.constant 0 : i32
        %dma_wait3A_165 = tpu.memref_slice %arg9[%dma_wait3A_163, %dma_wait3A_164] : memref<50176x24xf32, #tpu.memory_space<vmem_shared>> -> memref<50176x24xf32, #tpu.memory_space<vmem_shared>>
        tpu.wait_indirect_dma semaphore(%arg10 : memref<!tpu.dma_semaphore, #tpu.memory_space<semaphore_mem>>) src(%dma_wait3A_159 : memref<128x24xf32, #tpu.memory_space<vmem>>) dst(%dma_wait3A_165 : memref<50176x24xf32, #tpu.memory_space<vmem_shared>>)
        %dma_wait3A_166 = arith.constant 3 : i32
        %dma_wait3A_167 = arith.constant 384 : i32
        %dma_wait3A_168 = arith.constant 0 : i32
        %dma_wait3A_169 = tpu.memref_slice %arg8[%dma_wait3A_167, %dma_wait3A_168] : memref<2048x24xf32, #tpu.memory_space<vmem>> -> memref<128x24xf32, #tpu.memory_space<vmem>>
        %dma_wait3A_170 = arith.constant 0 : i32
        %dma_wait3A_171 = tpu.memref_slice %arg7[%dma_wait3A_166, %dma_wait3A_170] : memref<16x128xi32, #tpu.memory_space<vmem>> -> memref<1x128xi32, #tpu.memory_space<vmem>>
        %dma_wait3A_172 = tpu.memref_squeeze %dma_wait3A_171 : memref<1x128xi32, #tpu.memory_space<vmem>> -> memref<128xi32, #tpu.memory_space<vmem>>
        %dma_wait3A_173 = arith.constant 0 : i32
        %dma_wait3A_174 = arith.constant 0 : i32
        %dma_wait3A_175 = tpu.memref_slice %arg9[%dma_wait3A_173, %dma_wait3A_174] : memref<50176x24xf32, #tpu.memory_space<vmem_shared>> -> memref<50176x24xf32, #tpu.memory_space<vmem_shared>>
        tpu.wait_indirect_dma semaphore(%arg10 : memref<!tpu.dma_semaphore, #tpu.memory_space<semaphore_mem>>) src(%dma_wait3A_169 : memref<128x24xf32, #tpu.memory_space<vmem>>) dst(%dma_wait3A_175 : memref<50176x24xf32, #tpu.memory_space<vmem_shared>>)
        %dma_wait3A_176 = arith.constant 4 : i32
        %dma_wait3A_177 = arith.constant 512 : i32
        %dma_wait3A_178 = arith.constant 0 : i32
        %dma_wait3A_179 = tpu.memref_slice %arg8[%dma_wait3A_177, %dma_wait3A_178] : memref<2048x24xf32, #tpu.memory_space<vmem>> -> memref<128x24xf32, #tpu.memory_space<vmem>>
        %dma_wait3A_180 = arith.constant 0 : i32
        %dma_wait3A_181 = tpu.memref_slice %arg7[%dma_wait3A_176, %dma_wait3A_180] : memref<16x128xi32, #tpu.memory_space<vmem>> -> memref<1x128xi32, #tpu.memory_space<vmem>>
        %dma_wait3A_182 = tpu.memref_squeeze %dma_wait3A_181 : memref<1x128xi32, #tpu.memory_space<vmem>> -> memref<128xi32, #tpu.memory_space<vmem>>
        %dma_wait3A_183 = arith.constant 0 : i32
        %dma_wait3A_184 = arith.constant 0 : i32
        %dma_wait3A_185 = tpu.memref_slice %arg9[%dma_wait3A_183, %dma_wait3A_184] : memref<50176x24xf32, #tpu.memory_space<vmem_shared>> -> memref<50176x24xf32, #tpu.memory_space<vmem_shared>>
        tpu.wait_indirect_dma semaphore(%arg10 : memref<!tpu.dma_semaphore, #tpu.memory_space<semaphore_mem>>) src(%dma_wait3A_179 : memref<128x24xf32, #tpu.memory_space<vmem>>) dst(%dma_wait3A_185 : memref<50176x24xf32, #tpu.memory_space<vmem_shared>>)
        %dma_wait3A_186 = arith.constant 5 : i32
        %dma_wait3A_187 = arith.constant 640 : i32
        %dma_wait3A_188 = arith.constant 0 : i32
        %dma_wait3A_189 = tpu.memref_slice %arg8[%dma_wait3A_187, %dma_wait3A_188] : memref<2048x24xf32, #tpu.memory_space<vmem>> -> memref<128x24xf32, #tpu.memory_space<vmem>>
        %dma_wait3A_190 = arith.constant 0 : i32
        %dma_wait3A_191 = tpu.memref_slice %arg7[%dma_wait3A_186, %dma_wait3A_190] : memref<16x128xi32, #tpu.memory_space<vmem>> -> memref<1x128xi32, #tpu.memory_space<vmem>>
        %dma_wait3A_192 = tpu.memref_squeeze %dma_wait3A_191 : memref<1x128xi32, #tpu.memory_space<vmem>> -> memref<128xi32, #tpu.memory_space<vmem>>
        %dma_wait3A_193 = arith.constant 0 : i32
        %dma_wait3A_194 = arith.constant 0 : i32
        %dma_wait3A_195 = tpu.memref_slice %arg9[%dma_wait3A_193, %dma_wait3A_194] : memref<50176x24xf32, #tpu.memory_space<vmem_shared>> -> memref<50176x24xf32, #tpu.memory_space<vmem_shared>>
        tpu.wait_indirect_dma semaphore(%arg10 : memref<!tpu.dma_semaphore, #tpu.memory_space<semaphore_mem>>) src(%dma_wait3A_189 : memref<128x24xf32, #tpu.memory_space<vmem>>) dst(%dma_wait3A_195 : memref<50176x24xf32, #tpu.memory_space<vmem_shared>>)
        %dma_wait3A_196 = arith.constant 6 : i32
        %dma_wait3A_197 = arith.constant 768 : i32
        %dma_wait3A_198 = arith.constant 0 : i32
        %dma_wait3A_199 = tpu.memref_slice %arg8[%dma_wait3A_197, %dma_wait3A_198] : memref<2048x24xf32, #tpu.memory_space<vmem>> -> memref<128x24xf32, #tpu.memory_space<vmem>>
        %dma_wait3A_200 = arith.constant 0 : i32
        %dma_wait3A_201 = tpu.memref_slice %arg7[%dma_wait3A_196, %dma_wait3A_200] : memref<16x128xi32, #tpu.memory_space<vmem>> -> memref<1x128xi32, #tpu.memory_space<vmem>>
        %dma_wait3A_202 = tpu.memref_squeeze %dma_wait3A_201 : memref<1x128xi32, #tpu.memory_space<vmem>> -> memref<128xi32, #tpu.memory_space<vmem>>
        %dma_wait3A_203 = arith.constant 0 : i32
        %dma_wait3A_204 = arith.constant 0 : i32
        %dma_wait3A_205 = tpu.memref_slice %arg9[%dma_wait3A_203, %dma_wait3A_204] : memref<50176x24xf32, #tpu.memory_space<vmem_shared>> -> memref<50176x24xf32, #tpu.memory_space<vmem_shared>>
        tpu.wait_indirect_dma semaphore(%arg10 : memref<!tpu.dma_semaphore, #tpu.memory_space<semaphore_mem>>) src(%dma_wait3A_199 : memref<128x24xf32, #tpu.memory_space<vmem>>) dst(%dma_wait3A_205 : memref<50176x24xf32, #tpu.memory_space<vmem_shared>>)
        %dma_wait3A_206 = arith.constant 7 : i32
        %dma_wait3A_207 = arith.constant 896 : i32
        %dma_wait3A_208 = arith.constant 0 : i32
        %dma_wait3A_209 = tpu.memref_slice %arg8[%dma_wait3A_207, %dma_wait3A_208] : memref<2048x24xf32, #tpu.memory_space<vmem>> -> memref<128x24xf32, #tpu.memory_space<vmem>>
        %dma_wait3A_210 = arith.constant 0 : i32
        %dma_wait3A_211 = tpu.memref_slice %arg7[%dma_wait3A_206, %dma_wait3A_210] : memref<16x128xi32, #tpu.memory_space<vmem>> -> memref<1x128xi32, #tpu.memory_space<vmem>>
        %dma_wait3A_212 = tpu.memref_squeeze %dma_wait3A_211 : memref<1x128xi32, #tpu.memory_space<vmem>> -> memref<128xi32, #tpu.memory_space<vmem>>
        %dma_wait3A_213 = arith.constant 0 : i32
        %dma_wait3A_214 = arith.constant 0 : i32
        %dma_wait3A_215 = tpu.memref_slice %arg9[%dma_wait3A_213, %dma_wait3A_214] : memref<50176x24xf32, #tpu.memory_space<vmem_shared>> -> memref<50176x24xf32, #tpu.memory_space<vmem_shared>>
        tpu.wait_indirect_dma semaphore(%arg10 : memref<!tpu.dma_semaphore, #tpu.memory_space<semaphore_mem>>) src(%dma_wait3A_209 : memref<128x24xf32, #tpu.memory_space<vmem>>) dst(%dma_wait3A_215 : memref<50176x24xf32, #tpu.memory_space<vmem_shared>>)
        %dma_wait3A_216 = arith.constant 8 : i32
        %dma_wait3A_217 = arith.constant 1024 : i32
        %dma_wait3A_218 = arith.constant 0 : i32
        %dma_wait3A_219 = tpu.memref_slice %arg8[%dma_wait3A_217, %dma_wait3A_218] : memref<2048x24xf32, #tpu.memory_space<vmem>> -> memref<128x24xf32, #tpu.memory_space<vmem>>
        %dma_wait3A_220 = arith.constant 0 : i32
        %dma_wait3A_221 = tpu.memref_slice %arg7[%dma_wait3A_216, %dma_wait3A_220] : memref<16x128xi32, #tpu.memory_space<vmem>> -> memref<1x128xi32, #tpu.memory_space<vmem>>
        %dma_wait3A_222 = tpu.memref_squeeze %dma_wait3A_221 : memref<1x128xi32, #tpu.memory_space<vmem>> -> memref<128xi32, #tpu.memory_space<vmem>>
        %dma_wait3A_223 = arith.constant 0 : i32
        %dma_wait3A_224 = arith.constant 0 : i32
        %dma_wait3A_225 = tpu.memref_slice %arg9[%dma_wait3A_223, %dma_wait3A_224] : memref<50176x24xf32, #tpu.memory_space<vmem_shared>> -> memref<50176x24xf32, #tpu.memory_space<vmem_shared>>
        tpu.wait_indirect_dma semaphore(%arg10 : memref<!tpu.dma_semaphore, #tpu.memory_space<semaphore_mem>>) src(%dma_wait3A_219 : memref<128x24xf32, #tpu.memory_space<vmem>>) dst(%dma_wait3A_225 : memref<50176x24xf32, #tpu.memory_space<vmem_shared>>)
        %dma_wait3A_226 = arith.constant 9 : i32
        %dma_wait3A_227 = arith.constant 1152 : i32
        %dma_wait3A_228 = arith.constant 0 : i32
        %dma_wait3A_229 = tpu.memref_slice %arg8[%dma_wait3A_227, %dma_wait3A_228] : memref<2048x24xf32, #tpu.memory_space<vmem>> -> memref<128x24xf32, #tpu.memory_space<vmem>>
        %dma_wait3A_230 = arith.constant 0 : i32
        %dma_wait3A_231 = tpu.memref_slice %arg7[%dma_wait3A_226, %dma_wait3A_230] : memref<16x128xi32, #tpu.memory_space<vmem>> -> memref<1x128xi32, #tpu.memory_space<vmem>>
        %dma_wait3A_232 = tpu.memref_squeeze %dma_wait3A_231 : memref<1x128xi32, #tpu.memory_space<vmem>> -> memref<128xi32, #tpu.memory_space<vmem>>
        %dma_wait3A_233 = arith.constant 0 : i32
        %dma_wait3A_234 = arith.constant 0 : i32
        %dma_wait3A_235 = tpu.memref_slice %arg9[%dma_wait3A_233, %dma_wait3A_234] : memref<50176x24xf32, #tpu.memory_space<vmem_shared>> -> memref<50176x24xf32, #tpu.memory_space<vmem_shared>>
        tpu.wait_indirect_dma semaphore(%arg10 : memref<!tpu.dma_semaphore, #tpu.memory_space<semaphore_mem>>) src(%dma_wait3A_229 : memref<128x24xf32, #tpu.memory_space<vmem>>) dst(%dma_wait3A_235 : memref<50176x24xf32, #tpu.memory_space<vmem_shared>>)
      } else {
      }
    } else {
    }
    %barrier3A_13 = arith.constant 0 : index
    tpu.barrier barrier_id(%barrier3A_13)
    %eq3A_14 = arith.constant 0 : i32
    %eq3A_15 = arith.cmpi eq, %arg0, %eq3A_14 : i32
    %convert_element_type3A_16 = arith.extui %eq3A_15 : i1 to i32
    %cond3A_17 = arith.constant 0 : i32
    %cond3A_18 = arith.cmpi ne, %convert_element_type3A_16, %cond3A_17 : i32
    scf.if %cond3A_18 {
      "tpu.region"() ({
        %run_scoped3A = tpu.sem_alloc : memref<!tpu.dma_semaphore, #tpu.memory_space<semaphore_mem>>
        %dma_start3A = arith.constant 0 : i32
        %dma_start3A_24 = tpu.memref_slice %arg5[%mul3A_0, %dma_start3A] : memref<50176x24xf32, #tpu.memory_space<hbm>> -> memref<3136x24xf32, #tpu.memory_space<hbm>>
        %dma_start3A_25 = arith.constant 0 : i32
        %dma_start3A_26 = tpu.memref_slice %arg9[%mul3A_0, %dma_start3A_25] : memref<50176x24xf32, #tpu.memory_space<vmem_shared>> -> memref<3136x24xf32, #tpu.memory_space<vmem_shared>>
        tpu.enqueue_dma source(%dma_start3A_26 : memref<3136x24xf32, #tpu.memory_space<vmem_shared>>) target(%dma_start3A_24 : memref<3136x24xf32, #tpu.memory_space<hbm>>) target_semaphore(%run_scoped3A : memref<!tpu.dma_semaphore, #tpu.memory_space<semaphore_mem>>)
        %dma_wait3A = arith.constant 0 : i32
        %dma_wait3A_27 = tpu.memref_slice %arg5[%mul3A_0, %dma_wait3A] : memref<50176x24xf32, #tpu.memory_space<hbm>> -> memref<3136x24xf32, #tpu.memory_space<hbm>>
        %dma_wait3A_28 = arith.constant 0 : i32
        %dma_wait3A_29 = tpu.memref_slice %arg9[%mul3A_0, %dma_wait3A_28] : memref<50176x24xf32, #tpu.memory_space<vmem_shared>> -> memref<3136x24xf32, #tpu.memory_space<vmem_shared>>
        tpu.wait_dma2 semaphore(%run_scoped3A : memref<!tpu.dma_semaphore, #tpu.memory_space<semaphore_mem>>) src(%dma_wait3A_29 : memref<3136x24xf32, #tpu.memory_space<vmem_shared>>) dst(%dma_wait3A_27 : memref<3136x24xf32, #tpu.memory_space<hbm>>)
        tpu.yield
      }) : () -> ()
    } else {
    }
    %eq3A_19 = arith.constant 1 : i32
    %eq3A_20 = arith.cmpi eq, %arg0, %eq3A_19 : i32
    %convert_element_type3A_21 = arith.extui %eq3A_20 : i1 to i32
    %cond3A_22 = arith.constant 0 : i32
    %cond3A_23 = arith.cmpi ne, %convert_element_type3A_21, %cond3A_22 : i32
    scf.if %cond3A_23 {
      "tpu.region"() ({
        %run_scoped3A = tpu.sem_alloc : memref<!tpu.dma_semaphore, #tpu.memory_space<semaphore_mem>>
        %dma_start3A = arith.constant 0 : i32
        %dma_start3A_24 = tpu.memref_slice %arg6[%mul3A_0, %dma_start3A] : memref<50176x24xf32, #tpu.memory_space<hbm>> -> memref<3136x24xf32, #tpu.memory_space<hbm>>
        %dma_start3A_25 = arith.constant 0 : i32
        %dma_start3A_26 = tpu.memref_slice %arg9[%mul3A_0, %dma_start3A_25] : memref<50176x24xf32, #tpu.memory_space<vmem_shared>> -> memref<3136x24xf32, #tpu.memory_space<vmem_shared>>
        tpu.enqueue_dma source(%dma_start3A_26 : memref<3136x24xf32, #tpu.memory_space<vmem_shared>>) target(%dma_start3A_24 : memref<3136x24xf32, #tpu.memory_space<hbm>>) target_semaphore(%run_scoped3A : memref<!tpu.dma_semaphore, #tpu.memory_space<semaphore_mem>>)
        %dma_wait3A = arith.constant 0 : i32
        %dma_wait3A_27 = tpu.memref_slice %arg6[%mul3A_0, %dma_wait3A] : memref<50176x24xf32, #tpu.memory_space<hbm>> -> memref<3136x24xf32, #tpu.memory_space<hbm>>
        %dma_wait3A_28 = arith.constant 0 : i32
        %dma_wait3A_29 = tpu.memref_slice %arg9[%mul3A_0, %dma_wait3A_28] : memref<50176x24xf32, #tpu.memory_space<vmem_shared>> -> memref<3136x24xf32, #tpu.memory_space<vmem_shared>>
        tpu.wait_dma2 semaphore(%run_scoped3A : memref<!tpu.dma_semaphore, #tpu.memory_space<semaphore_mem>>) src(%dma_wait3A_29 : memref<3136x24xf32, #tpu.memory_space<vmem_shared>>) dst(%dma_wait3A_27 : memref<3136x24xf32, #tpu.memory_space<hbm>>)
        tpu.yield
      }) : () -> ()
    } else {
    }
    return
  }
}

#map = affine_map<(d0, d1) -> (0, 0)>
module attributes {stable_mosaic.version = 14 : i64} {
  func.func @_sc_gather_body(%arg0: i32, %arg1: i32, %arg2: memref<50000x64xf32, #tpu.memory_space<hbm>>, %arg3: memref<6250x128xi32, #tpu.memory_space<hbm>>, %arg4: memref<800000x128xf32, #tpu.memory_space<hbm>>, %arg5: memref<196x128xi32, #tpu.memory_space<vmem>>, %arg6: memref<640x64xf32, #tpu.memory_space<vmem>>, %arg7: memref<!tpu.dma_semaphore, #tpu.memory_space<semaphore_mem>>) attributes {dimension_semantics = [#tpu.dimension_semantics<core_parallel>, #tpu.dimension_semantics<subcore_parallel>], iteration_bounds = array<i64: 2, 16>, scalar_prefetch = 0 : i64, scratch_operands = 3 : i64, tpu.core_type = #tpu.core_type<sc_vector_subcore>, window_params = [{transform_indices = #map}, {transform_indices = #map}, {transform_indices = #map}]} {
    %mul3A = arith.constant 2 : i32
    %mul3A_0 = arith.muli %arg1, %mul3A : i32
    %add3A = arith.addi %mul3A_0, %arg0 : i32
    %mul3A_1 = arith.constant 195 : i32
    %mul3A_2 = arith.muli %add3A, %mul3A_1 : i32
    "tpu.region"() ({
      %run_scoped3A = tpu.sem_alloc : memref<!tpu.dma_semaphore, #tpu.memory_space<semaphore_mem>>
      %dma_start3A = arith.constant 0 : i32
      %dma_start3A_15 = arith.constant 0 : i32
      %dma_start3A_16 = tpu.memref_slice %arg5[%dma_start3A, %dma_start3A_15] : memref<196x128xi32, #tpu.memory_space<vmem>> -> memref<195x128xi32, #tpu.memory_space<vmem>>
      %dma_start3A_17 = arith.constant 0 : i32
      %dma_start3A_18 = tpu.memref_slice %arg3[%mul3A_2, %dma_start3A_17] : memref<6250x128xi32, #tpu.memory_space<hbm>> -> memref<195x128xi32, #tpu.memory_space<hbm>>
      %dma_start3A_19 = arith.constant 0 : i32
      %dma_start3A_20 = arith.constant 0 : i32
      %dma_start3A_21 = tpu.memref_slice %arg5[%dma_start3A_19, %dma_start3A_20] : memref<196x128xi32, #tpu.memory_space<vmem>> -> memref<195x128xi32, #tpu.memory_space<vmem>>
      %dma_start3A_22 = arith.constant 0 : i32
      %dma_start3A_23 = tpu.memref_slice %arg3[%mul3A_2, %dma_start3A_22] : memref<6250x128xi32, #tpu.memory_space<hbm>> -> memref<195x128xi32, #tpu.memory_space<hbm>>
      tpu.enqueue_dma source(%dma_start3A_23 : memref<195x128xi32, #tpu.memory_space<hbm>>) target(%dma_start3A_21 : memref<195x128xi32, #tpu.memory_space<vmem>>) target_semaphore(%run_scoped3A : memref<!tpu.dma_semaphore, #tpu.memory_space<semaphore_mem>>)
      %dma_wait3A = arith.constant 0 : i32
      %dma_wait3A_24 = arith.constant 0 : i32
      %dma_wait3A_25 = tpu.memref_slice %arg5[%dma_wait3A, %dma_wait3A_24] : memref<196x128xi32, #tpu.memory_space<vmem>> -> memref<195x128xi32, #tpu.memory_space<vmem>>
      %dma_wait3A_26 = arith.constant 0 : i32
      %dma_wait3A_27 = tpu.memref_slice %arg3[%mul3A_2, %dma_wait3A_26] : memref<6250x128xi32, #tpu.memory_space<hbm>> -> memref<195x128xi32, #tpu.memory_space<hbm>>
      %dma_wait3A_28 = arith.constant 0 : i32
      %dma_wait3A_29 = arith.constant 0 : i32
      %dma_wait3A_30 = tpu.memref_slice %arg5[%dma_wait3A_28, %dma_wait3A_29] : memref<196x128xi32, #tpu.memory_space<vmem>> -> memref<195x128xi32, #tpu.memory_space<vmem>>
      %dma_wait3A_31 = arith.constant 0 : i32
      %dma_wait3A_32 = tpu.memref_slice %arg3[%mul3A_2, %dma_wait3A_31] : memref<6250x128xi32, #tpu.memory_space<hbm>> -> memref<195x128xi32, #tpu.memory_space<hbm>>
      tpu.wait_dma2 semaphore(%run_scoped3A : memref<!tpu.dma_semaphore, #tpu.memory_space<semaphore_mem>>) src(%dma_wait3A_32 : memref<195x128xi32, #tpu.memory_space<hbm>>) dst(%dma_wait3A_30 : memref<195x128xi32, #tpu.memory_space<vmem>>)
      tpu.yield
    }) : () -> ()
    %lt3A = arith.constant 10 : i32
    %lt3A_3 = arith.cmpi slt, %add3A, %lt3A : i32
    %convert_element_type3A = arith.extui %lt3A_3 : i1 to i32
    %cond3A = arith.constant 0 : i32
    %cond3A_4 = arith.cmpi ne, %convert_element_type3A, %cond3A : i32
    scf.if %cond3A_4 {
      %add3A_15 = arith.constant 6240 : i32
      %add3A_16 = arith.addi %add3A_15, %add3A : i32
      "tpu.region"() ({
        %run_scoped3A = tpu.sem_alloc : memref<!tpu.dma_semaphore, #tpu.memory_space<semaphore_mem>>
        %dma_start3A = arith.constant 195 : i32
        %dma_start3A_17 = arith.constant 0 : i32
        %dma_start3A_18 = tpu.memref_slice %arg5[%dma_start3A, %dma_start3A_17] : memref<196x128xi32, #tpu.memory_space<vmem>> -> memref<1x128xi32, #tpu.memory_space<vmem>>
        %dma_start3A_19 = arith.constant 0 : i32
        %dma_start3A_20 = tpu.memref_slice %arg3[%add3A_16, %dma_start3A_19] : memref<6250x128xi32, #tpu.memory_space<hbm>> -> memref<1x128xi32, #tpu.memory_space<hbm>>
        %dma_start3A_21 = arith.constant 195 : i32
        %dma_start3A_22 = arith.constant 0 : i32
        %dma_start3A_23 = tpu.memref_slice %arg5[%dma_start3A_21, %dma_start3A_22] : memref<196x128xi32, #tpu.memory_space<vmem>> -> memref<1x128xi32, #tpu.memory_space<vmem>>
        %dma_start3A_24 = arith.constant 0 : i32
        %dma_start3A_25 = tpu.memref_slice %arg3[%add3A_16, %dma_start3A_24] : memref<6250x128xi32, #tpu.memory_space<hbm>> -> memref<1x128xi32, #tpu.memory_space<hbm>>
        tpu.enqueue_dma source(%dma_start3A_25 : memref<1x128xi32, #tpu.memory_space<hbm>>) target(%dma_start3A_23 : memref<1x128xi32, #tpu.memory_space<vmem>>) target_semaphore(%run_scoped3A : memref<!tpu.dma_semaphore, #tpu.memory_space<semaphore_mem>>)
        %dma_wait3A = arith.constant 195 : i32
        %dma_wait3A_26 = arith.constant 0 : i32
        %dma_wait3A_27 = tpu.memref_slice %arg5[%dma_wait3A, %dma_wait3A_26] : memref<196x128xi32, #tpu.memory_space<vmem>> -> memref<1x128xi32, #tpu.memory_space<vmem>>
        %dma_wait3A_28 = arith.constant 0 : i32
        %dma_wait3A_29 = tpu.memref_slice %arg3[%add3A_16, %dma_wait3A_28] : memref<6250x128xi32, #tpu.memory_space<hbm>> -> memref<1x128xi32, #tpu.memory_space<hbm>>
        %dma_wait3A_30 = arith.constant 195 : i32
        %dma_wait3A_31 = arith.constant 0 : i32
        %dma_wait3A_32 = tpu.memref_slice %arg5[%dma_wait3A_30, %dma_wait3A_31] : memref<196x128xi32, #tpu.memory_space<vmem>> -> memref<1x128xi32, #tpu.memory_space<vmem>>
        %dma_wait3A_33 = arith.constant 0 : i32
        %dma_wait3A_34 = tpu.memref_slice %arg3[%add3A_16, %dma_wait3A_33] : memref<6250x128xi32, #tpu.memory_space<hbm>> -> memref<1x128xi32, #tpu.memory_space<hbm>>
        tpu.wait_dma2 semaphore(%run_scoped3A : memref<!tpu.dma_semaphore, #tpu.memory_space<semaphore_mem>>) src(%dma_wait3A_34 : memref<1x128xi32, #tpu.memory_space<hbm>>) dst(%dma_wait3A_32 : memref<1x128xi32, #tpu.memory_space<vmem>>)
        tpu.yield
      }) : () -> ()
    } else {
    }
    %scan3A = arith.constant 0 : i32
    %scan3A_5 = arith.constant 0 : i32
    %scan3A_6 = arith.constant 39 : i32
    %scan3A_7 = arith.addi %scan3A_5, %scan3A_6 : i32
    %scan3A_8 = arith.constant 1 : i32
    scf.for %scan3A_15 = %scan3A_5 to %scan3A_7 step %scan3A_8  : i32 {
      %mul3A_16 = arith.constant 5 : i32
      %mul3A_17 = arith.muli %scan3A_15, %mul3A_16 : i32
      %add3A_18 = arith.constant 0 : i32
      %add3A_19 = arith.addi %mul3A_17, %add3A_18 : i32
      %dma_start3A = arith.constant 0 : i32
      %dma_start3A_20 = arith.constant 0 : i32
      %dma_start3A_21 = tpu.memref_slice %arg6[%dma_start3A, %dma_start3A_20] : memref<640x64xf32, #tpu.memory_space<vmem>> -> memref<128x64xf32, #tpu.memory_space<vmem>>
      %dma_start3A_22 = arith.constant 0 : i32
      %dma_start3A_23 = tpu.memref_slice %arg5[%add3A_19, %dma_start3A_22] : memref<196x128xi32, #tpu.memory_space<vmem>> -> memref<1x128xi32, #tpu.memory_space<vmem>>
      %dma_start3A_24 = tpu.memref_squeeze %dma_start3A_23 : memref<1x128xi32, #tpu.memory_space<vmem>> -> memref<128xi32, #tpu.memory_space<vmem>>
      %dma_start3A_25 = arith.constant 0 : i32
      %dma_start3A_26 = arith.constant 0 : i32
      %dma_start3A_27 = tpu.memref_slice %arg2[%dma_start3A_25, %dma_start3A_26] : memref<50000x64xf32, #tpu.memory_space<hbm>> -> memref<50000x64xf32, #tpu.memory_space<hbm>>
      tpu.enqueue_indirect_dma source(%dma_start3A_27 : memref<50000x64xf32, #tpu.memory_space<hbm>>) target(%dma_start3A_21 : memref<128x64xf32, #tpu.memory_space<vmem>>) offsets(%dma_start3A_24 : memref<128xi32, #tpu.memory_space<vmem>>) semaphore(%arg7 : memref<!tpu.dma_semaphore, #tpu.memory_space<semaphore_mem>>)
      %add3A_28 = arith.constant 1 : i32
      %add3A_29 = arith.addi %mul3A_17, %add3A_28 : i32
      %dma_start3A_30 = arith.constant 128 : i32
      %dma_start3A_31 = arith.constant 0 : i32
      %dma_start3A_32 = tpu.memref_slice %arg6[%dma_start3A_30, %dma_start3A_31] : memref<640x64xf32, #tpu.memory_space<vmem>> -> memref<128x64xf32, #tpu.memory_space<vmem>>
      %dma_start3A_33 = arith.constant 0 : i32
      %dma_start3A_34 = tpu.memref_slice %arg5[%add3A_29, %dma_start3A_33] : memref<196x128xi32, #tpu.memory_space<vmem>> -> memref<1x128xi32, #tpu.memory_space<vmem>>
      %dma_start3A_35 = tpu.memref_squeeze %dma_start3A_34 : memref<1x128xi32, #tpu.memory_space<vmem>> -> memref<128xi32, #tpu.memory_space<vmem>>
      %dma_start3A_36 = arith.constant 0 : i32
      %dma_start3A_37 = arith.constant 0 : i32
      %dma_start3A_38 = tpu.memref_slice %arg2[%dma_start3A_36, %dma_start3A_37] : memref<50000x64xf32, #tpu.memory_space<hbm>> -> memref<50000x64xf32, #tpu.memory_space<hbm>>
      tpu.enqueue_indirect_dma source(%dma_start3A_38 : memref<50000x64xf32, #tpu.memory_space<hbm>>) target(%dma_start3A_32 : memref<128x64xf32, #tpu.memory_space<vmem>>) offsets(%dma_start3A_35 : memref<128xi32, #tpu.memory_space<vmem>>) semaphore(%arg7 : memref<!tpu.dma_semaphore, #tpu.memory_space<semaphore_mem>>)
      %add3A_39 = arith.constant 2 : i32
      %add3A_40 = arith.addi %mul3A_17, %add3A_39 : i32
      %dma_start3A_41 = arith.constant 256 : i32
      %dma_start3A_42 = arith.constant 0 : i32
      %dma_start3A_43 = tpu.memref_slice %arg6[%dma_start3A_41, %dma_start3A_42] : memref<640x64xf32, #tpu.memory_space<vmem>> -> memref<128x64xf32, #tpu.memory_space<vmem>>
      %dma_start3A_44 = arith.constant 0 : i32
      %dma_start3A_45 = tpu.memref_slice %arg5[%add3A_40, %dma_start3A_44] : memref<196x128xi32, #tpu.memory_space<vmem>> -> memref<1x128xi32, #tpu.memory_space<vmem>>
      %dma_start3A_46 = tpu.memref_squeeze %dma_start3A_45 : memref<1x128xi32, #tpu.memory_space<vmem>> -> memref<128xi32, #tpu.memory_space<vmem>>
      %dma_start3A_47 = arith.constant 0 : i32
      %dma_start3A_48 = arith.constant 0 : i32
      %dma_start3A_49 = tpu.memref_slice %arg2[%dma_start3A_47, %dma_start3A_48] : memref<50000x64xf32, #tpu.memory_space<hbm>> -> memref<50000x64xf32, #tpu.memory_space<hbm>>
      tpu.enqueue_indirect_dma source(%dma_start3A_49 : memref<50000x64xf32, #tpu.memory_space<hbm>>) target(%dma_start3A_43 : memref<128x64xf32, #tpu.memory_space<vmem>>) offsets(%dma_start3A_46 : memref<128xi32, #tpu.memory_space<vmem>>) semaphore(%arg7 : memref<!tpu.dma_semaphore, #tpu.memory_space<semaphore_mem>>)
      %add3A_50 = arith.constant 3 : i32
      %add3A_51 = arith.addi %mul3A_17, %add3A_50 : i32
      %dma_start3A_52 = arith.constant 384 : i32
      %dma_start3A_53 = arith.constant 0 : i32
      %dma_start3A_54 = tpu.memref_slice %arg6[%dma_start3A_52, %dma_start3A_53] : memref<640x64xf32, #tpu.memory_space<vmem>> -> memref<128x64xf32, #tpu.memory_space<vmem>>
      %dma_start3A_55 = arith.constant 0 : i32
      %dma_start3A_56 = tpu.memref_slice %arg5[%add3A_51, %dma_start3A_55] : memref<196x128xi32, #tpu.memory_space<vmem>> -> memref<1x128xi32, #tpu.memory_space<vmem>>
      %dma_start3A_57 = tpu.memref_squeeze %dma_start3A_56 : memref<1x128xi32, #tpu.memory_space<vmem>> -> memref<128xi32, #tpu.memory_space<vmem>>
      %dma_start3A_58 = arith.constant 0 : i32
      %dma_start3A_59 = arith.constant 0 : i32
      %dma_start3A_60 = tpu.memref_slice %arg2[%dma_start3A_58, %dma_start3A_59] : memref<50000x64xf32, #tpu.memory_space<hbm>> -> memref<50000x64xf32, #tpu.memory_space<hbm>>
      tpu.enqueue_indirect_dma source(%dma_start3A_60 : memref<50000x64xf32, #tpu.memory_space<hbm>>) target(%dma_start3A_54 : memref<128x64xf32, #tpu.memory_space<vmem>>) offsets(%dma_start3A_57 : memref<128xi32, #tpu.memory_space<vmem>>) semaphore(%arg7 : memref<!tpu.dma_semaphore, #tpu.memory_space<semaphore_mem>>)
      %add3A_61 = arith.constant 4 : i32
      %add3A_62 = arith.addi %mul3A_17, %add3A_61 : i32
      %dma_start3A_63 = arith.constant 512 : i32
      %dma_start3A_64 = arith.constant 0 : i32
      %dma_start3A_65 = tpu.memref_slice %arg6[%dma_start3A_63, %dma_start3A_64] : memref<640x64xf32, #tpu.memory_space<vmem>> -> memref<128x64xf32, #tpu.memory_space<vmem>>
      %dma_start3A_66 = arith.constant 0 : i32
      %dma_start3A_67 = tpu.memref_slice %arg5[%add3A_62, %dma_start3A_66] : memref<196x128xi32, #tpu.memory_space<vmem>> -> memref<1x128xi32, #tpu.memory_space<vmem>>
      %dma_start3A_68 = tpu.memref_squeeze %dma_start3A_67 : memref<1x128xi32, #tpu.memory_space<vmem>> -> memref<128xi32, #tpu.memory_space<vmem>>
      %dma_start3A_69 = arith.constant 0 : i32
      %dma_start3A_70 = arith.constant 0 : i32
      %dma_start3A_71 = tpu.memref_slice %arg2[%dma_start3A_69, %dma_start3A_70] : memref<50000x64xf32, #tpu.memory_space<hbm>> -> memref<50000x64xf32, #tpu.memory_space<hbm>>
      tpu.enqueue_indirect_dma source(%dma_start3A_71 : memref<50000x64xf32, #tpu.memory_space<hbm>>) target(%dma_start3A_65 : memref<128x64xf32, #tpu.memory_space<vmem>>) offsets(%dma_start3A_68 : memref<128xi32, #tpu.memory_space<vmem>>) semaphore(%arg7 : memref<!tpu.dma_semaphore, #tpu.memory_space<semaphore_mem>>)
      %dma_wait3A = arith.constant 0 : i32
      %dma_wait3A_72 = arith.constant 0 : i32
      %dma_wait3A_73 = tpu.memref_slice %arg6[%dma_wait3A, %dma_wait3A_72] : memref<640x64xf32, #tpu.memory_space<vmem>> -> memref<128x64xf32, #tpu.memory_space<vmem>>
      %dma_wait3A_74 = arith.constant 0 : i32
      %dma_wait3A_75 = tpu.memref_slice %arg5[%add3A_19, %dma_wait3A_74] : memref<196x128xi32, #tpu.memory_space<vmem>> -> memref<1x128xi32, #tpu.memory_space<vmem>>
      %dma_wait3A_76 = tpu.memref_squeeze %dma_wait3A_75 : memref<1x128xi32, #tpu.memory_space<vmem>> -> memref<128xi32, #tpu.memory_space<vmem>>
      %dma_wait3A_77 = arith.constant 0 : i32
      %dma_wait3A_78 = arith.constant 0 : i32
      %dma_wait3A_79 = tpu.memref_slice %arg2[%dma_wait3A_77, %dma_wait3A_78] : memref<50000x64xf32, #tpu.memory_space<hbm>> -> memref<50000x64xf32, #tpu.memory_space<hbm>>
      tpu.wait_indirect_dma semaphore(%arg7 : memref<!tpu.dma_semaphore, #tpu.memory_space<semaphore_mem>>) src(%dma_wait3A_79 : memref<50000x64xf32, #tpu.memory_space<hbm>>) dst(%dma_wait3A_73 : memref<128x64xf32, #tpu.memory_space<vmem>>)
      %dma_wait3A_80 = arith.constant 128 : i32
      %dma_wait3A_81 = arith.constant 0 : i32
      %dma_wait3A_82 = tpu.memref_slice %arg6[%dma_wait3A_80, %dma_wait3A_81] : memref<640x64xf32, #tpu.memory_space<vmem>> -> memref<128x64xf32, #tpu.memory_space<vmem>>
      %dma_wait3A_83 = arith.constant 0 : i32
      %dma_wait3A_84 = tpu.memref_slice %arg5[%add3A_29, %dma_wait3A_83] : memref<196x128xi32, #tpu.memory_space<vmem>> -> memref<1x128xi32, #tpu.memory_space<vmem>>
      %dma_wait3A_85 = tpu.memref_squeeze %dma_wait3A_84 : memref<1x128xi32, #tpu.memory_space<vmem>> -> memref<128xi32, #tpu.memory_space<vmem>>
      %dma_wait3A_86 = arith.constant 0 : i32
      %dma_wait3A_87 = arith.constant 0 : i32
      %dma_wait3A_88 = tpu.memref_slice %arg2[%dma_wait3A_86, %dma_wait3A_87] : memref<50000x64xf32, #tpu.memory_space<hbm>> -> memref<50000x64xf32, #tpu.memory_space<hbm>>
      tpu.wait_indirect_dma semaphore(%arg7 : memref<!tpu.dma_semaphore, #tpu.memory_space<semaphore_mem>>) src(%dma_wait3A_88 : memref<50000x64xf32, #tpu.memory_space<hbm>>) dst(%dma_wait3A_82 : memref<128x64xf32, #tpu.memory_space<vmem>>)
      %dma_wait3A_89 = arith.constant 256 : i32
      %dma_wait3A_90 = arith.constant 0 : i32
      %dma_wait3A_91 = tpu.memref_slice %arg6[%dma_wait3A_89, %dma_wait3A_90] : memref<640x64xf32, #tpu.memory_space<vmem>> -> memref<128x64xf32, #tpu.memory_space<vmem>>
      %dma_wait3A_92 = arith.constant 0 : i32
      %dma_wait3A_93 = tpu.memref_slice %arg5[%add3A_40, %dma_wait3A_92] : memref<196x128xi32, #tpu.memory_space<vmem>> -> memref<1x128xi32, #tpu.memory_space<vmem>>
      %dma_wait3A_94 = tpu.memref_squeeze %dma_wait3A_93 : memref<1x128xi32, #tpu.memory_space<vmem>> -> memref<128xi32, #tpu.memory_space<vmem>>
      %dma_wait3A_95 = arith.constant 0 : i32
      %dma_wait3A_96 = arith.constant 0 : i32
      %dma_wait3A_97 = tpu.memref_slice %arg2[%dma_wait3A_95, %dma_wait3A_96] : memref<50000x64xf32, #tpu.memory_space<hbm>> -> memref<50000x64xf32, #tpu.memory_space<hbm>>
      tpu.wait_indirect_dma semaphore(%arg7 : memref<!tpu.dma_semaphore, #tpu.memory_space<semaphore_mem>>) src(%dma_wait3A_97 : memref<50000x64xf32, #tpu.memory_space<hbm>>) dst(%dma_wait3A_91 : memref<128x64xf32, #tpu.memory_space<vmem>>)
      %dma_wait3A_98 = arith.constant 384 : i32
      %dma_wait3A_99 = arith.constant 0 : i32
      %dma_wait3A_100 = tpu.memref_slice %arg6[%dma_wait3A_98, %dma_wait3A_99] : memref<640x64xf32, #tpu.memory_space<vmem>> -> memref<128x64xf32, #tpu.memory_space<vmem>>
      %dma_wait3A_101 = arith.constant 0 : i32
      %dma_wait3A_102 = tpu.memref_slice %arg5[%add3A_51, %dma_wait3A_101] : memref<196x128xi32, #tpu.memory_space<vmem>> -> memref<1x128xi32, #tpu.memory_space<vmem>>
      %dma_wait3A_103 = tpu.memref_squeeze %dma_wait3A_102 : memref<1x128xi32, #tpu.memory_space<vmem>> -> memref<128xi32, #tpu.memory_space<vmem>>
      %dma_wait3A_104 = arith.constant 0 : i32
      %dma_wait3A_105 = arith.constant 0 : i32
      %dma_wait3A_106 = tpu.memref_slice %arg2[%dma_wait3A_104, %dma_wait3A_105] : memref<50000x64xf32, #tpu.memory_space<hbm>> -> memref<50000x64xf32, #tpu.memory_space<hbm>>
      tpu.wait_indirect_dma semaphore(%arg7 : memref<!tpu.dma_semaphore, #tpu.memory_space<semaphore_mem>>) src(%dma_wait3A_106 : memref<50000x64xf32, #tpu.memory_space<hbm>>) dst(%dma_wait3A_100 : memref<128x64xf32, #tpu.memory_space<vmem>>)
      %dma_wait3A_107 = arith.constant 512 : i32
      %dma_wait3A_108 = arith.constant 0 : i32
      %dma_wait3A_109 = tpu.memref_slice %arg6[%dma_wait3A_107, %dma_wait3A_108] : memref<640x64xf32, #tpu.memory_space<vmem>> -> memref<128x64xf32, #tpu.memory_space<vmem>>
      %dma_wait3A_110 = arith.constant 0 : i32
      %dma_wait3A_111 = tpu.memref_slice %arg5[%add3A_62, %dma_wait3A_110] : memref<196x128xi32, #tpu.memory_space<vmem>> -> memref<1x128xi32, #tpu.memory_space<vmem>>
      %dma_wait3A_112 = tpu.memref_squeeze %dma_wait3A_111 : memref<1x128xi32, #tpu.memory_space<vmem>> -> memref<128xi32, #tpu.memory_space<vmem>>
      %dma_wait3A_113 = arith.constant 0 : i32
      %dma_wait3A_114 = arith.constant 0 : i32
      %dma_wait3A_115 = tpu.memref_slice %arg2[%dma_wait3A_113, %dma_wait3A_114] : memref<50000x64xf32, #tpu.memory_space<hbm>> -> memref<50000x64xf32, #tpu.memory_space<hbm>>
      tpu.wait_indirect_dma semaphore(%arg7 : memref<!tpu.dma_semaphore, #tpu.memory_space<semaphore_mem>>) src(%dma_wait3A_115 : memref<50000x64xf32, #tpu.memory_space<hbm>>) dst(%dma_wait3A_109 : memref<128x64xf32, #tpu.memory_space<vmem>>)
      %add3A_116 = arith.addi %mul3A_2, %mul3A_17 : i32
      %mul3A_117 = arith.constant 128 : i32
      %mul3A_118 = arith.muli %add3A_116, %mul3A_117 : i32
      "tpu.region"() ({
        %run_scoped3A = tpu.sem_alloc : memref<!tpu.dma_semaphore, #tpu.memory_space<semaphore_mem>>
        %dma_start3A_119 = arith.constant 0 : i32
        %dma_start3A_120 = arith.constant 0 : i32
        %dma_start3A_121 = tpu.memref_slice %arg6[%dma_start3A_119, %dma_start3A_120] : memref<640x64xf32, #tpu.memory_space<vmem>> -> memref<640x48xf32, #tpu.memory_space<vmem>>
        %dma_start3A_122 = arith.constant 0 : i32
        %dma_start3A_123 = tpu.memref_slice %arg4[%mul3A_118, %dma_start3A_122] : memref<800000x128xf32, #tpu.memory_space<hbm>> -> memref<640x48xf32, #tpu.memory_space<hbm>>
        %dma_start3A_124 = arith.constant 0 : i32
        %dma_start3A_125 = tpu.memref_slice %arg4[%mul3A_118, %dma_start3A_124] : memref<800000x128xf32, #tpu.memory_space<hbm>> -> memref<640x48xf32, #tpu.memory_space<hbm>>
        %dma_start3A_126 = arith.constant 0 : i32
        %dma_start3A_127 = arith.constant 0 : i32
        %dma_start3A_128 = tpu.memref_slice %arg6[%dma_start3A_126, %dma_start3A_127] : memref<640x64xf32, #tpu.memory_space<vmem>> -> memref<640x48xf32, #tpu.memory_space<vmem>>
        tpu.enqueue_dma source(%dma_start3A_128 : memref<640x48xf32, #tpu.memory_space<vmem>>) target(%dma_start3A_125 : memref<640x48xf32, #tpu.memory_space<hbm>>) target_semaphore(%run_scoped3A : memref<!tpu.dma_semaphore, #tpu.memory_space<semaphore_mem>>)
        %dma_wait3A_129 = arith.constant 0 : i32
        %dma_wait3A_130 = arith.constant 0 : i32
        %dma_wait3A_131 = tpu.memref_slice %arg6[%dma_wait3A_129, %dma_wait3A_130] : memref<640x64xf32, #tpu.memory_space<vmem>> -> memref<640x48xf32, #tpu.memory_space<vmem>>
        %dma_wait3A_132 = arith.constant 0 : i32
        %dma_wait3A_133 = tpu.memref_slice %arg4[%mul3A_118, %dma_wait3A_132] : memref<800000x128xf32, #tpu.memory_space<hbm>> -> memref<640x48xf32, #tpu.memory_space<hbm>>
        %dma_wait3A_134 = arith.constant 0 : i32
        %dma_wait3A_135 = tpu.memref_slice %arg4[%mul3A_118, %dma_wait3A_134] : memref<800000x128xf32, #tpu.memory_space<hbm>> -> memref<640x48xf32, #tpu.memory_space<hbm>>
        %dma_wait3A_136 = arith.constant 0 : i32
        %dma_wait3A_137 = arith.constant 0 : i32
        %dma_wait3A_138 = tpu.memref_slice %arg6[%dma_wait3A_136, %dma_wait3A_137] : memref<640x64xf32, #tpu.memory_space<vmem>> -> memref<640x48xf32, #tpu.memory_space<vmem>>
        tpu.wait_dma2 semaphore(%run_scoped3A : memref<!tpu.dma_semaphore, #tpu.memory_space<semaphore_mem>>) src(%dma_wait3A_138 : memref<640x48xf32, #tpu.memory_space<vmem>>) dst(%dma_wait3A_135 : memref<640x48xf32, #tpu.memory_space<hbm>>)
        tpu.yield
      }) : () -> ()
    }
    %scan3A_9 = arith.constant 39 : i32
    %lt3A_10 = arith.constant 10 : i32
    %lt3A_11 = arith.cmpi slt, %add3A, %lt3A_10 : i32
    %convert_element_type3A_12 = arith.extui %lt3A_11 : i1 to i32
    %cond3A_13 = arith.constant 0 : i32
    %cond3A_14 = arith.cmpi ne, %convert_element_type3A_12, %cond3A_13 : i32
    scf.if %cond3A_14 {
      %dma_start3A = arith.constant 195 : i32
      %dma_start3A_15 = arith.constant 0 : i32
      %dma_start3A_16 = arith.constant 0 : i32
      %dma_start3A_17 = tpu.memref_slice %arg6[%dma_start3A_15, %dma_start3A_16] : memref<640x64xf32, #tpu.memory_space<vmem>> -> memref<128x64xf32, #tpu.memory_space<vmem>>
      %dma_start3A_18 = arith.constant 0 : i32
      %dma_start3A_19 = tpu.memref_slice %arg5[%dma_start3A, %dma_start3A_18] : memref<196x128xi32, #tpu.memory_space<vmem>> -> memref<1x128xi32, #tpu.memory_space<vmem>>
      %dma_start3A_20 = tpu.memref_squeeze %dma_start3A_19 : memref<1x128xi32, #tpu.memory_space<vmem>> -> memref<128xi32, #tpu.memory_space<vmem>>
      %dma_start3A_21 = arith.constant 0 : i32
      %dma_start3A_22 = arith.constant 0 : i32
      %dma_start3A_23 = tpu.memref_slice %arg2[%dma_start3A_21, %dma_start3A_22] : memref<50000x64xf32, #tpu.memory_space<hbm>> -> memref<50000x64xf32, #tpu.memory_space<hbm>>
      tpu.enqueue_indirect_dma source(%dma_start3A_23 : memref<50000x64xf32, #tpu.memory_space<hbm>>) target(%dma_start3A_17 : memref<128x64xf32, #tpu.memory_space<vmem>>) offsets(%dma_start3A_20 : memref<128xi32, #tpu.memory_space<vmem>>) semaphore(%arg7 : memref<!tpu.dma_semaphore, #tpu.memory_space<semaphore_mem>>)
      %dma_wait3A = arith.constant 195 : i32
      %dma_wait3A_24 = arith.constant 0 : i32
      %dma_wait3A_25 = arith.constant 0 : i32
      %dma_wait3A_26 = tpu.memref_slice %arg6[%dma_wait3A_24, %dma_wait3A_25] : memref<640x64xf32, #tpu.memory_space<vmem>> -> memref<128x64xf32, #tpu.memory_space<vmem>>
      %dma_wait3A_27 = arith.constant 0 : i32
      %dma_wait3A_28 = tpu.memref_slice %arg5[%dma_wait3A, %dma_wait3A_27] : memref<196x128xi32, #tpu.memory_space<vmem>> -> memref<1x128xi32, #tpu.memory_space<vmem>>
      %dma_wait3A_29 = tpu.memref_squeeze %dma_wait3A_28 : memref<1x128xi32, #tpu.memory_space<vmem>> -> memref<128xi32, #tpu.memory_space<vmem>>
      %dma_wait3A_30 = arith.constant 0 : i32
      %dma_wait3A_31 = arith.constant 0 : i32
      %dma_wait3A_32 = tpu.memref_slice %arg2[%dma_wait3A_30, %dma_wait3A_31] : memref<50000x64xf32, #tpu.memory_space<hbm>> -> memref<50000x64xf32, #tpu.memory_space<hbm>>
      tpu.wait_indirect_dma semaphore(%arg7 : memref<!tpu.dma_semaphore, #tpu.memory_space<semaphore_mem>>) src(%dma_wait3A_32 : memref<50000x64xf32, #tpu.memory_space<hbm>>) dst(%dma_wait3A_26 : memref<128x64xf32, #tpu.memory_space<vmem>>)
      %add3A_33 = arith.constant 6240 : i32
      %add3A_34 = arith.addi %add3A_33, %add3A : i32
      %mul3A_35 = arith.constant 128 : i32
      %mul3A_36 = arith.muli %add3A_34, %mul3A_35 : i32
      "tpu.region"() ({
        %run_scoped3A = tpu.sem_alloc : memref<!tpu.dma_semaphore, #tpu.memory_space<semaphore_mem>>
        %dma_start3A_37 = arith.constant 0 : i32
        %dma_start3A_38 = arith.constant 0 : i32
        %dma_start3A_39 = tpu.memref_slice %arg6[%dma_start3A_37, %dma_start3A_38] : memref<640x64xf32, #tpu.memory_space<vmem>> -> memref<128x48xf32, #tpu.memory_space<vmem>>
        %dma_start3A_40 = arith.constant 0 : i32
        %dma_start3A_41 = tpu.memref_slice %arg4[%mul3A_36, %dma_start3A_40] : memref<800000x128xf32, #tpu.memory_space<hbm>> -> memref<128x48xf32, #tpu.memory_space<hbm>>
        %dma_start3A_42 = arith.constant 0 : i32
        %dma_start3A_43 = tpu.memref_slice %arg4[%mul3A_36, %dma_start3A_42] : memref<800000x128xf32, #tpu.memory_space<hbm>> -> memref<128x48xf32, #tpu.memory_space<hbm>>
        %dma_start3A_44 = arith.constant 0 : i32
        %dma_start3A_45 = arith.constant 0 : i32
        %dma_start3A_46 = tpu.memref_slice %arg6[%dma_start3A_44, %dma_start3A_45] : memref<640x64xf32, #tpu.memory_space<vmem>> -> memref<128x48xf32, #tpu.memory_space<vmem>>
        tpu.enqueue_dma source(%dma_start3A_46 : memref<128x48xf32, #tpu.memory_space<vmem>>) target(%dma_start3A_43 : memref<128x48xf32, #tpu.memory_space<hbm>>) target_semaphore(%run_scoped3A : memref<!tpu.dma_semaphore, #tpu.memory_space<semaphore_mem>>)
        %dma_wait3A_47 = arith.constant 0 : i32
        %dma_wait3A_48 = arith.constant 0 : i32
        %dma_wait3A_49 = tpu.memref_slice %arg6[%dma_wait3A_47, %dma_wait3A_48] : memref<640x64xf32, #tpu.memory_space<vmem>> -> memref<128x48xf32, #tpu.memory_space<vmem>>
        %dma_wait3A_50 = arith.constant 0 : i32
        %dma_wait3A_51 = tpu.memref_slice %arg4[%mul3A_36, %dma_wait3A_50] : memref<800000x128xf32, #tpu.memory_space<hbm>> -> memref<128x48xf32, #tpu.memory_space<hbm>>
        %dma_wait3A_52 = arith.constant 0 : i32
        %dma_wait3A_53 = tpu.memref_slice %arg4[%mul3A_36, %dma_wait3A_52] : memref<800000x128xf32, #tpu.memory_space<hbm>> -> memref<128x48xf32, #tpu.memory_space<hbm>>
        %dma_wait3A_54 = arith.constant 0 : i32
        %dma_wait3A_55 = arith.constant 0 : i32
        %dma_wait3A_56 = tpu.memref_slice %arg6[%dma_wait3A_54, %dma_wait3A_55] : memref<640x64xf32, #tpu.memory_space<vmem>> -> memref<128x48xf32, #tpu.memory_space<vmem>>
        tpu.wait_dma2 semaphore(%run_scoped3A : memref<!tpu.dma_semaphore, #tpu.memory_space<semaphore_mem>>) src(%dma_wait3A_56 : memref<128x48xf32, #tpu.memory_space<vmem>>) dst(%dma_wait3A_53 : memref<128x48xf32, #tpu.memory_space<hbm>>)
        tpu.yield
      }) : () -> ()
    } else {
    }
    return
  }
}

module attributes {stable_mosaic.version = 14 : i64} {
  func.func @_tc_body(%arg0: i32, %arg1: memref<6400x19xf32, #tpu.memory_space<vmem>>, %arg2: memref<1x50x128xf32, #tpu.memory_space<vmem>>, %arg3: memref<6400x128xf32, #tpu.memory_space<vmem>>, %arg4: memref<19x19xf32, #tpu.memory_space<vmem>>, %arg5: memref<40x128xf32, #tpu.memory_space<vmem>>, %arg6: memref<64x16xf32, #tpu.memory_space<vmem>>, %arg7: memref<64x64xf32, #tpu.memory_space<vmem>>, %arg8: memref<48x64xf32, #tpu.memory_space<vmem>>, %arg9: memref<16x24xf32, #tpu.memory_space<vmem>>, %arg10: memref<8x24xf32, #tpu.memory_space<vmem>>, %arg11: memref<6400x128xf32, #tpu.memory_space<vmem>>) attributes {dimension_semantics = [#tpu.dimension_semantics<arbitrary>], iteration_bounds = array<i64: 125>, scalar_prefetch = 0 : i64, scratch_operands = 0 : i64, tpu.core_type = #tpu.core_type<tc>, window_params = [{transform_indices = @transform_0, window_bounds = array<i64: 6400, 19>}, {transform_indices = @transform_1, window_bounds = array<i64: 1, 50, 128>}, {transform_indices = @transform_2, window_bounds = array<i64: 6400, 128>}, {pipeline_mode = #tpu.pipeline_mode<synchronous>, transform_indices = @transform_3, window_bounds = array<i64: 19, 19>}, {pipeline_mode = #tpu.pipeline_mode<synchronous>, transform_indices = @transform_4, window_bounds = array<i64: 40, 128>}, {pipeline_mode = #tpu.pipeline_mode<synchronous>, transform_indices = @transform_5, window_bounds = array<i64: 64, 16>}, {pipeline_mode = #tpu.pipeline_mode<synchronous>, transform_indices = @transform_6, window_bounds = array<i64: 64, 64>}, {pipeline_mode = #tpu.pipeline_mode<synchronous>, transform_indices = @transform_7, window_bounds = array<i64: 48, 64>}, {pipeline_mode = #tpu.pipeline_mode<synchronous>, transform_indices = @transform_8, window_bounds = array<i64: 16, 24>}, {pipeline_mode = #tpu.pipeline_mode<synchronous>, transform_indices = @transform_9, window_bounds = array<i64: 8, 24>}, {transform_indices = @transform_10, window_bounds = array<i64: 6400, 128>}]} {
    %get3A = arith.constant 0 : index
    %get3A_0 = arith.constant 0 : index
    %get3A_1 = vector.load %arg4[%get3A, %get3A_0] : memref<19x19xf32, #tpu.memory_space<vmem>>, vector<19x19xf32>
    %convert_element_type3A = arith.truncf %get3A_1 : vector<19x19xf32> to vector<19x19xbf16>
    %get3A_2 = arith.constant 0 : index
    %get3A_3 = arith.constant 0 : index
    %get3A_4 = vector.load %arg1[%get3A_2, %get3A_3] : memref<6400x19xf32, #tpu.memory_space<vmem>>, vector<6400x19xf32>
    %convert_element_type3A_5 = arith.truncf %get3A_4 : vector<6400x19xf32> to vector<6400x19xbf16>
    %dot_general3A = arith.constant dense<0.000000e+00> : vector<19x6400xf32>
    %dot_general3A_6 = tpu.matmul %convert_element_type3A, %convert_element_type3A_5, %dot_general3A {dimension_numbers = #tpu.dot_dimension_numbers<[1], [1], [0], [0], [0, 0, 1, 0], [], []>, transpose_lhs_hint = false} : vector<19x19xbf16>, vector<6400x19xbf16>, vector<19x6400xf32> -> vector<19x6400xf32>
    %get3A_7 = arith.constant 0 : index
    %get3A_8 = arith.constant 0 : index
    %get3A_9 = arith.constant 0 : index
    %get3A_10 = vector.load %arg2[%get3A_7, %get3A_8, %get3A_9] : memref<1x50x128xf32, #tpu.memory_space<vmem>>, vector<1x50x128xf32>
    %reshape3A = vector.shape_cast %get3A_10 : vector<1x50x128xf32> to vector<1x6400xf32>
    %get3A_11 = arith.constant 0 : index
    %get3A_12 = arith.constant 0 : index
    %get3A_13 = vector.load %arg5[%get3A_11, %get3A_12] : memref<40x128xf32, #tpu.memory_space<vmem>>, vector<40x40xf32>
    %convert_element_type3A_14 = arith.truncf %get3A_13 : vector<40x40xf32> to vector<40x40xbf16>
    %get3A_15 = arith.constant 0 : index
    %get3A_16 = arith.constant 0 : index
    %get3A_17 = vector.load %arg3[%get3A_15, %get3A_16] : memref<6400x128xf32, #tpu.memory_space<vmem>>, vector<6400x128xf32>
    %slice3A = vector.extract_strided_slice %get3A_17 {offsets = [0, 0], sizes = [6400, 40], strides = [1, 1]} : vector<6400x128xf32> to vector<6400x40xf32>
    %convert_element_type3A_18 = arith.truncf %slice3A : vector<6400x40xf32> to vector<6400x40xbf16>
    %dot_general3A_19 = arith.constant dense<0.000000e+00> : vector<40x6400xf32>
    %dot_general3A_20 = tpu.matmul %convert_element_type3A_14, %convert_element_type3A_18, %dot_general3A_19 {dimension_numbers = #tpu.dot_dimension_numbers<[1], [1], [0], [0], [0, 0, 1, 0], [], []>, transpose_lhs_hint = false} : vector<40x40xbf16>, vector<6400x40xbf16>, vector<40x6400xf32> -> vector<40x6400xf32>
    %slice3A_21 = vector.extract_strided_slice %dot_general3A_6 {offsets = [0, 0], sizes = [16, 6400], strides = [1, 1]} : vector<19x6400xf32> to vector<16x6400xf32>
    %get3A_22 = arith.constant 0 : index
    %get3A_23 = arith.constant 0 : index
    %get3A_24 = vector.load %arg6[%get3A_22, %get3A_23] : memref<64x16xf32, #tpu.memory_space<vmem>>, vector<64x16xf32>
    %convert_element_type3A_25 = arith.truncf %get3A_24 : vector<64x16xf32> to vector<64x16xbf16>
    %convert_element_type3A_26 = arith.truncf %slice3A_21 : vector<16x6400xf32> to vector<16x6400xbf16>
    %dot_general3A_27 = arith.constant dense<0.000000e+00> : vector<64x6400xf32>
    %dot_general3A_28 = tpu.matmul %convert_element_type3A_25, %convert_element_type3A_26, %dot_general3A_27 {dimension_numbers = #tpu.dot_dimension_numbers<[1], [0], [0], [1], [0, 0, 1, 1], [], []>, transpose_lhs_hint = false} : vector<64x16xbf16>, vector<16x6400xbf16>, vector<64x6400xf32> -> vector<64x6400xf32>
    %mul3A = arith.constant 2.500000e-01 : f32
    %mul3A_29 = vector.broadcast %mul3A : f32 to vector<64x6400xf32>
    %mul3A_30 = arith.mulf %dot_general3A_28, %mul3A_29 : vector<64x6400xf32>
    %max3A = arith.constant 0.000000e+00 : f32
    %max3A_31 = vector.broadcast %max3A : f32 to vector<64x6400xf32>
    %max3A_32 = arith.maximumf %mul3A_30, %max3A_31 : vector<64x6400xf32>
    %get3A_33 = arith.constant 0 : index
    %get3A_34 = arith.constant 0 : index
    %get3A_35 = vector.load %arg7[%get3A_33, %get3A_34] : memref<64x64xf32, #tpu.memory_space<vmem>>, vector<64x64xf32>
    %convert_element_type3A_36 = arith.truncf %get3A_35 : vector<64x64xf32> to vector<64x64xbf16>
    %convert_element_type3A_37 = arith.truncf %max3A_32 : vector<64x6400xf32> to vector<64x6400xbf16>
    %dot_general3A_38 = arith.constant dense<0.000000e+00> : vector<64x6400xf32>
    %dot_general3A_39 = tpu.matmul %convert_element_type3A_36, %convert_element_type3A_37, %dot_general3A_38 {dimension_numbers = #tpu.dot_dimension_numbers<[1], [0], [0], [1], [0, 0, 1, 1], [], []>, transpose_lhs_hint = false} : vector<64x64xbf16>, vector<64x6400xbf16>, vector<64x6400xf32> -> vector<64x6400xf32>
    %mul3A_40 = arith.constant 1.250000e-01 : f32
    %mul3A_41 = vector.broadcast %mul3A_40 : f32 to vector<64x6400xf32>
    %mul3A_42 = arith.mulf %dot_general3A_39, %mul3A_41 : vector<64x6400xf32>
    %max3A_43 = arith.constant 0.000000e+00 : f32
    %max3A_44 = vector.broadcast %max3A_43 : f32 to vector<64x6400xf32>
    %max3A_45 = arith.maximumf %mul3A_42, %max3A_44 : vector<64x6400xf32>
    %get3A_46 = arith.constant 0 : index
    %get3A_47 = arith.constant 0 : index
    %get3A_48 = vector.load %arg8[%get3A_46, %get3A_47] : memref<48x64xf32, #tpu.memory_space<vmem>>, vector<48x64xf32>
    %convert_element_type3A_49 = arith.truncf %get3A_48 : vector<48x64xf32> to vector<48x64xbf16>
    %convert_element_type3A_50 = arith.truncf %max3A_45 : vector<64x6400xf32> to vector<64x6400xbf16>
    %dot_general3A_51 = arith.constant dense<0.000000e+00> : vector<48x6400xf32>
    %dot_general3A_52 = tpu.matmul %convert_element_type3A_49, %convert_element_type3A_50, %dot_general3A_51 {dimension_numbers = #tpu.dot_dimension_numbers<[1], [0], [0], [1], [0, 0, 1, 1], [], []>, transpose_lhs_hint = false} : vector<48x64xbf16>, vector<64x6400xbf16>, vector<48x6400xf32> -> vector<48x6400xf32>
    %mul3A_53 = arith.constant 1.250000e-01 : f32
    %mul3A_54 = vector.broadcast %mul3A_53 : f32 to vector<48x6400xf32>
    %mul3A_55 = arith.mulf %dot_general3A_52, %mul3A_54 : vector<48x6400xf32>
    %slice3A_56 = vector.extract_strided_slice %mul3A_55 {offsets = [0, 0], sizes = [24, 6400], strides = [1, 1]} : vector<48x6400xf32> to vector<24x6400xf32>
    %slice3A_57 = vector.extract_strided_slice %mul3A_55 {offsets = [24, 0], sizes = [24, 6400], strides = [1, 1]} : vector<48x6400xf32> to vector<24x6400xf32>
    %slice3A_58 = vector.extract_strided_slice %dot_general3A_6 {offsets = [16, 0], sizes = [1, 6400], strides = [1, 1]} : vector<19x6400xf32> to vector<1x6400xf32>
    %slice3A_59 = vector.extract_strided_slice %dot_general3A_6 {offsets = [17, 0], sizes = [1, 6400], strides = [1, 1]} : vector<19x6400xf32> to vector<1x6400xf32>
    %slice3A_60 = vector.extract_strided_slice %dot_general3A_6 {offsets = [18, 0], sizes = [1, 6400], strides = [1, 1]} : vector<19x6400xf32> to vector<1x6400xf32>
    %slice3A_61 = vector.extract_strided_slice %dot_general3A_20 {offsets = [0, 0], sizes = [16, 6400], strides = [1, 1]} : vector<40x6400xf32> to vector<16x6400xf32>
    %slice3A_62 = vector.extract_strided_slice %dot_general3A_20 {offsets = [16, 0], sizes = [8, 6400], strides = [1, 1]} : vector<40x6400xf32> to vector<8x6400xf32>
    %slice3A_63 = vector.extract_strided_slice %dot_general3A_20 {offsets = [24, 0], sizes = [8, 6400], strides = [1, 1]} : vector<40x6400xf32> to vector<8x6400xf32>
    %slice3A_64 = vector.extract_strided_slice %dot_general3A_20 {offsets = [32, 0], sizes = [8, 6400], strides = [1, 1]} : vector<40x6400xf32> to vector<8x6400xf32>
    %mul3A_65 = vector.broadcast %slice3A_58 : vector<1x6400xf32> to vector<8x6400xf32>
    %mul3A_66 = arith.mulf %slice3A_62, %mul3A_65 : vector<8x6400xf32>
    %mul3A_67 = vector.broadcast %slice3A_59 : vector<1x6400xf32> to vector<8x6400xf32>
    %mul3A_68 = arith.mulf %slice3A_63, %mul3A_67 : vector<8x6400xf32>
    %add3A = arith.addf %mul3A_66, %mul3A_68 : vector<8x6400xf32>
    %mul3A_69 = vector.broadcast %slice3A_60 : vector<1x6400xf32> to vector<8x6400xf32>
    %mul3A_70 = arith.mulf %slice3A_64, %mul3A_69 : vector<8x6400xf32>
    %add3A_71 = arith.addf %add3A, %mul3A_70 : vector<8x6400xf32>
    %mul3A_72 = arith.constant 0.577350259 : f32
    %mul3A_73 = vector.broadcast %mul3A_72 : f32 to vector<8x6400xf32>
    %mul3A_74 = arith.mulf %add3A_71, %mul3A_73 : vector<8x6400xf32>
    %concatenate3A = tpu.concatenate %mul3A_74, %slice3A_61 in 0 : vector<8x6400xf32>, vector<16x6400xf32> -> vector<24x6400xf32>
    %mul3A_75 = arith.mulf %concatenate3A, %slice3A_56 : vector<24x6400xf32>
    %mul3A_76 = vector.broadcast %reshape3A : vector<1x6400xf32> to vector<24x6400xf32>
    %mul3A_77 = arith.mulf %mul3A_75, %mul3A_76 : vector<24x6400xf32>
    %mul3A_78 = vector.broadcast %slice3A_58 : vector<1x6400xf32> to vector<16x6400xf32>
    %mul3A_79 = arith.mulf %slice3A_61, %mul3A_78 : vector<16x6400xf32>
    %concatenate3A_80 = tpu.concatenate %mul3A_79, %slice3A_62 in 0 : vector<16x6400xf32>, vector<8x6400xf32> -> vector<24x6400xf32>
    %mul3A_81 = arith.mulf %concatenate3A_80, %slice3A_57 : vector<24x6400xf32>
    %mul3A_82 = vector.broadcast %reshape3A : vector<1x6400xf32> to vector<24x6400xf32>
    %mul3A_83 = arith.mulf %mul3A_81, %mul3A_82 : vector<24x6400xf32>
    %mul3A_84 = vector.broadcast %slice3A_59 : vector<1x6400xf32> to vector<16x6400xf32>
    %mul3A_85 = arith.mulf %slice3A_61, %mul3A_84 : vector<16x6400xf32>
    %concatenate3A_86 = tpu.concatenate %mul3A_85, %slice3A_63 in 0 : vector<16x6400xf32>, vector<8x6400xf32> -> vector<24x6400xf32>
    %mul3A_87 = arith.mulf %concatenate3A_86, %slice3A_57 : vector<24x6400xf32>
    %mul3A_88 = vector.broadcast %reshape3A : vector<1x6400xf32> to vector<24x6400xf32>
    %mul3A_89 = arith.mulf %mul3A_87, %mul3A_88 : vector<24x6400xf32>
    %mul3A_90 = vector.broadcast %slice3A_60 : vector<1x6400xf32> to vector<16x6400xf32>
    %mul3A_91 = arith.mulf %slice3A_61, %mul3A_90 : vector<16x6400xf32>
    %concatenate3A_92 = tpu.concatenate %mul3A_91, %slice3A_64 in 0 : vector<16x6400xf32>, vector<8x6400xf32> -> vector<24x6400xf32>
    %mul3A_93 = arith.mulf %concatenate3A_92, %slice3A_57 : vector<24x6400xf32>
    %mul3A_94 = vector.broadcast %reshape3A : vector<1x6400xf32> to vector<24x6400xf32>
    %mul3A_95 = arith.mulf %mul3A_93, %mul3A_94 : vector<24x6400xf32>
    %get3A_96 = arith.constant 0 : index
    %get3A_97 = arith.constant 0 : index
    %get3A_98 = vector.load %arg9[%get3A_96, %get3A_97] : memref<16x24xf32, #tpu.memory_space<vmem>>, vector<16x24xf32>
    %convert_element_type3A_99 = arith.truncf %get3A_98 : vector<16x24xf32> to vector<16x24xbf16>
    %convert_element_type3A_100 = arith.truncf %mul3A_77 : vector<24x6400xf32> to vector<24x6400xbf16>
    %dot_general3A_101 = arith.constant dense<0.000000e+00> : vector<16x6400xf32>
    %dot_general3A_102 = tpu.matmul %convert_element_type3A_99, %convert_element_type3A_100, %dot_general3A_101 {dimension_numbers = #tpu.dot_dimension_numbers<[1], [0], [0], [1], [0, 0, 1, 1], [], []>, transpose_lhs_hint = false} : vector<16x24xbf16>, vector<24x6400xbf16>, vector<16x6400xf32> -> vector<16x6400xf32>
    %get3A_103 = arith.constant 0 : index
    %get3A_104 = arith.constant 0 : index
    %get3A_105 = vector.load %arg10[%get3A_103, %get3A_104] : memref<8x24xf32, #tpu.memory_space<vmem>>, vector<8x24xf32>
    %convert_element_type3A_106 = arith.truncf %get3A_105 : vector<8x24xf32> to vector<8x24xbf16>
    %convert_element_type3A_107 = arith.truncf %mul3A_83 : vector<24x6400xf32> to vector<24x6400xbf16>
    %dot_general3A_108 = arith.constant dense<0.000000e+00> : vector<8x6400xf32>
    %dot_general3A_109 = tpu.matmul %convert_element_type3A_106, %convert_element_type3A_107, %dot_general3A_108 {dimension_numbers = #tpu.dot_dimension_numbers<[1], [0], [0], [1], [0, 0, 1, 1], [], []>, transpose_lhs_hint = false} : vector<8x24xbf16>, vector<24x6400xbf16>, vector<8x6400xf32> -> vector<8x6400xf32>
    %get3A_110 = arith.constant 0 : index
    %get3A_111 = arith.constant 0 : index
    %get3A_112 = vector.load %arg10[%get3A_110, %get3A_111] : memref<8x24xf32, #tpu.memory_space<vmem>>, vector<8x24xf32>
    %convert_element_type3A_113 = arith.truncf %get3A_112 : vector<8x24xf32> to vector<8x24xbf16>
    %convert_element_type3A_114 = arith.truncf %mul3A_89 : vector<24x6400xf32> to vector<24x6400xbf16>
    %dot_general3A_115 = arith.constant dense<0.000000e+00> : vector<8x6400xf32>
    %dot_general3A_116 = tpu.matmul %convert_element_type3A_113, %convert_element_type3A_114, %dot_general3A_115 {dimension_numbers = #tpu.dot_dimension_numbers<[1], [0], [0], [1], [0, 0, 1, 1], [], []>, transpose_lhs_hint = false} : vector<8x24xbf16>, vector<24x6400xbf16>, vector<8x6400xf32> -> vector<8x6400xf32>
    %get3A_117 = arith.constant 0 : index
    %get3A_118 = arith.constant 0 : index
    %get3A_119 = vector.load %arg10[%get3A_117, %get3A_118] : memref<8x24xf32, #tpu.memory_space<vmem>>, vector<8x24xf32>
    %convert_element_type3A_120 = arith.truncf %get3A_119 : vector<8x24xf32> to vector<8x24xbf16>
    %convert_element_type3A_121 = arith.truncf %mul3A_95 : vector<24x6400xf32> to vector<24x6400xbf16>
    %dot_general3A_122 = arith.constant dense<0.000000e+00> : vector<8x6400xf32>
    %dot_general3A_123 = tpu.matmul %convert_element_type3A_120, %convert_element_type3A_121, %dot_general3A_122 {dimension_numbers = #tpu.dot_dimension_numbers<[1], [0], [0], [1], [0, 0, 1, 1], [], []>, transpose_lhs_hint = false} : vector<8x24xbf16>, vector<24x6400xbf16>, vector<8x6400xf32> -> vector<8x6400xf32>
    %concatenate3A_124 = tpu.concatenate %dot_general3A_102, %dot_general3A_109, %dot_general3A_116, %dot_general3A_123 in 0 : vector<16x6400xf32>, vector<8x6400xf32>, vector<8x6400xf32>, vector<8x6400xf32> -> vector<40x6400xf32>
    %get3A_125 = arith.constant 0 : index
    %get3A_126 = arith.constant 0 : index
    %get3A_127 = vector.load %arg5[%get3A_125, %get3A_126] : memref<40x128xf32, #tpu.memory_space<vmem>>, vector<40x128xf32>
    %dot_general3A_128 = arith.constant dense<0.000000e+00> : vector<6400x128xf32>
    %dot_general3A_129 = tpu.matmul %concatenate3A_124, %get3A_127, %dot_general3A_128 {dimension_numbers = #tpu.dot_dimension_numbers<[0], [0], [1], [1], [0, 1, 1, 1], [], []>, transpose_lhs_hint = true} : vector<40x6400xf32>, vector<40x128xf32>, vector<6400x128xf32> -> vector<6400x128xf32>
    %swap3A = arith.constant 0 : index
    %swap3A_130 = arith.constant 0 : index
    %swap3A_131 = vector.load %arg11[%swap3A, %swap3A_130] : memref<6400x128xf32, #tpu.memory_space<vmem>>, vector<6400x128xf32>
    tpu.vector_store %arg11[%swap3A, %swap3A_130], %dot_general3A_129 {strides = array<i32>} : memref<6400x128xf32, #tpu.memory_space<vmem>>, vector<6400x128xf32>,
    return
  }
  func.func @transform_0(%arg0: i32) -> (i32, i32) {
    %c0_i32 = arith.constant 0 : i32
    %c0_i32_0 = arith.constant 0 : i32
    return %arg0, %c0_i32 : i32, i32
  }
  func.func @transform_1(%arg0: i32) -> (i32, i32, i32) {
    %c0_i32 = arith.constant 0 : i32
    %c0_i32_0 = arith.constant 0 : i32
    %c0_i32_1 = arith.constant 0 : i32
    return %arg0, %c0_i32, %c0_i32_0 : i32, i32, i32
  }
  func.func @transform_2(%arg0: i32) -> (i32, i32) {
    %c0_i32 = arith.constant 0 : i32
    %c0_i32_0 = arith.constant 0 : i32
    return %arg0, %c0_i32 : i32, i32
  }
  func.func @transform_3(%arg0: i32) -> (i32, i32) {
    %c0_i32 = arith.constant 0 : i32
    %c0_i32_0 = arith.constant 0 : i32
    %c0_i32_1 = arith.constant 0 : i32
    return %c0_i32, %c0_i32_0 : i32, i32
  }
  func.func @transform_4(%arg0: i32) -> (i32, i32) {
    %c0_i32 = arith.constant 0 : i32
    %c0_i32_0 = arith.constant 0 : i32
    %c0_i32_1 = arith.constant 0 : i32
    return %c0_i32, %c0_i32_0 : i32, i32
  }
  func.func @transform_5(%arg0: i32) -> (i32, i32) {
    %c0_i32 = arith.constant 0 : i32
    %c0_i32_0 = arith.constant 0 : i32
    %c0_i32_1 = arith.constant 0 : i32
    return %c0_i32, %c0_i32_0 : i32, i32
  }
  func.func @transform_6(%arg0: i32) -> (i32, i32) {
    %c0_i32 = arith.constant 0 : i32
    %c0_i32_0 = arith.constant 0 : i32
    %c0_i32_1 = arith.constant 0 : i32
    return %c0_i32, %c0_i32_0 : i32, i32
  }
  func.func @transform_7(%arg0: i32) -> (i32, i32) {
    %c0_i32 = arith.constant 0 : i32
    %c0_i32_0 = arith.constant 0 : i32
    %c0_i32_1 = arith.constant 0 : i32
    return %c0_i32, %c0_i32_0 : i32, i32
  }
  func.func @transform_8(%arg0: i32) -> (i32, i32) {
    %c0_i32 = arith.constant 0 : i32
    %c0_i32_0 = arith.constant 0 : i32
    %c0_i32_1 = arith.constant 0 : i32
    return %c0_i32, %c0_i32_0 : i32, i32
  }
  func.func @transform_9(%arg0: i32) -> (i32, i32) {
    %c0_i32 = arith.constant 0 : i32
    %c0_i32_0 = arith.constant 0 : i32
    %c0_i32_1 = arith.constant 0 : i32
    return %c0_i32, %c0_i32_0 : i32, i32
  }
  func.func @transform_10(%arg0: i32) -> (i32, i32) {
    %c0_i32 = arith.constant 0 : i32
    %c0_i32_0 = arith.constant 0 : i32
    return %arg0, %c0_i32 : i32, i32
  }
}

</mosaic_0001>

<sc_bundles>
// kernel: kernel.5.cloned.1.call-start
scs
__scs_entry_jumppad:
0x0: {  	(pc) =	sbr.rel $0x88, $3  }
0x1: {  	(tag) =	ssettag $0x0;
	lr =	simm.s32 $0x1  }
0x2: {  	[smem:$0x3F97] =	sst lr;
	_ =	strace $0xD0000000  }
0x3: {  	_ = 	snop  }
0x4: {  	_ = 	snop  }
0x5: {  	_ = 	snop  }
0x6: {  	_ = 	snop  }
0x7: {  	_ = 	snop  }
__scs_overlays_trampoline_lowered:
0x8: {  	[smem:$0x3FA6] =	sst s0  }
0x9: {  	[smem:$0x3FA7] =	sst s1  }
0xa: {  	[smem:$0x3FA8] =	sst s2  }
0xb: {  	[smem:$0x3FA9] =	sst s3  }
0xc: {  	[smem:$0x3FAA] =	sst s4  }
0xd: {  	[smem:$0x3FAB] =	sst s5  }
0xe: {  	[smem:$0x3FAC] =	sst s6  }
0xf: {  	[smem:$0x3FAD] =	sst s7  }
0x10: {  	[smem:$0x3FAE] =	sst s8  }
0x11: {  	[smem:$0x3FAF] =	sst s9;
	s0 =	simm.s32 @!p0 $0x0  }
0x12: {  	s1 =	sld [smem:$0x3F95];
	s0 =	simm.s32 @p0 $0x1  }
0x13: {  	[smem:$0x3FB0] =	sst s0;
	s0 =	simm.s32 @!p1 $0x0  }
0x14: {  	s2 =	sld [smem:$0x3F94];
	s0 =	simm.s32 @p1 $0x1  }
0x15: {  	[smem:$0x3FB1] =	sst s0;
	s0 =	simm.s32 @!p2 $0x0  }
0x16: {  	s3 =	sld [smem:$0x3FDB];
	s0 =	simm.s32 @p2 $0x1  }
0x17: {  	s4 =	simm.s32 $0x1BF5;
	[smem:$0x3FB3] =	sst s0  }
0x18: {  	s0 =	sld [smem:$0x3F96];
	_ =	swait.ge [sflag:s4], $0x0  }
0x19: {  	s7 =	sld [smem:$0x3F97]  }
0x1a: {  	s8 =	sadd.s32 $0xFFFFE003, lr  }
0x1b: {  	s9 =	sadd.s32 $0xFFFFFEF7, lr;
	s5 =	simm.s32 $0xFFFFFFFF;
	p2 =	slt.u32 s8, $0xFFFFF086  }
0x1c: {  	p1 =	slt.u32 s9, $0xF7A;
	s5 =	simm.s32 @!p2 $0x0  }
0x1d: {  	s5 =	simm.s32 @p1 $0x1;
	p0 =	seq.s32 s7, s2  }
0x1e: {  	s7 =	smul.u32 @!p0 $0xF7A, s2;
	p2 =	seq.s32 @!p0 s5, $0x0  }
0x1f: {  	s9 =	smul.u32 $0xF7A, s1;
	s8 =	simm.s32 @!p0 $0x1BF5;
	p2 =	por !p2, p0  }
0x20: {  	[sflag:s8] =	ssyncset.s32 @!p0 $0xFFFFF086;
	s6 =	sadd.s32 @!p0 s3, s7;
	s7 =	simm.s32 @!p0 $0x108  }
0x21: {  	s3 =	sadd.s32 s3, s9;
	s6 =	sadd.s32 @!p0 $0x88, s6;
	s7 =	simm.s32 @p2 $0x1082  }
0x22: {  	[simem:s7], [sflag:s8] =	dma.local @!p0 [hbm:s6], $0xF7A  }
0x23: {  	s9 =	sor.u32 $0xD0000000, s2;
	s6 =	simm.s32 $0x108;
	_ =	swait.ge @!p0 [sflag:s8], $0x0  }
0x24: {  	s3 =	sadd.s32 $0x88, s3;
	s6 =	simm.s32 @!p1 $0x1082;
	[sflag:s4] =	ssyncset.s32 $0xFFFFF086  }
0x25: {  	[simem:s6], [sflag:s4] =	dma.local [hbm:s3], $0xF7A  }
0x26: {  	[smem:$0x3F97] =	sst s1;
	(tag) =	ssettag s2;
	_ =	strace s9  }
0x27: {  	s1 =	sld [smem:$0x3FA7]  }
0x28: {  	s2 =	sld [smem:$0x3FA8]  }
0x29: {  	s4 =	sld [smem:$0x3FAA]  }
0x2a: {  	p0 =	seq.s32 s5, $0x0;
	s5 =	sld [smem:$0x3FAB]  }
0x2b: {  	s6 =	sld [smem:$0x3FAC]  }
0x2c: {  	s7 =	sld [smem:$0x3FAD]  }
0x2d: {  	s3 =	simm.s32 $0x108;
	s8 =	sld [smem:$0x3FAE]  }
0x2e: {  	s3 =	simm.s32 @!p0 $0x1082;
	s9 =	sld [smem:$0x3FAF]  }
0x2f: {  	lr =	sadd.s32 s0, s3;
	s0 =	sld [smem:$0x3FA6]  }
0x30: {  	s3 =	sld [smem:$0x3FA9]  }
0x31: {  	[smem:$0x3FB2] =	sst s10  }
0x32: {  	s10 =	sld [smem:$0x3FB0];
	_ =	sdelay $0x3  }
0x33: {  	p0 =	seq.s32 s10, $0x1;
	s10 =	sld [smem:$0x3FB2];
	_ =	sdelay $0x3  }
0x34: {  	[smem:$0x3FB2] =	sst s10  }
0x35: {  	s10 =	sld [smem:$0x3FB1];
	_ =	sdelay $0x3  }
0x36: {  	p1 =	seq.s32 s10, $0x1;
	s10 =	sld [smem:$0x3FB2];
	_ =	sdelay $0x3  }
0x37: {  	[smem:$0x3FB2] =	sst s10  }
0x38: {  	s10 =	sld [smem:$0x3FB3]  }
0x39: {  	_ = 	snop;
	(pc) =	sbr.ind lr, $3  }
0x3a: {  	_ = 	snop  }
0x3b: {  	_ = 	snop  }
0x3c: {  	p2 =	seq.s32 s10, $0x1;
	s10 =	sld [smem:$0x3FB2]  }
0x3d: {  	_ =	shalt  }
0x3e: {  	_ =	shalt  }
0x3f: {  	_ =	shalt  }
0x40: {  	_ =	shalt  }
0x41: {  	_ =	shalt  }
0x42: {  	_ =	shalt  }
0x43: {  	_ =	shalt  }
0x44: {  	_ =	shalt  }
0x45: {  	_ =	shalt  }
0x46: {  	_ =	shalt  }
0x47: {  	_ =	shalt  }
0x48: {  	_ =	shalt  }
0x49: {  	_ =	shalt  }
0x4a: {  	_ =	shalt  }
0x4b: {  	_ =	shalt  }
0x4c: {  	_ =	shalt  }
0x4d: {  	_ =	shalt  }
0x4e: {  	_ =	shalt  }
0x4f: {  	_ =	shalt  }
0x50: {  	_ =	shalt  }
0x51: {  	_ =	shalt  }
0x52: {  	_ =	shalt  }
0x53: {  	_ =	shalt  }
0x54: {  	_ =	shalt  }
0x55: {  	_ =	shalt  }
0x56: {  	_ =	shalt  }
0x57: {  	_ =	shalt  }
0x58: {  	_ =	shalt  }
0x59: {  	_ =	shalt  }
0x5a: {  	_ =	shalt  }
0x5b: {  	_ =	shalt  }
0x5c: {  	_ =	shalt  }
0x5d: {  	_ =	shalt  }
0x5e: {  	_ =	shalt  }
0x5f: {  	_ =	shalt  }
0x60: {  	_ =	shalt  }
0x61: {  	_ =	shalt  }
0x62: {  	_ =	shalt  }
0x63: {  	_ =	shalt  }
0x64: {  	_ =	shalt  }
0x65: {  	_ =	shalt  }
0x66: {  	_ =	shalt  }
0x67: {  	_ =	shalt  }
0x68: {  	_ =	shalt  }
0x69: {  	_ =	shalt  }
0x6a: {  	_ =	shalt  }
0x6b: {  	_ =	shalt  }
0x6c: {  	_ =	shalt  }
0x6d: {  	_ =	shalt  }
0x6e: {  	_ =	shalt  }
0x6f: {  	_ =	shalt  }
0x70: {  	_ =	shalt  }
0x71: {  	_ =	shalt  }
0x72: {  	_ =	shalt  }
0x73: {  	_ =	shalt  }
0x74: {  	_ =	shalt  }
0x75: {  	_ =	shalt  }
0x76: {  	_ =	shalt  }
0x77: {  	_ =	shalt  }
0x78: {  	_ =	shalt  }
0x79: {  	_ =	shalt  }
0x7a: {  	_ =	shalt  }
0x7b: {  	_ =	shalt  }
0x7c: {  	_ =	shalt  }
0x7d: {  	_ =	shalt  }
0x7e: {  	_ =	shalt  }
0x7f: {  	_ =	shalt  }
0x80: {  	_ =	shalt  }
0x81: {  	_ =	shalt  }
0x82: {  	_ =	shalt  }
0x83: {  	_ =	shalt  }
0x84: {  	_ =	shalt  }
0x85: {  	_ =	shalt  }
0x86: {  	_ =	shalt  }
0x87: {  	_ =	shalt  }
.Lfunc_end0:
.L_simem_size_0:
called_computation_lowered:
.L_overlay_start_0:
0x88: {  	s2 =	sld [smem:$0x3FD9]  }
0x89: {  	s3 =	sld [smem:$0x3FFE];
	_ =	sdelay $0x1  }
0x8a: {  	s1 =	srdreg.scid  }
0x8b: {  	s0 =	sand.u32 $0x1, s1  }
0x8c: {  	s17 =	sshll.u32 s0, $0xA;
	s2 =	sadd.s32 s3, s2  }
0x8d: {  	s2 =	sadd.s32 s2, s17  }
0x8e: {  	[smem:$0x3FBE] =	sst s2  }
0x8f: {  	_ = 	snop  }
0x90: {  	s2 =	sld [smem:$0x3FC9];
	(tm) =	ssettm $0x1  }
0x91: {  	s18 =	sld [smem:$0x3FFB];
	_ =	sdelay $0x3  }
0x92: {  	_ =	strace s18  }
0x93: {  	s3 =	sld [smem:$0x3FFC];
	_ =	sdelay $0x3  }
0x94: {  	_ =	strace s3  }
0x95: {  	s3 =	sld [smem:$0x3FFD];
	_ =	sdelay $0x3  }
0x96: {  	_ =	strace s3  }
0x97: {  	_ =	strace $0x8FFFFFFF  }
0x98: {  	s19 =	sld [smem:$0x3FDB];
	_ =	sdelay $0x1  }
0x99: {  	s4 =	simm.s32 $_scs_section_size  }
0x9a: {  	s5 =	simm.s32 $_size__tile_overlayer_lowered;
	s6 =	simm.s32 $_tile_overlayer_lowered  }
0x9b: {  	s22 =	simm.s32 $0x1BFF;
	s21 =	sshll.u32 s6, $0x1;
	s3 =	sadd.s32 s4, s19  }
0x9c: {  	s7 =	simm.s32 $0x0;
	s20 =	sshll.u32 s5, $0x1;
	s5 =	sadd.s32 s21, s3  }
0x9d: {  	[timem:s7], [sflag:s22] =	dma.local [hbm:s5], s20  }
0x9e: {  	_ =	swait.ge [sflag:s22], s20  }
0x9f: {  	s4 =	ssub.s32 $0x0, s20;
	[sflag:s22] =	ssyncset.done $0x0  }
0xa0: {  	[sflag:s22] =	ssyncadd.s32 s4;
	_ =	sdelay $0x1  }
0xa1: {  	s23 =	simm.s32 $0x1B8B  }
0xa2: {  	_ =	swait.ge [sflag:s23], $0x1  }
0xa3: {  	[sflag:s23] =	ssyncset.done $0x0  }
0xa4: {  	s25 =	simm.s32 $0x1B8E;
	s24 =	sld [smem:$0x3FFE];
	[sflag:s23] =	ssyncadd.s32 $0xFFFFFFFF  }
0xa5: {  	s26 =	simm.s32 $execute0_lowered;
	[smem:$0x3FD2] =	sst s25  }
0xa6: {  	s5 =	sshll.u32 s26, $0x1;
	_ =	strace $0x80000046;
	[dreg:$0x1] =	wrdreg $0xFFFFFFFF  }
0xa7: {  	s28 =	simm.s32 $_size_execute0_lowered;
	s3 =	sadd.s32 s3, s5;
	[dreg:$0x0] =	wrdreg $0x0  }
0xa8: {  	s5 =	sshll.u32 s28, $0x1;
	[dreg:$0x2] =	wrdreg s3  }
0xa9: {  	[dreg:$0x3] =	wrdreg s5  }
0xaa: {  	[dreg:$0x4] =	wrdreg $0xC0  }
0xab: {  	_ =	task [dreg:s7], $0x5FFFF  }
0xac: {  	[dreg:$0x1] =	wrdreg $0xFFFFFFFF  }
0xad: {  	[dreg:$0x0] =	wrdreg $0x60  }
0xae: {  	[dreg:$0x2] =	wrdreg s24  }
0xaf: {  	[dreg:$0x3] =	wrdreg s2  }
0xb0: {  	[dreg:$0x4] =	wrdreg $0x9  }
0xb1: {  	_ =	task.clear_ibuf [dreg:s7], $0x5FFFF;
	_ =	strace $0x90000046  }
0xb2: {  	s29 =	simm.s32 $0x9;
	_ =	strace $0x80000048  }
0xb3: {  	_ =	swait.ge [sflag:s29], $0x1  }
0xb4: {  	[sflag:s29] =	ssyncadd.s32 $0xFFFFFFFF  }
0xb5: {  	_ =	strace $0x90000048  }
0xb6: {  	_ =	sfence  }
0xb7: {  	s30 =	sld [smem:$0x0];
	_ =	sdelay $0x2  }
0xb8: {  	s31 =	sshll.u32 s1, $0xD;
	s1 =	sshrl.u32 s1, $0x2  }
0xb9: {  	s3 =	sand.u32 $0x4000, s31;
	s1 =	sadd.s32 s1, s30  }
0xba: {  	s0 =	sor.u32 s3, s0;
	s1 =	sshll.u32 s1, $0x11  }
0xbb: {  	s0 =	sor.u32 s1, s0  }
0xbc: {  	s0 =	sadd.s32 $0x8F2B, s0  }
0xbd: {  	[sflag:s0] =	ssyncadd.remote.s32 $0x1  }
0xbe: {  	_ =	sfence.sel $0xFFFF  }
0xbf: {  	[dreg:$0x0] =	wrdreg $0xFFFFFFFF;
	(pc) =	sbr.abs _section_cstart, $3  }
0xc0: {  	[dreg:$0x1] =	wrdreg $0xFFFFFFFF  }
0xc1: {  	_ =	task.clear_ibuf [dreg:s7], $0x2FFFF;
	_ =	strace $0x9FFFFFFF  }
0xc2: {  	(tm) =	ssettm $0x7FFFFFFF  }
0xc3: {  	_ =	shalt  }
tec
execute0_lowered:
.L_overlay_start_1:
0x0: {  	(tag) =	ssettag $0x1  }
0x1: {  	s4 =	rddreg [dreg:$0x0]  }
0x2: {  	s6 =	rddreg [dreg:$0x1]  }
0x3: {  	s0 =	rddreg [dreg:$0x2];
	s2 =	simm.s32 $0x0  }
0x4: {  	s3 =	srdreg.scid;
	s1 =	stileid.u32;
	s11 =	simm.s32 $0x80  }
0x5: {  	s12 =	simm.s32 $0x8200;
	s13 =	simm.s32 $0xA200;
	s14 =	simm.s32 $0xC200  }
0x6: {  	s15 =	simm.s32 $0xE200;
	s16 =	simm.s32 $0x1;
	s17 =	simm.s32 $0x6180  }
0x7: {  	s18 =	simm.s32 $0x0;
	s5 =	sand.u32 $0x1, s3;
	s8 =	sshll.u32 s1, $0x1  }
0x8: {  	[smem:$0x7FF] =	sst s2;
	s3 =	sadd.s32 $0xC5000, s4;
	s8 =	sor.u32 s5, s8  }
0x9: {  	s4 =	sadd.s32 $0x126C00, s4;
	p0 =	sgt.u32 s1, $0x4;
	s31 =	smul.u32 $0xC30, s8  }
.Ltmp0:
0xa: {  	_ =	strace $0x80000047;
	s7 =	ssub.s32 $0x2, s5;
	(pc) =	sbr.rel .LBB2_1-.Ltmp0, $4  }
0xb: {  	s9 =	sshrl.u32 s7, $0x1;
	s10 =	sshll.u32 s8, $0x4;
	s5 =	smul.u32 $0xC3, s8  }
0xc: {  	s8 =	sshll.u32 s8, $0xB;
	s9 =	ssub.s32 s7, s9;
	s10 =	sadd.s32 s10, s6  }
0xd: {  	s8 =	sadd.s32 s8, s4;
	s6 =	sadd.s32 s6, s31;
	s7 =	sadd.s32 $0x18600, s10  }
0xe: {  	s8 =	sadd.s32 $0xC30000, s8;
	s9 =	smax.u32 s9, $0x1;
	s10 =	simm.s32 $0x2  }
.LBB2_9:
0xf: {  	s18 =	sadd.s32 $0x1, s18  }
0x10: {  	p1 =	sne.s32 s18, s9  }
.Ltmp1:
0x11: {  	_ = 	snop;
	(pc) =	sbr.rel @!p1 .LBB2_10-.Ltmp1, $1  }
0x12: {  	_ =	sdelay $0x3  }
.LBB2_1:
0x13: {  	[tilespmem:s2], [sflag:$0x2] =	stream.linear.gather [hbm4b:s6+s2], $0x6180, $0x38;
	[tilespmem:$0x10200] =	vst v63  }
0x14: {  	_ =	swait.ge [sflag:s10], $0x6180  }
0x15: {  	[sflag:s10] =	ssyncset.done $0x0  }
0x16: {  	s19 =	simm.s32 @!p0 $0x0;
	s20 =	simm.s32 @!p0 $0x6180;
	[sflag:s10] =	ssyncadd.s32 $0xFFFF9E80  }
0x17: {  	[tilespmem:s20], [sflag:$0x2] =	stream.linear.gather @!p0 [hbm4b:s7+s19], $0x80, $0x38;
	[tilespmem:$0x10200] =	vst v63  }
0x18: {  	s19 =	simm.s32 @!p0 $0x2  }
0x19: {  	_ =	swait.ge @!p0 [sflag:s19], $0x80  }
0x1a: {  	[sflag:s19] =	ssyncset.done @!p0 $0x0  }
0x1b: {  	[sflag:s19] =	ssyncadd.s32 @!p0 $0xFFFFFF80;
	s19 =	simm.s32 $0x0  }
.LBB2_2:
0x1c: {  	s20 =	smul.u32 $0xA00, s19;
	_ =	sdelay $0x1  }
0x1d: {  	s21 =	sshra.s32 s20, $0x2;
	s20 =	simm.s32 $0x6200  }
0x1e: {  	[tilespmem:s20], [sflag:$0x1] =	stream.indirect.gather [hbm4b:s3+s11], $0x40, s21, s11, $0xb8;
	[tilespmem:$0x10200] =	vst v63  }
0x1f: {  	s22 =	sadd.s32 $0x80, s21  }
0x20: {  	[tilespmem:s12], [sflag:$0x1] =	stream.indirect.gather [hbm4b:s3+s11], $0x40, s22, s11, $0xb8;
	[tilespmem:$0x10200] =	vst v63  }
0x21: {  	s29 =	sadd.s32 $0x100, s21  }
0x22: {  	[tilespmem:s13], [sflag:$0x1] =	stream.indirect.gather [hbm4b:s3+s11], $0x40, s29, s11, $0xb8;
	[tilespmem:$0x10200] =	vst v63  }
0x23: {  	s30 =	sadd.s32 $0x180, s21  }
0x24: {  	[tilespmem:s14], [sflag:$0x1] =	stream.indirect.gather [hbm4b:s3+s11], $0x40, s30, s11, $0xb8;
	[tilespmem:$0x10200] =	vst v63  }
0x25: {  	s21 =	sadd.s32 $0x200, s21  }
0x26: {  	[tilespmem:s15], [sflag:$0x1] =	stream.indirect.gather [hbm4b:s3+s11], $0x40, s21, s11, $0xb8;
	[tilespmem:$0x10200] =	vst v63  }
0x27: {  	_ =	swait.ge [sflag:s16], $0x2000  }
0x28: {  	[sflag:s16] =	ssyncset.done $0x0  }
0x29: {  	[sflag:s16] =	ssyncadd.s32 $0xFFFFE000  }
0x2a: {  	_ =	swait.ge [sflag:s16], $0x2000  }
0x2b: {  	[sflag:s16] =	ssyncset.done $0x0  }
0x2c: {  	[sflag:s16] =	ssyncadd.s32 $0xFFFFE000  }
0x2d: {  	_ =	swait.ge [sflag:s16], $0x2000  }
0x2e: {  	[sflag:s16] =	ssyncset.done $0x0  }
0x2f: {  	[sflag:s16] =	ssyncadd.s32 $0xFFFFE000  }
0x30: {  	s31 =	smul.u32 $0x5, s19;
	_ =	swait.ge [sflag:s16], $0x2000  }
0x31: {  	[sflag:s16] =	ssyncset.done $0x0  }
0x32: {  	s21 =	sadd.s32 s5, s31;
	[sflag:s16] =	ssyncadd.s32 $0xFFFFE000  }
0x33: {  	s21 =	sshll.u32 s21, $0xB;
	_ =	swait.ge [sflag:s16], $0x2000  }
0x34: {  	s23 =	simm.s32 $0x6240;
	s21 =	sadd.s32 s4, s21;
	[sflag:s16] =	ssyncset.done $0x0  }
0x35: {  	s22 =	simm.s32 $0x10;
	s24 =	sadd.s32 $0x0, s21;
	[sflag:s16] =	ssyncadd.s32 $0xFFFFE000  }
.LBB2_3:
0x36: {  	[hbm4b:s24+s2] =	stream.linear.scatter [tilespmem:s20], [sflag:$0x2], $0x30, $0x38;
	[tilespmem:$0x10200] =	vst v63  }
0x37: {  	s24 =	smov.u32 s22;
	s20 =	smov.u32 s23;
	p1 =	sne.s32 s22, $0x27F0  }
.Ltmp2:
0x38: {  	s22 =	sadd.s32 $0x10, s22;
	(pc) =	sbr.rel @p1 .LBB2_3-.Ltmp2, $2  }
0x39: {  	_ =	sdelay $0x2  }
0x3a: {  	s23 =	sadd.s32 $0x40, s23;
	s24 =	sadd.s32 s24, s21  }
0x3b: {  	s19 =	sadd.s32 $0x1, s19  }
0x3c: {  	p1 =	sne.s32 s19, $0x27  }
.Ltmp3:
0x3d: {  	_ = 	snop;
	(pc) =	sbr.rel @p1 .LBB2_2-.Ltmp3, $4  }
0x3e: {  	[hbm4b:s24+s2] =	stream.linear.scatter [tilespmem:s20], [sflag:$0x2], $0x30, $0x38;
	[tilespmem:$0x10200] =	vst v63  }
0x3f: {  	_ =	swait.ge [sflag:s10], $0x7800  }
0x40: {  	[sflag:s10] =	ssyncset.done $0x0  }
0x41: {  	[sflag:s10] =	ssyncadd.s32 $0xFFFF8800  }
.Ltmp4:
0x42: {  	(pc) =	sbr.rel @p0 .LBB2_9-.Ltmp4, $1  }
0x43: {  	_ =	sdelay $0x3  }
0x44: {  	s19 =	simm.s32 $0x6200  }
0x45: {  	[tilespmem:s19], [sflag:$0x1] =	stream.indirect.gather [hbm4b:s3+s11], $0x40, s17, s11, $0xb8;
	[tilespmem:$0x10200] =	vst v63  }
0x46: {  	_ =	swait.ge [sflag:s16], $0x2000  }
0x47: {  	s20 =	simm.s32 $0x10;
	[sflag:s16] =	ssyncset.done $0x0  }
0x48: {  	s22 =	sadd.s32 $0x0, s8;
	s21 =	simm.s32 $0x6240;
	[sflag:s16] =	ssyncadd.s32 $0xFFFFE000  }
.LBB2_7:
0x49: {  	[hbm4b:s22+s2] =	stream.linear.scatter [tilespmem:s19], [sflag:$0x2], $0x30, $0x38;
	[tilespmem:$0x10200] =	vst v63  }
0x4a: {  	s22 =	smov.u32 s20;
	s19 =	smov.u32 s21;
	p1 =	sne.s32 s20, $0x7F0  }
.Ltmp5:
0x4b: {  	s20 =	sadd.s32 $0x10, s20;
	(pc) =	sbr.rel @p1 .LBB2_7-.Ltmp5, $2  }
0x4c: {  	_ =	sdelay $0x2  }
0x4d: {  	s21 =	sadd.s32 $0x40, s21;
	s22 =	sadd.s32 s22, s8  }
.Ltmp6:
0x4e: {  	(pc) =	sbr.rel .LBB2_9-.Ltmp6, $4  }
0x4f: {  	[hbm4b:s22+s2] =	stream.linear.scatter [tilespmem:s19], [sflag:$0x2], $0x30, $0x38;
	[tilespmem:$0x10200] =	vst v63  }
0x50: {  	_ =	swait.ge [sflag:s10], $0x1800  }
0x51: {  	[sflag:s10] =	ssyncset.done $0x0  }
0x52: {  	[sflag:s10] =	ssyncadd.s32 $0xFFFFE800  }
.LBB2_10:
0x53: {  	_ =	sfence.sel $0x180000  }
0x54: {  	[bflag:$0x0] =	sbarrier.arrive $0xFFFF  }
0x55: {  	p0 =	sne.s32 s1, $0x0;
	_ =	strace $0x90000047  }
0x56: {  	s0 =	sadd.s32 @!p0 $0x100000, s0;
	[bflag:$0x2] =	sbarrier.arrive $0xFFFF  }
0x57: {  	[sflag:s0] =	ssyncadd.tile.s32 @!p0 $0x1;
	_ =	shalt  }
.Lfunc_end2:
_tile_overlayer_lowered:
.L_overlay_start_2:
0x58: {  	(tag) =	ssettag $0x2  }
0x59: {  	s0 =	rddreg [dreg:$0x0];
	s2 =	stileid.u32  }
0x5a: {  	s1 =	rddreg [dreg:$0x1];
	p0 =	sne.s32 s2, $0x0  }
0x5b: {  	s3 =	rddreg [dreg:$0x2];
	[bflag:$0x3] =	sbarrier.arrive $0xFFFF;
	s2 =	simm.s32 @!p0 $0x1C02  }
0x5c: {  	[timem:s3], [sflag:s2] =	dma.local @!p0 [hbm:s0], s1  }
0x5d: {  	s0 =	simm.s32 @!p0 $0x2  }
0x5e: {  	_ =	swait.ge @!p0 [sflag:s0], s1  }
0x5f: {  	s1 =	ssub.s32 @!p0 $0x0, s1;
	[sflag:s0] =	ssyncset.done @!p0 $0x0  }
0x60: {  	[sflag:s0] =	ssyncadd.s32 @!p0 s1  }
0x61: {  	[bflag:$0x3] =	sbarrier.arrive $0xFFFF  }
0x62: {  	_ =	shalt  }

// kernel: kernel.8.cloned.1.call-start
scs
__scs_entry_jumppad:
0x0: {  	(pc) =	sbr.rel $0x88, $3  }
0x1: {  	(tag) =	ssettag $0x0;
	lr =	simm.s32 $0x1  }
0x2: {  	[smem:$0x3F97] =	sst lr;
	_ =	strace $0xD0000000  }
0x3: {  	_ = 	snop  }
0x4: {  	_ = 	snop  }
0x5: {  	_ = 	snop  }
0x6: {  	_ = 	snop  }
0x7: {  	_ = 	snop  }
__scs_overlays_trampoline_lowered:
0x8: {  	[smem:$0x3FA6] =	sst s0  }
0x9: {  	[smem:$0x3FA7] =	sst s1  }
0xa: {  	[smem:$0x3FA8] =	sst s2  }
0xb: {  	[smem:$0x3FA9] =	sst s3  }
0xc: {  	[smem:$0x3FAA] =	sst s4  }
0xd: {  	[smem:$0x3FAB] =	sst s5  }
0xe: {  	[smem:$0x3FAC] =	sst s6  }
0xf: {  	[smem:$0x3FAD] =	sst s7  }
0x10: {  	[smem:$0x3FAE] =	sst s8  }
0x11: {  	[smem:$0x3FAF] =	sst s9;
	s0 =	simm.s32 @!p0 $0x0  }
0x12: {  	s1 =	sld [smem:$0x3F95];
	s0 =	simm.s32 @p0 $0x1  }
0x13: {  	[smem:$0x3FB0] =	sst s0;
	s0 =	simm.s32 @!p1 $0x0  }
0x14: {  	s2 =	sld [smem:$0x3F94];
	s0 =	simm.s32 @p1 $0x1  }
0x15: {  	[smem:$0x3FB1] =	sst s0;
	s0 =	simm.s32 @!p2 $0x0  }
0x16: {  	s3 =	sld [smem:$0x3FDB];
	s0 =	simm.s32 @p2 $0x1  }
0x17: {  	s4 =	simm.s32 $0x1BF5;
	[smem:$0x3FB3] =	sst s0  }
0x18: {  	s0 =	sld [smem:$0x3F96];
	_ =	swait.ge [sflag:s4], $0x0  }
0x19: {  	s7 =	sld [smem:$0x3F97]  }
0x1a: {  	s8 =	sadd.s32 $0xFFFFE003, lr  }
0x1b: {  	s9 =	sadd.s32 $0xFFFFFEF7, lr;
	s5 =	simm.s32 $0xFFFFFFFF;
	p2 =	slt.u32 s8, $0xFFFFF086  }
0x1c: {  	p1 =	slt.u32 s9, $0xF7A;
	s5 =	simm.s32 @!p2 $0x0  }
0x1d: {  	s5 =	simm.s32 @p1 $0x1;
	p0 =	seq.s32 s7, s2  }
0x1e: {  	s7 =	smul.u32 @!p0 $0xF7A, s2;
	p2 =	seq.s32 @!p0 s5, $0x0  }
0x1f: {  	s9 =	smul.u32 $0xF7A, s1;
	s8 =	simm.s32 @!p0 $0x1BF5;
	p2 =	por !p2, p0  }
0x20: {  	[sflag:s8] =	ssyncset.s32 @!p0 $0xFFFFF086;
	s6 =	sadd.s32 @!p0 s3, s7;
	s7 =	simm.s32 @!p0 $0x108  }
0x21: {  	s3 =	sadd.s32 s3, s9;
	s6 =	sadd.s32 @!p0 $0x88, s6;
	s7 =	simm.s32 @p2 $0x1082  }
0x22: {  	[simem:s7], [sflag:s8] =	dma.local @!p0 [hbm:s6], $0xF7A  }
0x23: {  	s9 =	sor.u32 $0xD0000000, s2;
	s6 =	simm.s32 $0x108;
	_ =	swait.ge @!p0 [sflag:s8], $0x0  }
0x24: {  	s3 =	sadd.s32 $0x88, s3;
	s6 =	simm.s32 @!p1 $0x1082;
	[sflag:s4] =	ssyncset.s32 $0xFFFFF086  }
0x25: {  	[simem:s6], [sflag:s4] =	dma.local [hbm:s3], $0xF7A  }
0x26: {  	[smem:$0x3F97] =	sst s1;
	(tag) =	ssettag s2;
	_ =	strace s9  }
0x27: {  	s1 =	sld [smem:$0x3FA7]  }
0x28: {  	s2 =	sld [smem:$0x3FA8]  }
0x29: {  	s4 =	sld [smem:$0x3FAA]  }
0x2a: {  	p0 =	seq.s32 s5, $0x0;
	s5 =	sld [smem:$0x3FAB]  }
0x2b: {  	s6 =	sld [smem:$0x3FAC]  }
0x2c: {  	s7 =	sld [smem:$0x3FAD]  }
0x2d: {  	s3 =	simm.s32 $0x108;
	s8 =	sld [smem:$0x3FAE]  }
0x2e: {  	s3 =	simm.s32 @!p0 $0x1082;
	s9 =	sld [smem:$0x3FAF]  }
0x2f: {  	lr =	sadd.s32 s0, s3;
	s0 =	sld [smem:$0x3FA6]  }
0x30: {  	s3 =	sld [smem:$0x3FA9]  }
0x31: {  	[smem:$0x3FB2] =	sst s10  }
0x32: {  	s10 =	sld [smem:$0x3FB0];
	_ =	sdelay $0x3  }
0x33: {  	p0 =	seq.s32 s10, $0x1;
	s10 =	sld [smem:$0x3FB2];
	_ =	sdelay $0x3  }
0x34: {  	[smem:$0x3FB2] =	sst s10  }
0x35: {  	s10 =	sld [smem:$0x3FB1];
	_ =	sdelay $0x3  }
0x36: {  	p1 =	seq.s32 s10, $0x1;
	s10 =	sld [smem:$0x3FB2];
	_ =	sdelay $0x3  }
0x37: {  	[smem:$0x3FB2] =	sst s10  }
0x38: {  	s10 =	sld [smem:$0x3FB3]  }
0x39: {  	_ = 	snop;
	(pc) =	sbr.ind lr, $3  }
0x3a: {  	_ = 	snop  }
0x3b: {  	_ = 	snop  }
0x3c: {  	p2 =	seq.s32 s10, $0x1;
	s10 =	sld [smem:$0x3FB2]  }
0x3d: {  	_ =	shalt  }
0x3e: {  	_ =	shalt  }
0x3f: {  	_ =	shalt  }
0x40: {  	_ =	shalt  }
0x41: {  	_ =	shalt  }
0x42: {  	_ =	shalt  }
0x43: {  	_ =	shalt  }
0x44: {  	_ =	shalt  }
0x45: {  	_ =	shalt  }
0x46: {  	_ =	shalt  }
0x47: {  	_ =	shalt  }
0x48: {  	_ =	shalt  }
0x49: {  	_ =	shalt  }
0x4a: {  	_ =	shalt  }
0x4b: {  	_ =	shalt  }
0x4c: {  	_ =	shalt  }
0x4d: {  	_ =	shalt  }
0x4e: {  	_ =	shalt  }
0x4f: {  	_ =	shalt  }
0x50: {  	_ =	shalt  }
0x51: {  	_ =	shalt  }
0x52: {  	_ =	shalt  }
0x53: {  	_ =	shalt  }
0x54: {  	_ =	shalt  }
0x55: {  	_ =	shalt  }
0x56: {  	_ =	shalt  }
0x57: {  	_ =	shalt  }
0x58: {  	_ =	shalt  }
0x59: {  	_ =	shalt  }
0x5a: {  	_ =	shalt  }
0x5b: {  	_ =	shalt  }
0x5c: {  	_ =	shalt  }
0x5d: {  	_ =	shalt  }
0x5e: {  	_ =	shalt  }
0x5f: {  	_ =	shalt  }
0x60: {  	_ =	shalt  }
0x61: {  	_ =	shalt  }
0x62: {  	_ =	shalt  }
0x63: {  	_ =	shalt  }
0x64: {  	_ =	shalt  }
0x65: {  	_ =	shalt  }
0x66: {  	_ =	shalt  }
0x67: {  	_ =	shalt  }
0x68: {  	_ =	shalt  }
0x69: {  	_ =	shalt  }
0x6a: {  	_ =	shalt  }
0x6b: {  	_ =	shalt  }
0x6c: {  	_ =	shalt  }
0x6d: {  	_ =	shalt  }
0x6e: {  	_ =	shalt  }
0x6f: {  	_ =	shalt  }
0x70: {  	_ =	shalt  }
0x71: {  	_ =	shalt  }
0x72: {  	_ =	shalt  }
0x73: {  	_ =	shalt  }
0x74: {  	_ =	shalt  }
0x75: {  	_ =	shalt  }
0x76: {  	_ =	shalt  }
0x77: {  	_ =	shalt  }
0x78: {  	_ =	shalt  }
0x79: {  	_ =	shalt  }
0x7a: {  	_ =	shalt  }
0x7b: {  	_ =	shalt  }
0x7c: {  	_ =	shalt  }
0x7d: {  	_ =	shalt  }
0x7e: {  	_ =	shalt  }
0x7f: {  	_ =	shalt  }
0x80: {  	_ =	shalt  }
0x81: {  	_ =	shalt  }
0x82: {  	_ =	shalt  }
0x83: {  	_ =	shalt  }
0x84: {  	_ =	shalt  }
0x85: {  	_ =	shalt  }
0x86: {  	_ =	shalt  }
0x87: {  	_ =	shalt  }
.Lfunc_end0:
.L_simem_size_0:
called_computation.1_lowered:
.L_overlay_start_0:
0x88: {  	s2 =	sld [smem:$0x3FD9]  }
0x89: {  	s3 =	sld [smem:$0x3FFE];
	_ =	sdelay $0x1  }
0x8a: {  	s1 =	srdreg.scid  }
0x8b: {  	s0 =	sand.u32 $0x1, s1  }
0x8c: {  	s17 =	sshll.u32 s0, $0xA;
	s2 =	sadd.s32 s3, s2  }
0x8d: {  	s2 =	sadd.s32 s2, s17  }
0x8e: {  	[smem:$0x3FBE] =	sst s2  }
0x8f: {  	_ = 	snop  }
0x90: {  	s2 =	sld [smem:$0x3FC8]  }
0x91: {  	s18 =	sld [smem:$0x3FD0];
	(tm) =	ssettm $0x1  }
0x92: {  	s4 =	sld [smem:$0x3FFB];
	_ =	sdelay $0x3  }
0x93: {  	_ =	strace s4  }
0x94: {  	s4 =	sld [smem:$0x3FFC];
	_ =	sdelay $0x3  }
0x95: {  	_ =	strace s4  }
0x96: {  	s4 =	sld [smem:$0x3FFD];
	_ =	sdelay $0x3  }
0x97: {  	_ =	strace s4  }
0x98: {  	_ =	strace $0x8FFFFFFF  }
0x99: {  	s19 =	sld [smem:$0x3FDB];
	_ =	sdelay $0x1  }
0x9a: {  	s5 =	simm.s32 $_scs_section_size  }
0x9b: {  	s6 =	simm.s32 $_size__tile_overlayer_lowered;
	s7 =	simm.s32 $_tile_overlayer_lowered  }
0x9c: {  	s22 =	simm.s32 $0x1BFF;
	s21 =	sshll.u32 s7, $0x1;
	s4 =	sadd.s32 s5, s19  }
0x9d: {  	s8 =	simm.s32 $0x0;
	s20 =	sshll.u32 s6, $0x1;
	s6 =	sadd.s32 s21, s4  }
0x9e: {  	[timem:s8], [sflag:s22] =	dma.local [hbm:s6], s20  }
0x9f: {  	_ =	swait.ge [sflag:s22], s20  }
0xa0: {  	s5 =	ssub.s32 $0x0, s20;
	[sflag:s22] =	ssyncset.done $0x0  }
0xa1: {  	[sflag:s22] =	ssyncadd.s32 s5;
	_ =	sdelay $0x1  }
0xa2: {  	s23 =	simm.s32 $0x1B8B  }
0xa3: {  	_ =	swait.ge [sflag:s23], $0x1  }
0xa4: {  	[sflag:s23] =	ssyncset.done $0x0  }
0xa5: {  	s25 =	simm.s32 $0x1B8E;
	s24 =	sld [smem:$0x3FFE];
	[sflag:s23] =	ssyncadd.s32 $0xFFFFFFFF  }
0xa6: {  	s26 =	simm.s32 $execute0_lowered;
	[smem:$0x3FD2] =	sst s25  }
0xa7: {  	s6 =	sshll.u32 s26, $0x1;
	_ =	strace $0x80000049;
	[dreg:$0x1] =	wrdreg $0xFFFFFFFF  }
0xa8: {  	s28 =	simm.s32 $_size_execute0_lowered;
	s4 =	sadd.s32 s4, s6;
	[dreg:$0x0] =	wrdreg $0x0  }
0xa9: {  	s6 =	sshll.u32 s28, $0x1;
	[dreg:$0x2] =	wrdreg s4  }
0xaa: {  	[dreg:$0x3] =	wrdreg s6  }
0xab: {  	[dreg:$0x4] =	wrdreg $0xC0  }
0xac: {  	_ =	task [dreg:s8], $0x5FFFF  }
0xad: {  	[dreg:$0x1] =	wrdreg $0xFFFFFFFF  }
0xae: {  	[dreg:$0x0] =	wrdreg $0x60  }
0xaf: {  	[dreg:$0x2] =	wrdreg s24  }
0xb0: {  	[dreg:$0x3] =	wrdreg s2  }
0xb1: {  	[dreg:$0x4] =	wrdreg s18  }
0xb2: {  	[dreg:$0x5] =	wrdreg $0xC8000  }
0xb3: {  	[dreg:$0x6] =	wrdreg $0x9  }
0xb4: {  	_ =	task.clear_ibuf [dreg:s8], $0x7FFFF;
	_ =	strace $0x90000049  }
0xb5: {  	s29 =	simm.s32 $0x9;
	_ =	strace $0x8000004B  }
0xb6: {  	_ =	swait.ge [sflag:s29], $0x1  }
0xb7: {  	[sflag:s29] =	ssyncadd.s32 $0xFFFFFFFF  }
0xb8: {  	_ =	strace $0x9000004B  }
0xb9: {  	_ =	sfence  }
0xba: {  	s30 =	sld [smem:$0x0];
	_ =	sdelay $0x2  }
0xbb: {  	s31 =	sshll.u32 s1, $0xD;
	s1 =	sshrl.u32 s1, $0x2  }
0xbc: {  	s3 =	sand.u32 $0x4000, s31;
	s1 =	sadd.s32 s1, s30  }
0xbd: {  	s0 =	sor.u32 s3, s0;
	s1 =	sshll.u32 s1, $0x11  }
0xbe: {  	s0 =	sor.u32 s1, s0  }
0xbf: {  	s0 =	sadd.s32 $0x8F2B, s0  }
0xc0: {  	[sflag:s0] =	ssyncadd.remote.s32 $0x1  }
0xc1: {  	_ =	sfence.sel $0xFFFF  }
0xc2: {  	[dreg:$0x0] =	wrdreg $0xFFFFFFFF;
	(pc) =	sbr.abs _section_cstart, $3  }
0xc3: {  	[dreg:$0x1] =	wrdreg $0xFFFFFFFF  }
0xc4: {  	_ =	task.clear_ibuf [dreg:s8], $0x2FFFF;
	_ =	strace $0x9FFFFFFF  }
0xc5: {  	(tm) =	ssettm $0x7FFFFFFF  }
tec
execute0_lowered:
.L_overlay_start_1:
0x0: {  	(tag) =	ssettag $0x1  }
0x1: {  	s0 =	rddreg [dreg:$0x0]  }
0x2: {  	s1 =	rddreg [dreg:$0x1]  }
0x3: {  	s4 =	rddreg [dreg:$0x2]  }
0x4: {  	s2 =	rddreg [dreg:$0x3];
	s3 =	simm.s32 $0x0;
	s12 =	stileid.u32  }
0x5: {  	s7 =	srdreg.scid;
	s13 =	simm.s32 $0xF;
	s17 =	simm.s32 $0x2  }
0x6: {  	s19 =	simm.s32 $0x80;
	s18 =	simm.s32 $0x0;
	s5 =	smul.u32 $0x12600, s12  }
0x7: {  	[smem:$0x7FF] =	sst s3;
	s6 =	smul.u32 $0xC8000, s12;
	s7 =	sand.u32 $0x1, s7  }
0x8: {  	p0 =	seq.s32 s12, $0xF;
	s20 =	sshll.u32 s12, $0x6;
	s21 =	sadd.s32 $0x18600, s1  }
0x9: {  	s22 =	sadd.s32 $0x25C0C03, s0;
	_ =	strace $0x8000004A;
	[dreg:$0x8] =	wrdreg s21  }
0xa: {  	s25 =	smul.u32 $0x1900, s12;
	s13 =	simm.s32 @!p0 $0x19;
	[dreg:$0x9] =	wrdreg s22  }
0xb: {  	s26 =	sor.u32 $0x1C02, s20;
	s8 =	sshrl.u32 s5, $0x3;
	[dreg:$0x5] =	wrdreg s13  }
0xc: {  	s6 =	sadd.s32 s6, s0;
	[dreg:$0x7] =	wrdreg s26;
	s4 =	sadd.s32 s4, s8  }
0xd: {  	s9 =	sadd.s32 s8, s0;
	s0 =	sadd.s32 $0x25C0C00, s0;
	[dreg:$0x6] =	wrdreg s4  }
0xe: {  	s10 =	ssub.s32 $0x2, s7;
	s30 =	sadd.s32 $0x1990C00, s6;
	[dreg:$0xb] =	wrdreg s0  }
0xf: {  	s5 =	sadd.s32 s5, s2;
	s31 =	sadd.s32 $0x1990C03, s6;
	[dreg:$0xe] =	wrdreg s30  }
0x10: {  	s11 =	sshrl.u32 s10, $0x1;
	s28 =	sshrl.u32 s5, $0x3;
	[dreg:$0xf] =	wrdreg s31  }
.Ltmp0:
0x11: {  	s23 =	sadd.s32 $0x26600, s9;
	[dreg:$0x11] =	wrdreg s28;
	(pc) =	sbr.rel .LBB2_1-.Ltmp0, $4  }
0x12: {  	s10 =	ssub.s32 s10, s11;
	s24 =	sadd.s32 $0x1A00, s9;
	[dreg:$0xa] =	wrdreg s23  }
0x13: {  	p2 =	sne.s32 s12, $0xF;
	s29 =	smax.u32 s10, $0x1;
	[dreg:$0xc] =	wrdreg s24  }
0x14: {  	p1 =	sne.s32 s7, $0x0;
	s0 =	sadd.s32 s25, s1;
	[dreg:$0xd] =	wrdreg s29  }
0x15: {  	s20 =	simm.s32 $0x800;
	[dreg:$0x10] =	wrdreg s0;
	s24 =	simm.s32 $0x1  }
.LBB2_8:
0x16: {  	s28 =	rddreg [dreg:$0x8]  }
0x17: {  	[tilespmem:s3], [sflag:$0x2] =	stream.linear.gather [hbm4b:s28+s3], $0x500, $0x38;
	[tilespmem:$0x1EE00] =	vst v63  }
0x18: {  	_ =	swait.ge [sflag:s17], $0x500  }
0x19: {  	[sflag:s17] =	ssyncset.done $0x0  }
0x1a: {  	[sflag:s17] =	ssyncadd.s32 $0xFFFFFB00  }
0x1b: {  	[tilespmem:s20], [sflag:$0x2] =	stream.strided.gather [hbm4b:s26+s29], $0x7800, s19, s29, $0x38;
	[tilespmem:$0x1EE00] =	vst v63  }
0x1c: {  	_ =	swait.ge [sflag:s17], $0x7800  }
0x1d: {  	[sflag:s17] =	ssyncset.done $0x0  }
0x1e: {  	[sflag:s17] =	ssyncadd.s32 $0xFFFF8800  }
0x1f: {  	[spmem:s2] =	stream.indirect.scatter.add.f32 [tilespmem:s20], [sflag:$0x1], $0x18, s3, s19, $0xb8;
	[tilespmem:$0x1EE00] =	vst v63  }
0x20: {  	_ = 	snop  }
0x21: {  	[spmem:s2] =	stream.indirect.scatter.add.f32 [tilespmem:s30], [sflag:$0x1], $0x18, s19, s19, $0xb8;
	[tilespmem:$0x1EE00] =	vst v63  }
0x22: {  	_ = 	snop  }
0x23: {  	[spmem:s2] =	stream.indirect.scatter.add.f32 [tilespmem:s0], [sflag:$0x1], $0x18, s31, s19, $0xb8;
	[tilespmem:$0x1EE00] =	vst v63  }
0x24: {  	_ = 	snop  }
0x25: {  	[spmem:s2] =	stream.indirect.scatter.add.f32 [tilespmem:s7], [sflag:$0x1], $0x18, s1, s19, $0xb8;
	[tilespmem:$0x1EE00] =	vst v63  }
0x26: {  	_ = 	snop  }
0x27: {  	[spmem:s2] =	stream.indirect.scatter.add.f32 [tilespmem:s9], [sflag:$0x1], $0x18, s8, s19, $0xb8;
	[tilespmem:$0x1EE00] =	vst v63  }
0x28: {  	_ = 	snop  }
0x29: {  	[spmem:s2] =	stream.indirect.scatter.add.f32 [tilespmem:s11], [sflag:$0x1], $0x18, s10, s19, $0xb8;
	[tilespmem:$0x1EE00] =	vst v63  }
0x2a: {  	_ = 	snop  }
0x2b: {  	[spmem:s2] =	stream.indirect.scatter.add.f32 [tilespmem:s12], [sflag:$0x1], $0x18, s5, s19, $0xb8;
	[tilespmem:$0x1EE00] =	vst v63  }
0x2c: {  	_ = 	snop  }
0x2d: {  	[spmem:s2] =	stream.indirect.scatter.add.f32 [tilespmem:s14], [sflag:$0x1], $0x18, s13, s19, $0xb8;
	[tilespmem:$0x1EE00] =	vst v63  }
0x2e: {  	_ = 	snop  }
0x2f: {  	[spmem:s2] =	stream.indirect.scatter.add.f32 [tilespmem:s16], [sflag:$0x1], $0x18, s6, s19, $0xb8;
	[tilespmem:$0x1EE00] =	vst v63  }
0x30: {  	_ = 	snop  }
0x31: {  	[spmem:s2] =	stream.indirect.scatter.add.f32 [tilespmem:s15], [sflag:$0x1], $0x18, s4, s19, $0xb8;
	[tilespmem:$0x1EE00] =	vst v63  }
0x32: {  	_ =	swait.ge [sflag:s24], $0xC00  }
0x33: {  	[sflag:s24] =	ssyncset.done $0x0  }
0x34: {  	[sflag:s24] =	ssyncadd.s32 $0xFFFFF400  }
0x35: {  	_ =	swait.ge [sflag:s24], $0xC00  }
0x36: {  	[sflag:s24] =	ssyncset.done $0x0  }
0x37: {  	[sflag:s24] =	ssyncadd.s32 $0xFFFFF400  }
0x38: {  	_ =	swait.ge [sflag:s24], $0xC00  }
0x39: {  	[sflag:s24] =	ssyncset.done $0x0  }
0x3a: {  	[sflag:s24] =	ssyncadd.s32 $0xFFFFF400  }
0x3b: {  	_ =	swait.ge [sflag:s24], $0xC00  }
0x3c: {  	[sflag:s24] =	ssyncset.done $0x0  }
0x3d: {  	[sflag:s24] =	ssyncadd.s32 $0xFFFFF400  }
0x3e: {  	_ =	swait.ge [sflag:s24], $0xC00  }
0x3f: {  	[sflag:s24] =	ssyncset.done $0x0  }
0x40: {  	[sflag:s24] =	ssyncadd.s32 $0xFFFFF400  }
0x41: {  	_ =	swait.ge [sflag:s24], $0xC00  }
0x42: {  	[sflag:s24] =	ssyncset.done $0x0  }
0x43: {  	[sflag:s24] =	ssyncadd.s32 $0xFFFFF400  }
0x44: {  	_ =	swait.ge [sflag:s24], $0xC00  }
0x45: {  	[sflag:s24] =	ssyncset.done $0x0  }
0x46: {  	[sflag:s24] =	ssyncadd.s32 $0xFFFFF400  }
0x47: {  	_ =	swait.ge [sflag:s24], $0xC00  }
0x48: {  	[sflag:s24] =	ssyncset.done $0x0  }
0x49: {  	[sflag:s24] =	ssyncadd.s32 $0xFFFFF400  }
0x4a: {  	_ =	swait.ge [sflag:s24], $0xC00  }
0x4b: {  	[sflag:s24] =	ssyncset.done $0x0  }
0x4c: {  	[sflag:s24] =	ssyncadd.s32 $0xFFFFF400  }
0x4d: {  	_ =	swait.ge [sflag:s24], $0xC00  }
0x4e: {  	[sflag:s24] =	ssyncset.done $0x0  }
0x4f: {  	[sflag:s24] =	ssyncadd.s32 $0xFFFFF400  }
.LBB2_9:
0x50: {  	[bflag:$0x0] =	sbarrier.arrive $0xFFFF  }
0x51: {  	s26 =	rddreg [dreg:$0x7]  }
0x52: {  	s28 =	rddreg [dreg:$0x11]  }
0x53: {  	[hbm:s25], [sflag:s26] =	dma.local [spmem:s28], $0x24C0  }
0x54: {  	_ =	swait.ge [sflag:s17], $0x24C0  }
0x55: {  	s18 =	sadd.s32 $0x1, s18;
	s31 =	rddreg [dreg:$0xd]  }
0x56: {  	p3 =	sne.s32 s18, s31  }
.Ltmp1:
0x57: {  	_ = 	snop;
	(pc) =	sbr.rel @!p3 .LBB2_10-.Ltmp1, $3  }
0x58: {  	_ =	sdelay $0x1  }
0x59: {  	[sflag:s17] =	ssyncset.done $0x0  }
0x5a: {  	[sflag:s17] =	ssyncadd.s32 $0xFFFFDB40  }
.LBB2_1:
0x5b: {  	[dreg:$0x12] =	wrdreg s18  }
0x5c: {  	s25 =	rddreg [dreg:$0x6]  }
0x5d: {  	[spmem:s28], [sflag:s26] =	dma.local [hbm:s25], $0x24C0  }
.Ltmp2:
0x5e: {  	_ =	swait.ge [sflag:s17], $0x24C0;
	(pc) =	sbr.rel @p1 .LBB2_5-.Ltmp2, $3  }
0x5f: {  	[sflag:s17] =	ssyncset.done $0x0  }
0x60: {  	[sflag:s17] =	ssyncadd.s32 $0xFFFFDB40  }
0x61: {  	[bflag:$0x0] =	sbarrier.arrive $0xFFFF;
	_ =	sdelay $0x1  }
0x62: {  	s28 =	rddreg [dreg:$0x10]  }
0x63: {  	[tilespmem:s3], [sflag:$0x2] =	stream.linear.gather [hbm4b:s28+s3], $0x800, $0x38;
	[tilespmem:$0x1EE00] =	vst v63  }
0x64: {  	_ =	swait.ge [sflag:s17], $0x800  }
0x65: {  	[sflag:s17] =	ssyncset.done $0x0  }
0x66: {  	s0 =	simm.s32 $0x18;
	s26 =	rddreg [dreg:$0xe];
	[sflag:s17] =	ssyncadd.s32 $0xFFFFF800  }
0x67: {  	[tilespmem:s20], [sflag:$0x2] =	stream.strided.gather [hbm4b:s26+s0], $0xC000, s19, s0, $0x38;
	[tilespmem:$0x1EE00] =	vst v63  }
0x68: {  	_ =	swait.ge [sflag:s17], $0xC000  }
0x69: {  	[sflag:s17] =	ssyncset.done $0x0  }
0x6a: {  	[sflag:s17] =	ssyncadd.s32 $0xFFFF4000  }
0x6b: {  	[spmem:s2] =	stream.indirect.scatter.add.f32 [tilespmem:s20], [sflag:$0x1], $0x18, s3, s19, $0xb8;
	[tilespmem:$0x1EE00] =	vst v63  }
0x6c: {  	s21 =	simm.s32 $0x1400  }
0x6d: {  	[spmem:s2] =	stream.indirect.scatter.add.f32 [tilespmem:s21], [sflag:$0x1], $0x18, s19, s19, $0xb8;
	[tilespmem:$0x1EE00] =	vst v63  }
0x6e: {  	s22 =	simm.s32 $0x100;
	s1 =	simm.s32 $0x2000  }
0x6f: {  	[spmem:s2] =	stream.indirect.scatter.add.f32 [tilespmem:s1], [sflag:$0x1], $0x18, s22, s19, $0xb8;
	[tilespmem:$0x1EE00] =	vst v63  }
0x70: {  	s23 =	simm.s32 $0x180;
	s25 =	simm.s32 $0x2C00  }
0x71: {  	[spmem:s2] =	stream.indirect.scatter.add.f32 [tilespmem:s25], [sflag:$0x1], $0x18, s23, s19, $0xb8;
	[tilespmem:$0x1EE00] =	vst v63  }
0x72: {  	s4 =	simm.s32 $0x3800;
	s1 =	simm.s32 $0x200  }
0x73: {  	[spmem:s2] =	stream.indirect.scatter.add.f32 [tilespmem:s4], [sflag:$0x1], $0x18, s1, s19, $0xb8;
	[tilespmem:$0x1EE00] =	vst v63  }
0x74: {  	s5 =	simm.s32 $0x280;
	s6 =	simm.s32 $0x4400  }
0x75: {  	[spmem:s2] =	stream.indirect.scatter.add.f32 [tilespmem:s6], [sflag:$0x1], $0x18, s5, s19, $0xb8;
	[tilespmem:$0x1EE00] =	vst v63  }
0x76: {  	s7 =	simm.s32 $0x300;
	s8 =	simm.s32 $0x5000  }
0x77: {  	[spmem:s2] =	stream.indirect.scatter.add.f32 [tilespmem:s8], [sflag:$0x1], $0x18, s7, s19, $0xb8;
	[tilespmem:$0x1EE00] =	vst v63  }
0x78: {  	s9 =	simm.s32 $0x380;
	s10 =	simm.s32 $0x5C00  }
0x79: {  	[spmem:s2] =	stream.indirect.scatter.add.f32 [tilespmem:s10], [sflag:$0x1], $0x18, s9, s19, $0xb8;
	[tilespmem:$0x1EE00] =	vst v63  }
0x7a: {  	s11 =	simm.s32 $0x400;
	s13 =	simm.s32 $0x6800  }
0x7b: {  	[spmem:s2] =	stream.indirect.scatter.add.f32 [tilespmem:s13], [sflag:$0x1], $0x18, s11, s19, $0xb8;
	[tilespmem:$0x1EE00] =	vst v63  }
0x7c: {  	s14 =	simm.s32 $0x480;
	s22 =	simm.s32 $0x7400  }
0x7d: {  	[spmem:s2] =	stream.indirect.scatter.add.f32 [tilespmem:s22], [sflag:$0x1], $0x18, s14, s19, $0xb8;
	[tilespmem:$0x1EE00] =	vst v63  }
0x7e: {  	s23 =	simm.s32 $0x500;
	s25 =	simm.s32 $0x8000  }
0x7f: {  	[spmem:s2] =	stream.indirect.scatter.add.f32 [tilespmem:s25], [sflag:$0x1], $0x18, s23, s19, $0xb8;
	[tilespmem:$0x1EE00] =	vst v63  }
0x80: {  	s22 =	simm.s32 $0x580;
	s23 =	simm.s32 $0x8C00  }
0x81: {  	[spmem:s2] =	stream.indirect.scatter.add.f32 [tilespmem:s23], [sflag:$0x1], $0x18, s22, s19, $0xb8;
	[tilespmem:$0x1EE00] =	vst v63  }
0x82: {  	s29 =	simm.s32 $0x600;
	s30 =	simm.s32 $0x9800  }
0x83: {  	[spmem:s2] =	stream.indirect.scatter.add.f32 [tilespmem:s30], [sflag:$0x1], $0x18, s29, s19, $0xb8;
	[tilespmem:$0x1EE00] =	vst v63  }
0x84: {  	s31 =	simm.s32 $0x680;
	s0 =	simm.s32 $0xA400  }
0x85: {  	[spmem:s2] =	stream.indirect.scatter.add.f32 [tilespmem:s0], [sflag:$0x1], $0x18, s31, s19, $0xb8;
	[tilespmem:$0x1EE00] =	vst v63  }
0x86: {  	s1 =	simm.s32 $0x700;
	s7 =	simm.s32 $0xB000  }
0x87: {  	[spmem:s2] =	stream.indirect.scatter.add.f32 [tilespmem:s7], [sflag:$0x1], $0x18, s1, s19, $0xb8;
	[tilespmem:$0x1EE00] =	vst v63  }
0x88: {  	s8 =	simm.s32 $0x780;
	s9 =	simm.s32 $0xBC00  }
0x89: {  	[spmem:s2] =	stream.indirect.scatter.add.f32 [tilespmem:s9], [sflag:$0x1], $0x18, s8, s19, $0xb8;
	[tilespmem:$0x1EE00] =	vst v63  }
0x8a: {  	_ =	swait.ge [sflag:s24], $0xC00  }
0x8b: {  	[sflag:s24] =	ssyncset.done $0x0  }
0x8c: {  	[sflag:s24] =	ssyncadd.s32 $0xFFFFF400  }
0x8d: {  	_ =	swait.ge [sflag:s24], $0xC00  }
0x8e: {  	[sflag:s24] =	ssyncset.done $0x0  }
0x8f: {  	[sflag:s24] =	ssyncadd.s32 $0xFFFFF400  }
0x90: {  	_ =	swait.ge [sflag:s24], $0xC00  }
0x91: {  	[sflag:s24] =	ssyncset.done $0x0  }
0x92: {  	[sflag:s24] =	ssyncadd.s32 $0xFFFFF400  }
0x93: {  	_ =	swait.ge [sflag:s24], $0xC00  }
0x94: {  	[sflag:s24] =	ssyncset.done $0x0  }
0x95: {  	[sflag:s24] =	ssyncadd.s32 $0xFFFFF400  }
0x96: {  	_ =	swait.ge [sflag:s24], $0xC00  }
0x97: {  	[sflag:s24] =	ssyncset.done $0x0  }
0x98: {  	[sflag:s24] =	ssyncadd.s32 $0xFFFFF400  }
0x99: {  	_ =	swait.ge [sflag:s24], $0xC00  }
0x9a: {  	[sflag:s24] =	ssyncset.done $0x0  }
0x9b: {  	[sflag:s24] =	ssyncadd.s32 $0xFFFFF400  }
0x9c: {  	_ =	swait.ge [sflag:s24], $0xC00  }
0x9d: {  	[sflag:s24] =	ssyncset.done $0x0  }
0x9e: {  	[sflag:s24] =	ssyncadd.s32 $0xFFFFF400  }
0x9f: {  	_ =	swait.ge [sflag:s24], $0xC00  }
0xa0: {  	[sflag:s24] =	ssyncset.done $0x0  }
0xa1: {  	[sflag:s24] =	ssyncadd.s32 $0xFFFFF400  }
0xa2: {  	_ =	swait.ge [sflag:s24], $0xC00  }
0xa3: {  	[sflag:s24] =	ssyncset.done $0x0  }
0xa4: {  	[sflag:s24] =	ssyncadd.s32 $0xFFFFF400  }
0xa5: {  	_ =	swait.ge [sflag:s24], $0xC00  }
0xa6: {  	[sflag:s24] =	ssyncset.done $0x0  }
0xa7: {  	[sflag:s24] =	ssyncadd.s32 $0xFFFFF400  }
0xa8: {  	_ =	swait.ge [sflag:s24], $0xC00  }
0xa9: {  	[sflag:s24] =	ssyncset.done $0x0  }
0xaa: {  	[sflag:s24] =	ssyncadd.s32 $0xFFFFF400  }
0xab: {  	_ =	swait.ge [sflag:s24], $0xC00  }
0xac: {  	[sflag:s24] =	ssyncset.done $0x0  }
0xad: {  	[sflag:s24] =	ssyncadd.s32 $0xFFFFF400  }
0xae: {  	_ =	swait.ge [sflag:s24], $0xC00  }
0xaf: {  	[sflag:s24] =	ssyncset.done $0x0  }
0xb0: {  	[sflag:s24] =	ssyncadd.s32 $0xFFFFF400  }
0xb1: {  	_ =	swait.ge [sflag:s24], $0xC00  }
0xb2: {  	[sflag:s24] =	ssyncset.done $0x0  }
0xb3: {  	[sflag:s24] =	ssyncadd.s32 $0xFFFFF400  }
0xb4: {  	_ =	swait.ge [sflag:s24], $0xC00  }
0xb5: {  	s25 =	rddreg [dreg:$0x5]  }
0xb6: {  	s16 =	simm.s32 $0x380;
	p3 =	sne.s32 s25, $0x1  }
.Ltmp3:
0xb7: {  	s12 =	simm.s32 $0x5C00;
	s15 =	simm.s32 $0x6800;
	(pc) =	sbr.rel @!p3 .LBB2_4-.Ltmp3, $4  }
0xb8: {  	s18 =	simm.s32 $0x480;
	s21 =	simm.s32 $0x7400;
	[sflag:s24] =	ssyncset.done $0x0  }
0xb9: {  	s4 =	simm.s32 $0x400;
	s5 =	simm.s32 $0x300;
	[sflag:s24] =	ssyncadd.s32 $0xFFFFF400  }
0xba: {  	s6 =	simm.s32 $0x5000;
	s13 =	simm.s32 $0x500;
	_ =	swait.ge [sflag:s24], $0xC00  }
0xbb: {  	s14 =	simm.s32 $0x8000;
	s25 =	sadd.s32 $0xFFFFFFFF, s25;
	[sflag:s24] =	ssyncset.done $0x0  }
.LBB2_3:
0xbc: {  	[sflag:s24] =	ssyncadd.s32 $0xFFFFF400;
	s26 =	sadd.s32 $0x8000, s26;
	s28 =	sadd.s32 $0x100, s28  }
0xbd: {  	[tilespmem:s3], [sflag:$0x2] =	stream.linear.gather [hbm4b:s28+s3], $0x800, $0x38;
	[tilespmem:$0x1EE00] =	vst v63  }
0xbe: {  	p3 =	sne.s32 s25, $0x1;
	s25 =	sadd.s32 $0xFFFFFFFF, s25;
	_ =	swait.ge [sflag:s17], $0x800  }
0xbf: {  	[sflag:s17] =	ssyncset.done $0x0  }
0xc0: {  	s10 =	simm.s32 $0x18;
	[sflag:s17] =	ssyncadd.s32 $0xFFFFF800  }
0xc1: {  	[tilespmem:s20], [sflag:$0x2] =	stream.strided.gather [hbm4b:s26+s10], $0xC000, s19, s10, $0x38;
	[tilespmem:$0x1EE00] =	vst v63  }
0xc2: {  	_ =	swait.ge [sflag:s17], $0xC000  }
0xc3: {  	[sflag:s17] =	ssyncset.done $0x0  }
0xc4: {  	[sflag:s17] =	ssyncadd.s32 $0xFFFF4000  }
0xc5: {  	[spmem:s2] =	stream.indirect.scatter.add.f32 [tilespmem:s20], [sflag:$0x1], $0x18, s3, s19, $0xb8;
	[tilespmem:$0x1EE00] =	vst v63  }
0xc6: {  	s10 =	simm.s32 $0x1400  }
0xc7: {  	[spmem:s2] =	stream.indirect.scatter.add.f32 [tilespmem:s10], [sflag:$0x1], $0x18, s19, s19, $0xb8;
	[tilespmem:$0x1EE00] =	vst v63  }
0xc8: {  	s11 =	simm.s32 $0x2000;
	s10 =	simm.s32 $0x100  }
0xc9: {  	[spmem:s2] =	stream.indirect.scatter.add.f32 [tilespmem:s11], [sflag:$0x1], $0x18, s10, s19, $0xb8;
	[tilespmem:$0x1EE00] =	vst v63  }
0xca: {  	s10 =	simm.s32 $0x180;
	s11 =	simm.s32 $0x2C00  }
0xcb: {  	[spmem:s2] =	stream.indirect.scatter.add.f32 [tilespmem:s11], [sflag:$0x1], $0x18, s10, s19, $0xb8;
	[tilespmem:$0x1EE00] =	vst v63  }
0xcc: {  	s10 =	simm.s32 $0x200;
	s11 =	simm.s32 $0x3800  }
0xcd: {  	[spmem:s2] =	stream.indirect.scatter.add.f32 [tilespmem:s11], [sflag:$0x1], $0x18, s10, s19, $0xb8;
	[tilespmem:$0x1EE00] =	vst v63  }
0xce: {  	s10 =	simm.s32 $0x280;
	s11 =	simm.s32 $0x4400  }
0xcf: {  	[spmem:s2] =	stream.indirect.scatter.add.f32 [tilespmem:s11], [sflag:$0x1], $0x18, s10, s19, $0xb8;
	[tilespmem:$0x1EE00] =	vst v63  }
0xd0: {  	_ = 	snop  }
0xd1: {  	[spmem:s2] =	stream.indirect.scatter.add.f32 [tilespmem:s6], [sflag:$0x1], $0x18, s5, s19, $0xb8;
	[tilespmem:$0x1EE00] =	vst v63  }
0xd2: {  	_ = 	snop  }
0xd3: {  	[spmem:s2] =	stream.indirect.scatter.add.f32 [tilespmem:s12], [sflag:$0x1], $0x18, s16, s19, $0xb8;
	[tilespmem:$0x1EE00] =	vst v63  }
0xd4: {  	_ = 	snop  }
0xd5: {  	[spmem:s2] =	stream.indirect.scatter.add.f32 [tilespmem:s15], [sflag:$0x1], $0x18, s4, s19, $0xb8;
	[tilespmem:$0x1EE00] =	vst v63  }
0xd6: {  	_ = 	snop  }
0xd7: {  	[spmem:s2] =	stream.indirect.scatter.add.f32 [tilespmem:s21], [sflag:$0x1], $0x18, s18, s19, $0xb8;
	[tilespmem:$0x1EE00] =	vst v63  }
0xd8: {  	_ = 	snop  }
0xd9: {  	[spmem:s2] =	stream.indirect.scatter.add.f32 [tilespmem:s14], [sflag:$0x1], $0x18, s13, s19, $0xb8;
	[tilespmem:$0x1EE00] =	vst v63  }
0xda: {  	_ = 	snop  }
0xdb: {  	[spmem:s2] =	stream.indirect.scatter.add.f32 [tilespmem:s23], [sflag:$0x1], $0x18, s22, s19, $0xb8;
	[tilespmem:$0x1EE00] =	vst v63  }
0xdc: {  	_ = 	snop  }
0xdd: {  	[spmem:s2] =	stream.indirect.scatter.add.f32 [tilespmem:s30], [sflag:$0x1], $0x18, s29, s19, $0xb8;
	[tilespmem:$0x1EE00] =	vst v63  }
0xde: {  	_ = 	snop  }
0xdf: {  	[spmem:s2] =	stream.indirect.scatter.add.f32 [tilespmem:s0], [sflag:$0x1], $0x18, s31, s19, $0xb8;
	[tilespmem:$0x1EE00] =	vst v63  }
0xe0: {  	_ = 	snop  }
0xe1: {  	[spmem:s2] =	stream.indirect.scatter.add.f32 [tilespmem:s7], [sflag:$0x1], $0x18, s1, s19, $0xb8;
	[tilespmem:$0x1EE00] =	vst v63  }
0xe2: {  	_ = 	snop  }
0xe3: {  	[spmem:s2] =	stream.indirect.scatter.add.f32 [tilespmem:s9], [sflag:$0x1], $0x18, s8, s19, $0xb8;
	[tilespmem:$0x1EE00] =	vst v63  }
0xe4: {  	_ =	swait.ge [sflag:s24], $0xC00  }
0xe5: {  	[sflag:s24] =	ssyncset.done $0x0  }
0xe6: {  	[sflag:s24] =	ssyncadd.s32 $0xFFFFF400  }
0xe7: {  	_ =	swait.ge [sflag:s24], $0xC00  }
0xe8: {  	[sflag:s24] =	ssyncset.done $0x0  }
0xe9: {  	[sflag:s24] =	ssyncadd.s32 $0xFFFFF400  }
0xea: {  	_ =	swait.ge [sflag:s24], $0xC00  }
0xeb: {  	[sflag:s24] =	ssyncset.done $0x0  }
0xec: {  	[sflag:s24] =	ssyncadd.s32 $0xFFFFF400  }
0xed: {  	_ =	swait.ge [sflag:s24], $0xC00  }
0xee: {  	[sflag:s24] =	ssyncset.done $0x0  }
0xef: {  	[sflag:s24] =	ssyncadd.s32 $0xFFFFF400  }
0xf0: {  	_ =	swait.ge [sflag:s24], $0xC00  }
0xf1: {  	[sflag:s24] =	ssyncset.done $0x0  }
0xf2: {  	[sflag:s24] =	ssyncadd.s32 $0xFFFFF400  }
0xf3: {  	_ =	swait.ge [sflag:s24], $0xC00  }
0xf4: {  	[sflag:s24] =	ssyncset.done $0x0  }
0xf5: {  	[sflag:s24] =	ssyncadd.s32 $0xFFFFF400  }
0xf6: {  	_ =	swait.ge [sflag:s24], $0xC00  }
0xf7: {  	[sflag:s24] =	ssyncset.done $0x0  }
0xf8: {  	[sflag:s24] =	ssyncadd.s32 $0xFFFFF400  }
0xf9: {  	_ =	swait.ge [sflag:s24], $0xC00  }
0xfa: {  	[sflag:s24] =	ssyncset.done $0x0  }
0xfb: {  	[sflag:s24] =	ssyncadd.s32 $0xFFFFF400  }
0xfc: {  	_ =	swait.ge [sflag:s24], $0xC00  }
0xfd: {  	[sflag:s24] =	ssyncset.done $0x0  }
0xfe: {  	[sflag:s24] =	ssyncadd.s32 $0xFFFFF400  }
0xff: {  	_ =	swait.ge [sflag:s24], $0xC00  }
0x100: {  	[sflag:s24] =	ssyncset.done $0x0  }
0x101: {  	[sflag:s24] =	ssyncadd.s32 $0xFFFFF400  }
0x102: {  	_ =	swait.ge [sflag:s24], $0xC00  }
0x103: {  	[sflag:s24] =	ssyncset.done $0x0  }
0x104: {  	[sflag:s24] =	ssyncadd.s32 $0xFFFFF400  }
0x105: {  	_ =	swait.ge [sflag:s24], $0xC00  }
0x106: {  	[sflag:s24] =	ssyncset.done $0x0  }
0x107: {  	[sflag:s24] =	ssyncadd.s32 $0xFFFFF400  }
0x108: {  	_ =	swait.ge [sflag:s24], $0xC00  }
0x109: {  	[sflag:s24] =	ssyncset.done $0x0  }
0x10a: {  	[sflag:s24] =	ssyncadd.s32 $0xFFFFF400  }
0x10b: {  	_ =	swait.ge [sflag:s24], $0xC00  }
0x10c: {  	[sflag:s24] =	ssyncset.done $0x0  }
0x10d: {  	[sflag:s24] =	ssyncadd.s32 $0xFFFFF400  }
.Ltmp4:
0x10e: {  	_ =	swait.ge [sflag:s24], $0xC00;
	(pc) =	sbr.rel @p3 .LBB2_3-.Ltmp4, $4  }
0x10f: {  	[sflag:s24] =	ssyncset.done $0x0  }
0x110: {  	[sflag:s24] =	ssyncadd.s32 $0xFFFFF400  }
0x111: {  	_ =	swait.ge [sflag:s24], $0xC00  }
0x112: {  	[sflag:s24] =	ssyncset.done $0x0  }
.LBB2_4:
0x113: {  	s15 =	simm.s32 $0x7400;
	s4 =	simm.s32 $0x480;
	s16 =	simm.s32 $0x6800  }
0x114: {  	s6 =	simm.s32 $0x400;
	s14 =	simm.s32 $0x5C00;
	s13 =	simm.s32 $0x380  }
0x115: {  	s12 =	simm.s32 $0x5000;
	s5 =	simm.s32 $0x300;
	s11 =	simm.s32 $0x4400  }
.Ltmp5:
0x116: {  	s10 =	simm.s32 $0x280;
	s9 =	simm.s32 $0x3800;
	(pc) =	sbr.rel @p0 .LBB2_8-.Ltmp5, $4  }
.Ltmp6:
0x117: {  	s8 =	simm.s32 $0x200;
	s7 =	simm.s32 $0x2C00;
	(pc) =	sbr.rel @!p0 .LBB2_9-.Ltmp6, $4  }
0x118: {  	s1 =	simm.s32 $0x180;
	s0 =	simm.s32 $0x2000;
	s26 =	rddreg [dreg:$0xb]  }
0x119: {  	s31 =	simm.s32 $0x100;
	s30 =	simm.s32 $0x1400;
	s25 =	rddreg [dreg:$0xc]  }
0x11a: {  	s29 =	simm.s32 $0x18;
	[sflag:s24] =	ssyncadd.s32 $0xFFFFF400;
	s18 =	rddreg [dreg:$0x12]  }
0x11b: {  	_ = 	snop  }
.LBB2_5:
0x11c: {  	s28 =	rddreg [dreg:$0x10]  }
0x11d: {  	[tilespmem:s3], [sflag:$0x2] =	stream.linear.gather [hbm4b:s28+s3], $0x800, $0x38;
	[tilespmem:$0x1EE00] =	vst v63  }
0x11e: {  	_ =	swait.ge [sflag:s17], $0x800  }
0x11f: {  	[sflag:s17] =	ssyncset.done $0x0  }
0x120: {  	s0 =	simm.s32 $0x18;
	s26 =	rddreg [dreg:$0xf];
	[sflag:s17] =	ssyncadd.s32 $0xFFFFF800  }
0x121: {  	[tilespmem:s20], [sflag:$0x2] =	stream.strided.gather [hbm4b:s26+s0], $0xC000, s19, s0, $0x38;
	[tilespmem:$0x1EE00] =	vst v63  }
0x122: {  	_ =	swait.ge [sflag:s17], $0xC000  }
0x123: {  	[sflag:s17] =	ssyncset.done $0x0  }
0x124: {  	[sflag:s17] =	ssyncadd.s32 $0xFFFF4000  }
0x125: {  	[spmem:s2] =	stream.indirect.scatter.add.f32 [tilespmem:s20], [sflag:$0x1], $0x18, s3, s19, $0xb8;
	[tilespmem:$0x1EE00] =	vst v63  }
0x126: {  	s16 =	simm.s32 $0x1400  }
0x127: {  	[spmem:s2] =	stream.indirect.scatter.add.f32 [tilespmem:s16], [sflag:$0x1], $0x18, s19, s19, $0xb8;
	[tilespmem:$0x1EE00] =	vst v63  }
0x128: {  	s18 =	simm.s32 $0x100;
	s1 =	simm.s32 $0x2000  }
0x129: {  	[spmem:s2] =	stream.indirect.scatter.add.f32 [tilespmem:s1], [sflag:$0x1], $0x18, s18, s19, $0xb8;
	[tilespmem:$0x1EE00] =	vst v63  }
0x12a: {  	s21 =	simm.s32 $0x180;
	s22 =	simm.s32 $0x2C00  }
0x12b: {  	[spmem:s2] =	stream.indirect.scatter.add.f32 [tilespmem:s22], [sflag:$0x1], $0x18, s21, s19, $0xb8;
	[tilespmem:$0x1EE00] =	vst v63  }
0x12c: {  	s23 =	simm.s32 $0x200;
	s25 =	simm.s32 $0x3800  }
0x12d: {  	[spmem:s2] =	stream.indirect.scatter.add.f32 [tilespmem:s25], [sflag:$0x1], $0x18, s23, s19, $0xb8;
	[tilespmem:$0x1EE00] =	vst v63  }
0x12e: {  	s4 =	simm.s32 $0x280;
	s5 =	simm.s32 $0x4400  }
0x12f: {  	[spmem:s2] =	stream.indirect.scatter.add.f32 [tilespmem:s5], [sflag:$0x1], $0x18, s4, s19, $0xb8;
	[tilespmem:$0x1EE00] =	vst v63  }
0x130: {  	s6 =	simm.s32 $0x300;
	s7 =	simm.s32 $0x5000  }
0x131: {  	[spmem:s2] =	stream.indirect.scatter.add.f32 [tilespmem:s7], [sflag:$0x1], $0x18, s6, s19, $0xb8;
	[tilespmem:$0x1EE00] =	vst v63  }
0x132: {  	s8 =	simm.s32 $0x380;
	s9 =	simm.s32 $0x5C00  }
0x133: {  	[spmem:s2] =	stream.indirect.scatter.add.f32 [tilespmem:s9], [sflag:$0x1], $0x18, s8, s19, $0xb8;
	[tilespmem:$0x1EE00] =	vst v63  }
0x134: {  	s11 =	simm.s32 $0x400;
	s12 =	simm.s32 $0x6800  }
0x135: {  	[spmem:s2] =	stream.indirect.scatter.add.f32 [tilespmem:s12], [sflag:$0x1], $0x18, s11, s19, $0xb8;
	[tilespmem:$0x1EE00] =	vst v63  }
0x136: {  	s16 =	simm.s32 $0x480;
	s22 =	simm.s32 $0x7400  }
0x137: {  	[spmem:s2] =	stream.indirect.scatter.add.f32 [tilespmem:s22], [sflag:$0x1], $0x18, s16, s19, $0xb8;
	[tilespmem:$0x1EE00] =	vst v63  }
0x138: {  	s23 =	simm.s32 $0x500;
	s25 =	simm.s32 $0x8000  }
0x139: {  	[spmem:s2] =	stream.indirect.scatter.add.f32 [tilespmem:s25], [sflag:$0x1], $0x18, s23, s19, $0xb8;
	[tilespmem:$0x1EE00] =	vst v63  }
0x13a: {  	s22 =	simm.s32 $0x580;
	s23 =	simm.s32 $0x8C00  }
0x13b: {  	[spmem:s2] =	stream.indirect.scatter.add.f32 [tilespmem:s23], [sflag:$0x1], $0x18, s22, s19, $0xb8;
	[tilespmem:$0x1EE00] =	vst v63  }
0x13c: {  	s29 =	simm.s32 $0x600;
	s30 =	simm.s32 $0x9800  }
0x13d: {  	[spmem:s2] =	stream.indirect.scatter.add.f32 [tilespmem:s30], [sflag:$0x1], $0x18, s29, s19, $0xb8;
	[tilespmem:$0x1EE00] =	vst v63  }
0x13e: {  	s31 =	simm.s32 $0x680;
	s0 =	simm.s32 $0xA400  }
0x13f: {  	[spmem:s2] =	stream.indirect.scatter.add.f32 [tilespmem:s0], [sflag:$0x1], $0x18, s31, s19, $0xb8;
	[tilespmem:$0x1EE00] =	vst v63  }
0x140: {  	s1 =	simm.s32 $0x700;
	s7 =	simm.s32 $0xB000  }
0x141: {  	[spmem:s2] =	stream.indirect.scatter.add.f32 [tilespmem:s7], [sflag:$0x1], $0x18, s1, s19, $0xb8;
	[tilespmem:$0x1EE00] =	vst v63  }
0x142: {  	s8 =	simm.s32 $0x780;
	s9 =	simm.s32 $0xBC00  }
0x143: {  	[spmem:s2] =	stream.indirect.scatter.add.f32 [tilespmem:s9], [sflag:$0x1], $0x18, s8, s19, $0xb8;
	[tilespmem:$0x1EE00] =	vst v63  }
0x144: {  	_ =	swait.ge [sflag:s24], $0xC00  }
0x145: {  	[sflag:s24] =	ssyncset.done $0x0  }
0x146: {  	[sflag:s24] =	ssyncadd.s32 $0xFFFFF400  }
0x147: {  	_ =	swait.ge [sflag:s24], $0xC00  }
0x148: {  	[sflag:s24] =	ssyncset.done $0x0  }
0x149: {  	[sflag:s24] =	ssyncadd.s32 $0xFFFFF400  }
0x14a: {  	_ =	swait.ge [sflag:s24], $0xC00  }
0x14b: {  	[sflag:s24] =	ssyncset.done $0x0  }
0x14c: {  	[sflag:s24] =	ssyncadd.s32 $0xFFFFF400  }
0x14d: {  	_ =	swait.ge [sflag:s24], $0xC00  }
0x14e: {  	[sflag:s24] =	ssyncset.done $0x0  }
0x14f: {  	[sflag:s24] =	ssyncadd.s32 $0xFFFFF400  }
0x150: {  	_ =	swait.ge [sflag:s24], $0xC00  }
0x151: {  	[sflag:s24] =	ssyncset.done $0x0  }
0x152: {  	[sflag:s24] =	ssyncadd.s32 $0xFFFFF400  }
0x153: {  	_ =	swait.ge [sflag:s24], $0xC00  }
0x154: {  	[sflag:s24] =	ssyncset.done $0x0  }
0x155: {  	[sflag:s24] =	ssyncadd.s32 $0xFFFFF400  }
0x156: {  	_ =	swait.ge [sflag:s24], $0xC00  }
0x157: {  	[sflag:s24] =	ssyncset.done $0x0  }
0x158: {  	[sflag:s24] =	ssyncadd.s32 $0xFFFFF400  }
0x159: {  	_ =	swait.ge [sflag:s24], $0xC00  }
0x15a: {  	[sflag:s24] =	ssyncset.done $0x0  }
0x15b: {  	[sflag:s24] =	ssyncadd.s32 $0xFFFFF400  }
0x15c: {  	_ =	swait.ge [sflag:s24], $0xC00  }
0x15d: {  	[sflag:s24] =	ssyncset.done $0x0  }
0x15e: {  	[sflag:s24] =	ssyncadd.s32 $0xFFFFF400  }
0x15f: {  	_ =	swait.ge [sflag:s24], $0xC00  }
0x160: {  	[sflag:s24] =	ssyncset.done $0x0  }
0x161: {  	[sflag:s24] =	ssyncadd.s32 $0xFFFFF400  }
0x162: {  	_ =	swait.ge [sflag:s24], $0xC00  }
0x163: {  	[sflag:s24] =	ssyncset.done $0x0  }
0x164: {  	[sflag:s24] =	ssyncadd.s32 $0xFFFFF400  }
0x165: {  	_ =	swait.ge [sflag:s24], $0xC00  }
0x166: {  	[sflag:s24] =	ssyncset.done $0x0  }
0x167: {  	[sflag:s24] =	ssyncadd.s32 $0xFFFFF400  }
0x168: {  	_ =	swait.ge [sflag:s24], $0xC00  }
0x169: {  	[sflag:s24] =	ssyncset.done $0x0  }
0x16a: {  	[sflag:s24] =	ssyncadd.s32 $0xFFFFF400  }
0x16b: {  	_ =	swait.ge [sflag:s24], $0xC00  }
0x16c: {  	[sflag:s24] =	ssyncset.done $0x0  }
0x16d: {  	[sflag:s24] =	ssyncadd.s32 $0xFFFFF400  }
0x16e: {  	_ =	swait.ge [sflag:s24], $0xC00  }
0x16f: {  	s25 =	rddreg [dreg:$0x5]  }
0x170: {  	s10 =	simm.s32 $0x300;
	p3 =	sne.s32 s25, $0x1  }
.Ltmp7:
0x171: {  	s13 =	simm.s32 $0x5000;
	s15 =	simm.s32 $0x5C00;
	(pc) =	sbr.rel @!p3 .LBB2_7-.Ltmp7, $4  }
0x172: {  	s14 =	simm.s32 $0x400;
	s18 =	simm.s32 $0x480;
	[sflag:s24] =	ssyncset.done $0x0  }
0x173: {  	s21 =	simm.s32 $0x7400;
	s4 =	simm.s32 $0x380;
	[sflag:s24] =	ssyncadd.s32 $0xFFFFF400  }
0x174: {  	s5 =	simm.s32 $0x6800;
	s12 =	simm.s32 $0x500;
	_ =	swait.ge [sflag:s24], $0xC00  }
0x175: {  	s16 =	simm.s32 $0x8000;
	s25 =	sadd.s32 $0xFFFFFFFF, s25;
	[sflag:s24] =	ssyncset.done $0x0  }
.LBB2_6:
0x176: {  	[sflag:s24] =	ssyncadd.s32 $0xFFFFF400;
	s26 =	sadd.s32 $0x8000, s26;
	s28 =	sadd.s32 $0x100, s28  }
0x177: {  	[tilespmem:s3], [sflag:$0x2] =	stream.linear.gather [hbm4b:s28+s3], $0x800, $0x38;
	[tilespmem:$0x1EE00] =	vst v63  }
0x178: {  	p3 =	sne.s32 s25, $0x1;
	s25 =	sadd.s32 $0xFFFFFFFF, s25;
	_ =	swait.ge [sflag:s17], $0x800  }
0x179: {  	[sflag:s17] =	ssyncset.done $0x0  }
0x17a: {  	s11 =	simm.s32 $0x18;
	[sflag:s17] =	ssyncadd.s32 $0xFFFFF800  }
0x17b: {  	[tilespmem:s20], [sflag:$0x2] =	stream.strided.gather [hbm4b:s26+s11], $0xC000, s19, s11, $0x38;
	[tilespmem:$0x1EE00] =	vst v63  }
0x17c: {  	_ =	swait.ge [sflag:s17], $0xC000  }
0x17d: {  	[sflag:s17] =	ssyncset.done $0x0  }
0x17e: {  	[sflag:s17] =	ssyncadd.s32 $0xFFFF4000  }
0x17f: {  	[spmem:s2] =	stream.indirect.scatter.add.f32 [tilespmem:s20], [sflag:$0x1], $0x18, s3, s19, $0xb8;
	[tilespmem:$0x1EE00] =	vst v63  }
0x180: {  	s11 =	simm.s32 $0x1400  }
0x181: {  	[spmem:s2] =	stream.indirect.scatter.add.f32 [tilespmem:s11], [sflag:$0x1], $0x18, s19, s19, $0xb8;
	[tilespmem:$0x1EE00] =	vst v63  }
0x182: {  	s6 =	simm.s32 $0x2000;
	s11 =	simm.s32 $0x100  }
0x183: {  	[spmem:s2] =	stream.indirect.scatter.add.f32 [tilespmem:s6], [sflag:$0x1], $0x18, s11, s19, $0xb8;
	[tilespmem:$0x1EE00] =	vst v63  }
0x184: {  	s6 =	simm.s32 $0x180;
	s11 =	simm.s32 $0x2C00  }
0x185: {  	[spmem:s2] =	stream.indirect.scatter.add.f32 [tilespmem:s11], [sflag:$0x1], $0x18, s6, s19, $0xb8;
	[tilespmem:$0x1EE00] =	vst v63  }
0x186: {  	s6 =	simm.s32 $0x200;
	s11 =	simm.s32 $0x3800  }
0x187: {  	[spmem:s2] =	stream.indirect.scatter.add.f32 [tilespmem:s11], [sflag:$0x1], $0x18, s6, s19, $0xb8;
	[tilespmem:$0x1EE00] =	vst v63  }
0x188: {  	s6 =	simm.s32 $0x280;
	s11 =	simm.s32 $0x4400  }
0x189: {  	[spmem:s2] =	stream.indirect.scatter.add.f32 [tilespmem:s11], [sflag:$0x1], $0x18, s6, s19, $0xb8;
	[tilespmem:$0x1EE00] =	vst v63  }
0x18a: {  	_ = 	snop  }
0x18b: {  	[spmem:s2] =	stream.indirect.scatter.add.f32 [tilespmem:s13], [sflag:$0x1], $0x18, s10, s19, $0xb8;
	[tilespmem:$0x1EE00] =	vst v63  }
0x18c: {  	_ = 	snop  }
0x18d: {  	[spmem:s2] =	stream.indirect.scatter.add.f32 [tilespmem:s15], [sflag:$0x1], $0x18, s4, s19, $0xb8;
	[tilespmem:$0x1EE00] =	vst v63  }
0x18e: {  	_ = 	snop  }
0x18f: {  	[spmem:s2] =	stream.indirect.scatter.add.f32 [tilespmem:s5], [sflag:$0x1], $0x18, s14, s19, $0xb8;
	[tilespmem:$0x1EE00] =	vst v63  }
0x190: {  	_ = 	snop  }
0x191: {  	[spmem:s2] =	stream.indirect.scatter.add.f32 [tilespmem:s21], [sflag:$0x1], $0x18, s18, s19, $0xb8;
	[tilespmem:$0x1EE00] =	vst v63  }
0x192: {  	_ = 	snop  }
0x193: {  	[spmem:s2] =	stream.indirect.scatter.add.f32 [tilespmem:s16], [sflag:$0x1], $0x18, s12, s19, $0xb8;
	[tilespmem:$0x1EE00] =	vst v63  }
0x194: {  	_ = 	snop  }
0x195: {  	[spmem:s2] =	stream.indirect.scatter.add.f32 [tilespmem:s23], [sflag:$0x1], $0x18, s22, s19, $0xb8;
	[tilespmem:$0x1EE00] =	vst v63  }
0x196: {  	_ = 	snop  }
0x197: {  	[spmem:s2] =	stream.indirect.scatter.add.f32 [tilespmem:s30], [sflag:$0x1], $0x18, s29, s19, $0xb8;
	[tilespmem:$0x1EE00] =	vst v63  }
0x198: {  	_ = 	snop  }
0x199: {  	[spmem:s2] =	stream.indirect.scatter.add.f32 [tilespmem:s0], [sflag:$0x1], $0x18, s31, s19, $0xb8;
	[tilespmem:$0x1EE00] =	vst v63  }
0x19a: {  	_ = 	snop  }
0x19b: {  	[spmem:s2] =	stream.indirect.scatter.add.f32 [tilespmem:s7], [sflag:$0x1], $0x18, s1, s19, $0xb8;
	[tilespmem:$0x1EE00] =	vst v63  }
0x19c: {  	_ = 	snop  }
0x19d: {  	[spmem:s2] =	stream.indirect.scatter.add.f32 [tilespmem:s9], [sflag:$0x1], $0x18, s8, s19, $0xb8;
	[tilespmem:$0x1EE00] =	vst v63  }
0x19e: {  	_ =	swait.ge [sflag:s24], $0xC00  }
0x19f: {  	[sflag:s24] =	ssyncset.done $0x0  }
0x1a0: {  	[sflag:s24] =	ssyncadd.s32 $0xFFFFF400  }
0x1a1: {  	_ =	swait.ge [sflag:s24], $0xC00  }
0x1a2: {  	[sflag:s24] =	ssyncset.done $0x0  }
0x1a3: {  	[sflag:s24] =	ssyncadd.s32 $0xFFFFF400  }
0x1a4: {  	_ =	swait.ge [sflag:s24], $0xC00  }
0x1a5: {  	[sflag:s24] =	ssyncset.done $0x0  }
0x1a6: {  	[sflag:s24] =	ssyncadd.s32 $0xFFFFF400  }
0x1a7: {  	_ =	swait.ge [sflag:s24], $0xC00  }
0x1a8: {  	[sflag:s24] =	ssyncset.done $0x0  }
0x1a9: {  	[sflag:s24] =	ssyncadd.s32 $0xFFFFF400  }
0x1aa: {  	_ =	swait.ge [sflag:s24], $0xC00  }
0x1ab: {  	[sflag:s24] =	ssyncset.done $0x0  }
0x1ac: {  	[sflag:s24] =	ssyncadd.s32 $0xFFFFF400  }
0x1ad: {  	_ =	swait.ge [sflag:s24], $0xC00  }
0x1ae: {  	[sflag:s24] =	ssyncset.done $0x0  }
0x1af: {  	[sflag:s24] =	ssyncadd.s32 $0xFFFFF400  }
0x1b0: {  	_ =	swait.ge [sflag:s24], $0xC00  }
0x1b1: {  	[sflag:s24] =	ssyncset.done $0x0  }
0x1b2: {  	[sflag:s24] =	ssyncadd.s32 $0xFFFFF400  }
0x1b3: {  	_ =	swait.ge [sflag:s24], $0xC00  }
0x1b4: {  	[sflag:s24] =	ssyncset.done $0x0  }
0x1b5: {  	[sflag:s24] =	ssyncadd.s32 $0xFFFFF400  }
0x1b6: {  	_ =	swait.ge [sflag:s24], $0xC00  }
0x1b7: {  	[sflag:s24] =	ssyncset.done $0x0  }
0x1b8: {  	[sflag:s24] =	ssyncadd.s32 $0xFFFFF400  }
0x1b9: {  	_ =	swait.ge [sflag:s24], $0xC00  }
0x1ba: {  	[sflag:s24] =	ssyncset.done $0x0  }
0x1bb: {  	[sflag:s24] =	ssyncadd.s32 $0xFFFFF400  }
0x1bc: {  	_ =	swait.ge [sflag:s24], $0xC00  }
0x1bd: {  	[sflag:s24] =	ssyncset.done $0x0  }
0x1be: {  	[sflag:s24] =	ssyncadd.s32 $0xFFFFF400  }
0x1bf: {  	_ =	swait.ge [sflag:s24], $0xC00  }
0x1c0: {  	[sflag:s24] =	ssyncset.done $0x0  }
0x1c1: {  	[sflag:s24] =	ssyncadd.s32 $0xFFFFF400  }
0x1c2: {  	_ =	swait.ge [sflag:s24], $0xC00  }
0x1c3: {  	[sflag:s24] =	ssyncset.done $0x0  }
0x1c4: {  	[sflag:s24] =	ssyncadd.s32 $0xFFFFF400  }
0x1c5: {  	_ =	swait.ge [sflag:s24], $0xC00  }
0x1c6: {  	[sflag:s24] =	ssyncset.done $0x0  }
0x1c7: {  	[sflag:s24] =	ssyncadd.s32 $0xFFFFF400  }
.Ltmp8:
0x1c8: {  	_ =	swait.ge [sflag:s24], $0xC00;
	(pc) =	sbr.rel @p3 .LBB2_6-.Ltmp8, $4  }
0x1c9: {  	[sflag:s24] =	ssyncset.done $0x0  }
0x1ca: {  	[sflag:s24] =	ssyncadd.s32 $0xFFFFF400  }
0x1cb: {  	_ =	swait.ge [sflag:s24], $0xC00  }
0x1cc: {  	[sflag:s24] =	ssyncset.done $0x0  }
.LBB2_7:
0x1cd: {  	s15 =	simm.s32 $0x7400;
	s4 =	simm.s32 $0x480;
	s16 =	simm.s32 $0x6800  }
0x1ce: {  	s6 =	simm.s32 $0x400;
	s14 =	simm.s32 $0x5C00;
	s13 =	simm.s32 $0x380  }
0x1cf: {  	s12 =	simm.s32 $0x5000;
	s5 =	simm.s32 $0x300;
	s11 =	simm.s32 $0x4400  }
.Ltmp9:
0x1d0: {  	s10 =	simm.s32 $0x280;
	s9 =	simm.s32 $0x3800;
	(pc) =	sbr.rel @p2 .LBB2_9-.Ltmp9, $4  }
.Ltmp10:
0x1d1: {  	s8 =	simm.s32 $0x200;
	s7 =	simm.s32 $0x2C00;
	(pc) =	sbr.rel @!p2 .LBB2_8-.Ltmp10, $4  }
0x1d2: {  	s1 =	simm.s32 $0x180;
	s0 =	simm.s32 $0x2000;
	s26 =	rddreg [dreg:$0x9]  }
0x1d3: {  	s31 =	simm.s32 $0x100;
	s30 =	simm.s32 $0x1400;
	s25 =	rddreg [dreg:$0xa]  }
0x1d4: {  	s29 =	simm.s32 $0x18;
	[sflag:s24] =	ssyncadd.s32 $0xFFFFF400;
	s18 =	rddreg [dreg:$0x12]  }
0x1d5: {  	_ = 	snop  }
.LBB2_10:
0x1d6: {  	_ =	sfence.sel $0x180000  }
0x1d7: {  	[bflag:$0x0] =	sbarrier.arrive $0xFFFF  }
0x1d8: {  	_ =	strace $0x9000004A  }
0x1d9: {  	s0 =	stileid.u32;
	[bflag:$0x2] =	sbarrier.arrive $0xFFFF  }
0x1da: {  	p0 =	sne.s32 s0, $0x0;
	s0 =	rddreg [dreg:$0x4]  }
0x1db: {  	s0 =	sadd.s32 @!p0 $0x100000, s0  }
0x1dc: {  	[sflag:s0] =	ssyncadd.tile.s32 @!p0 $0x1;
	_ =	shalt  }
.Lfunc_end2:
_tile_overlayer_lowered:
.L_overlay_start_2:
0x1dd: {  	(tag) =	ssettag $0x2  }
0x1de: {  	s0 =	rddreg [dreg:$0x0];
	s2 =	stileid.u32  }
0x1df: {  	s1 =	rddreg [dreg:$0x1];
	p0 =	sne.s32 s2, $0x0  }
0x1e0: {  	s3 =	rddreg [dreg:$0x2];
	[bflag:$0x3] =	sbarrier.arrive $0xFFFF;
	s2 =	simm.s32 @!p0 $0x1C02  }
0x1e1: {  	[timem:s3], [sflag:s2] =	dma.local @!p0 [hbm:s0], s1  }
0x1e2: {  	s0 =	simm.s32 @!p0 $0x2  }
0x1e3: {  	_ =	swait.ge @!p0 [sflag:s0], s1  }
0x1e4: {  	s1 =	ssub.s32 @!p0 $0x0, s1;
	[sflag:s0] =	ssyncset.done @!p0 $0x0  }
0x1e5: {  	[sflag:s0] =	ssyncadd.s32 @!p0 s1  }
0x1e6: {  	[bflag:$0x3] =	sbarrier.arrive $0xFFFF  }
0x1e7: {  	_ =	shalt  }

</sc_bundles>
